<compile_context>
chip_gen: v7x
topology: tpu7x:2x2x1
jax: 0.10.2.dev20260603
libtpu: 0.0.44.dev20260713+nightly
codegen_flags: <defaults>
</compile_context>

<pallas_src>
import jax
import jax.numpy as jnp
from jax import lax
from jax.experimental import pallas as pl
from jax.experimental.pallas import tpu as pltpu
from jax.experimental.pallas import tpu_sc as plsc

B = 4096
C = 200
CP = 200
D = 64
NC, NS, L = 2, 16, 16
NW = NC * NS
BPW = B // NW
CH = 2
NCH = BPW // CH
ROWS = CH * CP
SUB = 80
NSUB = ROWS // SUB
REM = C - 12 * L


def _sc_kernel_body(cand_hbm, s_hbm, r_hbm, ent_hbm, rel_hbm, out_hbm,
                    sidx_v, ridx_v, q_v, r_v,
                    cidx0, cidx1, cand0, cand1, scores0, scores1, colbuf,
                    sem, gsem0, gsem1, isem0, isem1, osem0, osem1):
    wid = lax.axis_index("s") * NC + lax.axis_index("c")
    rowbase = wid * BPW

    pltpu.sync_copy(s_hbm.at[pl.ds(rowbase, BPW)], sidx_v)
    pltpu.sync_copy(r_hbm.at[pl.ds(rowbase, BPW)], ridx_v)
    pltpu.async_copy(ent_hbm.at[sidx_v], q_v, sem).wait()
    pltpu.async_copy(rel_hbm.at[ridx_v], r_v, sem).wait()

    def qbody(i, _):
        for k in range(D // (2 * L)):
            q_v[i, pl.ds(k * 2 * L, 2 * L)] = (
                q_v[i, pl.ds(k * 2 * L, 2 * L)]
                + r_v[i, pl.ds(k * 2 * L, 2 * L)])
        return 0

    lax.fori_loop(0, BPW, qbody, 0)

    lane = lax.iota(jnp.int32, L)

    def gathers(cidx, cand, gsem):
        return [
            pltpu.make_async_copy(ent_hbm.at[cidx.at[pl.ds(k * SUB, SUB)]],
                                  cand.at[pl.ds(k * SUB, SUB)], gsem)
            for k in range(NSUB)
        ]

    def idx_copy(g, cidx, isem):
        coff = (rowbase + g * CH) * CP
        return pltpu.make_async_copy(cand_hbm.at[pl.ds(coff, ROWS)],
                                     cidx, isem)

    def writeback(g, scores, osem):
        coff = (rowbase + g * CH) * CP
        return pltpu.make_async_copy(scores.at[pl.ds(0, ROWS)],
                                     out_hbm.at[pl.ds(coff, ROWS)], osem)

    def compute(g, cand_v, scores_v):
        for row in range(CH):
            rw = g * CH + row
            q01 = q_v[rw, pl.ds(0, 2 * L)]
            q23 = q_v[rw, pl.ds(2 * L, 2 * L)]

            def one_group(base, n, store_mask, row=row, q01=q01, q23=q23):
                c01s = [cand_v[base + i, pl.ds(0, 2 * L)] for i in range(n)]
                c23s = [cand_v[base + i, pl.ds(2 * L, 2 * L)]
                        for i in range(n)]
                accs = []
                for i in range(n):
                    d01 = jnp.abs(q01 - c01s[i])
                    d23 = jnp.abs(q23 - c23s[i])
                    u0, u1 = plsc.unpack(
                        d01, format=plsc.PackFormat.INTERLEAVED,
                        preferred_element_type=jnp.float32)
                    u2, u3 = plsc.unpack(
                        d23, format=plsc.PackFormat.INTERLEAVED,
                        preferred_element_type=jnp.float32)
                    accs.append((u0 + u1) + (u2 + u3))
                for i in range(n):
                    plsc.store_scatter(colbuf, [lane * L + i], accs[i])
                cols = [colbuf[pl.ds(l * L, L)] for l in range(L)]
                while len(cols) > 1:
                    cols = [a + b for a, b in zip(cols[::2], cols[1::2])]
                sv = cols[0]
                if store_mask is None:
                    scores_v[pl.ds(base, L)] = sv
                else:
                    plsc.store_compressed(scores_v.at[pl.ds(base, L)],
                                          sv, mask=store_mask)

            def grp_body(grp, _):
                one_group(row * CP + grp * L, L, None)
                return 0

            lax.fori_loop(0, C // L, grp_body, 0)
            one_group(row * CP + (C // L) * L, REM, lane < REM)

    idx_copy(0, cidx0, isem0).start()
    idx_copy(1, cidx1, isem1).start()
    idx_copy(0, cidx0, isem0).wait()
    for cp in gathers(cidx0, cand0, gsem0):
        cp.start()
    idx_copy(1, cidx1, isem1).wait()

    def body(t, _):
        a = 2 * t
        b = 2 * t + 1
        na = jnp.where(a + 2 < NCH, a + 2, 0)
        nb = jnp.where(b + 2 < NCH, b + 2, 0)

        for cp in gathers(cidx1, cand1, gsem1):
            cp.start()
        for cp in gathers(cidx0, cand0, gsem0):
            cp.wait()
        idx_copy(na, cidx0, isem0).start()

        @pl.when(t != 0)
        def _():
            writeback(a, scores0, osem0).wait()

        compute(a, cand0, scores0)
        writeback(a, scores0, osem0).start()

        idx_copy(na, cidx0, isem0).wait()
        for cp in gathers(cidx0, cand0, gsem0):
            cp.start()
        for cp in gathers(cidx1, cand1, gsem1):
            cp.wait()
        idx_copy(nb, cidx1, isem1).start()

        @pl.when(t != 0)
        def _():
            writeback(b, scores1, osem1).wait()

        compute(b, cand1, scores1)
        writeback(b, scores1, osem1).start()
        idx_copy(nb, cidx1, isem1).wait()
        return 0

    lax.fori_loop(0, NCH // 2, body, 0)

    for cp in gathers(cidx0, cand0, gsem0):
        cp.wait()
    writeback(NCH - 2, scores0, osem0).wait()
    writeback(NCH - 1, scores1, osem1).wait()


@jax.jit
def _transe_scores(cand_flat, s, r, ent_bf, rel_bf):
    mesh = plsc.VectorSubcoreMesh(core_axis_name="c", subcore_axis_name="s")
    kfn = pl.kernel(
        _sc_kernel_body,
        out_type=jax.ShapeDtypeStruct((B * CP,), jnp.float32),
        mesh=mesh,
        compiler_params=pltpu.CompilerParams(needs_layout_passes=False,
                                             use_tc_tiling_on_sc=False),
        scratch_types=[
            pltpu.VMEM((BPW,), jnp.int32),
            pltpu.VMEM((BPW,), jnp.int32),
            pltpu.VMEM((BPW, D), jnp.bfloat16),
            pltpu.VMEM((BPW, D), jnp.bfloat16),
            pltpu.VMEM((ROWS,), jnp.int32),
            pltpu.VMEM((ROWS,), jnp.int32),
            pltpu.VMEM((ROWS, D), jnp.bfloat16),
            pltpu.VMEM((ROWS, D), jnp.bfloat16),
            pltpu.VMEM((ROWS + L,), jnp.float32),
            pltpu.VMEM((ROWS + L,), jnp.float32),
            pltpu.VMEM((L * L,), jnp.float32),
            pltpu.SemaphoreType.DMA,
            pltpu.SemaphoreType.DMA,
            pltpu.SemaphoreType.DMA,
            pltpu.SemaphoreType.DMA,
            pltpu.SemaphoreType.DMA,
            pltpu.SemaphoreType.DMA,
            pltpu.SemaphoreType.DMA,
        ],
    )
    return kfn(cand_flat, s, r, ent_bf, rel_bf)


def kernel(s, nbrs_s, r, candidates, nbrs_candidates, labels,
           entities_emb, relations_emb):
    del nbrs_s, nbrs_candidates, labels
    cand_flat = candidates.astype(jnp.int32).reshape(-1)
    out = _transe_scores(cand_flat, s.astype(jnp.int32), r.astype(jnp.int32),
                         entities_emb.astype(jnp.bfloat16),
                         relations_emb.astype(jnp.bfloat16))
    return out.reshape(B, C)

# --- scband reference (transcript-rebuilt; emitter-appended) ---
"""Pipeline reference for scband-trans-e-83794811945668 (READ-ONLY COPY).

The authoritative reference and input builder live on the scoring server;
editing this copy changes nothing except your own understanding.
"""

import jax, jax.numpy as jnp
import numpy as np

B, C, V_ENT, V_REL, D = 4096, 200, 100000, 1000, 64

def setup_inputs(seed: int = 0) -> dict:
    key = jax.random.key(seed)
    ks = jax.random.split(key, 8)
    s = jax.random.randint(ks[0], (B,), 0, V_ENT)
    nbrs_s = jax.random.randint(ks[1], (B, 20), 0, V_ENT)
    r = jax.random.randint(ks[2], (B,), 0, V_REL)
    candidates = jax.random.randint(ks[3], (B, C), 0, V_ENT)
    nbrs_candidates = jax.random.randint(ks[4], (B, C), 0, V_ENT)
    labels = jax.random.randint(ks[5], (B,), 0, C)
    entities_emb = jax.random.normal(ks[6], (V_ENT, D), dtype=jnp.float32)
    relations_emb = jax.random.normal(ks[7], (V_REL, D), dtype=jnp.float32)
    return {"s": s, "nbrs_s": nbrs_s, "r": r, "candidates": candidates,
            "nbrs_candidates": nbrs_candidates, "labels": labels,
            "entities_emb": entities_emb, "relations_emb": relations_emb}

def reference(s, nbrs_s, r, candidates, nbrs_candidates, labels, entities_emb, relations_emb):
    # embedding lookups (gathers)
    source_emb = jnp.take(entities_emb, s, axis=0)            # [B, D]
    relation_emb = jnp.take(relations_emb, r, axis=0)         # [B, D]
    candidates_emb = jnp.take(entities_emb, candidates, axis=0)  # [B, C, D]
    source_emb = source_emb[:, None, :]                       # unsqueeze dim 1
    relation_emb = relation_emb[:, None, :]
    scores = source_emb + relation_emb - candidates_emb       # [B, C, D]
    scores = jnp.sum(jnp.abs(scores), axis=-1)                # L1 norm over last dim -> [B, C]
    # is_train=False path: return scores only (nbrs_s, nbrs_candidates, labels unused by forward math)
    return scores

if __name__ == "__main__":
    import jax
    _d = setup_inputs()
    print(jax.jit(kernel)(*tuple(_d.values())))

</pallas_src>

<mosaic_0001>
#map = affine_map<(d0, d1) -> (0)>
#map1 = affine_map<(d0, d1) -> (0, 0)>
module attributes {stable_mosaic.version = 14 : i64} {
  func.func @_sc_kernel_body(%arg0: i32, %arg1: i32, %arg2: memref<819200xi32, #tpu.memory_space<hbm>>, %arg3: memref<4096xi32, #tpu.memory_space<hbm>>, %arg4: memref<4096xi32, #tpu.memory_space<hbm>>, %arg5: memref<100000x64xbf16, #tpu.memory_space<hbm>>, %arg6: memref<1000x64xbf16, #tpu.memory_space<hbm>>, %arg7: memref<819200xf32, #tpu.memory_space<hbm>>, %arg8: memref<128xi32, #tpu.memory_space<vmem>>, %arg9: memref<128xi32, #tpu.memory_space<vmem>>, %arg10: memref<128x64xbf16, #tpu.memory_space<vmem>>, %arg11: memref<128x64xbf16, #tpu.memory_space<vmem>>, %arg12: memref<400xi32, #tpu.memory_space<vmem>>, %arg13: memref<400xi32, #tpu.memory_space<vmem>>, %arg14: memref<400x64xbf16, #tpu.memory_space<vmem>>, %arg15: memref<400x64xbf16, #tpu.memory_space<vmem>>, %arg16: memref<416xf32, #tpu.memory_space<vmem>>, %arg17: memref<416xf32, #tpu.memory_space<vmem>>, %arg18: memref<256xf32, #tpu.memory_space<vmem>>, %arg19: memref<!tpu.dma_semaphore, #tpu.memory_space<semaphore_mem>>, %arg20: memref<!tpu.dma_semaphore, #tpu.memory_space<semaphore_mem>>, %arg21: memref<!tpu.dma_semaphore, #tpu.memory_space<semaphore_mem>>, %arg22: memref<!tpu.dma_semaphore, #tpu.memory_space<semaphore_mem>>, %arg23: memref<!tpu.dma_semaphore, #tpu.memory_space<semaphore_mem>>, %arg24: memref<!tpu.dma_semaphore, #tpu.memory_space<semaphore_mem>>, %arg25: memref<!tpu.dma_semaphore, #tpu.memory_space<semaphore_mem>>) attributes {dimension_semantics = [#tpu.dimension_semantics<core_parallel>, #tpu.dimension_semantics<subcore_parallel>], iteration_bounds = array<i64: 2, 16>, scalar_prefetch = 0 : i64, scratch_operands = 18 : i64, tpu.core_type = #tpu.core_type<sc_vector_subcore>, window_params = [{transform_indices = #map}, {transform_indices = #map}, {transform_indices = #map}, {transform_indices = #map1}, {transform_indices = #map1}, {transform_indices = #map}]} {
    %mul3A = arith.constant 2 : i32
    %mul3A_0 = arith.muli %arg1, %mul3A : i32
    %add3A = arith.addi %mul3A_0, %arg0 : i32
    %mul3A_1 = arith.constant 128 : i32
    %mul3A_2 = arith.muli %add3A, %mul3A_1 : i32
    "tpu.region"() ({
      %run_scoped3A = tpu.sem_alloc : memref<!tpu.dma_semaphore, #tpu.memory_space<semaphore_mem>>
      %dma_start3A_150 = tpu.memref_slice %arg3[%mul3A_2] : memref<4096xi32, #tpu.memory_space<hbm>> -> memref<128xi32, #tpu.memory_space<hbm>>
      %dma_start3A_151 = tpu.memref_slice %arg3[%mul3A_2] : memref<4096xi32, #tpu.memory_space<hbm>> -> memref<128xi32, #tpu.memory_space<hbm>>
      tpu.enqueue_dma source(%dma_start3A_151 : memref<128xi32, #tpu.memory_space<hbm>>) target(%arg8 : memref<128xi32, #tpu.memory_space<vmem>>) target_semaphore(%run_scoped3A : memref<!tpu.dma_semaphore, #tpu.memory_space<semaphore_mem>>)
      %dma_wait3A_152 = tpu.memref_slice %arg3[%mul3A_2] : memref<4096xi32, #tpu.memory_space<hbm>> -> memref<128xi32, #tpu.memory_space<hbm>>
      %dma_wait3A_153 = tpu.memref_slice %arg3[%mul3A_2] : memref<4096xi32, #tpu.memory_space<hbm>> -> memref<128xi32, #tpu.memory_space<hbm>>
      tpu.wait_dma2 semaphore(%run_scoped3A : memref<!tpu.dma_semaphore, #tpu.memory_space<semaphore_mem>>) src(%dma_wait3A_153 : memref<128xi32, #tpu.memory_space<hbm>>) dst(%arg8 : memref<128xi32, #tpu.memory_space<vmem>>)
      tpu.yield
    }) : () -> ()
    "tpu.region"() ({
      %run_scoped3A = tpu.sem_alloc : memref<!tpu.dma_semaphore, #tpu.memory_space<semaphore_mem>>
      %dma_start3A_150 = tpu.memref_slice %arg4[%mul3A_2] : memref<4096xi32, #tpu.memory_space<hbm>> -> memref<128xi32, #tpu.memory_space<hbm>>
      %dma_start3A_151 = tpu.memref_slice %arg4[%mul3A_2] : memref<4096xi32, #tpu.memory_space<hbm>> -> memref<128xi32, #tpu.memory_space<hbm>>
      tpu.enqueue_dma source(%dma_start3A_151 : memref<128xi32, #tpu.memory_space<hbm>>) target(%arg9 : memref<128xi32, #tpu.memory_space<vmem>>) target_semaphore(%run_scoped3A : memref<!tpu.dma_semaphore, #tpu.memory_space<semaphore_mem>>)
      %dma_wait3A_152 = tpu.memref_slice %arg4[%mul3A_2] : memref<4096xi32, #tpu.memory_space<hbm>> -> memref<128xi32, #tpu.memory_space<hbm>>
      %dma_wait3A_153 = tpu.memref_slice %arg4[%mul3A_2] : memref<4096xi32, #tpu.memory_space<hbm>> -> memref<128xi32, #tpu.memory_space<hbm>>
      tpu.wait_dma2 semaphore(%run_scoped3A : memref<!tpu.dma_semaphore, #tpu.memory_space<semaphore_mem>>) src(%dma_wait3A_153 : memref<128xi32, #tpu.memory_space<hbm>>) dst(%arg9 : memref<128xi32, #tpu.memory_space<vmem>>)
      tpu.yield
    }) : () -> ()
    %dma_start3A = arith.constant 0 : i32
    %dma_start3A_3 = arith.constant 0 : i32
    %dma_start3A_4 = tpu.memref_slice %arg5[%dma_start3A, %dma_start3A_3] : memref<100000x64xbf16, #tpu.memory_space<hbm>> -> memref<100000x64xbf16, #tpu.memory_space<hbm>>
    tpu.enqueue_indirect_dma source(%dma_start3A_4 : memref<100000x64xbf16, #tpu.memory_space<hbm>>) target(%arg10 : memref<128x64xbf16, #tpu.memory_space<vmem>>) offsets(%arg8 : memref<128xi32, #tpu.memory_space<vmem>>) semaphore(%arg19 : memref<!tpu.dma_semaphore, #tpu.memory_space<semaphore_mem>>)
    %dma_wait3A = arith.constant 0 : i32
    %dma_wait3A_5 = arith.constant 0 : i32
    %dma_wait3A_6 = tpu.memref_slice %arg5[%dma_wait3A, %dma_wait3A_5] : memref<100000x64xbf16, #tpu.memory_space<hbm>> -> memref<100000x64xbf16, #tpu.memory_space<hbm>>
    tpu.wait_indirect_dma semaphore(%arg19 : memref<!tpu.dma_semaphore, #tpu.memory_space<semaphore_mem>>) src(%dma_wait3A_6 : memref<100000x64xbf16, #tpu.memory_space<hbm>>) dst(%arg10 : memref<128x64xbf16, #tpu.memory_space<vmem>>)
    %dma_start3A_7 = arith.constant 0 : i32
    %dma_start3A_8 = arith.constant 0 : i32
    %dma_start3A_9 = tpu.memref_slice %arg6[%dma_start3A_7, %dma_start3A_8] : memref<1000x64xbf16, #tpu.memory_space<hbm>> -> memref<1000x64xbf16, #tpu.memory_space<hbm>>
    tpu.enqueue_indirect_dma source(%dma_start3A_9 : memref<1000x64xbf16, #tpu.memory_space<hbm>>) target(%arg11 : memref<128x64xbf16, #tpu.memory_space<vmem>>) offsets(%arg9 : memref<128xi32, #tpu.memory_space<vmem>>) semaphore(%arg19 : memref<!tpu.dma_semaphore, #tpu.memory_space<semaphore_mem>>)
    %dma_wait3A_10 = arith.constant 0 : i32
    %dma_wait3A_11 = arith.constant 0 : i32
    %dma_wait3A_12 = tpu.memref_slice %arg6[%dma_wait3A_10, %dma_wait3A_11] : memref<1000x64xbf16, #tpu.memory_space<hbm>> -> memref<1000x64xbf16, #tpu.memory_space<hbm>>
    tpu.wait_indirect_dma semaphore(%arg19 : memref<!tpu.dma_semaphore, #tpu.memory_space<semaphore_mem>>) src(%dma_wait3A_12 : memref<1000x64xbf16, #tpu.memory_space<hbm>>) dst(%arg11 : memref<128x64xbf16, #tpu.memory_space<vmem>>)
    %scan3A = arith.constant 0 : i32
    %scan3A_13 = arith.constant 0 : i32
    %scan3A_14 = arith.constant 128 : i32
    %scan3A_15 = arith.addi %scan3A_13, %scan3A_14 : i32
    %scan3A_16 = arith.constant 1 : i32
    %scan3A_17 = scf.for %scan3A_150 = %scan3A_13 to %scan3A_15 step %scan3A_16 iter_args(%scan3A_151 = %scan3A) -> (i32)  : i32 {
      %get3A = arith.index_cast %scan3A_150 : i32 to index
      %get3A_152 = arith.constant 0 : index
      %get3A_153 = tpu.vector_load %arg10[%get3A, %get3A_152] {strides = array<i32>} : memref<128x64xbf16, #tpu.memory_space<vmem>>, vector<32xbf16>,
      %get3A_154 = arith.index_cast %scan3A_150 : i32 to index
      %get3A_155 = arith.constant 0 : index
      %get3A_156 = tpu.vector_load %arg11[%get3A_154, %get3A_155] {strides = array<i32>} : memref<128x64xbf16, #tpu.memory_space<vmem>>, vector<32xbf16>,
      %add3A_157 = arith.addf %get3A_153, %get3A_156 : vector<32xbf16>
      %swap3A = arith.index_cast %scan3A_150 : i32 to index
      %swap3A_158 = arith.constant 0 : index
      %swap3A_159 = tpu.vector_load %arg10[%swap3A, %swap3A_158] {strides = array<i32>} : memref<128x64xbf16, #tpu.memory_space<vmem>>, vector<32xbf16>,
      tpu.vector_store %arg10[%swap3A, %swap3A_158], %add3A_157 {strides = array<i32>} : memref<128x64xbf16, #tpu.memory_space<vmem>>, vector<32xbf16>,
      %get3A_160 = arith.index_cast %scan3A_150 : i32 to index
      %get3A_161 = arith.constant 32 : index
      %get3A_162 = tpu.vector_load %arg10[%get3A_160, %get3A_161] {strides = array<i32>} : memref<128x64xbf16, #tpu.memory_space<vmem>>, vector<32xbf16>,
      %get3A_163 = arith.index_cast %scan3A_150 : i32 to index
      %get3A_164 = arith.constant 32 : index
      %get3A_165 = tpu.vector_load %arg11[%get3A_163, %get3A_164] {strides = array<i32>} : memref<128x64xbf16, #tpu.memory_space<vmem>>, vector<32xbf16>,
      %add3A_166 = arith.addf %get3A_162, %get3A_165 : vector<32xbf16>
      %swap3A_167 = arith.index_cast %scan3A_150 : i32 to index
      %swap3A_168 = arith.constant 32 : index
      %swap3A_169 = tpu.vector_load %arg10[%swap3A_167, %swap3A_168] {strides = array<i32>} : memref<128x64xbf16, #tpu.memory_space<vmem>>, vector<32xbf16>,
      tpu.vector_store %arg10[%swap3A_167, %swap3A_168], %add3A_166 {strides = array<i32>} : memref<128x64xbf16, #tpu.memory_space<vmem>>, vector<32xbf16>,
      %scan3A_170 = arith.constant 0 : i32
      scf.yield %scan3A_170 : i32
    }
    %scan3A_18 = arith.constant 128 : i32
    %iota3A = tpu.iota {dimensions = array<i32: 0>} : vector<16xi32>
    %add3A_19 = arith.constant 0 : i32
    %add3A_20 = arith.addi %mul3A_2, %add3A_19 : i32
    %mul3A_21 = arith.constant 200 : i32
    %mul3A_22 = arith.muli %add3A_20, %mul3A_21 : i32
    %dma_start3A_23 = tpu.memref_slice %arg2[%mul3A_22] : memref<819200xi32, #tpu.memory_space<hbm>> -> memref<400xi32, #tpu.memory_space<hbm>>
    %dma_start3A_24 = tpu.memref_slice %arg2[%mul3A_22] : memref<819200xi32, #tpu.memory_space<hbm>> -> memref<400xi32, #tpu.memory_space<hbm>>
    tpu.enqueue_dma source(%dma_start3A_24 : memref<400xi32, #tpu.memory_space<hbm>>) target(%arg12 : memref<400xi32, #tpu.memory_space<vmem>>) target_semaphore(%arg22 : memref<!tpu.dma_semaphore, #tpu.memory_space<semaphore_mem>>)
    %add3A_25 = arith.constant 2 : i32
    %add3A_26 = arith.addi %mul3A_2, %add3A_25 : i32
    %mul3A_27 = arith.constant 200 : i32
    %mul3A_28 = arith.muli %add3A_26, %mul3A_27 : i32
    %dma_start3A_29 = tpu.memref_slice %arg2[%mul3A_28] : memref<819200xi32, #tpu.memory_space<hbm>> -> memref<400xi32, #tpu.memory_space<hbm>>
    %dma_start3A_30 = tpu.memref_slice %arg2[%mul3A_28] : memref<819200xi32, #tpu.memory_space<hbm>> -> memref<400xi32, #tpu.memory_space<hbm>>
    tpu.enqueue_dma source(%dma_start3A_30 : memref<400xi32, #tpu.memory_space<hbm>>) target(%arg13 : memref<400xi32, #tpu.memory_space<vmem>>) target_semaphore(%arg23 : memref<!tpu.dma_semaphore, #tpu.memory_space<semaphore_mem>>)
    %add3A_31 = arith.constant 0 : i32
    %add3A_32 = arith.addi %mul3A_2, %add3A_31 : i32
    %mul3A_33 = arith.constant 200 : i32
    %mul3A_34 = arith.muli %add3A_32, %mul3A_33 : i32
    %dma_wait3A_35 = tpu.memref_slice %arg2[%mul3A_34] : memref<819200xi32, #tpu.memory_space<hbm>> -> memref<400xi32, #tpu.memory_space<hbm>>
    %dma_wait3A_36 = tpu.memref_slice %arg2[%mul3A_34] : memref<819200xi32, #tpu.memory_space<hbm>> -> memref<400xi32, #tpu.memory_space<hbm>>
    tpu.wait_dma2 semaphore(%arg22 : memref<!tpu.dma_semaphore, #tpu.memory_space<semaphore_mem>>) src(%dma_wait3A_36 : memref<400xi32, #tpu.memory_space<hbm>>) dst(%arg12 : memref<400xi32, #tpu.memory_space<vmem>>)
    %dma_start3A_37 = arith.constant 0 : i32
    %dma_start3A_38 = arith.constant 0 : i32
    %dma_start3A_39 = tpu.memref_slice %arg14[%dma_start3A_37, %dma_start3A_38] : memref<400x64xbf16, #tpu.memory_space<vmem>> -> memref<80x64xbf16, #tpu.memory_space<vmem>>
    %dma_start3A_40 = arith.constant 0 : i32
    %dma_start3A_41 = tpu.memref_slice %arg12[%dma_start3A_40] : memref<400xi32, #tpu.memory_space<vmem>> -> memref<80xi32, #tpu.memory_space<vmem>>
    %dma_start3A_42 = arith.constant 0 : i32
    %dma_start3A_43 = arith.constant 0 : i32
    %dma_start3A_44 = tpu.memref_slice %arg5[%dma_start3A_42, %dma_start3A_43] : memref<100000x64xbf16, #tpu.memory_space<hbm>> -> memref<100000x64xbf16, #tpu.memory_space<hbm>>
    tpu.enqueue_indirect_dma source(%dma_start3A_44 : memref<100000x64xbf16, #tpu.memory_space<hbm>>) target(%dma_start3A_39 : memref<80x64xbf16, #tpu.memory_space<vmem>>) offsets(%dma_start3A_41 : memref<80xi32, #tpu.memory_space<vmem>>) semaphore(%arg20 : memref<!tpu.dma_semaphore, #tpu.memory_space<semaphore_mem>>)
    %dma_start3A_45 = arith.constant 80 : i32
    %dma_start3A_46 = arith.constant 0 : i32
    %dma_start3A_47 = tpu.memref_slice %arg14[%dma_start3A_45, %dma_start3A_46] : memref<400x64xbf16, #tpu.memory_space<vmem>> -> memref<80x64xbf16, #tpu.memory_space<vmem>>
    %dma_start3A_48 = arith.constant 80 : i32
    %dma_start3A_49 = tpu.memref_slice %arg12[%dma_start3A_48] : memref<400xi32, #tpu.memory_space<vmem>> -> memref<80xi32, #tpu.memory_space<vmem>>
    %dma_start3A_50 = arith.constant 0 : i32
    %dma_start3A_51 = arith.constant 0 : i32
    %dma_start3A_52 = tpu.memref_slice %arg5[%dma_start3A_50, %dma_start3A_51] : memref<100000x64xbf16, #tpu.memory_space<hbm>> -> memref<100000x64xbf16, #tpu.memory_space<hbm>>
    tpu.enqueue_indirect_dma source(%dma_start3A_52 : memref<100000x64xbf16, #tpu.memory_space<hbm>>) target(%dma_start3A_47 : memref<80x64xbf16, #tpu.memory_space<vmem>>) offsets(%dma_start3A_49 : memref<80xi32, #tpu.memory_space<vmem>>) semaphore(%arg20 : memref<!tpu.dma_semaphore, #tpu.memory_space<semaphore_mem>>)
    %dma_start3A_53 = arith.constant 160 : i32
    %dma_start3A_54 = arith.constant 0 : i32
    %dma_start3A_55 = tpu.memref_slice %arg14[%dma_start3A_53, %dma_start3A_54] : memref<400x64xbf16, #tpu.memory_space<vmem>> -> memref<80x64xbf16, #tpu.memory_space<vmem>>
    %dma_start3A_56 = arith.constant 160 : i32
    %dma_start3A_57 = tpu.memref_slice %arg12[%dma_start3A_56] : memref<400xi32, #tpu.memory_space<vmem>> -> memref<80xi32, #tpu.memory_space<vmem>>
    %dma_start3A_58 = arith.constant 0 : i32
    %dma_start3A_59 = arith.constant 0 : i32
    %dma_start3A_60 = tpu.memref_slice %arg5[%dma_start3A_58, %dma_start3A_59] : memref<100000x64xbf16, #tpu.memory_space<hbm>> -> memref<100000x64xbf16, #tpu.memory_space<hbm>>
    tpu.enqueue_indirect_dma source(%dma_start3A_60 : memref<100000x64xbf16, #tpu.memory_space<hbm>>) target(%dma_start3A_55 : memref<80x64xbf16, #tpu.memory_space<vmem>>) offsets(%dma_start3A_57 : memref<80xi32, #tpu.memory_space<vmem>>) semaphore(%arg20 : memref<!tpu.dma_semaphore, #tpu.memory_space<semaphore_mem>>)
    %dma_start3A_61 = arith.constant 240 : i32
    %dma_start3A_62 = arith.constant 0 : i32
    %dma_start3A_63 = tpu.memref_slice %arg14[%dma_start3A_61, %dma_start3A_62] : memref<400x64xbf16, #tpu.memory_space<vmem>> -> memref<80x64xbf16, #tpu.memory_space<vmem>>
    %dma_start3A_64 = arith.constant 240 : i32
    %dma_start3A_65 = tpu.memref_slice %arg12[%dma_start3A_64] : memref<400xi32, #tpu.memory_space<vmem>> -> memref<80xi32, #tpu.memory_space<vmem>>
    %dma_start3A_66 = arith.constant 0 : i32
    %dma_start3A_67 = arith.constant 0 : i32
    %dma_start3A_68 = tpu.memref_slice %arg5[%dma_start3A_66, %dma_start3A_67] : memref<100000x64xbf16, #tpu.memory_space<hbm>> -> memref<100000x64xbf16, #tpu.memory_space<hbm>>
    tpu.enqueue_indirect_dma source(%dma_start3A_68 : memref<100000x64xbf16, #tpu.memory_space<hbm>>) target(%dma_start3A_63 : memref<80x64xbf16, #tpu.memory_space<vmem>>) offsets(%dma_start3A_65 : memref<80xi32, #tpu.memory_space<vmem>>) semaphore(%arg20 : memref<!tpu.dma_semaphore, #tpu.memory_space<semaphore_mem>>)
    %dma_start3A_69 = arith.constant 320 : i32
    %dma_start3A_70 = arith.constant 0 : i32
    %dma_start3A_71 = tpu.memref_slice %arg14[%dma_start3A_69, %dma_start3A_70] : memref<400x64xbf16, #tpu.memory_space<vmem>> -> memref<80x64xbf16, #tpu.memory_space<vmem>>
    %dma_start3A_72 = arith.constant 320 : i32
    %dma_start3A_73 = tpu.memref_slice %arg12[%dma_start3A_72] : memref<400xi32, #tpu.memory_space<vmem>> -> memref<80xi32, #tpu.memory_space<vmem>>
    %dma_start3A_74 = arith.constant 0 : i32
    %dma_start3A_75 = arith.constant 0 : i32
    %dma_start3A_76 = tpu.memref_slice %arg5[%dma_start3A_74, %dma_start3A_75] : memref<100000x64xbf16, #tpu.memory_space<hbm>> -> memref<100000x64xbf16, #tpu.memory_space<hbm>>
    tpu.enqueue_indirect_dma source(%dma_start3A_76 : memref<100000x64xbf16, #tpu.memory_space<hbm>>) target(%dma_start3A_71 : memref<80x64xbf16, #tpu.memory_space<vmem>>) offsets(%dma_start3A_73 : memref<80xi32, #tpu.memory_space<vmem>>) semaphore(%arg20 : memref<!tpu.dma_semaphore, #tpu.memory_space<semaphore_mem>>)
    %add3A_77 = arith.constant 2 : i32
    %add3A_78 = arith.addi %mul3A_2, %add3A_77 : i32
    %mul3A_79 = arith.constant 200 : i32
    %mul3A_80 = arith.muli %add3A_78, %mul3A_79 : i32
    %dma_wait3A_81 = tpu.memref_slice %arg2[%mul3A_80] : memref<819200xi32, #tpu.memory_space<hbm>> -> memref<400xi32, #tpu.memory_space<hbm>>
    %dma_wait3A_82 = tpu.memref_slice %arg2[%mul3A_80] : memref<819200xi32, #tpu.memory_space<hbm>> -> memref<400xi32, #tpu.memory_space<hbm>>
    tpu.wait_dma2 semaphore(%arg23 : memref<!tpu.dma_semaphore, #tpu.memory_space<semaphore_mem>>) src(%dma_wait3A_82 : memref<400xi32, #tpu.memory_space<hbm>>) dst(%arg13 : memref<400xi32, #tpu.memory_space<vmem>>)
    %scan3A_83 = arith.constant 0 : i32
    %scan3A_84 = arith.constant 0 : i32
    %scan3A_85 = arith.constant 32 : i32
    %scan3A_86 = arith.addi %scan3A_84, %scan3A_85 : i32
    %scan3A_87 = arith.constant 1 : i32
    %scan3A_88 = scf.for %scan3A_150 = %scan3A_84 to %scan3A_86 step %scan3A_87 iter_args(%scan3A_151 = %scan3A_83) -> (i32)  : i32 {
      %mul3A_152 = arith.constant 2 : i32
      %mul3A_153 = arith.muli %mul3A_152, %scan3A_150 : i32
      %mul3A_154 = arith.constant 2 : i32
      %mul3A_155 = arith.muli %mul3A_154, %scan3A_150 : i32
      %add3A_156 = arith.constant 1 : i32
      %add3A_157 = arith.addi %mul3A_155, %add3A_156 : i32
      %add3A_158 = arith.constant 2 : i32
      %add3A_159 = arith.addi %mul3A_153, %add3A_158 : i32
      %lt3A = arith.constant 64 : i32
      %lt3A_160 = arith.cmpi slt, %add3A_159, %lt3A : i32
      %add3A_161 = arith.constant 2 : i32
      %add3A_162 = arith.addi %mul3A_153, %add3A_161 : i32
      %jit3A = arith.constant 0 : i32
      %select_n3A = arith.select %lt3A_160, %add3A_162, %jit3A : i32
      %add3A_163 = arith.constant 2 : i32
      %add3A_164 = arith.addi %add3A_157, %add3A_163 : i32
      %lt3A_165 = arith.constant 64 : i32
      %lt3A_166 = arith.cmpi slt, %add3A_164, %lt3A_165 : i32
      %add3A_167 = arith.constant 2 : i32
      %add3A_168 = arith.addi %add3A_157, %add3A_167 : i32
      %jit3A_169 = arith.constant 0 : i32
      %select_n3A_170 = arith.select %lt3A_166, %add3A_168, %jit3A_169 : i32
      %dma_start3A_171 = arith.constant 0 : i32
      %dma_start3A_172 = arith.constant 0 : i32
      %dma_start3A_173 = tpu.memref_slice %arg15[%dma_start3A_171, %dma_start3A_172] : memref<400x64xbf16, #tpu.memory_space<vmem>> -> memref<80x64xbf16, #tpu.memory_space<vmem>>
      %dma_start3A_174 = arith.constant 0 : i32
      %dma_start3A_175 = tpu.memref_slice %arg13[%dma_start3A_174] : memref<400xi32, #tpu.memory_space<vmem>> -> memref<80xi32, #tpu.memory_space<vmem>>
      %dma_start3A_176 = arith.constant 0 : i32
      %dma_start3A_177 = arith.constant 0 : i32
      %dma_start3A_178 = tpu.memref_slice %arg5[%dma_start3A_176, %dma_start3A_177] : memref<100000x64xbf16, #tpu.memory_space<hbm>> -> memref<100000x64xbf16, #tpu.memory_space<hbm>>
      tpu.enqueue_indirect_dma source(%dma_start3A_178 : memref<100000x64xbf16, #tpu.memory_space<hbm>>) target(%dma_start3A_173 : memref<80x64xbf16, #tpu.memory_space<vmem>>) offsets(%dma_start3A_175 : memref<80xi32, #tpu.memory_space<vmem>>) semaphore(%arg21 : memref<!tpu.dma_semaphore, #tpu.memory_space<semaphore_mem>>)
      %dma_start3A_179 = arith.constant 80 : i32
      %dma_start3A_180 = arith.constant 0 : i32
      %dma_start3A_181 = tpu.memref_slice %arg15[%dma_start3A_179, %dma_start3A_180] : memref<400x64xbf16, #tpu.memory_space<vmem>> -> memref<80x64xbf16, #tpu.memory_space<vmem>>
      %dma_start3A_182 = arith.constant 80 : i32
      %dma_start3A_183 = tpu.memref_slice %arg13[%dma_start3A_182] : memref<400xi32, #tpu.memory_space<vmem>> -> memref<80xi32, #tpu.memory_space<vmem>>
      %dma_start3A_184 = arith.constant 0 : i32
      %dma_start3A_185 = arith.constant 0 : i32
      %dma_start3A_186 = tpu.memref_slice %arg5[%dma_start3A_184, %dma_start3A_185] : memref<100000x64xbf16, #tpu.memory_space<hbm>> -> memref<100000x64xbf16, #tpu.memory_space<hbm>>
      tpu.enqueue_indirect_dma source(%dma_start3A_186 : memref<100000x64xbf16, #tpu.memory_space<hbm>>) target(%dma_start3A_181 : memref<80x64xbf16, #tpu.memory_space<vmem>>) offsets(%dma_start3A_183 : memref<80xi32, #tpu.memory_space<vmem>>) semaphore(%arg21 : memref<!tpu.dma_semaphore, #tpu.memory_space<semaphore_mem>>)
      %dma_start3A_187 = arith.constant 160 : i32
      %dma_start3A_188 = arith.constant 0 : i32
      %dma_start3A_189 = tpu.memref_slice %arg15[%dma_start3A_187, %dma_start3A_188] : memref<400x64xbf16, #tpu.memory_space<vmem>> -> memref<80x64xbf16, #tpu.memory_space<vmem>>
      %dma_start3A_190 = arith.constant 160 : i32
      %dma_start3A_191 = tpu.memref_slice %arg13[%dma_start3A_190] : memref<400xi32, #tpu.memory_space<vmem>> -> memref<80xi32, #tpu.memory_space<vmem>>
      %dma_start3A_192 = arith.constant 0 : i32
      %dma_start3A_193 = arith.constant 0 : i32
      %dma_start3A_194 = tpu.memref_slice %arg5[%dma_start3A_192, %dma_start3A_193] : memref<100000x64xbf16, #tpu.memory_space<hbm>> -> memref<100000x64xbf16, #tpu.memory_space<hbm>>
      tpu.enqueue_indirect_dma source(%dma_start3A_194 : memref<100000x64xbf16, #tpu.memory_space<hbm>>) target(%dma_start3A_189 : memref<80x64xbf16, #tpu.memory_space<vmem>>) offsets(%dma_start3A_191 : memref<80xi32, #tpu.memory_space<vmem>>) semaphore(%arg21 : memref<!tpu.dma_semaphore, #tpu.memory_space<semaphore_mem>>)
      %dma_start3A_195 = arith.constant 240 : i32
      %dma_start3A_196 = arith.constant 0 : i32
      %dma_start3A_197 = tpu.memref_slice %arg15[%dma_start3A_195, %dma_start3A_196] : memref<400x64xbf16, #tpu.memory_space<vmem>> -> memref<80x64xbf16, #tpu.memory_space<vmem>>
      %dma_start3A_198 = arith.constant 240 : i32
      %dma_start3A_199 = tpu.memref_slice %arg13[%dma_start3A_198] : memref<400xi32, #tpu.memory_space<vmem>> -> memref<80xi32, #tpu.memory_space<vmem>>
      %dma_start3A_200 = arith.constant 0 : i32
      %dma_start3A_201 = arith.constant 0 : i32
      %dma_start3A_202 = tpu.memref_slice %arg5[%dma_start3A_200, %dma_start3A_201] : memref<100000x64xbf16, #tpu.memory_space<hbm>> -> memref<100000x64xbf16, #tpu.memory_space<hbm>>
      tpu.enqueue_indirect_dma source(%dma_start3A_202 : memref<100000x64xbf16, #tpu.memory_space<hbm>>) target(%dma_start3A_197 : memref<80x64xbf16, #tpu.memory_space<vmem>>) offsets(%dma_start3A_199 : memref<80xi32, #tpu.memory_space<vmem>>) semaphore(%arg21 : memref<!tpu.dma_semaphore, #tpu.memory_space<semaphore_mem>>)
      %dma_start3A_203 = arith.constant 320 : i32
      %dma_start3A_204 = arith.constant 0 : i32
      %dma_start3A_205 = tpu.memref_slice %arg15[%dma_start3A_203, %dma_start3A_204] : memref<400x64xbf16, #tpu.memory_space<vmem>> -> memref<80x64xbf16, #tpu.memory_space<vmem>>
      %dma_start3A_206 = arith.constant 320 : i32
      %dma_start3A_207 = tpu.memref_slice %arg13[%dma_start3A_206] : memref<400xi32, #tpu.memory_space<vmem>> -> memref<80xi32, #tpu.memory_space<vmem>>
      %dma_start3A_208 = arith.constant 0 : i32
      %dma_start3A_209 = arith.constant 0 : i32
      %dma_start3A_210 = tpu.memref_slice %arg5[%dma_start3A_208, %dma_start3A_209] : memref<100000x64xbf16, #tpu.memory_space<hbm>> -> memref<100000x64xbf16, #tpu.memory_space<hbm>>
      tpu.enqueue_indirect_dma source(%dma_start3A_210 : memref<100000x64xbf16, #tpu.memory_space<hbm>>) target(%dma_start3A_205 : memref<80x64xbf16, #tpu.memory_space<vmem>>) offsets(%dma_start3A_207 : memref<80xi32, #tpu.memory_space<vmem>>) semaphore(%arg21 : memref<!tpu.dma_semaphore, #tpu.memory_space<semaphore_mem>>)
      %dma_wait3A_211 = arith.constant 0 : i32
      %dma_wait3A_212 = arith.constant 0 : i32
      %dma_wait3A_213 = tpu.memref_slice %arg14[%dma_wait3A_211, %dma_wait3A_212] : memref<400x64xbf16, #tpu.memory_space<vmem>> -> memref<80x64xbf16, #tpu.memory_space<vmem>>
      %dma_wait3A_214 = arith.constant 0 : i32
      %dma_wait3A_215 = tpu.memref_slice %arg12[%dma_wait3A_214] : memref<400xi32, #tpu.memory_space<vmem>> -> memref<80xi32, #tpu.memory_space<vmem>>
      %dma_wait3A_216 = arith.constant 0 : i32
      %dma_wait3A_217 = arith.constant 0 : i32
      %dma_wait3A_218 = tpu.memref_slice %arg5[%dma_wait3A_216, %dma_wait3A_217] : memref<100000x64xbf16, #tpu.memory_space<hbm>> -> memref<100000x64xbf16, #tpu.memory_space<hbm>>
      tpu.wait_indirect_dma semaphore(%arg20 : memref<!tpu.dma_semaphore, #tpu.memory_space<semaphore_mem>>) src(%dma_wait3A_218 : memref<100000x64xbf16, #tpu.memory_space<hbm>>) dst(%dma_wait3A_213 : memref<80x64xbf16, #tpu.memory_space<vmem>>)
      %dma_wait3A_219 = arith.constant 80 : i32
      %dma_wait3A_220 = arith.constant 0 : i32
      %dma_wait3A_221 = tpu.memref_slice %arg14[%dma_wait3A_219, %dma_wait3A_220] : memref<400x64xbf16, #tpu.memory_space<vmem>> -> memref<80x64xbf16, #tpu.memory_space<vmem>>
      %dma_wait3A_222 = arith.constant 80 : i32
      %dma_wait3A_223 = tpu.memref_slice %arg12[%dma_wait3A_222] : memref<400xi32, #tpu.memory_space<vmem>> -> memref<80xi32, #tpu.memory_space<vmem>>
      %dma_wait3A_224 = arith.constant 0 : i32
      %dma_wait3A_225 = arith.constant 0 : i32
      %dma_wait3A_226 = tpu.memref_slice %arg5[%dma_wait3A_224, %dma_wait3A_225] : memref<100000x64xbf16, #tpu.memory_space<hbm>> -> memref<100000x64xbf16, #tpu.memory_space<hbm>>
      tpu.wait_indirect_dma semaphore(%arg20 : memref<!tpu.dma_semaphore, #tpu.memory_space<semaphore_mem>>) src(%dma_wait3A_226 : memref<100000x64xbf16, #tpu.memory_space<hbm>>) dst(%dma_wait3A_221 : memref<80x64xbf16, #tpu.memory_space<vmem>>)
      %dma_wait3A_227 = arith.constant 160 : i32
      %dma_wait3A_228 = arith.constant 0 : i32
      %dma_wait3A_229 = tpu.memref_slice %arg14[%dma_wait3A_227, %dma_wait3A_228] : memref<400x64xbf16, #tpu.memory_space<vmem>> -> memref<80x64xbf16, #tpu.memory_space<vmem>>
      %dma_wait3A_230 = arith.constant 160 : i32
      %dma_wait3A_231 = tpu.memref_slice %arg12[%dma_wait3A_230] : memref<400xi32, #tpu.memory_space<vmem>> -> memref<80xi32, #tpu.memory_space<vmem>>
      %dma_wait3A_232 = arith.constant 0 : i32
      %dma_wait3A_233 = arith.constant 0 : i32
      %dma_wait3A_234 = tpu.memref_slice %arg5[%dma_wait3A_232, %dma_wait3A_233] : memref<100000x64xbf16, #tpu.memory_space<hbm>> -> memref<100000x64xbf16, #tpu.memory_space<hbm>>
      tpu.wait_indirect_dma semaphore(%arg20 : memref<!tpu.dma_semaphore, #tpu.memory_space<semaphore_mem>>) src(%dma_wait3A_234 : memref<100000x64xbf16, #tpu.memory_space<hbm>>) dst(%dma_wait3A_229 : memref<80x64xbf16, #tpu.memory_space<vmem>>)
      %dma_wait3A_235 = arith.constant 240 : i32
      %dma_wait3A_236 = arith.constant 0 : i32
      %dma_wait3A_237 = tpu.memref_slice %arg14[%dma_wait3A_235, %dma_wait3A_236] : memref<400x64xbf16, #tpu.memory_space<vmem>> -> memref<80x64xbf16, #tpu.memory_space<vmem>>
      %dma_wait3A_238 = arith.constant 240 : i32
      %dma_wait3A_239 = tpu.memref_slice %arg12[%dma_wait3A_238] : memref<400xi32, #tpu.memory_space<vmem>> -> memref<80xi32, #tpu.memory_space<vmem>>
      %dma_wait3A_240 = arith.constant 0 : i32
      %dma_wait3A_241 = arith.constant 0 : i32
      %dma_wait3A_242 = tpu.memref_slice %arg5[%dma_wait3A_240, %dma_wait3A_241] : memref<100000x64xbf16, #tpu.memory_space<hbm>> -> memref<100000x64xbf16, #tpu.memory_space<hbm>>
      tpu.wait_indirect_dma semaphore(%arg20 : memref<!tpu.dma_semaphore, #tpu.memory_space<semaphore_mem>>) src(%dma_wait3A_242 : memref<100000x64xbf16, #tpu.memory_space<hbm>>) dst(%dma_wait3A_237 : memref<80x64xbf16, #tpu.memory_space<vmem>>)
      %dma_wait3A_243 = arith.constant 320 : i32
      %dma_wait3A_244 = arith.constant 0 : i32
      %dma_wait3A_245 = tpu.memref_slice %arg14[%dma_wait3A_243, %dma_wait3A_244] : memref<400x64xbf16, #tpu.memory_space<vmem>> -> memref<80x64xbf16, #tpu.memory_space<vmem>>
      %dma_wait3A_246 = arith.constant 320 : i32
      %dma_wait3A_247 = tpu.memref_slice %arg12[%dma_wait3A_246] : memref<400xi32, #tpu.memory_space<vmem>> -> memref<80xi32, #tpu.memory_space<vmem>>
      %dma_wait3A_248 = arith.constant 0 : i32
      %dma_wait3A_249 = arith.constant 0 : i32
      %dma_wait3A_250 = tpu.memref_slice %arg5[%dma_wait3A_248, %dma_wait3A_249] : memref<100000x64xbf16, #tpu.memory_space<hbm>> -> memref<100000x64xbf16, #tpu.memory_space<hbm>>
      tpu.wait_indirect_dma semaphore(%arg20 : memref<!tpu.dma_semaphore, #tpu.memory_space<semaphore_mem>>) src(%dma_wait3A_250 : memref<100000x64xbf16, #tpu.memory_space<hbm>>) dst(%dma_wait3A_245 : memref<80x64xbf16, #tpu.memory_space<vmem>>)
      %mul3A_251 = arith.constant 2 : i32
      %mul3A_252 = arith.muli %select_n3A, %mul3A_251 : i32
      %add3A_253 = arith.addi %mul3A_2, %mul3A_252 : i32
      %mul3A_254 = arith.constant 200 : i32
      %mul3A_255 = arith.muli %add3A_253, %mul3A_254 : i32
      %dma_start3A_256 = tpu.memref_slice %arg2[%mul3A_255] : memref<819200xi32, #tpu.memory_space<hbm>> -> memref<400xi32, #tpu.memory_space<hbm>>
      %dma_start3A_257 = tpu.memref_slice %arg2[%mul3A_255] : memref<819200xi32, #tpu.memory_space<hbm>> -> memref<400xi32, #tpu.memory_space<hbm>>
      tpu.enqueue_dma source(%dma_start3A_257 : memref<400xi32, #tpu.memory_space<hbm>>) target(%arg12 : memref<400xi32, #tpu.memory_space<vmem>>) target_semaphore(%arg22 : memref<!tpu.dma_semaphore, #tpu.memory_space<semaphore_mem>>)
      %ne3A = arith.constant 0 : i32
      %ne3A_258 = arith.cmpi ne, %scan3A_150, %ne3A : i32
      %convert_element_type3A = arith.extui %ne3A_258 : i1 to i32
      %cond3A = arith.constant 0 : i32
      %cond3A_259 = arith.cmpi ne, %convert_element_type3A, %cond3A : i32
      scf.if %cond3A_259 {
        %mul3A_1460 = arith.constant 2 : i32
        %mul3A_1461 = arith.muli %mul3A_153, %mul3A_1460 : i32
        %add3A_1462 = arith.addi %mul3A_2, %mul3A_1461 : i32
        %mul3A_1463 = arith.constant 200 : i32
        %mul3A_1464 = arith.muli %add3A_1462, %mul3A_1463 : i32
        %dma_wait3A_1465 = arith.constant 0 : i32
        %dma_wait3A_1466 = tpu.memref_slice %arg16[%dma_wait3A_1465] : memref<416xf32, #tpu.memory_space<vmem>> -> memref<400xf32, #tpu.memory_space<vmem>>
        %dma_wait3A_1467 = tpu.memref_slice %arg7[%mul3A_1464] : memref<819200xf32, #tpu.memory_space<hbm>> -> memref<400xf32, #tpu.memory_space<hbm>>
        %dma_wait3A_1468 = tpu.memref_slice %arg7[%mul3A_1464] : memref<819200xf32, #tpu.memory_space<hbm>> -> memref<400xf32, #tpu.memory_space<hbm>>
        %dma_wait3A_1469 = arith.constant 0 : i32
        %dma_wait3A_1470 = tpu.memref_slice %arg16[%dma_wait3A_1469] : memref<416xf32, #tpu.memory_space<vmem>> -> memref<400xf32, #tpu.memory_space<vmem>>
        tpu.wait_dma2 semaphore(%arg24 : memref<!tpu.dma_semaphore, #tpu.memory_space<semaphore_mem>>) src(%dma_wait3A_1470 : memref<400xf32, #tpu.memory_space<vmem>>) dst(%dma_wait3A_1468 : memref<400xf32, #tpu.memory_space<hbm>>)
      } else {
      }
      %mul3A_260 = arith.constant 2 : i32
      %mul3A_261 = arith.muli %mul3A_153, %mul3A_260 : i32
      %add3A_262 = arith.constant 0 : i32
      %add3A_263 = arith.addi %mul3A_261, %add3A_262 : i32
      %get3A = arith.index_cast %add3A_263 : i32 to index
      %get3A_264 = arith.constant 0 : index
      %get3A_265 = tpu.vector_load %arg10[%get3A, %get3A_264] {strides = array<i32>} : memref<128x64xbf16, #tpu.memory_space<vmem>>, vector<32xbf16>,
      %get3A_266 = arith.index_cast %add3A_263 : i32 to index
      %get3A_267 = arith.constant 32 : index
      %get3A_268 = tpu.vector_load %arg10[%get3A_266, %get3A_267] {strides = array<i32>} : memref<128x64xbf16, #tpu.memory_space<vmem>>, vector<32xbf16>,
      %scan3A_269 = arith.constant 0 : i32
      %scan3A_270 = arith.constant 0 : i32
      %scan3A_271 = arith.constant 12 : i32
      %scan3A_272 = arith.addi %scan3A_270, %scan3A_271 : i32
      %scan3A_273 = arith.constant 1 : i32
      %scan3A_274 = scf.for %scan3A_1460 = %scan3A_270 to %scan3A_272 step %scan3A_273 iter_args(%scan3A_1461 = %scan3A_269) -> (i32)  : i32 {
        %mul3A_1462 = arith.constant 16 : i32
        %mul3A_1463 = arith.muli %scan3A_1460, %mul3A_1462 : i32
        %add3A_1464 = arith.constant 0 : i32
        %add3A_1465 = arith.addi %add3A_1464, %mul3A_1463 : i32
        %add3A_1466 = arith.constant 0 : i32
        %add3A_1467 = arith.addi %add3A_1465, %add3A_1466 : i32
        %get3A_1468 = arith.index_cast %add3A_1467 : i32 to index
        %get3A_1469 = arith.constant 0 : index
        %get3A_1470 = tpu.vector_load %arg14[%get3A_1468, %get3A_1469] {strides = array<i32>} : memref<400x64xbf16, #tpu.memory_space<vmem>>, vector<32xbf16>,
        %add3A_1471 = arith.constant 1 : i32
        %add3A_1472 = arith.addi %add3A_1465, %add3A_1471 : i32
        %get3A_1473 = arith.index_cast %add3A_1472 : i32 to index
        %get3A_1474 = arith.constant 0 : index
        %get3A_1475 = tpu.vector_load %arg14[%get3A_1473, %get3A_1474] {strides = array<i32>} : memref<400x64xbf16, #tpu.memory_space<vmem>>, vector<32xbf16>,
        %add3A_1476 = arith.constant 2 : i32
        %add3A_1477 = arith.addi %add3A_1465, %add3A_1476 : i32
        %get3A_1478 = arith.index_cast %add3A_1477 : i32 to index
        %get3A_1479 = arith.constant 0 : index
        %get3A_1480 = tpu.vector_load %arg14[%get3A_1478, %get3A_1479] {strides = array<i32>} : memref<400x64xbf16, #tpu.memory_space<vmem>>, vector<32xbf16>,
        %add3A_1481 = arith.constant 3 : i32
        %add3A_1482 = arith.addi %add3A_1465, %add3A_1481 : i32
        %get3A_1483 = arith.index_cast %add3A_1482 : i32 to index
        %get3A_1484 = arith.constant 0 : index
        %get3A_1485 = tpu.vector_load %arg14[%get3A_1483, %get3A_1484] {strides = array<i32>} : memref<400x64xbf16, #tpu.memory_space<vmem>>, vector<32xbf16>,
        %add3A_1486 = arith.constant 4 : i32
        %add3A_1487 = arith.addi %add3A_1465, %add3A_1486 : i32
        %get3A_1488 = arith.index_cast %add3A_1487 : i32 to index
        %get3A_1489 = arith.constant 0 : index
        %get3A_1490 = tpu.vector_load %arg14[%get3A_1488, %get3A_1489] {strides = array<i32>} : memref<400x64xbf16, #tpu.memory_space<vmem>>, vector<32xbf16>,
        %add3A_1491 = arith.constant 5 : i32
        %add3A_1492 = arith.addi %add3A_1465, %add3A_1491 : i32
        %get3A_1493 = arith.index_cast %add3A_1492 : i32 to index
        %get3A_1494 = arith.constant 0 : index
        %get3A_1495 = tpu.vector_load %arg14[%get3A_1493, %get3A_1494] {strides = array<i32>} : memref<400x64xbf16, #tpu.memory_space<vmem>>, vector<32xbf16>,
        %add3A_1496 = arith.constant 6 : i32
        %add3A_1497 = arith.addi %add3A_1465, %add3A_1496 : i32
        %get3A_1498 = arith.index_cast %add3A_1497 : i32 to index
        %get3A_1499 = arith.constant 0 : index
        %get3A_1500 = tpu.vector_load %arg14[%get3A_1498, %get3A_1499] {strides = array<i32>} : memref<400x64xbf16, #tpu.memory_space<vmem>>, vector<32xbf16>,
        %add3A_1501 = arith.constant 7 : i32
        %add3A_1502 = arith.addi %add3A_1465, %add3A_1501 : i32
        %get3A_1503 = arith.index_cast %add3A_1502 : i32 to index
        %get3A_1504 = arith.constant 0 : index
        %get3A_1505 = tpu.vector_load %arg14[%get3A_1503, %get3A_1504] {strides = array<i32>} : memref<400x64xbf16, #tpu.memory_space<vmem>>, vector<32xbf16>,
        %add3A_1506 = arith.constant 8 : i32
        %add3A_1507 = arith.addi %add3A_1465, %add3A_1506 : i32
        %get3A_1508 = arith.index_cast %add3A_1507 : i32 to index
        %get3A_1509 = arith.constant 0 : index
        %get3A_1510 = tpu.vector_load %arg14[%get3A_1508, %get3A_1509] {strides = array<i32>} : memref<400x64xbf16, #tpu.memory_space<vmem>>, vector<32xbf16>,
        %add3A_1511 = arith.constant 9 : i32
        %add3A_1512 = arith.addi %add3A_1465, %add3A_1511 : i32
        %get3A_1513 = arith.index_cast %add3A_1512 : i32 to index
        %get3A_1514 = arith.constant 0 : index
        %get3A_1515 = tpu.vector_load %arg14[%get3A_1513, %get3A_1514] {strides = array<i32>} : memref<400x64xbf16, #tpu.memory_space<vmem>>, vector<32xbf16>,
        %add3A_1516 = arith.constant 10 : i32
        %add3A_1517 = arith.addi %add3A_1465, %add3A_1516 : i32
        %get3A_1518 = arith.index_cast %add3A_1517 : i32 to index
        %get3A_1519 = arith.constant 0 : index
        %get3A_1520 = tpu.vector_load %arg14[%get3A_1518, %get3A_1519] {strides = array<i32>} : memref<400x64xbf16, #tpu.memory_space<vmem>>, vector<32xbf16>,
        %add3A_1521 = arith.constant 11 : i32
        %add3A_1522 = arith.addi %add3A_1465, %add3A_1521 : i32
        %get3A_1523 = arith.index_cast %add3A_1522 : i32 to index
        %get3A_1524 = arith.constant 0 : index
        %get3A_1525 = tpu.vector_load %arg14[%get3A_1523, %get3A_1524] {strides = array<i32>} : memref<400x64xbf16, #tpu.memory_space<vmem>>, vector<32xbf16>,
        %add3A_1526 = arith.constant 12 : i32
        %add3A_1527 = arith.addi %add3A_1465, %add3A_1526 : i32
        %get3A_1528 = arith.index_cast %add3A_1527 : i32 to index
        %get3A_1529 = arith.constant 0 : index
        %get3A_1530 = tpu.vector_load %arg14[%get3A_1528, %get3A_1529] {strides = array<i32>} : memref<400x64xbf16, #tpu.memory_space<vmem>>, vector<32xbf16>,
        %add3A_1531 = arith.constant 13 : i32
        %add3A_1532 = arith.addi %add3A_1465, %add3A_1531 : i32
        %get3A_1533 = arith.index_cast %add3A_1532 : i32 to index
        %get3A_1534 = arith.constant 0 : index
        %get3A_1535 = tpu.vector_load %arg14[%get3A_1533, %get3A_1534] {strides = array<i32>} : memref<400x64xbf16, #tpu.memory_space<vmem>>, vector<32xbf16>,
        %add3A_1536 = arith.constant 14 : i32
        %add3A_1537 = arith.addi %add3A_1465, %add3A_1536 : i32
        %get3A_1538 = arith.index_cast %add3A_1537 : i32 to index
        %get3A_1539 = arith.constant 0 : index
        %get3A_1540 = tpu.vector_load %arg14[%get3A_1538, %get3A_1539] {strides = array<i32>} : memref<400x64xbf16, #tpu.memory_space<vmem>>, vector<32xbf16>,
        %add3A_1541 = arith.constant 15 : i32
        %add3A_1542 = arith.addi %add3A_1465, %add3A_1541 : i32
        %get3A_1543 = arith.index_cast %add3A_1542 : i32 to index
        %get3A_1544 = arith.constant 0 : index
        %get3A_1545 = tpu.vector_load %arg14[%get3A_1543, %get3A_1544] {strides = array<i32>} : memref<400x64xbf16, #tpu.memory_space<vmem>>, vector<32xbf16>,
        %add3A_1546 = arith.constant 0 : i32
        %add3A_1547 = arith.addi %add3A_1465, %add3A_1546 : i32
        %get3A_1548 = arith.index_cast %add3A_1547 : i32 to index
        %get3A_1549 = arith.constant 32 : index
        %get3A_1550 = tpu.vector_load %arg14[%get3A_1548, %get3A_1549] {strides = array<i32>} : memref<400x64xbf16, #tpu.memory_space<vmem>>, vector<32xbf16>,
        %add3A_1551 = arith.constant 1 : i32
        %add3A_1552 = arith.addi %add3A_1465, %add3A_1551 : i32
        %get3A_1553 = arith.index_cast %add3A_1552 : i32 to index
        %get3A_1554 = arith.constant 32 : index
        %get3A_1555 = tpu.vector_load %arg14[%get3A_1553, %get3A_1554] {strides = array<i32>} : memref<400x64xbf16, #tpu.memory_space<vmem>>, vector<32xbf16>,
        %add3A_1556 = arith.constant 2 : i32
        %add3A_1557 = arith.addi %add3A_1465, %add3A_1556 : i32
        %get3A_1558 = arith.index_cast %add3A_1557 : i32 to index
        %get3A_1559 = arith.constant 32 : index
        %get3A_1560 = tpu.vector_load %arg14[%get3A_1558, %get3A_1559] {strides = array<i32>} : memref<400x64xbf16, #tpu.memory_space<vmem>>, vector<32xbf16>,
        %add3A_1561 = arith.constant 3 : i32
        %add3A_1562 = arith.addi %add3A_1465, %add3A_1561 : i32
        %get3A_1563 = arith.index_cast %add3A_1562 : i32 to index
        %get3A_1564 = arith.constant 32 : index
        %get3A_1565 = tpu.vector_load %arg14[%get3A_1563, %get3A_1564] {strides = array<i32>} : memref<400x64xbf16, #tpu.memory_space<vmem>>, vector<32xbf16>,
        %add3A_1566 = arith.constant 4 : i32
        %add3A_1567 = arith.addi %add3A_1465, %add3A_1566 : i32
        %get3A_1568 = arith.index_cast %add3A_1567 : i32 to index
        %get3A_1569 = arith.constant 32 : index
        %get3A_1570 = tpu.vector_load %arg14[%get3A_1568, %get3A_1569] {strides = array<i32>} : memref<400x64xbf16, #tpu.memory_space<vmem>>, vector<32xbf16>,
        %add3A_1571 = arith.constant 5 : i32
        %add3A_1572 = arith.addi %add3A_1465, %add3A_1571 : i32
        %get3A_1573 = arith.index_cast %add3A_1572 : i32 to index
        %get3A_1574 = arith.constant 32 : index
        %get3A_1575 = tpu.vector_load %arg14[%get3A_1573, %get3A_1574] {strides = array<i32>} : memref<400x64xbf16, #tpu.memory_space<vmem>>, vector<32xbf16>,
        %add3A_1576 = arith.constant 6 : i32
        %add3A_1577 = arith.addi %add3A_1465, %add3A_1576 : i32
        %get3A_1578 = arith.index_cast %add3A_1577 : i32 to index
        %get3A_1579 = arith.constant 32 : index
        %get3A_1580 = tpu.vector_load %arg14[%get3A_1578, %get3A_1579] {strides = array<i32>} : memref<400x64xbf16, #tpu.memory_space<vmem>>, vector<32xbf16>,
        %add3A_1581 = arith.constant 7 : i32
        %add3A_1582 = arith.addi %add3A_1465, %add3A_1581 : i32
        %get3A_1583 = arith.index_cast %add3A_1582 : i32 to index
        %get3A_1584 = arith.constant 32 : index
        %get3A_1585 = tpu.vector_load %arg14[%get3A_1583, %get3A_1584] {strides = array<i32>} : memref<400x64xbf16, #tpu.memory_space<vmem>>, vector<32xbf16>,
        %add3A_1586 = arith.constant 8 : i32
        %add3A_1587 = arith.addi %add3A_1465, %add3A_1586 : i32
        %get3A_1588 = arith.index_cast %add3A_1587 : i32 to index
        %get3A_1589 = arith.constant 32 : index
        %get3A_1590 = tpu.vector_load %arg14[%get3A_1588, %get3A_1589] {strides = array<i32>} : memref<400x64xbf16, #tpu.memory_space<vmem>>, vector<32xbf16>,
        %add3A_1591 = arith.constant 9 : i32
        %add3A_1592 = arith.addi %add3A_1465, %add3A_1591 : i32
        %get3A_1593 = arith.index_cast %add3A_1592 : i32 to index
        %get3A_1594 = arith.constant 32 : index
        %get3A_1595 = tpu.vector_load %arg14[%get3A_1593, %get3A_1594] {strides = array<i32>} : memref<400x64xbf16, #tpu.memory_space<vmem>>, vector<32xbf16>,
        %add3A_1596 = arith.constant 10 : i32
        %add3A_1597 = arith.addi %add3A_1465, %add3A_1596 : i32
        %get3A_1598 = arith.index_cast %add3A_1597 : i32 to index
        %get3A_1599 = arith.constant 32 : index
        %get3A_1600 = tpu.vector_load %arg14[%get3A_1598, %get3A_1599] {strides = array<i32>} : memref<400x64xbf16, #tpu.memory_space<vmem>>, vector<32xbf16>,
        %add3A_1601 = arith.constant 11 : i32
        %add3A_1602 = arith.addi %add3A_1465, %add3A_1601 : i32
        %get3A_1603 = arith.index_cast %add3A_1602 : i32 to index
        %get3A_1604 = arith.constant 32 : index
        %get3A_1605 = tpu.vector_load %arg14[%get3A_1603, %get3A_1604] {strides = array<i32>} : memref<400x64xbf16, #tpu.memory_space<vmem>>, vector<32xbf16>,
        %add3A_1606 = arith.constant 12 : i32
        %add3A_1607 = arith.addi %add3A_1465, %add3A_1606 : i32
        %get3A_1608 = arith.index_cast %add3A_1607 : i32 to index
        %get3A_1609 = arith.constant 32 : index
        %get3A_1610 = tpu.vector_load %arg14[%get3A_1608, %get3A_1609] {strides = array<i32>} : memref<400x64xbf16, #tpu.memory_space<vmem>>, vector<32xbf16>,
        %add3A_1611 = arith.constant 13 : i32
        %add3A_1612 = arith.addi %add3A_1465, %add3A_1611 : i32
        %get3A_1613 = arith.index_cast %add3A_1612 : i32 to index
        %get3A_1614 = arith.constant 32 : index
        %get3A_1615 = tpu.vector_load %arg14[%get3A_1613, %get3A_1614] {strides = array<i32>} : memref<400x64xbf16, #tpu.memory_space<vmem>>, vector<32xbf16>,
        %add3A_1616 = arith.constant 14 : i32
        %add3A_1617 = arith.addi %add3A_1465, %add3A_1616 : i32
        %get3A_1618 = arith.index_cast %add3A_1617 : i32 to index
        %get3A_1619 = arith.constant 32 : index
        %get3A_1620 = tpu.vector_load %arg14[%get3A_1618, %get3A_1619] {strides = array<i32>} : memref<400x64xbf16, #tpu.memory_space<vmem>>, vector<32xbf16>,
        %add3A_1621 = arith.constant 15 : i32
        %add3A_1622 = arith.addi %add3A_1465, %add3A_1621 : i32
        %get3A_1623 = arith.index_cast %add3A_1622 : i32 to index
        %get3A_1624 = arith.constant 32 : index
        %get3A_1625 = tpu.vector_load %arg14[%get3A_1623, %get3A_1624] {strides = array<i32>} : memref<400x64xbf16, #tpu.memory_space<vmem>>, vector<32xbf16>,
        %sub3A_1626 = arith.subf %get3A_265, %get3A_1470 : vector<32xbf16>
        %abs3A_1627 = math.absf %sub3A_1626 : vector<32xbf16>
        %sub3A_1628 = arith.subf %get3A_268, %get3A_1550 : vector<32xbf16>
        %abs3A_1629 = math.absf %sub3A_1628 : vector<32xbf16>
        %unpack3A_1630 = tpu.unpack_subelements %abs3A_1627, 0 {pack_format = #tpu.pack_format<interleaved>} : vector<32xbf16> -> vector<16xf32>
        %unpack3A_1631 = tpu.unpack_subelements %abs3A_1627, 1 {pack_format = #tpu.pack_format<interleaved>} : vector<32xbf16> -> vector<16xf32>
        %unpack3A_1632 = tpu.unpack_subelements %abs3A_1629, 0 {pack_format = #tpu.pack_format<interleaved>} : vector<32xbf16> -> vector<16xf32>
        %unpack3A_1633 = tpu.unpack_subelements %abs3A_1629, 1 {pack_format = #tpu.pack_format<interleaved>} : vector<32xbf16> -> vector<16xf32>
        %add3A_1634 = arith.addf %unpack3A_1630, %unpack3A_1631 : vector<16xf32>
        %add3A_1635 = arith.addf %unpack3A_1632, %unpack3A_1633 : vector<16xf32>
        %add3A_1636 = arith.addf %add3A_1634, %add3A_1635 : vector<16xf32>
        %sub3A_1637 = arith.subf %get3A_265, %get3A_1475 : vector<32xbf16>
        %abs3A_1638 = math.absf %sub3A_1637 : vector<32xbf16>
        %sub3A_1639 = arith.subf %get3A_268, %get3A_1555 : vector<32xbf16>
        %abs3A_1640 = math.absf %sub3A_1639 : vector<32xbf16>
        %unpack3A_1641 = tpu.unpack_subelements %abs3A_1638, 0 {pack_format = #tpu.pack_format<interleaved>} : vector<32xbf16> -> vector<16xf32>
        %unpack3A_1642 = tpu.unpack_subelements %abs3A_1638, 1 {pack_format = #tpu.pack_format<interleaved>} : vector<32xbf16> -> vector<16xf32>
        %unpack3A_1643 = tpu.unpack_subelements %abs3A_1640, 0 {pack_format = #tpu.pack_format<interleaved>} : vector<32xbf16> -> vector<16xf32>
        %unpack3A_1644 = tpu.unpack_subelements %abs3A_1640, 1 {pack_format = #tpu.pack_format<interleaved>} : vector<32xbf16> -> vector<16xf32>
        %add3A_1645 = arith.addf %unpack3A_1641, %unpack3A_1642 : vector<16xf32>
        %add3A_1646 = arith.addf %unpack3A_1643, %unpack3A_1644 : vector<16xf32>
        %add3A_1647 = arith.addf %add3A_1645, %add3A_1646 : vector<16xf32>
        %sub3A_1648 = arith.subf %get3A_265, %get3A_1480 : vector<32xbf16>
        %abs3A_1649 = math.absf %sub3A_1648 : vector<32xbf16>
        %sub3A_1650 = arith.subf %get3A_268, %get3A_1560 : vector<32xbf16>
        %abs3A_1651 = math.absf %sub3A_1650 : vector<32xbf16>
        %unpack3A_1652 = tpu.unpack_subelements %abs3A_1649, 0 {pack_format = #tpu.pack_format<interleaved>} : vector<32xbf16> -> vector<16xf32>
        %unpack3A_1653 = tpu.unpack_subelements %abs3A_1649, 1 {pack_format = #tpu.pack_format<interleaved>} : vector<32xbf16> -> vector<16xf32>
        %unpack3A_1654 = tpu.unpack_subelements %abs3A_1651, 0 {pack_format = #tpu.pack_format<interleaved>} : vector<32xbf16> -> vector<16xf32>
        %unpack3A_1655 = tpu.unpack_subelements %abs3A_1651, 1 {pack_format = #tpu.pack_format<interleaved>} : vector<32xbf16> -> vector<16xf32>
        %add3A_1656 = arith.addf %unpack3A_1652, %unpack3A_1653 : vector<16xf32>
        %add3A_1657 = arith.addf %unpack3A_1654, %unpack3A_1655 : vector<16xf32>
        %add3A_1658 = arith.addf %add3A_1656, %add3A_1657 : vector<16xf32>
        %sub3A_1659 = arith.subf %get3A_265, %get3A_1485 : vector<32xbf16>
        %abs3A_1660 = math.absf %sub3A_1659 : vector<32xbf16>
        %sub3A_1661 = arith.subf %get3A_268, %get3A_1565 : vector<32xbf16>
        %abs3A_1662 = math.absf %sub3A_1661 : vector<32xbf16>
        %unpack3A_1663 = tpu.unpack_subelements %abs3A_1660, 0 {pack_format = #tpu.pack_format<interleaved>} : vector<32xbf16> -> vector<16xf32>
        %unpack3A_1664 = tpu.unpack_subelements %abs3A_1660, 1 {pack_format = #tpu.pack_format<interleaved>} : vector<32xbf16> -> vector<16xf32>
        %unpack3A_1665 = tpu.unpack_subelements %abs3A_1662, 0 {pack_format = #tpu.pack_format<interleaved>} : vector<32xbf16> -> vector<16xf32>
        %unpack3A_1666 = tpu.unpack_subelements %abs3A_1662, 1 {pack_format = #tpu.pack_format<interleaved>} : vector<32xbf16> -> vector<16xf32>
        %add3A_1667 = arith.addf %unpack3A_1663, %unpack3A_1664 : vector<16xf32>
        %add3A_1668 = arith.addf %unpack3A_1665, %unpack3A_1666 : vector<16xf32>
        %add3A_1669 = arith.addf %add3A_1667, %add3A_1668 : vector<16xf32>
        %sub3A_1670 = arith.subf %get3A_265, %get3A_1490 : vector<32xbf16>
        %abs3A_1671 = math.absf %sub3A_1670 : vector<32xbf16>
        %sub3A_1672 = arith.subf %get3A_268, %get3A_1570 : vector<32xbf16>
        %abs3A_1673 = math.absf %sub3A_1672 : vector<32xbf16>
        %unpack3A_1674 = tpu.unpack_subelements %abs3A_1671, 0 {pack_format = #tpu.pack_format<interleaved>} : vector<32xbf16> -> vector<16xf32>
        %unpack3A_1675 = tpu.unpack_subelements %abs3A_1671, 1 {pack_format = #tpu.pack_format<interleaved>} : vector<32xbf16> -> vector<16xf32>
        %unpack3A_1676 = tpu.unpack_subelements %abs3A_1673, 0 {pack_format = #tpu.pack_format<interleaved>} : vector<32xbf16> -> vector<16xf32>
        %unpack3A_1677 = tpu.unpack_subelements %abs3A_1673, 1 {pack_format = #tpu.pack_format<interleaved>} : vector<32xbf16> -> vector<16xf32>
        %add3A_1678 = arith.addf %unpack3A_1674, %unpack3A_1675 : vector<16xf32>
        %add3A_1679 = arith.addf %unpack3A_1676, %unpack3A_1677 : vector<16xf32>
        %add3A_1680 = arith.addf %add3A_1678, %add3A_1679 : vector<16xf32>
        %sub3A_1681 = arith.subf %get3A_265, %get3A_1495 : vector<32xbf16>
        %abs3A_1682 = math.absf %sub3A_1681 : vector<32xbf16>
        %sub3A_1683 = arith.subf %get3A_268, %get3A_1575 : vector<32xbf16>
        %abs3A_1684 = math.absf %sub3A_1683 : vector<32xbf16>
        %unpack3A_1685 = tpu.unpack_subelements %abs3A_1682, 0 {pack_format = #tpu.pack_format<interleaved>} : vector<32xbf16> -> vector<16xf32>
        %unpack3A_1686 = tpu.unpack_subelements %abs3A_1682, 1 {pack_format = #tpu.pack_format<interleaved>} : vector<32xbf16> -> vector<16xf32>
        %unpack3A_1687 = tpu.unpack_subelements %abs3A_1684, 0 {pack_format = #tpu.pack_format<interleaved>} : vector<32xbf16> -> vector<16xf32>
        %unpack3A_1688 = tpu.unpack_subelements %abs3A_1684, 1 {pack_format = #tpu.pack_format<interleaved>} : vector<32xbf16> -> vector<16xf32>
        %add3A_1689 = arith.addf %unpack3A_1685, %unpack3A_1686 : vector<16xf32>
        %add3A_1690 = arith.addf %unpack3A_1687, %unpack3A_1688 : vector<16xf32>
        %add3A_1691 = arith.addf %add3A_1689, %add3A_1690 : vector<16xf32>
        %sub3A_1692 = arith.subf %get3A_265, %get3A_1500 : vector<32xbf16>
        %abs3A_1693 = math.absf %sub3A_1692 : vector<32xbf16>
        %sub3A_1694 = arith.subf %get3A_268, %get3A_1580 : vector<32xbf16>
        %abs3A_1695 = math.absf %sub3A_1694 : vector<32xbf16>
        %unpack3A_1696 = tpu.unpack_subelements %abs3A_1693, 0 {pack_format = #tpu.pack_format<interleaved>} : vector<32xbf16> -> vector<16xf32>
        %unpack3A_1697 = tpu.unpack_subelements %abs3A_1693, 1 {pack_format = #tpu.pack_format<interleaved>} : vector<32xbf16> -> vector<16xf32>
        %unpack3A_1698 = tpu.unpack_subelements %abs3A_1695, 0 {pack_format = #tpu.pack_format<interleaved>} : vector<32xbf16> -> vector<16xf32>
        %unpack3A_1699 = tpu.unpack_subelements %abs3A_1695, 1 {pack_format = #tpu.pack_format<interleaved>} : vector<32xbf16> -> vector<16xf32>
        %add3A_1700 = arith.addf %unpack3A_1696, %unpack3A_1697 : vector<16xf32>
        %add3A_1701 = arith.addf %unpack3A_1698, %unpack3A_1699 : vector<16xf32>
        %add3A_1702 = arith.addf %add3A_1700, %add3A_1701 : vector<16xf32>
        %sub3A_1703 = arith.subf %get3A_265, %get3A_1505 : vector<32xbf16>
        %abs3A_1704 = math.absf %sub3A_1703 : vector<32xbf16>
        %sub3A_1705 = arith.subf %get3A_268, %get3A_1585 : vector<32xbf16>
        %abs3A_1706 = math.absf %sub3A_1705 : vector<32xbf16>
        %unpack3A_1707 = tpu.unpack_subelements %abs3A_1704, 0 {pack_format = #tpu.pack_format<interleaved>} : vector<32xbf16> -> vector<16xf32>
        %unpack3A_1708 = tpu.unpack_subelements %abs3A_1704, 1 {pack_format = #tpu.pack_format<interleaved>} : vector<32xbf16> -> vector<16xf32>
        %unpack3A_1709 = tpu.unpack_subelements %abs3A_1706, 0 {pack_format = #tpu.pack_format<interleaved>} : vector<32xbf16> -> vector<16xf32>
        %unpack3A_1710 = tpu.unpack_subelements %abs3A_1706, 1 {pack_format = #tpu.pack_format<interleaved>} : vector<32xbf16> -> vector<16xf32>
        %add3A_1711 = arith.addf %unpack3A_1707, %unpack3A_1708 : vector<16xf32>
        %add3A_1712 = arith.addf %unpack3A_1709, %unpack3A_1710 : vector<16xf32>
        %add3A_1713 = arith.addf %add3A_1711, %add3A_1712 : vector<16xf32>
        %sub3A_1714 = arith.subf %get3A_265, %get3A_1510 : vector<32xbf16>
        %abs3A_1715 = math.absf %sub3A_1714 : vector<32xbf16>
        %sub3A_1716 = arith.subf %get3A_268, %get3A_1590 : vector<32xbf16>
        %abs3A_1717 = math.absf %sub3A_1716 : vector<32xbf16>
        %unpack3A_1718 = tpu.unpack_subelements %abs3A_1715, 0 {pack_format = #tpu.pack_format<interleaved>} : vector<32xbf16> -> vector<16xf32>
        %unpack3A_1719 = tpu.unpack_subelements %abs3A_1715, 1 {pack_format = #tpu.pack_format<interleaved>} : vector<32xbf16> -> vector<16xf32>
        %unpack3A_1720 = tpu.unpack_subelements %abs3A_1717, 0 {pack_format = #tpu.pack_format<interleaved>} : vector<32xbf16> -> vector<16xf32>
        %unpack3A_1721 = tpu.unpack_subelements %abs3A_1717, 1 {pack_format = #tpu.pack_format<interleaved>} : vector<32xbf16> -> vector<16xf32>
        %add3A_1722 = arith.addf %unpack3A_1718, %unpack3A_1719 : vector<16xf32>
        %add3A_1723 = arith.addf %unpack3A_1720, %unpack3A_1721 : vector<16xf32>
        %add3A_1724 = arith.addf %add3A_1722, %add3A_1723 : vector<16xf32>
        %sub3A_1725 = arith.subf %get3A_265, %get3A_1515 : vector<32xbf16>
        %abs3A_1726 = math.absf %sub3A_1725 : vector<32xbf16>
        %sub3A_1727 = arith.subf %get3A_268, %get3A_1595 : vector<32xbf16>
        %abs3A_1728 = math.absf %sub3A_1727 : vector<32xbf16>
        %unpack3A_1729 = tpu.unpack_subelements %abs3A_1726, 0 {pack_format = #tpu.pack_format<interleaved>} : vector<32xbf16> -> vector<16xf32>
        %unpack3A_1730 = tpu.unpack_subelements %abs3A_1726, 1 {pack_format = #tpu.pack_format<interleaved>} : vector<32xbf16> -> vector<16xf32>
        %unpack3A_1731 = tpu.unpack_subelements %abs3A_1728, 0 {pack_format = #tpu.pack_format<interleaved>} : vector<32xbf16> -> vector<16xf32>
        %unpack3A_1732 = tpu.unpack_subelements %abs3A_1728, 1 {pack_format = #tpu.pack_format<interleaved>} : vector<32xbf16> -> vector<16xf32>
        %add3A_1733 = arith.addf %unpack3A_1729, %unpack3A_1730 : vector<16xf32>
        %add3A_1734 = arith.addf %unpack3A_1731, %unpack3A_1732 : vector<16xf32>
        %add3A_1735 = arith.addf %add3A_1733, %add3A_1734 : vector<16xf32>
        %sub3A_1736 = arith.subf %get3A_265, %get3A_1520 : vector<32xbf16>
        %abs3A_1737 = math.absf %sub3A_1736 : vector<32xbf16>
        %sub3A_1738 = arith.subf %get3A_268, %get3A_1600 : vector<32xbf16>
        %abs3A_1739 = math.absf %sub3A_1738 : vector<32xbf16>
        %unpack3A_1740 = tpu.unpack_subelements %abs3A_1737, 0 {pack_format = #tpu.pack_format<interleaved>} : vector<32xbf16> -> vector<16xf32>
        %unpack3A_1741 = tpu.unpack_subelements %abs3A_1737, 1 {pack_format = #tpu.pack_format<interleaved>} : vector<32xbf16> -> vector<16xf32>
        %unpack3A_1742 = tpu.unpack_subelements %abs3A_1739, 0 {pack_format = #tpu.pack_format<interleaved>} : vector<32xbf16> -> vector<16xf32>
        %unpack3A_1743 = tpu.unpack_subelements %abs3A_1739, 1 {pack_format = #tpu.pack_format<interleaved>} : vector<32xbf16> -> vector<16xf32>
        %add3A_1744 = arith.addf %unpack3A_1740, %unpack3A_1741 : vector<16xf32>
        %add3A_1745 = arith.addf %unpack3A_1742, %unpack3A_1743 : vector<16xf32>
        %add3A_1746 = arith.addf %add3A_1744, %add3A_1745 : vector<16xf32>
        %sub3A_1747 = arith.subf %get3A_265, %get3A_1525 : vector<32xbf16>
        %abs3A_1748 = math.absf %sub3A_1747 : vector<32xbf16>
        %sub3A_1749 = arith.subf %get3A_268, %get3A_1605 : vector<32xbf16>
        %abs3A_1750 = math.absf %sub3A_1749 : vector<32xbf16>
        %unpack3A_1751 = tpu.unpack_subelements %abs3A_1748, 0 {pack_format = #tpu.pack_format<interleaved>} : vector<32xbf16> -> vector<16xf32>
        %unpack3A_1752 = tpu.unpack_subelements %abs3A_1748, 1 {pack_format = #tpu.pack_format<interleaved>} : vector<32xbf16> -> vector<16xf32>
        %unpack3A_1753 = tpu.unpack_subelements %abs3A_1750, 0 {pack_format = #tpu.pack_format<interleaved>} : vector<32xbf16> -> vector<16xf32>
        %unpack3A_1754 = tpu.unpack_subelements %abs3A_1750, 1 {pack_format = #tpu.pack_format<interleaved>} : vector<32xbf16> -> vector<16xf32>
        %add3A_1755 = arith.addf %unpack3A_1751, %unpack3A_1752 : vector<16xf32>
        %add3A_1756 = arith.addf %unpack3A_1753, %unpack3A_1754 : vector<16xf32>
        %add3A_1757 = arith.addf %add3A_1755, %add3A_1756 : vector<16xf32>
        %sub3A_1758 = arith.subf %get3A_265, %get3A_1530 : vector<32xbf16>
        %abs3A_1759 = math.absf %sub3A_1758 : vector<32xbf16>
        %sub3A_1760 = arith.subf %get3A_268, %get3A_1610 : vector<32xbf16>
        %abs3A_1761 = math.absf %sub3A_1760 : vector<32xbf16>
        %unpack3A_1762 = tpu.unpack_subelements %abs3A_1759, 0 {pack_format = #tpu.pack_format<interleaved>} : vector<32xbf16> -> vector<16xf32>
        %unpack3A_1763 = tpu.unpack_subelements %abs3A_1759, 1 {pack_format = #tpu.pack_format<interleaved>} : vector<32xbf16> -> vector<16xf32>
        %unpack3A_1764 = tpu.unpack_subelements %abs3A_1761, 0 {pack_format = #tpu.pack_format<interleaved>} : vector<32xbf16> -> vector<16xf32>
        %unpack3A_1765 = tpu.unpack_subelements %abs3A_1761, 1 {pack_format = #tpu.pack_format<interleaved>} : vector<32xbf16> -> vector<16xf32>
        %add3A_1766 = arith.addf %unpack3A_1762, %unpack3A_1763 : vector<16xf32>
        %add3A_1767 = arith.addf %unpack3A_1764, %unpack3A_1765 : vector<16xf32>
        %add3A_1768 = arith.addf %add3A_1766, %add3A_1767 : vector<16xf32>
        %sub3A_1769 = arith.subf %get3A_265, %get3A_1535 : vector<32xbf16>
        %abs3A_1770 = math.absf %sub3A_1769 : vector<32xbf16>
        %sub3A_1771 = arith.subf %get3A_268, %get3A_1615 : vector<32xbf16>
        %abs3A_1772 = math.absf %sub3A_1771 : vector<32xbf16>
        %unpack3A_1773 = tpu.unpack_subelements %abs3A_1770, 0 {pack_format = #tpu.pack_format<interleaved>} : vector<32xbf16> -> vector<16xf32>
        %unpack3A_1774 = tpu.unpack_subelements %abs3A_1770, 1 {pack_format = #tpu.pack_format<interleaved>} : vector<32xbf16> -> vector<16xf32>
        %unpack3A_1775 = tpu.unpack_subelements %abs3A_1772, 0 {pack_format = #tpu.pack_format<interleaved>} : vector<32xbf16> -> vector<16xf32>
        %unpack3A_1776 = tpu.unpack_subelements %abs3A_1772, 1 {pack_format = #tpu.pack_format<interleaved>} : vector<32xbf16> -> vector<16xf32>
        %add3A_1777 = arith.addf %unpack3A_1773, %unpack3A_1774 : vector<16xf32>
        %add3A_1778 = arith.addf %unpack3A_1775, %unpack3A_1776 : vector<16xf32>
        %add3A_1779 = arith.addf %add3A_1777, %add3A_1778 : vector<16xf32>
        %sub3A_1780 = arith.subf %get3A_265, %get3A_1540 : vector<32xbf16>
        %abs3A_1781 = math.absf %sub3A_1780 : vector<32xbf16>
        %sub3A_1782 = arith.subf %get3A_268, %get3A_1620 : vector<32xbf16>
        %abs3A_1783 = math.absf %sub3A_1782 : vector<32xbf16>
        %unpack3A_1784 = tpu.unpack_subelements %abs3A_1781, 0 {pack_format = #tpu.pack_format<interleaved>} : vector<32xbf16> -> vector<16xf32>
        %unpack3A_1785 = tpu.unpack_subelements %abs3A_1781, 1 {pack_format = #tpu.pack_format<interleaved>} : vector<32xbf16> -> vector<16xf32>
        %unpack3A_1786 = tpu.unpack_subelements %abs3A_1783, 0 {pack_format = #tpu.pack_format<interleaved>} : vector<32xbf16> -> vector<16xf32>
        %unpack3A_1787 = tpu.unpack_subelements %abs3A_1783, 1 {pack_format = #tpu.pack_format<interleaved>} : vector<32xbf16> -> vector<16xf32>
        %add3A_1788 = arith.addf %unpack3A_1784, %unpack3A_1785 : vector<16xf32>
        %add3A_1789 = arith.addf %unpack3A_1786, %unpack3A_1787 : vector<16xf32>
        %add3A_1790 = arith.addf %add3A_1788, %add3A_1789 : vector<16xf32>
        %sub3A_1791 = arith.subf %get3A_265, %get3A_1545 : vector<32xbf16>
        %abs3A_1792 = math.absf %sub3A_1791 : vector<32xbf16>
        %sub3A_1793 = arith.subf %get3A_268, %get3A_1625 : vector<32xbf16>
        %abs3A_1794 = math.absf %sub3A_1793 : vector<32xbf16>
        %unpack3A_1795 = tpu.unpack_subelements %abs3A_1792, 0 {pack_format = #tpu.pack_format<interleaved>} : vector<32xbf16> -> vector<16xf32>
        %unpack3A_1796 = tpu.unpack_subelements %abs3A_1792, 1 {pack_format = #tpu.pack_format<interleaved>} : vector<32xbf16> -> vector<16xf32>
        %unpack3A_1797 = tpu.unpack_subelements %abs3A_1794, 0 {pack_format = #tpu.pack_format<interleaved>} : vector<32xbf16> -> vector<16xf32>
        %unpack3A_1798 = tpu.unpack_subelements %abs3A_1794, 1 {pack_format = #tpu.pack_format<interleaved>} : vector<32xbf16> -> vector<16xf32>
        %add3A_1799 = arith.addf %unpack3A_1795, %unpack3A_1796 : vector<16xf32>
        %add3A_1800 = arith.addf %unpack3A_1797, %unpack3A_1798 : vector<16xf32>
        %add3A_1801 = arith.addf %add3A_1799, %add3A_1800 : vector<16xf32>
        %mul3A_1802 = arith.constant 16 : i32
        %mul3A_1803 = vector.broadcast %mul3A_1802 : i32 to vector<16xi32>
        %mul3A_1804 = arith.muli %iota3A, %mul3A_1803 : vector<16xi32>
        %add3A_1805 = arith.constant 0 : i32
        %add3A_1806 = vector.broadcast %add3A_1805 : i32 to vector<16xi32>
        %add3A_1807 = arith.addi %mul3A_1804, %add3A_1806 : vector<16xi32>
        tpu.vector_store_idx %arg18[%add3A_1807], %add3A_1636 : memref<256xf32, #tpu.memory_space<vmem>>[vector<16xi32>], vector<16xf32>,
        %mul3A_1808 = arith.constant 16 : i32
        %mul3A_1809 = vector.broadcast %mul3A_1808 : i32 to vector<16xi32>
        %mul3A_1810 = arith.muli %iota3A, %mul3A_1809 : vector<16xi32>
        %add3A_1811 = arith.constant 1 : i32
        %add3A_1812 = vector.broadcast %add3A_1811 : i32 to vector<16xi32>
        %add3A_1813 = arith.addi %mul3A_1810, %add3A_1812 : vector<16xi32>
        tpu.vector_store_idx %arg18[%add3A_1813], %add3A_1647 : memref<256xf32, #tpu.memory_space<vmem>>[vector<16xi32>], vector<16xf32>,
        %mul3A_1814 = arith.constant 16 : i32
        %mul3A_1815 = vector.broadcast %mul3A_1814 : i32 to vector<16xi32>
        %mul3A_1816 = arith.muli %iota3A, %mul3A_1815 : vector<16xi32>
        %add3A_1817 = arith.constant 2 : i32
        %add3A_1818 = vector.broadcast %add3A_1817 : i32 to vector<16xi32>
        %add3A_1819 = arith.addi %mul3A_1816, %add3A_1818 : vector<16xi32>
        tpu.vector_store_idx %arg18[%add3A_1819], %add3A_1658 : memref<256xf32, #tpu.memory_space<vmem>>[vector<16xi32>], vector<16xf32>,
        %mul3A_1820 = arith.constant 16 : i32
        %mul3A_1821 = vector.broadcast %mul3A_1820 : i32 to vector<16xi32>
        %mul3A_1822 = arith.muli %iota3A, %mul3A_1821 : vector<16xi32>
        %add3A_1823 = arith.constant 3 : i32
        %add3A_1824 = vector.broadcast %add3A_1823 : i32 to vector<16xi32>
        %add3A_1825 = arith.addi %mul3A_1822, %add3A_1824 : vector<16xi32>
        tpu.vector_store_idx %arg18[%add3A_1825], %add3A_1669 : memref<256xf32, #tpu.memory_space<vmem>>[vector<16xi32>], vector<16xf32>,
        %mul3A_1826 = arith.constant 16 : i32
        %mul3A_1827 = vector.broadcast %mul3A_1826 : i32 to vector<16xi32>
        %mul3A_1828 = arith.muli %iota3A, %mul3A_1827 : vector<16xi32>
        %add3A_1829 = arith.constant 4 : i32
        %add3A_1830 = vector.broadcast %add3A_1829 : i32 to vector<16xi32>
        %add3A_1831 = arith.addi %mul3A_1828, %add3A_1830 : vector<16xi32>
        tpu.vector_store_idx %arg18[%add3A_1831], %add3A_1680 : memref<256xf32, #tpu.memory_space<vmem>>[vector<16xi32>], vector<16xf32>,
        %mul3A_1832 = arith.constant 16 : i32
        %mul3A_1833 = vector.broadcast %mul3A_1832 : i32 to vector<16xi32>
        %mul3A_1834 = arith.muli %iota3A, %mul3A_1833 : vector<16xi32>
        %add3A_1835 = arith.constant 5 : i32
        %add3A_1836 = vector.broadcast %add3A_1835 : i32 to vector<16xi32>
        %add3A_1837 = arith.addi %mul3A_1834, %add3A_1836 : vector<16xi32>
        tpu.vector_store_idx %arg18[%add3A_1837], %add3A_1691 : memref<256xf32, #tpu.memory_space<vmem>>[vector<16xi32>], vector<16xf32>,
        %mul3A_1838 = arith.constant 16 : i32
        %mul3A_1839 = vector.broadcast %mul3A_1838 : i32 to vector<16xi32>
        %mul3A_1840 = arith.muli %iota3A, %mul3A_1839 : vector<16xi32>
        %add3A_1841 = arith.constant 6 : i32
        %add3A_1842 = vector.broadcast %add3A_1841 : i32 to vector<16xi32>
        %add3A_1843 = arith.addi %mul3A_1840, %add3A_1842 : vector<16xi32>
        tpu.vector_store_idx %arg18[%add3A_1843], %add3A_1702 : memref<256xf32, #tpu.memory_space<vmem>>[vector<16xi32>], vector<16xf32>,
        %mul3A_1844 = arith.constant 16 : i32
        %mul3A_1845 = vector.broadcast %mul3A_1844 : i32 to vector<16xi32>
        %mul3A_1846 = arith.muli %iota3A, %mul3A_1845 : vector<16xi32>
        %add3A_1847 = arith.constant 7 : i32
        %add3A_1848 = vector.broadcast %add3A_1847 : i32 to vector<16xi32>
        %add3A_1849 = arith.addi %mul3A_1846, %add3A_1848 : vector<16xi32>
        tpu.vector_store_idx %arg18[%add3A_1849], %add3A_1713 : memref<256xf32, #tpu.memory_space<vmem>>[vector<16xi32>], vector<16xf32>,
        %mul3A_1850 = arith.constant 16 : i32
        %mul3A_1851 = vector.broadcast %mul3A_1850 : i32 to vector<16xi32>
        %mul3A_1852 = arith.muli %iota3A, %mul3A_1851 : vector<16xi32>
        %add3A_1853 = arith.constant 8 : i32
        %add3A_1854 = vector.broadcast %add3A_1853 : i32 to vector<16xi32>
        %add3A_1855 = arith.addi %mul3A_1852, %add3A_1854 : vector<16xi32>
        tpu.vector_store_idx %arg18[%add3A_1855], %add3A_1724 : memref<256xf32, #tpu.memory_space<vmem>>[vector<16xi32>], vector<16xf32>,
        %mul3A_1856 = arith.constant 16 : i32
        %mul3A_1857 = vector.broadcast %mul3A_1856 : i32 to vector<16xi32>
        %mul3A_1858 = arith.muli %iota3A, %mul3A_1857 : vector<16xi32>
        %add3A_1859 = arith.constant 9 : i32
        %add3A_1860 = vector.broadcast %add3A_1859 : i32 to vector<16xi32>
        %add3A_1861 = arith.addi %mul3A_1858, %add3A_1860 : vector<16xi32>
        tpu.vector_store_idx %arg18[%add3A_1861], %add3A_1735 : memref<256xf32, #tpu.memory_space<vmem>>[vector<16xi32>], vector<16xf32>,
        %mul3A_1862 = arith.constant 16 : i32
        %mul3A_1863 = vector.broadcast %mul3A_1862 : i32 to vector<16xi32>
        %mul3A_1864 = arith.muli %iota3A, %mul3A_1863 : vector<16xi32>
        %add3A_1865 = arith.constant 10 : i32
        %add3A_1866 = vector.broadcast %add3A_1865 : i32 to vector<16xi32>
        %add3A_1867 = arith.addi %mul3A_1864, %add3A_1866 : vector<16xi32>
        tpu.vector_store_idx %arg18[%add3A_1867], %add3A_1746 : memref<256xf32, #tpu.memory_space<vmem>>[vector<16xi32>], vector<16xf32>,
        %mul3A_1868 = arith.constant 16 : i32
        %mul3A_1869 = vector.broadcast %mul3A_1868 : i32 to vector<16xi32>
        %mul3A_1870 = arith.muli %iota3A, %mul3A_1869 : vector<16xi32>
        %add3A_1871 = arith.constant 11 : i32
        %add3A_1872 = vector.broadcast %add3A_1871 : i32 to vector<16xi32>
        %add3A_1873 = arith.addi %mul3A_1870, %add3A_1872 : vector<16xi32>
        tpu.vector_store_idx %arg18[%add3A_1873], %add3A_1757 : memref<256xf32, #tpu.memory_space<vmem>>[vector<16xi32>], vector<16xf32>,
        %mul3A_1874 = arith.constant 16 : i32
        %mul3A_1875 = vector.broadcast %mul3A_1874 : i32 to vector<16xi32>
        %mul3A_1876 = arith.muli %iota3A, %mul3A_1875 : vector<16xi32>
        %add3A_1877 = arith.constant 12 : i32
        %add3A_1878 = vector.broadcast %add3A_1877 : i32 to vector<16xi32>
        %add3A_1879 = arith.addi %mul3A_1876, %add3A_1878 : vector<16xi32>
        tpu.vector_store_idx %arg18[%add3A_1879], %add3A_1768 : memref<256xf32, #tpu.memory_space<vmem>>[vector<16xi32>], vector<16xf32>,
        %mul3A_1880 = arith.constant 16 : i32
        %mul3A_1881 = vector.broadcast %mul3A_1880 : i32 to vector<16xi32>
        %mul3A_1882 = arith.muli %iota3A, %mul3A_1881 : vector<16xi32>
        %add3A_1883 = arith.constant 13 : i32
        %add3A_1884 = vector.broadcast %add3A_1883 : i32 to vector<16xi32>
        %add3A_1885 = arith.addi %mul3A_1882, %add3A_1884 : vector<16xi32>
        tpu.vector_store_idx %arg18[%add3A_1885], %add3A_1779 : memref<256xf32, #tpu.memory_space<vmem>>[vector<16xi32>], vector<16xf32>,
        %mul3A_1886 = arith.constant 16 : i32
        %mul3A_1887 = vector.broadcast %mul3A_1886 : i32 to vector<16xi32>
        %mul3A_1888 = arith.muli %iota3A, %mul3A_1887 : vector<16xi32>
        %add3A_1889 = arith.constant 14 : i32
        %add3A_1890 = vector.broadcast %add3A_1889 : i32 to vector<16xi32>
        %add3A_1891 = arith.addi %mul3A_1888, %add3A_1890 : vector<16xi32>
        tpu.vector_store_idx %arg18[%add3A_1891], %add3A_1790 : memref<256xf32, #tpu.memory_space<vmem>>[vector<16xi32>], vector<16xf32>,
        %mul3A_1892 = arith.constant 16 : i32
        %mul3A_1893 = vector.broadcast %mul3A_1892 : i32 to vector<16xi32>
        %mul3A_1894 = arith.muli %iota3A, %mul3A_1893 : vector<16xi32>
        %add3A_1895 = arith.constant 15 : i32
        %add3A_1896 = vector.broadcast %add3A_1895 : i32 to vector<16xi32>
        %add3A_1897 = arith.addi %mul3A_1894, %add3A_1896 : vector<16xi32>
        tpu.vector_store_idx %arg18[%add3A_1897], %add3A_1801 : memref<256xf32, #tpu.memory_space<vmem>>[vector<16xi32>], vector<16xf32>,
        %get3A_1898 = arith.constant 0 : index
        %get3A_1899 = tpu.vector_load %arg18[%get3A_1898] {strides = array<i32>} : memref<256xf32, #tpu.memory_space<vmem>>, vector<16xf32>,
        %get3A_1900 = arith.constant 16 : index
        %get3A_1901 = tpu.vector_load %arg18[%get3A_1900] {strides = array<i32>} : memref<256xf32, #tpu.memory_space<vmem>>, vector<16xf32>,
        %get3A_1902 = arith.constant 32 : index
        %get3A_1903 = tpu.vector_load %arg18[%get3A_1902] {strides = array<i32>} : memref<256xf32, #tpu.memory_space<vmem>>, vector<16xf32>,
        %get3A_1904 = arith.constant 48 : index
        %get3A_1905 = tpu.vector_load %arg18[%get3A_1904] {strides = array<i32>} : memref<256xf32, #tpu.memory_space<vmem>>, vector<16xf32>,
        %get3A_1906 = arith.constant 64 : index
        %get3A_1907 = tpu.vector_load %arg18[%get3A_1906] {strides = array<i32>} : memref<256xf32, #tpu.memory_space<vmem>>, vector<16xf32>,
        %get3A_1908 = arith.constant 80 : index
        %get3A_1909 = tpu.vector_load %arg18[%get3A_1908] {strides = array<i32>} : memref<256xf32, #tpu.memory_space<vmem>>, vector<16xf32>,
        %get3A_1910 = arith.constant 96 : index
        %get3A_1911 = tpu.vector_load %arg18[%get3A_1910] {strides = array<i32>} : memref<256xf32, #tpu.memory_space<vmem>>, vector<16xf32>,
        %get3A_1912 = arith.constant 112 : index
        %get3A_1913 = tpu.vector_load %arg18[%get3A_1912] {strides = array<i32>} : memref<256xf32, #tpu.memory_space<vmem>>, vector<16xf32>,
        %get3A_1914 = arith.constant 128 : index
        %get3A_1915 = tpu.vector_load %arg18[%get3A_1914] {strides = array<i32>} : memref<256xf32, #tpu.memory_space<vmem>>, vector<16xf32>,
        %get3A_1916 = arith.constant 144 : index
        %get3A_1917 = tpu.vector_load %arg18[%get3A_1916] {strides = array<i32>} : memref<256xf32, #tpu.memory_space<vmem>>, vector<16xf32>,
        %get3A_1918 = arith.constant 160 : index
        %get3A_1919 = tpu.vector_load %arg18[%get3A_1918] {strides = array<i32>} : memref<256xf32, #tpu.memory_space<vmem>>, vector<16xf32>,
        %get3A_1920 = arith.constant 176 : index
        %get3A_1921 = tpu.vector_load %arg18[%get3A_1920] {strides = array<i32>} : memref<256xf32, #tpu.memory_space<vmem>>, vector<16xf32>,
        %get3A_1922 = arith.constant 192 : index
        %get3A_1923 = tpu.vector_load %arg18[%get3A_1922] {strides = array<i32>} : memref<256xf32, #tpu.memory_space<vmem>>, vector<16xf32>,
        %get3A_1924 = arith.constant 208 : index
        %get3A_1925 = tpu.vector_load %arg18[%get3A_1924] {strides = array<i32>} : memref<256xf32, #tpu.memory_space<vmem>>, vector<16xf32>,
        %get3A_1926 = arith.constant 224 : index
        %get3A_1927 = tpu.vector_load %arg18[%get3A_1926] {strides = array<i32>} : memref<256xf32, #tpu.memory_space<vmem>>, vector<16xf32>,
        %get3A_1928 = arith.constant 240 : index
        %get3A_1929 = tpu.vector_load %arg18[%get3A_1928] {strides = array<i32>} : memref<256xf32, #tpu.memory_space<vmem>>, vector<16xf32>,
        %add3A_1930 = arith.addf %get3A_1899, %get3A_1901 : vector<16xf32>
        %add3A_1931 = arith.addf %get3A_1903, %get3A_1905 : vector<16xf32>
        %add3A_1932 = arith.addf %get3A_1907, %get3A_1909 : vector<16xf32>
        %add3A_1933 = arith.addf %get3A_1911, %get3A_1913 : vector<16xf32>
        %add3A_1934 = arith.addf %get3A_1915, %get3A_1917 : vector<16xf32>
        %add3A_1935 = arith.addf %get3A_1919, %get3A_1921 : vector<16xf32>
        %add3A_1936 = arith.addf %get3A_1923, %get3A_1925 : vector<16xf32>
        %add3A_1937 = arith.addf %get3A_1927, %get3A_1929 : vector<16xf32>
        %add3A_1938 = arith.addf %add3A_1930, %add3A_1931 : vector<16xf32>
        %add3A_1939 = arith.addf %add3A_1932, %add3A_1933 : vector<16xf32>
        %add3A_1940 = arith.addf %add3A_1934, %add3A_1935 : vector<16xf32>
        %add3A_1941 = arith.addf %add3A_1936, %add3A_1937 : vector<16xf32>
        %add3A_1942 = arith.addf %add3A_1938, %add3A_1939 : vector<16xf32>
        %add3A_1943 = arith.addf %add3A_1940, %add3A_1941 : vector<16xf32>
        %add3A_1944 = arith.addf %add3A_1942, %add3A_1943 : vector<16xf32>
        %swap3A_1945 = arith.index_cast %add3A_1465 : i32 to index
        %swap3A_1946 = tpu.vector_load %arg16[%swap3A_1945] {strides = array<i32>} : memref<416xf32, #tpu.memory_space<vmem>>, vector<16xf32>,
        tpu.vector_store %arg16[%swap3A_1945], %add3A_1944 {strides = array<i32>} : memref<416xf32, #tpu.memory_space<vmem>>, vector<16xf32>,
        %scan3A_1947 = arith.constant 0 : i32
        scf.yield %scan3A_1947 : i32
      }
      %scan3A_275 = arith.constant 12 : i32
      %lt3A_276 = arith.constant 8 : i32
      %lt3A_277 = vector.broadcast %lt3A_276 : i32 to vector<16xi32>
      %lt3A_278 = arith.cmpi slt, %iota3A, %lt3A_277 : vector<16xi32>
      %get3A_279 = arith.constant 192 : i32
      %get3A_280 = arith.index_cast %get3A_279 : i32 to index
      %get3A_281 = arith.constant 0 : index
      %get3A_282 = tpu.vector_load %arg14[%get3A_280, %get3A_281] {strides = array<i32>} : memref<400x64xbf16, #tpu.memory_space<vmem>>, vector<32xbf16>,
      %get3A_283 = arith.constant 193 : i32
      %get3A_284 = arith.index_cast %get3A_283 : i32 to index
      %get3A_285 = arith.constant 0 : index
      %get3A_286 = tpu.vector_load %arg14[%get3A_284, %get3A_285] {strides = array<i32>} : memref<400x64xbf16, #tpu.memory_space<vmem>>, vector<32xbf16>,
      %get3A_287 = arith.constant 194 : i32
      %get3A_288 = arith.index_cast %get3A_287 : i32 to index
      %get3A_289 = arith.constant 0 : index
      %get3A_290 = tpu.vector_load %arg14[%get3A_288, %get3A_289] {strides = array<i32>} : memref<400x64xbf16, #tpu.memory_space<vmem>>, vector<32xbf16>,
      %get3A_291 = arith.constant 195 : i32
      %get3A_292 = arith.index_cast %get3A_291 : i32 to index
      %get3A_293 = arith.constant 0 : index
      %get3A_294 = tpu.vector_load %arg14[%get3A_292, %get3A_293] {strides = array<i32>} : memref<400x64xbf16, #tpu.memory_space<vmem>>, vector<32xbf16>,
      %get3A_295 = arith.constant 196 : i32
      %get3A_296 = arith.index_cast %get3A_295 : i32 to index
      %get3A_297 = arith.constant 0 : index
      %get3A_298 = tpu.vector_load %arg14[%get3A_296, %get3A_297] {strides = array<i32>} : memref<400x64xbf16, #tpu.memory_space<vmem>>, vector<32xbf16>,
      %get3A_299 = arith.constant 197 : i32
      %get3A_300 = arith.index_cast %get3A_299 : i32 to index
      %get3A_301 = arith.constant 0 : index
      %get3A_302 = tpu.vector_load %arg14[%get3A_300, %get3A_301] {strides = array<i32>} : memref<400x64xbf16, #tpu.memory_space<vmem>>, vector<32xbf16>,
      %get3A_303 = arith.constant 198 : i32
      %get3A_304 = arith.index_cast %get3A_303 : i32 to index
      %get3A_305 = arith.constant 0 : index
      %get3A_306 = tpu.vector_load %arg14[%get3A_304, %get3A_305] {strides = array<i32>} : memref<400x64xbf16, #tpu.memory_space<vmem>>, vector<32xbf16>,
      %get3A_307 = arith.constant 199 : i32
      %get3A_308 = arith.index_cast %get3A_307 : i32 to index
      %get3A_309 = arith.constant 0 : index
      %get3A_310 = tpu.vector_load %arg14[%get3A_308, %get3A_309] {strides = array<i32>} : memref<400x64xbf16, #tpu.memory_space<vmem>>, vector<32xbf16>,
      %get3A_311 = arith.constant 192 : i32
      %get3A_312 = arith.index_cast %get3A_311 : i32 to index
      %get3A_313 = arith.constant 32 : index
      %get3A_314 = tpu.vector_load %arg14[%get3A_312, %get3A_313] {strides = array<i32>} : memref<400x64xbf16, #tpu.memory_space<vmem>>, vector<32xbf16>,
      %get3A_315 = arith.constant 193 : i32
      %get3A_316 = arith.index_cast %get3A_315 : i32 to index
      %get3A_317 = arith.constant 32 : index
      %get3A_318 = tpu.vector_load %arg14[%get3A_316, %get3A_317] {strides = array<i32>} : memref<400x64xbf16, #tpu.memory_space<vmem>>, vector<32xbf16>,
      %get3A_319 = arith.constant 194 : i32
      %get3A_320 = arith.index_cast %get3A_319 : i32 to index
      %get3A_321 = arith.constant 32 : index
      %get3A_322 = tpu.vector_load %arg14[%get3A_320, %get3A_321] {strides = array<i32>} : memref<400x64xbf16, #tpu.memory_space<vmem>>, vector<32xbf16>,
      %get3A_323 = arith.constant 195 : i32
      %get3A_324 = arith.index_cast %get3A_323 : i32 to index
      %get3A_325 = arith.constant 32 : index
      %get3A_326 = tpu.vector_load %arg14[%get3A_324, %get3A_325] {strides = array<i32>} : memref<400x64xbf16, #tpu.memory_space<vmem>>, vector<32xbf16>,
      %get3A_327 = arith.constant 196 : i32
      %get3A_328 = arith.index_cast %get3A_327 : i32 to index
      %get3A_329 = arith.constant 32 : index
      %get3A_330 = tpu.vector_load %arg14[%get3A_328, %get3A_329] {strides = array<i32>} : memref<400x64xbf16, #tpu.memory_space<vmem>>, vector<32xbf16>,
      %get3A_331 = arith.constant 197 : i32
      %get3A_332 = arith.index_cast %get3A_331 : i32 to index
      %get3A_333 = arith.constant 32 : index
      %get3A_334 = tpu.vector_load %arg14[%get3A_332, %get3A_333] {strides = array<i32>} : memref<400x64xbf16, #tpu.memory_space<vmem>>, vector<32xbf16>,
      %get3A_335 = arith.constant 198 : i32
      %get3A_336 = arith.index_cast %get3A_335 : i32 to index
      %get3A_337 = arith.constant 32 : index
      %get3A_338 = tpu.vector_load %arg14[%get3A_336, %get3A_337] {strides = array<i32>} : memref<400x64xbf16, #tpu.memory_space<vmem>>, vector<32xbf16>,
      %get3A_339 = arith.constant 199 : i32
      %get3A_340 = arith.index_cast %get3A_339 : i32 to index
      %get3A_341 = arith.constant 32 : index
      %get3A_342 = tpu.vector_load %arg14[%get3A_340, %get3A_341] {strides = array<i32>} : memref<400x64xbf16, #tpu.memory_space<vmem>>, vector<32xbf16>,
      %sub3A = arith.subf %get3A_265, %get3A_282 : vector<32xbf16>
      %abs3A = math.absf %sub3A : vector<32xbf16>
      %sub3A_343 = arith.subf %get3A_268, %get3A_314 : vector<32xbf16>
      %abs3A_344 = math.absf %sub3A_343 : vector<32xbf16>
      %unpack3A = tpu.unpack_subelements %abs3A, 0 {pack_format = #tpu.pack_format<interleaved>} : vector<32xbf16> -> vector<16xf32>
      %unpack3A_345 = tpu.unpack_subelements %abs3A, 1 {pack_format = #tpu.pack_format<interleaved>} : vector<32xbf16> -> vector<16xf32>
      %unpack3A_346 = tpu.unpack_subelements %abs3A_344, 0 {pack_format = #tpu.pack_format<interleaved>} : vector<32xbf16> -> vector<16xf32>
      %unpack3A_347 = tpu.unpack_subelements %abs3A_344, 1 {pack_format = #tpu.pack_format<interleaved>} : vector<32xbf16> -> vector<16xf32>
      %add3A_348 = arith.addf %unpack3A, %unpack3A_345 : vector<16xf32>
      %add3A_349 = arith.addf %unpack3A_346, %unpack3A_347 : vector<16xf32>
      %add3A_350 = arith.addf %add3A_348, %add3A_349 : vector<16xf32>
      %sub3A_351 = arith.subf %get3A_265, %get3A_286 : vector<32xbf16>
      %abs3A_352 = math.absf %sub3A_351 : vector<32xbf16>
      %sub3A_353 = arith.subf %get3A_268, %get3A_318 : vector<32xbf16>
      %abs3A_354 = math.absf %sub3A_353 : vector<32xbf16>
      %unpack3A_355 = tpu.unpack_subelements %abs3A_352, 0 {pack_format = #tpu.pack_format<interleaved>} : vector<32xbf16> -> vector<16xf32>
      %unpack3A_356 = tpu.unpack_subelements %abs3A_352, 1 {pack_format = #tpu.pack_format<interleaved>} : vector<32xbf16> -> vector<16xf32>
      %unpack3A_357 = tpu.unpack_subelements %abs3A_354, 0 {pack_format = #tpu.pack_format<interleaved>} : vector<32xbf16> -> vector<16xf32>
      %unpack3A_358 = tpu.unpack_subelements %abs3A_354, 1 {pack_format = #tpu.pack_format<interleaved>} : vector<32xbf16> -> vector<16xf32>
      %add3A_359 = arith.addf %unpack3A_355, %unpack3A_356 : vector<16xf32>
      %add3A_360 = arith.addf %unpack3A_357, %unpack3A_358 : vector<16xf32>
      %add3A_361 = arith.addf %add3A_359, %add3A_360 : vector<16xf32>
      %sub3A_362 = arith.subf %get3A_265, %get3A_290 : vector<32xbf16>
      %abs3A_363 = math.absf %sub3A_362 : vector<32xbf16>
      %sub3A_364 = arith.subf %get3A_268, %get3A_322 : vector<32xbf16>
      %abs3A_365 = math.absf %sub3A_364 : vector<32xbf16>
      %unpack3A_366 = tpu.unpack_subelements %abs3A_363, 0 {pack_format = #tpu.pack_format<interleaved>} : vector<32xbf16> -> vector<16xf32>
      %unpack3A_367 = tpu.unpack_subelements %abs3A_363, 1 {pack_format = #tpu.pack_format<interleaved>} : vector<32xbf16> -> vector<16xf32>
      %unpack3A_368 = tpu.unpack_subelements %abs3A_365, 0 {pack_format = #tpu.pack_format<interleaved>} : vector<32xbf16> -> vector<16xf32>
      %unpack3A_369 = tpu.unpack_subelements %abs3A_365, 1 {pack_format = #tpu.pack_format<interleaved>} : vector<32xbf16> -> vector<16xf32>
      %add3A_370 = arith.addf %unpack3A_366, %unpack3A_367 : vector<16xf32>
      %add3A_371 = arith.addf %unpack3A_368, %unpack3A_369 : vector<16xf32>
      %add3A_372 = arith.addf %add3A_370, %add3A_371 : vector<16xf32>
      %sub3A_373 = arith.subf %get3A_265, %get3A_294 : vector<32xbf16>
      %abs3A_374 = math.absf %sub3A_373 : vector<32xbf16>
      %sub3A_375 = arith.subf %get3A_268, %get3A_326 : vector<32xbf16>
      %abs3A_376 = math.absf %sub3A_375 : vector<32xbf16>
      %unpack3A_377 = tpu.unpack_subelements %abs3A_374, 0 {pack_format = #tpu.pack_format<interleaved>} : vector<32xbf16> -> vector<16xf32>
      %unpack3A_378 = tpu.unpack_subelements %abs3A_374, 1 {pack_format = #tpu.pack_format<interleaved>} : vector<32xbf16> -> vector<16xf32>
      %unpack3A_379 = tpu.unpack_subelements %abs3A_376, 0 {pack_format = #tpu.pack_format<interleaved>} : vector<32xbf16> -> vector<16xf32>
      %unpack3A_380 = tpu.unpack_subelements %abs3A_376, 1 {pack_format = #tpu.pack_format<interleaved>} : vector<32xbf16> -> vector<16xf32>
      %add3A_381 = arith.addf %unpack3A_377, %unpack3A_378 : vector<16xf32>
      %add3A_382 = arith.addf %unpack3A_379, %unpack3A_380 : vector<16xf32>
      %add3A_383 = arith.addf %add3A_381, %add3A_382 : vector<16xf32>
      %sub3A_384 = arith.subf %get3A_265, %get3A_298 : vector<32xbf16>
      %abs3A_385 = math.absf %sub3A_384 : vector<32xbf16>
      %sub3A_386 = arith.subf %get3A_268, %get3A_330 : vector<32xbf16>
      %abs3A_387 = math.absf %sub3A_386 : vector<32xbf16>
      %unpack3A_388 = tpu.unpack_subelements %abs3A_385, 0 {pack_format = #tpu.pack_format<interleaved>} : vector<32xbf16> -> vector<16xf32>
      %unpack3A_389 = tpu.unpack_subelements %abs3A_385, 1 {pack_format = #tpu.pack_format<interleaved>} : vector<32xbf16> -> vector<16xf32>
      %unpack3A_390 = tpu.unpack_subelements %abs3A_387, 0 {pack_format = #tpu.pack_format<interleaved>} : vector<32xbf16> -> vector<16xf32>
      %unpack3A_391 = tpu.unpack_subelements %abs3A_387, 1 {pack_format = #tpu.pack_format<interleaved>} : vector<32xbf16> -> vector<16xf32>
      %add3A_392 = arith.addf %unpack3A_388, %unpack3A_389 : vector<16xf32>
      %add3A_393 = arith.addf %unpack3A_390, %unpack3A_391 : vector<16xf32>
      %add3A_394 = arith.addf %add3A_392, %add3A_393 : vector<16xf32>
      %sub3A_395 = arith.subf %get3A_265, %get3A_302 : vector<32xbf16>
      %abs3A_396 = math.absf %sub3A_395 : vector<32xbf16>
      %sub3A_397 = arith.subf %get3A_268, %get3A_334 : vector<32xbf16>
      %abs3A_398 = math.absf %sub3A_397 : vector<32xbf16>
      %unpack3A_399 = tpu.unpack_subelements %abs3A_396, 0 {pack_format = #tpu.pack_format<interleaved>} : vector<32xbf16> -> vector<16xf32>
      %unpack3A_400 = tpu.unpack_subelements %abs3A_396, 1 {pack_format = #tpu.pack_format<interleaved>} : vector<32xbf16> -> vector<16xf32>
      %unpack3A_401 = tpu.unpack_subelements %abs3A_398, 0 {pack_format = #tpu.pack_format<interleaved>} : vector<32xbf16> -> vector<16xf32>
      %unpack3A_402 = tpu.unpack_subelements %abs3A_398, 1 {pack_format = #tpu.pack_format<interleaved>} : vector<32xbf16> -> vector<16xf32>
      %add3A_403 = arith.addf %unpack3A_399, %unpack3A_400 : vector<16xf32>
      %add3A_404 = arith.addf %unpack3A_401, %unpack3A_402 : vector<16xf32>
      %add3A_405 = arith.addf %add3A_403, %add3A_404 : vector<16xf32>
      %sub3A_406 = arith.subf %get3A_265, %get3A_306 : vector<32xbf16>
      %abs3A_407 = math.absf %sub3A_406 : vector<32xbf16>
      %sub3A_408 = arith.subf %get3A_268, %get3A_338 : vector<32xbf16>
      %abs3A_409 = math.absf %sub3A_408 : vector<32xbf16>
      %unpack3A_410 = tpu.unpack_subelements %abs3A_407, 0 {pack_format = #tpu.pack_format<interleaved>} : vector<32xbf16> -> vector<16xf32>
      %unpack3A_411 = tpu.unpack_subelements %abs3A_407, 1 {pack_format = #tpu.pack_format<interleaved>} : vector<32xbf16> -> vector<16xf32>
      %unpack3A_412 = tpu.unpack_subelements %abs3A_409, 0 {pack_format = #tpu.pack_format<interleaved>} : vector<32xbf16> -> vector<16xf32>
      %unpack3A_413 = tpu.unpack_subelements %abs3A_409, 1 {pack_format = #tpu.pack_format<interleaved>} : vector<32xbf16> -> vector<16xf32>
      %add3A_414 = arith.addf %unpack3A_410, %unpack3A_411 : vector<16xf32>
      %add3A_415 = arith.addf %unpack3A_412, %unpack3A_413 : vector<16xf32>
      %add3A_416 = arith.addf %add3A_414, %add3A_415 : vector<16xf32>
      %sub3A_417 = arith.subf %get3A_265, %get3A_310 : vector<32xbf16>
      %abs3A_418 = math.absf %sub3A_417 : vector<32xbf16>
      %sub3A_419 = arith.subf %get3A_268, %get3A_342 : vector<32xbf16>
      %abs3A_420 = math.absf %sub3A_419 : vector<32xbf16>
      %unpack3A_421 = tpu.unpack_subelements %abs3A_418, 0 {pack_format = #tpu.pack_format<interleaved>} : vector<32xbf16> -> vector<16xf32>
      %unpack3A_422 = tpu.unpack_subelements %abs3A_418, 1 {pack_format = #tpu.pack_format<interleaved>} : vector<32xbf16> -> vector<16xf32>
      %unpack3A_423 = tpu.unpack_subelements %abs3A_420, 0 {pack_format = #tpu.pack_format<interleaved>} : vector<32xbf16> -> vector<16xf32>
      %unpack3A_424 = tpu.unpack_subelements %abs3A_420, 1 {pack_format = #tpu.pack_format<interleaved>} : vector<32xbf16> -> vector<16xf32>
      %add3A_425 = arith.addf %unpack3A_421, %unpack3A_422 : vector<16xf32>
      %add3A_426 = arith.addf %unpack3A_423, %unpack3A_424 : vector<16xf32>
      %add3A_427 = arith.addf %add3A_425, %add3A_426 : vector<16xf32>
      %mul3A_428 = arith.constant 16 : i32
      %mul3A_429 = vector.broadcast %mul3A_428 : i32 to vector<16xi32>
      %mul3A_430 = arith.muli %iota3A, %mul3A_429 : vector<16xi32>
      %add3A_431 = arith.constant 0 : i32
      %add3A_432 = vector.broadcast %add3A_431 : i32 to vector<16xi32>
      %add3A_433 = arith.addi %mul3A_430, %add3A_432 : vector<16xi32>
      tpu.vector_store_idx %arg18[%add3A_433], %add3A_350 : memref<256xf32, #tpu.memory_space<vmem>>[vector<16xi32>], vector<16xf32>,
      %mul3A_434 = arith.constant 16 : i32
      %mul3A_435 = vector.broadcast %mul3A_434 : i32 to vector<16xi32>
      %mul3A_436 = arith.muli %iota3A, %mul3A_435 : vector<16xi32>
      %add3A_437 = arith.constant 1 : i32
      %add3A_438 = vector.broadcast %add3A_437 : i32 to vector<16xi32>
      %add3A_439 = arith.addi %mul3A_436, %add3A_438 : vector<16xi32>
      tpu.vector_store_idx %arg18[%add3A_439], %add3A_361 : memref<256xf32, #tpu.memory_space<vmem>>[vector<16xi32>], vector<16xf32>,
      %mul3A_440 = arith.constant 16 : i32
      %mul3A_441 = vector.broadcast %mul3A_440 : i32 to vector<16xi32>
      %mul3A_442 = arith.muli %iota3A, %mul3A_441 : vector<16xi32>
      %add3A_443 = arith.constant 2 : i32
      %add3A_444 = vector.broadcast %add3A_443 : i32 to vector<16xi32>
      %add3A_445 = arith.addi %mul3A_442, %add3A_444 : vector<16xi32>
      tpu.vector_store_idx %arg18[%add3A_445], %add3A_372 : memref<256xf32, #tpu.memory_space<vmem>>[vector<16xi32>], vector<16xf32>,
      %mul3A_446 = arith.constant 16 : i32
      %mul3A_447 = vector.broadcast %mul3A_446 : i32 to vector<16xi32>
      %mul3A_448 = arith.muli %iota3A, %mul3A_447 : vector<16xi32>
      %add3A_449 = arith.constant 3 : i32
      %add3A_450 = vector.broadcast %add3A_449 : i32 to vector<16xi32>
      %add3A_451 = arith.addi %mul3A_448, %add3A_450 : vector<16xi32>
      tpu.vector_store_idx %arg18[%add3A_451], %add3A_383 : memref<256xf32, #tpu.memory_space<vmem>>[vector<16xi32>], vector<16xf32>,
      %mul3A_452 = arith.constant 16 : i32
      %mul3A_453 = vector.broadcast %mul3A_452 : i32 to vector<16xi32>
      %mul3A_454 = arith.muli %iota3A, %mul3A_453 : vector<16xi32>
      %add3A_455 = arith.constant 4 : i32
      %add3A_456 = vector.broadcast %add3A_455 : i32 to vector<16xi32>
      %add3A_457 = arith.addi %mul3A_454, %add3A_456 : vector<16xi32>
      tpu.vector_store_idx %arg18[%add3A_457], %add3A_394 : memref<256xf32, #tpu.memory_space<vmem>>[vector<16xi32>], vector<16xf32>,
      %mul3A_458 = arith.constant 16 : i32
      %mul3A_459 = vector.broadcast %mul3A_458 : i32 to vector<16xi32>
      %mul3A_460 = arith.muli %iota3A, %mul3A_459 : vector<16xi32>
      %add3A_461 = arith.constant 5 : i32
      %add3A_462 = vector.broadcast %add3A_461 : i32 to vector<16xi32>
      %add3A_463 = arith.addi %mul3A_460, %add3A_462 : vector<16xi32>
      tpu.vector_store_idx %arg18[%add3A_463], %add3A_405 : memref<256xf32, #tpu.memory_space<vmem>>[vector<16xi32>], vector<16xf32>,
      %mul3A_464 = arith.constant 16 : i32
      %mul3A_465 = vector.broadcast %mul3A_464 : i32 to vector<16xi32>
      %mul3A_466 = arith.muli %iota3A, %mul3A_465 : vector<16xi32>
      %add3A_467 = arith.constant 6 : i32
      %add3A_468 = vector.broadcast %add3A_467 : i32 to vector<16xi32>
      %add3A_469 = arith.addi %mul3A_466, %add3A_468 : vector<16xi32>
      tpu.vector_store_idx %arg18[%add3A_469], %add3A_416 : memref<256xf32, #tpu.memory_space<vmem>>[vector<16xi32>], vector<16xf32>,
      %mul3A_470 = arith.constant 16 : i32
      %mul3A_471 = vector.broadcast %mul3A_470 : i32 to vector<16xi32>
      %mul3A_472 = arith.muli %iota3A, %mul3A_471 : vector<16xi32>
      %add3A_473 = arith.constant 7 : i32
      %add3A_474 = vector.broadcast %add3A_473 : i32 to vector<16xi32>
      %add3A_475 = arith.addi %mul3A_472, %add3A_474 : vector<16xi32>
      tpu.vector_store_idx %arg18[%add3A_475], %add3A_427 : memref<256xf32, #tpu.memory_space<vmem>>[vector<16xi32>], vector<16xf32>,
      %get3A_476 = arith.constant 0 : index
      %get3A_477 = tpu.vector_load %arg18[%get3A_476] {strides = array<i32>} : memref<256xf32, #tpu.memory_space<vmem>>, vector<16xf32>,
      %get3A_478 = arith.constant 16 : index
      %get3A_479 = tpu.vector_load %arg18[%get3A_478] {strides = array<i32>} : memref<256xf32, #tpu.memory_space<vmem>>, vector<16xf32>,
      %get3A_480 = arith.constant 32 : index
      %get3A_481 = tpu.vector_load %arg18[%get3A_480] {strides = array<i32>} : memref<256xf32, #tpu.memory_space<vmem>>, vector<16xf32>,
      %get3A_482 = arith.constant 48 : index
      %get3A_483 = tpu.vector_load %arg18[%get3A_482] {strides = array<i32>} : memref<256xf32, #tpu.memory_space<vmem>>, vector<16xf32>,
      %get3A_484 = arith.constant 64 : index
      %get3A_485 = tpu.vector_load %arg18[%get3A_484] {strides = array<i32>} : memref<256xf32, #tpu.memory_space<vmem>>, vector<16xf32>,
      %get3A_486 = arith.constant 80 : index
      %get3A_487 = tpu.vector_load %arg18[%get3A_486] {strides = array<i32>} : memref<256xf32, #tpu.memory_space<vmem>>, vector<16xf32>,
      %get3A_488 = arith.constant 96 : index
      %get3A_489 = tpu.vector_load %arg18[%get3A_488] {strides = array<i32>} : memref<256xf32, #tpu.memory_space<vmem>>, vector<16xf32>,
      %get3A_490 = arith.constant 112 : index
      %get3A_491 = tpu.vector_load %arg18[%get3A_490] {strides = array<i32>} : memref<256xf32, #tpu.memory_space<vmem>>, vector<16xf32>,
      %get3A_492 = arith.constant 128 : index
      %get3A_493 = tpu.vector_load %arg18[%get3A_492] {strides = array<i32>} : memref<256xf32, #tpu.memory_space<vmem>>, vector<16xf32>,
      %get3A_494 = arith.constant 144 : index
      %get3A_495 = tpu.vector_load %arg18[%get3A_494] {strides = array<i32>} : memref<256xf32, #tpu.memory_space<vmem>>, vector<16xf32>,
      %get3A_496 = arith.constant 160 : index
      %get3A_497 = tpu.vector_load %arg18[%get3A_496] {strides = array<i32>} : memref<256xf32, #tpu.memory_space<vmem>>, vector<16xf32>,
      %get3A_498 = arith.constant 176 : index
      %get3A_499 = tpu.vector_load %arg18[%get3A_498] {strides = array<i32>} : memref<256xf32, #tpu.memory_space<vmem>>, vector<16xf32>,
      %get3A_500 = arith.constant 192 : index
      %get3A_501 = tpu.vector_load %arg18[%get3A_500] {strides = array<i32>} : memref<256xf32, #tpu.memory_space<vmem>>, vector<16xf32>,
      %get3A_502 = arith.constant 208 : index
      %get3A_503 = tpu.vector_load %arg18[%get3A_502] {strides = array<i32>} : memref<256xf32, #tpu.memory_space<vmem>>, vector<16xf32>,
      %get3A_504 = arith.constant 224 : index
      %get3A_505 = tpu.vector_load %arg18[%get3A_504] {strides = array<i32>} : memref<256xf32, #tpu.memory_space<vmem>>, vector<16xf32>,
      %get3A_506 = arith.constant 240 : index
      %get3A_507 = tpu.vector_load %arg18[%get3A_506] {strides = array<i32>} : memref<256xf32, #tpu.memory_space<vmem>>, vector<16xf32>,
      %add3A_508 = arith.addf %get3A_477, %get3A_479 : vector<16xf32>
      %add3A_509 = arith.addf %get3A_481, %get3A_483 : vector<16xf32>
      %add3A_510 = arith.addf %get3A_485, %get3A_487 : vector<16xf32>
      %add3A_511 = arith.addf %get3A_489, %get3A_491 : vector<16xf32>
      %add3A_512 = arith.addf %get3A_493, %get3A_495 : vector<16xf32>
      %add3A_513 = arith.addf %get3A_497, %get3A_499 : vector<16xf32>
      %add3A_514 = arith.addf %get3A_501, %get3A_503 : vector<16xf32>
      %add3A_515 = arith.addf %get3A_505, %get3A_507 : vector<16xf32>
      %add3A_516 = arith.addf %add3A_508, %add3A_509 : vector<16xf32>
      %add3A_517 = arith.addf %add3A_510, %add3A_511 : vector<16xf32>
      %add3A_518 = arith.addf %add3A_512, %add3A_513 : vector<16xf32>
      %add3A_519 = arith.addf %add3A_514, %add3A_515 : vector<16xf32>
      %add3A_520 = arith.addf %add3A_516, %add3A_517 : vector<16xf32>
      %add3A_521 = arith.addf %add3A_518, %add3A_519 : vector<16xf32>
      %add3A_522 = arith.addf %add3A_520, %add3A_521 : vector<16xf32>
      %swap3A = arith.constant 192 : index
      %swap3A_523 = tpu.vector_load %arg16[%swap3A] masked %lt3A_278 {strides = array<i32>} : memref<416xf32, #tpu.memory_space<vmem>>, vector<16xf32>, vector<16xi1>
      tpu.vector_store %arg16[%swap3A], %add3A_522 masked %lt3A_278 {strides = array<i32>} : memref<416xf32, #tpu.memory_space<vmem>>, vector<16xf32>, vector<16xi1>
      %mul3A_524 = arith.constant 2 : i32
      %mul3A_525 = arith.muli %mul3A_153, %mul3A_524 : i32
      %add3A_526 = arith.constant 1 : i32
      %add3A_527 = arith.addi %mul3A_525, %add3A_526 : i32
      %get3A_528 = arith.index_cast %add3A_527 : i32 to index
      %get3A_529 = arith.constant 0 : index
      %get3A_530 = tpu.vector_load %arg10[%get3A_528, %get3A_529] {strides = array<i32>} : memref<128x64xbf16, #tpu.memory_space<vmem>>, vector<32xbf16>,
      %get3A_531 = arith.index_cast %add3A_527 : i32 to index
      %get3A_532 = arith.constant 32 : index
      %get3A_533 = tpu.vector_load %arg10[%get3A_531, %get3A_532] {strides = array<i32>} : memref<128x64xbf16, #tpu.memory_space<vmem>>, vector<32xbf16>,
      %scan3A_534 = arith.constant 0 : i32
      %scan3A_535 = arith.constant 0 : i32
      %scan3A_536 = arith.constant 12 : i32
      %scan3A_537 = arith.addi %scan3A_535, %scan3A_536 : i32
      %scan3A_538 = arith.constant 1 : i32
      %scan3A_539 = scf.for %scan3A_1460 = %scan3A_535 to %scan3A_537 step %scan3A_538 iter_args(%scan3A_1461 = %scan3A_534) -> (i32)  : i32 {
        %mul3A_1462 = arith.constant 16 : i32
        %mul3A_1463 = arith.muli %scan3A_1460, %mul3A_1462 : i32
        %add3A_1464 = arith.constant 200 : i32
        %add3A_1465 = arith.addi %add3A_1464, %mul3A_1463 : i32
        %add3A_1466 = arith.constant 0 : i32
        %add3A_1467 = arith.addi %add3A_1465, %add3A_1466 : i32
        %get3A_1468 = arith.index_cast %add3A_1467 : i32 to index
        %get3A_1469 = arith.constant 0 : index
        %get3A_1470 = tpu.vector_load %arg14[%get3A_1468, %get3A_1469] {strides = array<i32>} : memref<400x64xbf16, #tpu.memory_space<vmem>>, vector<32xbf16>,
        %add3A_1471 = arith.constant 1 : i32
        %add3A_1472 = arith.addi %add3A_1465, %add3A_1471 : i32
        %get3A_1473 = arith.index_cast %add3A_1472 : i32 to index
        %get3A_1474 = arith.constant 0 : index
        %get3A_1475 = tpu.vector_load %arg14[%get3A_1473, %get3A_1474] {strides = array<i32>} : memref<400x64xbf16, #tpu.memory_space<vmem>>, vector<32xbf16>,
        %add3A_1476 = arith.constant 2 : i32
        %add3A_1477 = arith.addi %add3A_1465, %add3A_1476 : i32
        %get3A_1478 = arith.index_cast %add3A_1477 : i32 to index
        %get3A_1479 = arith.constant 0 : index
        %get3A_1480 = tpu.vector_load %arg14[%get3A_1478, %get3A_1479] {strides = array<i32>} : memref<400x64xbf16, #tpu.memory_space<vmem>>, vector<32xbf16>,
        %add3A_1481 = arith.constant 3 : i32
        %add3A_1482 = arith.addi %add3A_1465, %add3A_1481 : i32
        %get3A_1483 = arith.index_cast %add3A_1482 : i32 to index
        %get3A_1484 = arith.constant 0 : index
        %get3A_1485 = tpu.vector_load %arg14[%get3A_1483, %get3A_1484] {strides = array<i32>} : memref<400x64xbf16, #tpu.memory_space<vmem>>, vector<32xbf16>,
        %add3A_1486 = arith.constant 4 : i32
        %add3A_1487 = arith.addi %add3A_1465, %add3A_1486 : i32
        %get3A_1488 = arith.index_cast %add3A_1487 : i32 to index
        %get3A_1489 = arith.constant 0 : index
        %get3A_1490 = tpu.vector_load %arg14[%get3A_1488, %get3A_1489] {strides = array<i32>} : memref<400x64xbf16, #tpu.memory_space<vmem>>, vector<32xbf16>,
        %add3A_1491 = arith.constant 5 : i32
        %add3A_1492 = arith.addi %add3A_1465, %add3A_1491 : i32
        %get3A_1493 = arith.index_cast %add3A_1492 : i32 to index
        %get3A_1494 = arith.constant 0 : index
        %get3A_1495 = tpu.vector_load %arg14[%get3A_1493, %get3A_1494] {strides = array<i32>} : memref<400x64xbf16, #tpu.memory_space<vmem>>, vector<32xbf16>,
        %add3A_1496 = arith.constant 6 : i32
        %add3A_1497 = arith.addi %add3A_1465, %add3A_1496 : i32
        %get3A_1498 = arith.index_cast %add3A_1497 : i32 to index
        %get3A_1499 = arith.constant 0 : index
        %get3A_1500 = tpu.vector_load %arg14[%get3A_1498, %get3A_1499] {strides = array<i32>} : memref<400x64xbf16, #tpu.memory_space<vmem>>, vector<32xbf16>,
        %add3A_1501 = arith.constant 7 : i32
        %add3A_1502 = arith.addi %add3A_1465, %add3A_1501 : i32
        %get3A_1503 = arith.index_cast %add3A_1502 : i32 to index
        %get3A_1504 = arith.constant 0 : index
        %get3A_1505 = tpu.vector_load %arg14[%get3A_1503, %get3A_1504] {strides = array<i32>} : memref<400x64xbf16, #tpu.memory_space<vmem>>, vector<32xbf16>,
        %add3A_1506 = arith.constant 8 : i32
        %add3A_1507 = arith.addi %add3A_1465, %add3A_1506 : i32
        %get3A_1508 = arith.index_cast %add3A_1507 : i32 to index
        %get3A_1509 = arith.constant 0 : index
        %get3A_1510 = tpu.vector_load %arg14[%get3A_1508, %get3A_1509] {strides = array<i32>} : memref<400x64xbf16, #tpu.memory_space<vmem>>, vector<32xbf16>,
        %add3A_1511 = arith.constant 9 : i32
        %add3A_1512 = arith.addi %add3A_1465, %add3A_1511 : i32
        %get3A_1513 = arith.index_cast %add3A_1512 : i32 to index
        %get3A_1514 = arith.constant 0 : index
        %get3A_1515 = tpu.vector_load %arg14[%get3A_1513, %get3A_1514] {strides = array<i32>} : memref<400x64xbf16, #tpu.memory_space<vmem>>, vector<32xbf16>,
        %add3A_1516 = arith.constant 10 : i32
        %add3A_1517 = arith.addi %add3A_1465, %add3A_1516 : i32
        %get3A_1518 = arith.index_cast %add3A_1517 : i32 to index
        %get3A_1519 = arith.constant 0 : index
        %get3A_1520 = tpu.vector_load %arg14[%get3A_1518, %get3A_1519] {strides = array<i32>} : memref<400x64xbf16, #tpu.memory_space<vmem>>, vector<32xbf16>,
        %add3A_1521 = arith.constant 11 : i32
        %add3A_1522 = arith.addi %add3A_1465, %add3A_1521 : i32
        %get3A_1523 = arith.index_cast %add3A_1522 : i32 to index
        %get3A_1524 = arith.constant 0 : index
        %get3A_1525 = tpu.vector_load %arg14[%get3A_1523, %get3A_1524] {strides = array<i32>} : memref<400x64xbf16, #tpu.memory_space<vmem>>, vector<32xbf16>,
        %add3A_1526 = arith.constant 12 : i32
        %add3A_1527 = arith.addi %add3A_1465, %add3A_1526 : i32
        %get3A_1528 = arith.index_cast %add3A_1527 : i32 to index
        %get3A_1529 = arith.constant 0 : index
        %get3A_1530 = tpu.vector_load %arg14[%get3A_1528, %get3A_1529] {strides = array<i32>} : memref<400x64xbf16, #tpu.memory_space<vmem>>, vector<32xbf16>,
        %add3A_1531 = arith.constant 13 : i32
        %add3A_1532 = arith.addi %add3A_1465, %add3A_1531 : i32
        %get3A_1533 = arith.index_cast %add3A_1532 : i32 to index
        %get3A_1534 = arith.constant 0 : index
        %get3A_1535 = tpu.vector_load %arg14[%get3A_1533, %get3A_1534] {strides = array<i32>} : memref<400x64xbf16, #tpu.memory_space<vmem>>, vector<32xbf16>,
        %add3A_1536 = arith.constant 14 : i32
        %add3A_1537 = arith.addi %add3A_1465, %add3A_1536 : i32
        %get3A_1538 = arith.index_cast %add3A_1537 : i32 to index
        %get3A_1539 = arith.constant 0 : index
        %get3A_1540 = tpu.vector_load %arg14[%get3A_1538, %get3A_1539] {strides = array<i32>} : memref<400x64xbf16, #tpu.memory_space<vmem>>, vector<32xbf16>,
        %add3A_1541 = arith.constant 15 : i32
        %add3A_1542 = arith.addi %add3A_1465, %add3A_1541 : i32
        %get3A_1543 = arith.index_cast %add3A_1542 : i32 to index
        %get3A_1544 = arith.constant 0 : index
        %get3A_1545 = tpu.vector_load %arg14[%get3A_1543, %get3A_1544] {strides = array<i32>} : memref<400x64xbf16, #tpu.memory_space<vmem>>, vector<32xbf16>,
        %add3A_1546 = arith.constant 0 : i32
        %add3A_1547 = arith.addi %add3A_1465, %add3A_1546 : i32
        %get3A_1548 = arith.index_cast %add3A_1547 : i32 to index
        %get3A_1549 = arith.constant 32 : index
        %get3A_1550 = tpu.vector_load %arg14[%get3A_1548, %get3A_1549] {strides = array<i32>} : memref<400x64xbf16, #tpu.memory_space<vmem>>, vector<32xbf16>,
        %add3A_1551 = arith.constant 1 : i32
        %add3A_1552 = arith.addi %add3A_1465, %add3A_1551 : i32
        %get3A_1553 = arith.index_cast %add3A_1552 : i32 to index
        %get3A_1554 = arith.constant 32 : index
        %get3A_1555 = tpu.vector_load %arg14[%get3A_1553, %get3A_1554] {strides = array<i32>} : memref<400x64xbf16, #tpu.memory_space<vmem>>, vector<32xbf16>,
        %add3A_1556 = arith.constant 2 : i32
        %add3A_1557 = arith.addi %add3A_1465, %add3A_1556 : i32
        %get3A_1558 = arith.index_cast %add3A_1557 : i32 to index
        %get3A_1559 = arith.constant 32 : index
        %get3A_1560 = tpu.vector_load %arg14[%get3A_1558, %get3A_1559] {strides = array<i32>} : memref<400x64xbf16, #tpu.memory_space<vmem>>, vector<32xbf16>,
        %add3A_1561 = arith.constant 3 : i32
        %add3A_1562 = arith.addi %add3A_1465, %add3A_1561 : i32
        %get3A_1563 = arith.index_cast %add3A_1562 : i32 to index
        %get3A_1564 = arith.constant 32 : index
        %get3A_1565 = tpu.vector_load %arg14[%get3A_1563, %get3A_1564] {strides = array<i32>} : memref<400x64xbf16, #tpu.memory_space<vmem>>, vector<32xbf16>,
        %add3A_1566 = arith.constant 4 : i32
        %add3A_1567 = arith.addi %add3A_1465, %add3A_1566 : i32
        %get3A_1568 = arith.index_cast %add3A_1567 : i32 to index
        %get3A_1569 = arith.constant 32 : index
        %get3A_1570 = tpu.vector_load %arg14[%get3A_1568, %get3A_1569] {strides = array<i32>} : memref<400x64xbf16, #tpu.memory_space<vmem>>, vector<32xbf16>,
        %add3A_1571 = arith.constant 5 : i32
        %add3A_1572 = arith.addi %add3A_1465, %add3A_1571 : i32
        %get3A_1573 = arith.index_cast %add3A_1572 : i32 to index
        %get3A_1574 = arith.constant 32 : index
        %get3A_1575 = tpu.vector_load %arg14[%get3A_1573, %get3A_1574] {strides = array<i32>} : memref<400x64xbf16, #tpu.memory_space<vmem>>, vector<32xbf16>,
        %add3A_1576 = arith.constant 6 : i32
        %add3A_1577 = arith.addi %add3A_1465, %add3A_1576 : i32
        %get3A_1578 = arith.index_cast %add3A_1577 : i32 to index
        %get3A_1579 = arith.constant 32 : index
        %get3A_1580 = tpu.vector_load %arg14[%get3A_1578, %get3A_1579] {strides = array<i32>} : memref<400x64xbf16, #tpu.memory_space<vmem>>, vector<32xbf16>,
        %add3A_1581 = arith.constant 7 : i32
        %add3A_1582 = arith.addi %add3A_1465, %add3A_1581 : i32
        %get3A_1583 = arith.index_cast %add3A_1582 : i32 to index
        %get3A_1584 = arith.constant 32 : index
        %get3A_1585 = tpu.vector_load %arg14[%get3A_1583, %get3A_1584] {strides = array<i32>} : memref<400x64xbf16, #tpu.memory_space<vmem>>, vector<32xbf16>,
        %add3A_1586 = arith.constant 8 : i32
        %add3A_1587 = arith.addi %add3A_1465, %add3A_1586 : i32
        %get3A_1588 = arith.index_cast %add3A_1587 : i32 to index
        %get3A_1589 = arith.constant 32 : index
        %get3A_1590 = tpu.vector_load %arg14[%get3A_1588, %get3A_1589] {strides = array<i32>} : memref<400x64xbf16, #tpu.memory_space<vmem>>, vector<32xbf16>,
        %add3A_1591 = arith.constant 9 : i32
        %add3A_1592 = arith.addi %add3A_1465, %add3A_1591 : i32
        %get3A_1593 = arith.index_cast %add3A_1592 : i32 to index
        %get3A_1594 = arith.constant 32 : index
        %get3A_1595 = tpu.vector_load %arg14[%get3A_1593, %get3A_1594] {strides = array<i32>} : memref<400x64xbf16, #tpu.memory_space<vmem>>, vector<32xbf16>,
        %add3A_1596 = arith.constant 10 : i32
        %add3A_1597 = arith.addi %add3A_1465, %add3A_1596 : i32
        %get3A_1598 = arith.index_cast %add3A_1597 : i32 to index
        %get3A_1599 = arith.constant 32 : index
        %get3A_1600 = tpu.vector_load %arg14[%get3A_1598, %get3A_1599] {strides = array<i32>} : memref<400x64xbf16, #tpu.memory_space<vmem>>, vector<32xbf16>,
        %add3A_1601 = arith.constant 11 : i32
        %add3A_1602 = arith.addi %add3A_1465, %add3A_1601 : i32
        %get3A_1603 = arith.index_cast %add3A_1602 : i32 to index
        %get3A_1604 = arith.constant 32 : index
        %get3A_1605 = tpu.vector_load %arg14[%get3A_1603, %get3A_1604] {strides = array<i32>} : memref<400x64xbf16, #tpu.memory_space<vmem>>, vector<32xbf16>,
        %add3A_1606 = arith.constant 12 : i32
        %add3A_1607 = arith.addi %add3A_1465, %add3A_1606 : i32
        %get3A_1608 = arith.index_cast %add3A_1607 : i32 to index
        %get3A_1609 = arith.constant 32 : index
        %get3A_1610 = tpu.vector_load %arg14[%get3A_1608, %get3A_1609] {strides = array<i32>} : memref<400x64xbf16, #tpu.memory_space<vmem>>, vector<32xbf16>,
        %add3A_1611 = arith.constant 13 : i32
        %add3A_1612 = arith.addi %add3A_1465, %add3A_1611 : i32
        %get3A_1613 = arith.index_cast %add3A_1612 : i32 to index
        %get3A_1614 = arith.constant 32 : index
        %get3A_1615 = tpu.vector_load %arg14[%get3A_1613, %get3A_1614] {strides = array<i32>} : memref<400x64xbf16, #tpu.memory_space<vmem>>, vector<32xbf16>,
        %add3A_1616 = arith.constant 14 : i32
        %add3A_1617 = arith.addi %add3A_1465, %add3A_1616 : i32
        %get3A_1618 = arith.index_cast %add3A_1617 : i32 to index
        %get3A_1619 = arith.constant 32 : index
        %get3A_1620 = tpu.vector_load %arg14[%get3A_1618, %get3A_1619] {strides = array<i32>} : memref<400x64xbf16, #tpu.memory_space<vmem>>, vector<32xbf16>,
        %add3A_1621 = arith.constant 15 : i32
        %add3A_1622 = arith.addi %add3A_1465, %add3A_1621 : i32
        %get3A_1623 = arith.index_cast %add3A_1622 : i32 to index
        %get3A_1624 = arith.constant 32 : index
        %get3A_1625 = tpu.vector_load %arg14[%get3A_1623, %get3A_1624] {strides = array<i32>} : memref<400x64xbf16, #tpu.memory_space<vmem>>, vector<32xbf16>,
        %sub3A_1626 = arith.subf %get3A_530, %get3A_1470 : vector<32xbf16>
        %abs3A_1627 = math.absf %sub3A_1626 : vector<32xbf16>
        %sub3A_1628 = arith.subf %get3A_533, %get3A_1550 : vector<32xbf16>
        %abs3A_1629 = math.absf %sub3A_1628 : vector<32xbf16>
        %unpack3A_1630 = tpu.unpack_subelements %abs3A_1627, 0 {pack_format = #tpu.pack_format<interleaved>} : vector<32xbf16> -> vector<16xf32>
        %unpack3A_1631 = tpu.unpack_subelements %abs3A_1627, 1 {pack_format = #tpu.pack_format<interleaved>} : vector<32xbf16> -> vector<16xf32>
        %unpack3A_1632 = tpu.unpack_subelements %abs3A_1629, 0 {pack_format = #tpu.pack_format<interleaved>} : vector<32xbf16> -> vector<16xf32>
        %unpack3A_1633 = tpu.unpack_subelements %abs3A_1629, 1 {pack_format = #tpu.pack_format<interleaved>} : vector<32xbf16> -> vector<16xf32>
        %add3A_1634 = arith.addf %unpack3A_1630, %unpack3A_1631 : vector<16xf32>
        %add3A_1635 = arith.addf %unpack3A_1632, %unpack3A_1633 : vector<16xf32>
        %add3A_1636 = arith.addf %add3A_1634, %add3A_1635 : vector<16xf32>
        %sub3A_1637 = arith.subf %get3A_530, %get3A_1475 : vector<32xbf16>
        %abs3A_1638 = math.absf %sub3A_1637 : vector<32xbf16>
        %sub3A_1639 = arith.subf %get3A_533, %get3A_1555 : vector<32xbf16>
        %abs3A_1640 = math.absf %sub3A_1639 : vector<32xbf16>
        %unpack3A_1641 = tpu.unpack_subelements %abs3A_1638, 0 {pack_format = #tpu.pack_format<interleaved>} : vector<32xbf16> -> vector<16xf32>
        %unpack3A_1642 = tpu.unpack_subelements %abs3A_1638, 1 {pack_format = #tpu.pack_format<interleaved>} : vector<32xbf16> -> vector<16xf32>
        %unpack3A_1643 = tpu.unpack_subelements %abs3A_1640, 0 {pack_format = #tpu.pack_format<interleaved>} : vector<32xbf16> -> vector<16xf32>
        %unpack3A_1644 = tpu.unpack_subelements %abs3A_1640, 1 {pack_format = #tpu.pack_format<interleaved>} : vector<32xbf16> -> vector<16xf32>
        %add3A_1645 = arith.addf %unpack3A_1641, %unpack3A_1642 : vector<16xf32>
        %add3A_1646 = arith.addf %unpack3A_1643, %unpack3A_1644 : vector<16xf32>
        %add3A_1647 = arith.addf %add3A_1645, %add3A_1646 : vector<16xf32>
        %sub3A_1648 = arith.subf %get3A_530, %get3A_1480 : vector<32xbf16>
        %abs3A_1649 = math.absf %sub3A_1648 : vector<32xbf16>
        %sub3A_1650 = arith.subf %get3A_533, %get3A_1560 : vector<32xbf16>
        %abs3A_1651 = math.absf %sub3A_1650 : vector<32xbf16>
        %unpack3A_1652 = tpu.unpack_subelements %abs3A_1649, 0 {pack_format = #tpu.pack_format<interleaved>} : vector<32xbf16> -> vector<16xf32>
        %unpack3A_1653 = tpu.unpack_subelements %abs3A_1649, 1 {pack_format = #tpu.pack_format<interleaved>} : vector<32xbf16> -> vector<16xf32>
        %unpack3A_1654 = tpu.unpack_subelements %abs3A_1651, 0 {pack_format = #tpu.pack_format<interleaved>} : vector<32xbf16> -> vector<16xf32>
        %unpack3A_1655 = tpu.unpack_subelements %abs3A_1651, 1 {pack_format = #tpu.pack_format<interleaved>} : vector<32xbf16> -> vector<16xf32>
        %add3A_1656 = arith.addf %unpack3A_1652, %unpack3A_1653 : vector<16xf32>
        %add3A_1657 = arith.addf %unpack3A_1654, %unpack3A_1655 : vector<16xf32>
        %add3A_1658 = arith.addf %add3A_1656, %add3A_1657 : vector<16xf32>
        %sub3A_1659 = arith.subf %get3A_530, %get3A_1485 : vector<32xbf16>
        %abs3A_1660 = math.absf %sub3A_1659 : vector<32xbf16>
        %sub3A_1661 = arith.subf %get3A_533, %get3A_1565 : vector<32xbf16>
        %abs3A_1662 = math.absf %sub3A_1661 : vector<32xbf16>
        %unpack3A_1663 = tpu.unpack_subelements %abs3A_1660, 0 {pack_format = #tpu.pack_format<interleaved>} : vector<32xbf16> -> vector<16xf32>
        %unpack3A_1664 = tpu.unpack_subelements %abs3A_1660, 1 {pack_format = #tpu.pack_format<interleaved>} : vector<32xbf16> -> vector<16xf32>
        %unpack3A_1665 = tpu.unpack_subelements %abs3A_1662, 0 {pack_format = #tpu.pack_format<interleaved>} : vector<32xbf16> -> vector<16xf32>
        %unpack3A_1666 = tpu.unpack_subelements %abs3A_1662, 1 {pack_format = #tpu.pack_format<interleaved>} : vector<32xbf16> -> vector<16xf32>
        %add3A_1667 = arith.addf %unpack3A_1663, %unpack3A_1664 : vector<16xf32>
        %add3A_1668 = arith.addf %unpack3A_1665, %unpack3A_1666 : vector<16xf32>
        %add3A_1669 = arith.addf %add3A_1667, %add3A_1668 : vector<16xf32>
        %sub3A_1670 = arith.subf %get3A_530, %get3A_1490 : vector<32xbf16>
        %abs3A_1671 = math.absf %sub3A_1670 : vector<32xbf16>
        %sub3A_1672 = arith.subf %get3A_533, %get3A_1570 : vector<32xbf16>
        %abs3A_1673 = math.absf %sub3A_1672 : vector<32xbf16>
        %unpack3A_1674 = tpu.unpack_subelements %abs3A_1671, 0 {pack_format = #tpu.pack_format<interleaved>} : vector<32xbf16> -> vector<16xf32>
        %unpack3A_1675 = tpu.unpack_subelements %abs3A_1671, 1 {pack_format = #tpu.pack_format<interleaved>} : vector<32xbf16> -> vector<16xf32>
        %unpack3A_1676 = tpu.unpack_subelements %abs3A_1673, 0 {pack_format = #tpu.pack_format<interleaved>} : vector<32xbf16> -> vector<16xf32>
        %unpack3A_1677 = tpu.unpack_subelements %abs3A_1673, 1 {pack_format = #tpu.pack_format<interleaved>} : vector<32xbf16> -> vector<16xf32>
        %add3A_1678 = arith.addf %unpack3A_1674, %unpack3A_1675 : vector<16xf32>
        %add3A_1679 = arith.addf %unpack3A_1676, %unpack3A_1677 : vector<16xf32>
        %add3A_1680 = arith.addf %add3A_1678, %add3A_1679 : vector<16xf32>
        %sub3A_1681 = arith.subf %get3A_530, %get3A_1495 : vector<32xbf16>
        %abs3A_1682 = math.absf %sub3A_1681 : vector<32xbf16>
        %sub3A_1683 = arith.subf %get3A_533, %get3A_1575 : vector<32xbf16>
        %abs3A_1684 = math.absf %sub3A_1683 : vector<32xbf16>
        %unpack3A_1685 = tpu.unpack_subelements %abs3A_1682, 0 {pack_format = #tpu.pack_format<interleaved>} : vector<32xbf16> -> vector<16xf32>
        %unpack3A_1686 = tpu.unpack_subelements %abs3A_1682, 1 {pack_format = #tpu.pack_format<interleaved>} : vector<32xbf16> -> vector<16xf32>
        %unpack3A_1687 = tpu.unpack_subelements %abs3A_1684, 0 {pack_format = #tpu.pack_format<interleaved>} : vector<32xbf16> -> vector<16xf32>
        %unpack3A_1688 = tpu.unpack_subelements %abs3A_1684, 1 {pack_format = #tpu.pack_format<interleaved>} : vector<32xbf16> -> vector<16xf32>
        %add3A_1689 = arith.addf %unpack3A_1685, %unpack3A_1686 : vector<16xf32>
        %add3A_1690 = arith.addf %unpack3A_1687, %unpack3A_1688 : vector<16xf32>
        %add3A_1691 = arith.addf %add3A_1689, %add3A_1690 : vector<16xf32>
        %sub3A_1692 = arith.subf %get3A_530, %get3A_1500 : vector<32xbf16>
        %abs3A_1693 = math.absf %sub3A_1692 : vector<32xbf16>
        %sub3A_1694 = arith.subf %get3A_533, %get3A_1580 : vector<32xbf16>
        %abs3A_1695 = math.absf %sub3A_1694 : vector<32xbf16>
        %unpack3A_1696 = tpu.unpack_subelements %abs3A_1693, 0 {pack_format = #tpu.pack_format<interleaved>} : vector<32xbf16> -> vector<16xf32>
        %unpack3A_1697 = tpu.unpack_subelements %abs3A_1693, 1 {pack_format = #tpu.pack_format<interleaved>} : vector<32xbf16> -> vector<16xf32>
        %unpack3A_1698 = tpu.unpack_subelements %abs3A_1695, 0 {pack_format = #tpu.pack_format<interleaved>} : vector<32xbf16> -> vector<16xf32>
        %unpack3A_1699 = tpu.unpack_subelements %abs3A_1695, 1 {pack_format = #tpu.pack_format<interleaved>} : vector<32xbf16> -> vector<16xf32>
        %add3A_1700 = arith.addf %unpack3A_1696, %unpack3A_1697 : vector<16xf32>
        %add3A_1701 = arith.addf %unpack3A_1698, %unpack3A_1699 : vector<16xf32>
        %add3A_1702 = arith.addf %add3A_1700, %add3A_1701 : vector<16xf32>
        %sub3A_1703 = arith.subf %get3A_530, %get3A_1505 : vector<32xbf16>
        %abs3A_1704 = math.absf %sub3A_1703 : vector<32xbf16>
        %sub3A_1705 = arith.subf %get3A_533, %get3A_1585 : vector<32xbf16>
        %abs3A_1706 = math.absf %sub3A_1705 : vector<32xbf16>
        %unpack3A_1707 = tpu.unpack_subelements %abs3A_1704, 0 {pack_format = #tpu.pack_format<interleaved>} : vector<32xbf16> -> vector<16xf32>
        %unpack3A_1708 = tpu.unpack_subelements %abs3A_1704, 1 {pack_format = #tpu.pack_format<interleaved>} : vector<32xbf16> -> vector<16xf32>
        %unpack3A_1709 = tpu.unpack_subelements %abs3A_1706, 0 {pack_format = #tpu.pack_format<interleaved>} : vector<32xbf16> -> vector<16xf32>
        %unpack3A_1710 = tpu.unpack_subelements %abs3A_1706, 1 {pack_format = #tpu.pack_format<interleaved>} : vector<32xbf16> -> vector<16xf32>
        %add3A_1711 = arith.addf %unpack3A_1707, %unpack3A_1708 : vector<16xf32>
        %add3A_1712 = arith.addf %unpack3A_1709, %unpack3A_1710 : vector<16xf32>
        %add3A_1713 = arith.addf %add3A_1711, %add3A_1712 : vector<16xf32>
        %sub3A_1714 = arith.subf %get3A_530, %get3A_1510 : vector<32xbf16>
        %abs3A_1715 = math.absf %sub3A_1714 : vector<32xbf16>
        %sub3A_1716 = arith.subf %get3A_533, %get3A_1590 : vector<32xbf16>
        %abs3A_1717 = math.absf %sub3A_1716 : vector<32xbf16>
        %unpack3A_1718 = tpu.unpack_subelements %abs3A_1715, 0 {pack_format = #tpu.pack_format<interleaved>} : vector<32xbf16> -> vector<16xf32>
        %unpack3A_1719 = tpu.unpack_subelements %abs3A_1715, 1 {pack_format = #tpu.pack_format<interleaved>} : vector<32xbf16> -> vector<16xf32>
        %unpack3A_1720 = tpu.unpack_subelements %abs3A_1717, 0 {pack_format = #tpu.pack_format<interleaved>} : vector<32xbf16> -> vector<16xf32>
        %unpack3A_1721 = tpu.unpack_subelements %abs3A_1717, 1 {pack_format = #tpu.pack_format<interleaved>} : vector<32xbf16> -> vector<16xf32>
        %add3A_1722 = arith.addf %unpack3A_1718, %unpack3A_1719 : vector<16xf32>
        %add3A_1723 = arith.addf %unpack3A_1720, %unpack3A_1721 : vector<16xf32>
        %add3A_1724 = arith.addf %add3A_1722, %add3A_1723 : vector<16xf32>
        %sub3A_1725 = arith.subf %get3A_530, %get3A_1515 : vector<32xbf16>
        %abs3A_1726 = math.absf %sub3A_1725 : vector<32xbf16>
        %sub3A_1727 = arith.subf %get3A_533, %get3A_1595 : vector<32xbf16>
        %abs3A_1728 = math.absf %sub3A_1727 : vector<32xbf16>
        %unpack3A_1729 = tpu.unpack_subelements %abs3A_1726, 0 {pack_format = #tpu.pack_format<interleaved>} : vector<32xbf16> -> vector<16xf32>
        %unpack3A_1730 = tpu.unpack_subelements %abs3A_1726, 1 {pack_format = #tpu.pack_format<interleaved>} : vector<32xbf16> -> vector<16xf32>
        %unpack3A_1731 = tpu.unpack_subelements %abs3A_1728, 0 {pack_format = #tpu.pack_format<interleaved>} : vector<32xbf16> -> vector<16xf32>
        %unpack3A_1732 = tpu.unpack_subelements %abs3A_1728, 1 {pack_format = #tpu.pack_format<interleaved>} : vector<32xbf16> -> vector<16xf32>
        %add3A_1733 = arith.addf %unpack3A_1729, %unpack3A_1730 : vector<16xf32>
        %add3A_1734 = arith.addf %unpack3A_1731, %unpack3A_1732 : vector<16xf32>
        %add3A_1735 = arith.addf %add3A_1733, %add3A_1734 : vector<16xf32>
        %sub3A_1736 = arith.subf %get3A_530, %get3A_1520 : vector<32xbf16>
        %abs3A_1737 = math.absf %sub3A_1736 : vector<32xbf16>
        %sub3A_1738 = arith.subf %get3A_533, %get3A_1600 : vector<32xbf16>
        %abs3A_1739 = math.absf %sub3A_1738 : vector<32xbf16>
        %unpack3A_1740 = tpu.unpack_subelements %abs3A_1737, 0 {pack_format = #tpu.pack_format<interleaved>} : vector<32xbf16> -> vector<16xf32>
        %unpack3A_1741 = tpu.unpack_subelements %abs3A_1737, 1 {pack_format = #tpu.pack_format<interleaved>} : vector<32xbf16> -> vector<16xf32>
        %unpack3A_1742 = tpu.unpack_subelements %abs3A_1739, 0 {pack_format = #tpu.pack_format<interleaved>} : vector<32xbf16> -> vector<16xf32>
        %unpack3A_1743 = tpu.unpack_subelements %abs3A_1739, 1 {pack_format = #tpu.pack_format<interleaved>} : vector<32xbf16> -> vector<16xf32>
        %add3A_1744 = arith.addf %unpack3A_1740, %unpack3A_1741 : vector<16xf32>
        %add3A_1745 = arith.addf %unpack3A_1742, %unpack3A_1743 : vector<16xf32>
        %add3A_1746 = arith.addf %add3A_1744, %add3A_1745 : vector<16xf32>
        %sub3A_1747 = arith.subf %get3A_530, %get3A_1525 : vector<32xbf16>
        %abs3A_1748 = math.absf %sub3A_1747 : vector<32xbf16>
        %sub3A_1749 = arith.subf %get3A_533, %get3A_1605 : vector<32xbf16>
        %abs3A_1750 = math.absf %sub3A_1749 : vector<32xbf16>
        %unpack3A_1751 = tpu.unpack_subelements %abs3A_1748, 0 {pack_format = #tpu.pack_format<interleaved>} : vector<32xbf16> -> vector<16xf32>
        %unpack3A_1752 = tpu.unpack_subelements %abs3A_1748, 1 {pack_format = #tpu.pack_format<interleaved>} : vector<32xbf16> -> vector<16xf32>
        %unpack3A_1753 = tpu.unpack_subelements %abs3A_1750, 0 {pack_format = #tpu.pack_format<interleaved>} : vector<32xbf16> -> vector<16xf32>
        %unpack3A_1754 = tpu.unpack_subelements %abs3A_1750, 1 {pack_format = #tpu.pack_format<interleaved>} : vector<32xbf16> -> vector<16xf32>
        %add3A_1755 = arith.addf %unpack3A_1751, %unpack3A_1752 : vector<16xf32>
        %add3A_1756 = arith.addf %unpack3A_1753, %unpack3A_1754 : vector<16xf32>
        %add3A_1757 = arith.addf %add3A_1755, %add3A_1756 : vector<16xf32>
        %sub3A_1758 = arith.subf %get3A_530, %get3A_1530 : vector<32xbf16>
        %abs3A_1759 = math.absf %sub3A_1758 : vector<32xbf16>
        %sub3A_1760 = arith.subf %get3A_533, %get3A_1610 : vector<32xbf16>
        %abs3A_1761 = math.absf %sub3A_1760 : vector<32xbf16>
        %unpack3A_1762 = tpu.unpack_subelements %abs3A_1759, 0 {pack_format = #tpu.pack_format<interleaved>} : vector<32xbf16> -> vector<16xf32>
        %unpack3A_1763 = tpu.unpack_subelements %abs3A_1759, 1 {pack_format = #tpu.pack_format<interleaved>} : vector<32xbf16> -> vector<16xf32>
        %unpack3A_1764 = tpu.unpack_subelements %abs3A_1761, 0 {pack_format = #tpu.pack_format<interleaved>} : vector<32xbf16> -> vector<16xf32>
        %unpack3A_1765 = tpu.unpack_subelements %abs3A_1761, 1 {pack_format = #tpu.pack_format<interleaved>} : vector<32xbf16> -> vector<16xf32>
        %add3A_1766 = arith.addf %unpack3A_1762, %unpack3A_1763 : vector<16xf32>
        %add3A_1767 = arith.addf %unpack3A_1764, %unpack3A_1765 : vector<16xf32>
        %add3A_1768 = arith.addf %add3A_1766, %add3A_1767 : vector<16xf32>
        %sub3A_1769 = arith.subf %get3A_530, %get3A_1535 : vector<32xbf16>
        %abs3A_1770 = math.absf %sub3A_1769 : vector<32xbf16>
        %sub3A_1771 = arith.subf %get3A_533, %get3A_1615 : vector<32xbf16>
        %abs3A_1772 = math.absf %sub3A_1771 : vector<32xbf16>
        %unpack3A_1773 = tpu.unpack_subelements %abs3A_1770, 0 {pack_format = #tpu.pack_format<interleaved>} : vector<32xbf16> -> vector<16xf32>
        %unpack3A_1774 = tpu.unpack_subelements %abs3A_1770, 1 {pack_format = #tpu.pack_format<interleaved>} : vector<32xbf16> -> vector<16xf32>
        %unpack3A_1775 = tpu.unpack_subelements %abs3A_1772, 0 {pack_format = #tpu.pack_format<interleaved>} : vector<32xbf16> -> vector<16xf32>
        %unpack3A_1776 = tpu.unpack_subelements %abs3A_1772, 1 {pack_format = #tpu.pack_format<interleaved>} : vector<32xbf16> -> vector<16xf32>
        %add3A_1777 = arith.addf %unpack3A_1773, %unpack3A_1774 : vector<16xf32>
        %add3A_1778 = arith.addf %unpack3A_1775, %unpack3A_1776 : vector<16xf32>
        %add3A_1779 = arith.addf %add3A_1777, %add3A_1778 : vector<16xf32>
        %sub3A_1780 = arith.subf %get3A_530, %get3A_1540 : vector<32xbf16>
        %abs3A_1781 = math.absf %sub3A_1780 : vector<32xbf16>
        %sub3A_1782 = arith.subf %get3A_533, %get3A_1620 : vector<32xbf16>
        %abs3A_1783 = math.absf %sub3A_1782 : vector<32xbf16>
        %unpack3A_1784 = tpu.unpack_subelements %abs3A_1781, 0 {pack_format = #tpu.pack_format<interleaved>} : vector<32xbf16> -> vector<16xf32>
        %unpack3A_1785 = tpu.unpack_subelements %abs3A_1781, 1 {pack_format = #tpu.pack_format<interleaved>} : vector<32xbf16> -> vector<16xf32>
        %unpack3A_1786 = tpu.unpack_subelements %abs3A_1783, 0 {pack_format = #tpu.pack_format<interleaved>} : vector<32xbf16> -> vector<16xf32>
        %unpack3A_1787 = tpu.unpack_subelements %abs3A_1783, 1 {pack_format = #tpu.pack_format<interleaved>} : vector<32xbf16> -> vector<16xf32>
        %add3A_1788 = arith.addf %unpack3A_1784, %unpack3A_1785 : vector<16xf32>
        %add3A_1789 = arith.addf %unpack3A_1786, %unpack3A_1787 : vector<16xf32>
        %add3A_1790 = arith.addf %add3A_1788, %add3A_1789 : vector<16xf32>
        %sub3A_1791 = arith.subf %get3A_530, %get3A_1545 : vector<32xbf16>
        %abs3A_1792 = math.absf %sub3A_1791 : vector<32xbf16>
        %sub3A_1793 = arith.subf %get3A_533, %get3A_1625 : vector<32xbf16>
        %abs3A_1794 = math.absf %sub3A_1793 : vector<32xbf16>
        %unpack3A_1795 = tpu.unpack_subelements %abs3A_1792, 0 {pack_format = #tpu.pack_format<interleaved>} : vector<32xbf16> -> vector<16xf32>
        %unpack3A_1796 = tpu.unpack_subelements %abs3A_1792, 1 {pack_format = #tpu.pack_format<interleaved>} : vector<32xbf16> -> vector<16xf32>
        %unpack3A_1797 = tpu.unpack_subelements %abs3A_1794, 0 {pack_format = #tpu.pack_format<interleaved>} : vector<32xbf16> -> vector<16xf32>
        %unpack3A_1798 = tpu.unpack_subelements %abs3A_1794, 1 {pack_format = #tpu.pack_format<interleaved>} : vector<32xbf16> -> vector<16xf32>
        %add3A_1799 = arith.addf %unpack3A_1795, %unpack3A_1796 : vector<16xf32>
        %add3A_1800 = arith.addf %unpack3A_1797, %unpack3A_1798 : vector<16xf32>
        %add3A_1801 = arith.addf %add3A_1799, %add3A_1800 : vector<16xf32>
        %mul3A_1802 = arith.constant 16 : i32
        %mul3A_1803 = vector.broadcast %mul3A_1802 : i32 to vector<16xi32>
        %mul3A_1804 = arith.muli %iota3A, %mul3A_1803 : vector<16xi32>
        %add3A_1805 = arith.constant 0 : i32
        %add3A_1806 = vector.broadcast %add3A_1805 : i32 to vector<16xi32>
        %add3A_1807 = arith.addi %mul3A_1804, %add3A_1806 : vector<16xi32>
        tpu.vector_store_idx %arg18[%add3A_1807], %add3A_1636 : memref<256xf32, #tpu.memory_space<vmem>>[vector<16xi32>], vector<16xf32>,
        %mul3A_1808 = arith.constant 16 : i32
        %mul3A_1809 = vector.broadcast %mul3A_1808 : i32 to vector<16xi32>
        %mul3A_1810 = arith.muli %iota3A, %mul3A_1809 : vector<16xi32>
        %add3A_1811 = arith.constant 1 : i32
        %add3A_1812 = vector.broadcast %add3A_1811 : i32 to vector<16xi32>
        %add3A_1813 = arith.addi %mul3A_1810, %add3A_1812 : vector<16xi32>
        tpu.vector_store_idx %arg18[%add3A_1813], %add3A_1647 : memref<256xf32, #tpu.memory_space<vmem>>[vector<16xi32>], vector<16xf32>,
        %mul3A_1814 = arith.constant 16 : i32
        %mul3A_1815 = vector.broadcast %mul3A_1814 : i32 to vector<16xi32>
        %mul3A_1816 = arith.muli %iota3A, %mul3A_1815 : vector<16xi32>
        %add3A_1817 = arith.constant 2 : i32
        %add3A_1818 = vector.broadcast %add3A_1817 : i32 to vector<16xi32>
        %add3A_1819 = arith.addi %mul3A_1816, %add3A_1818 : vector<16xi32>
        tpu.vector_store_idx %arg18[%add3A_1819], %add3A_1658 : memref<256xf32, #tpu.memory_space<vmem>>[vector<16xi32>], vector<16xf32>,
        %mul3A_1820 = arith.constant 16 : i32
        %mul3A_1821 = vector.broadcast %mul3A_1820 : i32 to vector<16xi32>
        %mul3A_1822 = arith.muli %iota3A, %mul3A_1821 : vector<16xi32>
        %add3A_1823 = arith.constant 3 : i32
        %add3A_1824 = vector.broadcast %add3A_1823 : i32 to vector<16xi32>
        %add3A_1825 = arith.addi %mul3A_1822, %add3A_1824 : vector<16xi32>
        tpu.vector_store_idx %arg18[%add3A_1825], %add3A_1669 : memref<256xf32, #tpu.memory_space<vmem>>[vector<16xi32>], vector<16xf32>,
        %mul3A_1826 = arith.constant 16 : i32
        %mul3A_1827 = vector.broadcast %mul3A_1826 : i32 to vector<16xi32>
        %mul3A_1828 = arith.muli %iota3A, %mul3A_1827 : vector<16xi32>
        %add3A_1829 = arith.constant 4 : i32
        %add3A_1830 = vector.broadcast %add3A_1829 : i32 to vector<16xi32>
        %add3A_1831 = arith.addi %mul3A_1828, %add3A_1830 : vector<16xi32>
        tpu.vector_store_idx %arg18[%add3A_1831], %add3A_1680 : memref<256xf32, #tpu.memory_space<vmem>>[vector<16xi32>], vector<16xf32>,
        %mul3A_1832 = arith.constant 16 : i32
        %mul3A_1833 = vector.broadcast %mul3A_1832 : i32 to vector<16xi32>
        %mul3A_1834 = arith.muli %iota3A, %mul3A_1833 : vector<16xi32>
        %add3A_1835 = arith.constant 5 : i32
        %add3A_1836 = vector.broadcast %add3A_1835 : i32 to vector<16xi32>
        %add3A_1837 = arith.addi %mul3A_1834, %add3A_1836 : vector<16xi32>
        tpu.vector_store_idx %arg18[%add3A_1837], %add3A_1691 : memref<256xf32, #tpu.memory_space<vmem>>[vector<16xi32>], vector<16xf32>,
        %mul3A_1838 = arith.constant 16 : i32
        %mul3A_1839 = vector.broadcast %mul3A_1838 : i32 to vector<16xi32>
        %mul3A_1840 = arith.muli %iota3A, %mul3A_1839 : vector<16xi32>
        %add3A_1841 = arith.constant 6 : i32
        %add3A_1842 = vector.broadcast %add3A_1841 : i32 to vector<16xi32>
        %add3A_1843 = arith.addi %mul3A_1840, %add3A_1842 : vector<16xi32>
        tpu.vector_store_idx %arg18[%add3A_1843], %add3A_1702 : memref<256xf32, #tpu.memory_space<vmem>>[vector<16xi32>], vector<16xf32>,
        %mul3A_1844 = arith.constant 16 : i32
        %mul3A_1845 = vector.broadcast %mul3A_1844 : i32 to vector<16xi32>
        %mul3A_1846 = arith.muli %iota3A, %mul3A_1845 : vector<16xi32>
        %add3A_1847 = arith.constant 7 : i32
        %add3A_1848 = vector.broadcast %add3A_1847 : i32 to vector<16xi32>
        %add3A_1849 = arith.addi %mul3A_1846, %add3A_1848 : vector<16xi32>
        tpu.vector_store_idx %arg18[%add3A_1849], %add3A_1713 : memref<256xf32, #tpu.memory_space<vmem>>[vector<16xi32>], vector<16xf32>,
        %mul3A_1850 = arith.constant 16 : i32
        %mul3A_1851 = vector.broadcast %mul3A_1850 : i32 to vector<16xi32>
        %mul3A_1852 = arith.muli %iota3A, %mul3A_1851 : vector<16xi32>
        %add3A_1853 = arith.constant 8 : i32
        %add3A_1854 = vector.broadcast %add3A_1853 : i32 to vector<16xi32>
        %add3A_1855 = arith.addi %mul3A_1852, %add3A_1854 : vector<16xi32>
        tpu.vector_store_idx %arg18[%add3A_1855], %add3A_1724 : memref<256xf32, #tpu.memory_space<vmem>>[vector<16xi32>], vector<16xf32>,
        %mul3A_1856 = arith.constant 16 : i32
        %mul3A_1857 = vector.broadcast %mul3A_1856 : i32 to vector<16xi32>
        %mul3A_1858 = arith.muli %iota3A, %mul3A_1857 : vector<16xi32>
        %add3A_1859 = arith.constant 9 : i32
        %add3A_1860 = vector.broadcast %add3A_1859 : i32 to vector<16xi32>
        %add3A_1861 = arith.addi %mul3A_1858, %add3A_1860 : vector<16xi32>
        tpu.vector_store_idx %arg18[%add3A_1861], %add3A_1735 : memref<256xf32, #tpu.memory_space<vmem>>[vector<16xi32>], vector<16xf32>,
        %mul3A_1862 = arith.constant 16 : i32
        %mul3A_1863 = vector.broadcast %mul3A_1862 : i32 to vector<16xi32>
        %mul3A_1864 = arith.muli %iota3A, %mul3A_1863 : vector<16xi32>
        %add3A_1865 = arith.constant 10 : i32
        %add3A_1866 = vector.broadcast %add3A_1865 : i32 to vector<16xi32>
        %add3A_1867 = arith.addi %mul3A_1864, %add3A_1866 : vector<16xi32>
        tpu.vector_store_idx %arg18[%add3A_1867], %add3A_1746 : memref<256xf32, #tpu.memory_space<vmem>>[vector<16xi32>], vector<16xf32>,
        %mul3A_1868 = arith.constant 16 : i32
        %mul3A_1869 = vector.broadcast %mul3A_1868 : i32 to vector<16xi32>
        %mul3A_1870 = arith.muli %iota3A, %mul3A_1869 : vector<16xi32>
        %add3A_1871 = arith.constant 11 : i32
        %add3A_1872 = vector.broadcast %add3A_1871 : i32 to vector<16xi32>
        %add3A_1873 = arith.addi %mul3A_1870, %add3A_1872 : vector<16xi32>
        tpu.vector_store_idx %arg18[%add3A_1873], %add3A_1757 : memref<256xf32, #tpu.memory_space<vmem>>[vector<16xi32>], vector<16xf32>,
        %mul3A_1874 = arith.constant 16 : i32
        %mul3A_1875 = vector.broadcast %mul3A_1874 : i32 to vector<16xi32>
        %mul3A_1876 = arith.muli %iota3A, %mul3A_1875 : vector<16xi32>
        %add3A_1877 = arith.constant 12 : i32
        %add3A_1878 = vector.broadcast %add3A_1877 : i32 to vector<16xi32>
        %add3A_1879 = arith.addi %mul3A_1876, %add3A_1878 : vector<16xi32>
        tpu.vector_store_idx %arg18[%add3A_1879], %add3A_1768 : memref<256xf32, #tpu.memory_space<vmem>>[vector<16xi32>], vector<16xf32>,
        %mul3A_1880 = arith.constant 16 : i32
        %mul3A_1881 = vector.broadcast %mul3A_1880 : i32 to vector<16xi32>
        %mul3A_1882 = arith.muli %iota3A, %mul3A_1881 : vector<16xi32>
        %add3A_1883 = arith.constant 13 : i32
        %add3A_1884 = vector.broadcast %add3A_1883 : i32 to vector<16xi32>
        %add3A_1885 = arith.addi %mul3A_1882, %add3A_1884 : vector<16xi32>
        tpu.vector_store_idx %arg18[%add3A_1885], %add3A_1779 : memref<256xf32, #tpu.memory_space<vmem>>[vector<16xi32>], vector<16xf32>,
        %mul3A_1886 = arith.constant 16 : i32
        %mul3A_1887 = vector.broadcast %mul3A_1886 : i32 to vector<16xi32>
        %mul3A_1888 = arith.muli %iota3A, %mul3A_1887 : vector<16xi32>
        %add3A_1889 = arith.constant 14 : i32
        %add3A_1890 = vector.broadcast %add3A_1889 : i32 to vector<16xi32>
        %add3A_1891 = arith.addi %mul3A_1888, %add3A_1890 : vector<16xi32>
        tpu.vector_store_idx %arg18[%add3A_1891], %add3A_1790 : memref<256xf32, #tpu.memory_space<vmem>>[vector<16xi32>], vector<16xf32>,
        %mul3A_1892 = arith.constant 16 : i32
        %mul3A_1893 = vector.broadcast %mul3A_1892 : i32 to vector<16xi32>
        %mul3A_1894 = arith.muli %iota3A, %mul3A_1893 : vector<16xi32>
        %add3A_1895 = arith.constant 15 : i32
        %add3A_1896 = vector.broadcast %add3A_1895 : i32 to vector<16xi32>
        %add3A_1897 = arith.addi %mul3A_1894, %add3A_1896 : vector<16xi32>
        tpu.vector_store_idx %arg18[%add3A_1897], %add3A_1801 : memref<256xf32, #tpu.memory_space<vmem>>[vector<16xi32>], vector<16xf32>,
        %get3A_1898 = arith.constant 0 : index
        %get3A_1899 = tpu.vector_load %arg18[%get3A_1898] {strides = array<i32>} : memref<256xf32, #tpu.memory_space<vmem>>, vector<16xf32>,
        %get3A_1900 = arith.constant 16 : index
        %get3A_1901 = tpu.vector_load %arg18[%get3A_1900] {strides = array<i32>} : memref<256xf32, #tpu.memory_space<vmem>>, vector<16xf32>,
        %get3A_1902 = arith.constant 32 : index
        %get3A_1903 = tpu.vector_load %arg18[%get3A_1902] {strides = array<i32>} : memref<256xf32, #tpu.memory_space<vmem>>, vector<16xf32>,
        %get3A_1904 = arith.constant 48 : index
        %get3A_1905 = tpu.vector_load %arg18[%get3A_1904] {strides = array<i32>} : memref<256xf32, #tpu.memory_space<vmem>>, vector<16xf32>,
        %get3A_1906 = arith.constant 64 : index
        %get3A_1907 = tpu.vector_load %arg18[%get3A_1906] {strides = array<i32>} : memref<256xf32, #tpu.memory_space<vmem>>, vector<16xf32>,
        %get3A_1908 = arith.constant 80 : index
        %get3A_1909 = tpu.vector_load %arg18[%get3A_1908] {strides = array<i32>} : memref<256xf32, #tpu.memory_space<vmem>>, vector<16xf32>,
        %get3A_1910 = arith.constant 96 : index
        %get3A_1911 = tpu.vector_load %arg18[%get3A_1910] {strides = array<i32>} : memref<256xf32, #tpu.memory_space<vmem>>, vector<16xf32>,
        %get3A_1912 = arith.constant 112 : index
        %get3A_1913 = tpu.vector_load %arg18[%get3A_1912] {strides = array<i32>} : memref<256xf32, #tpu.memory_space<vmem>>, vector<16xf32>,
        %get3A_1914 = arith.constant 128 : index
        %get3A_1915 = tpu.vector_load %arg18[%get3A_1914] {strides = array<i32>} : memref<256xf32, #tpu.memory_space<vmem>>, vector<16xf32>,
        %get3A_1916 = arith.constant 144 : index
        %get3A_1917 = tpu.vector_load %arg18[%get3A_1916] {strides = array<i32>} : memref<256xf32, #tpu.memory_space<vmem>>, vector<16xf32>,
        %get3A_1918 = arith.constant 160 : index
        %get3A_1919 = tpu.vector_load %arg18[%get3A_1918] {strides = array<i32>} : memref<256xf32, #tpu.memory_space<vmem>>, vector<16xf32>,
        %get3A_1920 = arith.constant 176 : index
        %get3A_1921 = tpu.vector_load %arg18[%get3A_1920] {strides = array<i32>} : memref<256xf32, #tpu.memory_space<vmem>>, vector<16xf32>,
        %get3A_1922 = arith.constant 192 : index
        %get3A_1923 = tpu.vector_load %arg18[%get3A_1922] {strides = array<i32>} : memref<256xf32, #tpu.memory_space<vmem>>, vector<16xf32>,
        %get3A_1924 = arith.constant 208 : index
        %get3A_1925 = tpu.vector_load %arg18[%get3A_1924] {strides = array<i32>} : memref<256xf32, #tpu.memory_space<vmem>>, vector<16xf32>,
        %get3A_1926 = arith.constant 224 : index
        %get3A_1927 = tpu.vector_load %arg18[%get3A_1926] {strides = array<i32>} : memref<256xf32, #tpu.memory_space<vmem>>, vector<16xf32>,
        %get3A_1928 = arith.constant 240 : index
        %get3A_1929 = tpu.vector_load %arg18[%get3A_1928] {strides = array<i32>} : memref<256xf32, #tpu.memory_space<vmem>>, vector<16xf32>,
        %add3A_1930 = arith.addf %get3A_1899, %get3A_1901 : vector<16xf32>
        %add3A_1931 = arith.addf %get3A_1903, %get3A_1905 : vector<16xf32>
        %add3A_1932 = arith.addf %get3A_1907, %get3A_1909 : vector<16xf32>
        %add3A_1933 = arith.addf %get3A_1911, %get3A_1913 : vector<16xf32>
        %add3A_1934 = arith.addf %get3A_1915, %get3A_1917 : vector<16xf32>
        %add3A_1935 = arith.addf %get3A_1919, %get3A_1921 : vector<16xf32>
        %add3A_1936 = arith.addf %get3A_1923, %get3A_1925 : vector<16xf32>
        %add3A_1937 = arith.addf %get3A_1927, %get3A_1929 : vector<16xf32>
        %add3A_1938 = arith.addf %add3A_1930, %add3A_1931 : vector<16xf32>
        %add3A_1939 = arith.addf %add3A_1932, %add3A_1933 : vector<16xf32>
        %add3A_1940 = arith.addf %add3A_1934, %add3A_1935 : vector<16xf32>
        %add3A_1941 = arith.addf %add3A_1936, %add3A_1937 : vector<16xf32>
        %add3A_1942 = arith.addf %add3A_1938, %add3A_1939 : vector<16xf32>
        %add3A_1943 = arith.addf %add3A_1940, %add3A_1941 : vector<16xf32>
        %add3A_1944 = arith.addf %add3A_1942, %add3A_1943 : vector<16xf32>
        %swap3A_1945 = arith.index_cast %add3A_1465 : i32 to index
        %swap3A_1946 = tpu.vector_load %arg16[%swap3A_1945] {strides = array<i32>} : memref<416xf32, #tpu.memory_space<vmem>>, vector<16xf32>,
        tpu.vector_store %arg16[%swap3A_1945], %add3A_1944 {strides = array<i32>} : memref<416xf32, #tpu.memory_space<vmem>>, vector<16xf32>,
        %scan3A_1947 = arith.constant 0 : i32
        scf.yield %scan3A_1947 : i32
      }
      %scan3A_540 = arith.constant 12 : i32
      %lt3A_541 = arith.constant 8 : i32
      %lt3A_542 = vector.broadcast %lt3A_541 : i32 to vector<16xi32>
      %lt3A_543 = arith.cmpi slt, %iota3A, %lt3A_542 : vector<16xi32>
      %get3A_544 = arith.constant 392 : i32
      %get3A_545 = arith.index_cast %get3A_544 : i32 to index
      %get3A_546 = arith.constant 0 : index
      %get3A_547 = tpu.vector_load %arg14[%get3A_545, %get3A_546] {strides = array<i32>} : memref<400x64xbf16, #tpu.memory_space<vmem>>, vector<32xbf16>,
      %get3A_548 = arith.constant 393 : i32
      %get3A_549 = arith.index_cast %get3A_548 : i32 to index
      %get3A_550 = arith.constant 0 : index
      %get3A_551 = tpu.vector_load %arg14[%get3A_549, %get3A_550] {strides = array<i32>} : memref<400x64xbf16, #tpu.memory_space<vmem>>, vector<32xbf16>,
      %get3A_552 = arith.constant 394 : i32
      %get3A_553 = arith.index_cast %get3A_552 : i32 to index
      %get3A_554 = arith.constant 0 : index
      %get3A_555 = tpu.vector_load %arg14[%get3A_553, %get3A_554] {strides = array<i32>} : memref<400x64xbf16, #tpu.memory_space<vmem>>, vector<32xbf16>,
      %get3A_556 = arith.constant 395 : i32
      %get3A_557 = arith.index_cast %get3A_556 : i32 to index
      %get3A_558 = arith.constant 0 : index
      %get3A_559 = tpu.vector_load %arg14[%get3A_557, %get3A_558] {strides = array<i32>} : memref<400x64xbf16, #tpu.memory_space<vmem>>, vector<32xbf16>,
      %get3A_560 = arith.constant 396 : i32
      %get3A_561 = arith.index_cast %get3A_560 : i32 to index
      %get3A_562 = arith.constant 0 : index
      %get3A_563 = tpu.vector_load %arg14[%get3A_561, %get3A_562] {strides = array<i32>} : memref<400x64xbf16, #tpu.memory_space<vmem>>, vector<32xbf16>,
      %get3A_564 = arith.constant 397 : i32
      %get3A_565 = arith.index_cast %get3A_564 : i32 to index
      %get3A_566 = arith.constant 0 : index
      %get3A_567 = tpu.vector_load %arg14[%get3A_565, %get3A_566] {strides = array<i32>} : memref<400x64xbf16, #tpu.memory_space<vmem>>, vector<32xbf16>,
      %get3A_568 = arith.constant 398 : i32
      %get3A_569 = arith.index_cast %get3A_568 : i32 to index
      %get3A_570 = arith.constant 0 : index
      %get3A_571 = tpu.vector_load %arg14[%get3A_569, %get3A_570] {strides = array<i32>} : memref<400x64xbf16, #tpu.memory_space<vmem>>, vector<32xbf16>,
      %get3A_572 = arith.constant 399 : i32
      %get3A_573 = arith.index_cast %get3A_572 : i32 to index
      %get3A_574 = arith.constant 0 : index
      %get3A_575 = tpu.vector_load %arg14[%get3A_573, %get3A_574] {strides = array<i32>} : memref<400x64xbf16, #tpu.memory_space<vmem>>, vector<32xbf16>,
      %get3A_576 = arith.constant 392 : i32
      %get3A_577 = arith.index_cast %get3A_576 : i32 to index
      %get3A_578 = arith.constant 32 : index
      %get3A_579 = tpu.vector_load %arg14[%get3A_577, %get3A_578] {strides = array<i32>} : memref<400x64xbf16, #tpu.memory_space<vmem>>, vector<32xbf16>,
      %get3A_580 = arith.constant 393 : i32
      %get3A_581 = arith.index_cast %get3A_580 : i32 to index
      %get3A_582 = arith.constant 32 : index
      %get3A_583 = tpu.vector_load %arg14[%get3A_581, %get3A_582] {strides = array<i32>} : memref<400x64xbf16, #tpu.memory_space<vmem>>, vector<32xbf16>,
      %get3A_584 = arith.constant 394 : i32
      %get3A_585 = arith.index_cast %get3A_584 : i32 to index
      %get3A_586 = arith.constant 32 : index
      %get3A_587 = tpu.vector_load %arg14[%get3A_585, %get3A_586] {strides = array<i32>} : memref<400x64xbf16, #tpu.memory_space<vmem>>, vector<32xbf16>,
      %get3A_588 = arith.constant 395 : i32
      %get3A_589 = arith.index_cast %get3A_588 : i32 to index
      %get3A_590 = arith.constant 32 : index
      %get3A_591 = tpu.vector_load %arg14[%get3A_589, %get3A_590] {strides = array<i32>} : memref<400x64xbf16, #tpu.memory_space<vmem>>, vector<32xbf16>,
      %get3A_592 = arith.constant 396 : i32
      %get3A_593 = arith.index_cast %get3A_592 : i32 to index
      %get3A_594 = arith.constant 32 : index
      %get3A_595 = tpu.vector_load %arg14[%get3A_593, %get3A_594] {strides = array<i32>} : memref<400x64xbf16, #tpu.memory_space<vmem>>, vector<32xbf16>,
      %get3A_596 = arith.constant 397 : i32
      %get3A_597 = arith.index_cast %get3A_596 : i32 to index
      %get3A_598 = arith.constant 32 : index
      %get3A_599 = tpu.vector_load %arg14[%get3A_597, %get3A_598] {strides = array<i32>} : memref<400x64xbf16, #tpu.memory_space<vmem>>, vector<32xbf16>,
      %get3A_600 = arith.constant 398 : i32
      %get3A_601 = arith.index_cast %get3A_600 : i32 to index
      %get3A_602 = arith.constant 32 : index
      %get3A_603 = tpu.vector_load %arg14[%get3A_601, %get3A_602] {strides = array<i32>} : memref<400x64xbf16, #tpu.memory_space<vmem>>, vector<32xbf16>,
      %get3A_604 = arith.constant 399 : i32
      %get3A_605 = arith.index_cast %get3A_604 : i32 to index
      %get3A_606 = arith.constant 32 : index
      %get3A_607 = tpu.vector_load %arg14[%get3A_605, %get3A_606] {strides = array<i32>} : memref<400x64xbf16, #tpu.memory_space<vmem>>, vector<32xbf16>,
      %sub3A_608 = arith.subf %get3A_530, %get3A_547 : vector<32xbf16>
      %abs3A_609 = math.absf %sub3A_608 : vector<32xbf16>
      %sub3A_610 = arith.subf %get3A_533, %get3A_579 : vector<32xbf16>
      %abs3A_611 = math.absf %sub3A_610 : vector<32xbf16>
      %unpack3A_612 = tpu.unpack_subelements %abs3A_609, 0 {pack_format = #tpu.pack_format<interleaved>} : vector<32xbf16> -> vector<16xf32>
      %unpack3A_613 = tpu.unpack_subelements %abs3A_609, 1 {pack_format = #tpu.pack_format<interleaved>} : vector<32xbf16> -> vector<16xf32>
      %unpack3A_614 = tpu.unpack_subelements %abs3A_611, 0 {pack_format = #tpu.pack_format<interleaved>} : vector<32xbf16> -> vector<16xf32>
      %unpack3A_615 = tpu.unpack_subelements %abs3A_611, 1 {pack_format = #tpu.pack_format<interleaved>} : vector<32xbf16> -> vector<16xf32>
      %add3A_616 = arith.addf %unpack3A_612, %unpack3A_613 : vector<16xf32>
      %add3A_617 = arith.addf %unpack3A_614, %unpack3A_615 : vector<16xf32>
      %add3A_618 = arith.addf %add3A_616, %add3A_617 : vector<16xf32>
      %sub3A_619 = arith.subf %get3A_530, %get3A_551 : vector<32xbf16>
      %abs3A_620 = math.absf %sub3A_619 : vector<32xbf16>
      %sub3A_621 = arith.subf %get3A_533, %get3A_583 : vector<32xbf16>
      %abs3A_622 = math.absf %sub3A_621 : vector<32xbf16>
      %unpack3A_623 = tpu.unpack_subelements %abs3A_620, 0 {pack_format = #tpu.pack_format<interleaved>} : vector<32xbf16> -> vector<16xf32>
      %unpack3A_624 = tpu.unpack_subelements %abs3A_620, 1 {pack_format = #tpu.pack_format<interleaved>} : vector<32xbf16> -> vector<16xf32>
      %unpack3A_625 = tpu.unpack_subelements %abs3A_622, 0 {pack_format = #tpu.pack_format<interleaved>} : vector<32xbf16> -> vector<16xf32>
      %unpack3A_626 = tpu.unpack_subelements %abs3A_622, 1 {pack_format = #tpu.pack_format<interleaved>} : vector<32xbf16> -> vector<16xf32>
      %add3A_627 = arith.addf %unpack3A_623, %unpack3A_624 : vector<16xf32>
      %add3A_628 = arith.addf %unpack3A_625, %unpack3A_626 : vector<16xf32>
      %add3A_629 = arith.addf %add3A_627, %add3A_628 : vector<16xf32>
      %sub3A_630 = arith.subf %get3A_530, %get3A_555 : vector<32xbf16>
      %abs3A_631 = math.absf %sub3A_630 : vector<32xbf16>
      %sub3A_632 = arith.subf %get3A_533, %get3A_587 : vector<32xbf16>
      %abs3A_633 = math.absf %sub3A_632 : vector<32xbf16>
      %unpack3A_634 = tpu.unpack_subelements %abs3A_631, 0 {pack_format = #tpu.pack_format<interleaved>} : vector<32xbf16> -> vector<16xf32>
      %unpack3A_635 = tpu.unpack_subelements %abs3A_631, 1 {pack_format = #tpu.pack_format<interleaved>} : vector<32xbf16> -> vector<16xf32>
      %unpack3A_636 = tpu.unpack_subelements %abs3A_633, 0 {pack_format = #tpu.pack_format<interleaved>} : vector<32xbf16> -> vector<16xf32>
      %unpack3A_637 = tpu.unpack_subelements %abs3A_633, 1 {pack_format = #tpu.pack_format<interleaved>} : vector<32xbf16> -> vector<16xf32>
      %add3A_638 = arith.addf %unpack3A_634, %unpack3A_635 : vector<16xf32>
      %add3A_639 = arith.addf %unpack3A_636, %unpack3A_637 : vector<16xf32>
      %add3A_640 = arith.addf %add3A_638, %add3A_639 : vector<16xf32>
      %sub3A_641 = arith.subf %get3A_530, %get3A_559 : vector<32xbf16>
      %abs3A_642 = math.absf %sub3A_641 : vector<32xbf16>
      %sub3A_643 = arith.subf %get3A_533, %get3A_591 : vector<32xbf16>
      %abs3A_644 = math.absf %sub3A_643 : vector<32xbf16>
      %unpack3A_645 = tpu.unpack_subelements %abs3A_642, 0 {pack_format = #tpu.pack_format<interleaved>} : vector<32xbf16> -> vector<16xf32>
      %unpack3A_646 = tpu.unpack_subelements %abs3A_642, 1 {pack_format = #tpu.pack_format<interleaved>} : vector<32xbf16> -> vector<16xf32>
      %unpack3A_647 = tpu.unpack_subelements %abs3A_644, 0 {pack_format = #tpu.pack_format<interleaved>} : vector<32xbf16> -> vector<16xf32>
      %unpack3A_648 = tpu.unpack_subelements %abs3A_644, 1 {pack_format = #tpu.pack_format<interleaved>} : vector<32xbf16> -> vector<16xf32>
      %add3A_649 = arith.addf %unpack3A_645, %unpack3A_646 : vector<16xf32>
      %add3A_650 = arith.addf %unpack3A_647, %unpack3A_648 : vector<16xf32>
      %add3A_651 = arith.addf %add3A_649, %add3A_650 : vector<16xf32>
      %sub3A_652 = arith.subf %get3A_530, %get3A_563 : vector<32xbf16>
      %abs3A_653 = math.absf %sub3A_652 : vector<32xbf16>
      %sub3A_654 = arith.subf %get3A_533, %get3A_595 : vector<32xbf16>
      %abs3A_655 = math.absf %sub3A_654 : vector<32xbf16>
      %unpack3A_656 = tpu.unpack_subelements %abs3A_653, 0 {pack_format = #tpu.pack_format<interleaved>} : vector<32xbf16> -> vector<16xf32>
      %unpack3A_657 = tpu.unpack_subelements %abs3A_653, 1 {pack_format = #tpu.pack_format<interleaved>} : vector<32xbf16> -> vector<16xf32>
      %unpack3A_658 = tpu.unpack_subelements %abs3A_655, 0 {pack_format = #tpu.pack_format<interleaved>} : vector<32xbf16> -> vector<16xf32>
      %unpack3A_659 = tpu.unpack_subelements %abs3A_655, 1 {pack_format = #tpu.pack_format<interleaved>} : vector<32xbf16> -> vector<16xf32>
      %add3A_660 = arith.addf %unpack3A_656, %unpack3A_657 : vector<16xf32>
      %add3A_661 = arith.addf %unpack3A_658, %unpack3A_659 : vector<16xf32>
      %add3A_662 = arith.addf %add3A_660, %add3A_661 : vector<16xf32>
      %sub3A_663 = arith.subf %get3A_530, %get3A_567 : vector<32xbf16>
      %abs3A_664 = math.absf %sub3A_663 : vector<32xbf16>
      %sub3A_665 = arith.subf %get3A_533, %get3A_599 : vector<32xbf16>
      %abs3A_666 = math.absf %sub3A_665 : vector<32xbf16>
      %unpack3A_667 = tpu.unpack_subelements %abs3A_664, 0 {pack_format = #tpu.pack_format<interleaved>} : vector<32xbf16> -> vector<16xf32>
      %unpack3A_668 = tpu.unpack_subelements %abs3A_664, 1 {pack_format = #tpu.pack_format<interleaved>} : vector<32xbf16> -> vector<16xf32>
      %unpack3A_669 = tpu.unpack_subelements %abs3A_666, 0 {pack_format = #tpu.pack_format<interleaved>} : vector<32xbf16> -> vector<16xf32>
      %unpack3A_670 = tpu.unpack_subelements %abs3A_666, 1 {pack_format = #tpu.pack_format<interleaved>} : vector<32xbf16> -> vector<16xf32>
      %add3A_671 = arith.addf %unpack3A_667, %unpack3A_668 : vector<16xf32>
      %add3A_672 = arith.addf %unpack3A_669, %unpack3A_670 : vector<16xf32>
      %add3A_673 = arith.addf %add3A_671, %add3A_672 : vector<16xf32>
      %sub3A_674 = arith.subf %get3A_530, %get3A_571 : vector<32xbf16>
      %abs3A_675 = math.absf %sub3A_674 : vector<32xbf16>
      %sub3A_676 = arith.subf %get3A_533, %get3A_603 : vector<32xbf16>
      %abs3A_677 = math.absf %sub3A_676 : vector<32xbf16>
      %unpack3A_678 = tpu.unpack_subelements %abs3A_675, 0 {pack_format = #tpu.pack_format<interleaved>} : vector<32xbf16> -> vector<16xf32>
      %unpack3A_679 = tpu.unpack_subelements %abs3A_675, 1 {pack_format = #tpu.pack_format<interleaved>} : vector<32xbf16> -> vector<16xf32>
      %unpack3A_680 = tpu.unpack_subelements %abs3A_677, 0 {pack_format = #tpu.pack_format<interleaved>} : vector<32xbf16> -> vector<16xf32>
      %unpack3A_681 = tpu.unpack_subelements %abs3A_677, 1 {pack_format = #tpu.pack_format<interleaved>} : vector<32xbf16> -> vector<16xf32>
      %add3A_682 = arith.addf %unpack3A_678, %unpack3A_679 : vector<16xf32>
      %add3A_683 = arith.addf %unpack3A_680, %unpack3A_681 : vector<16xf32>
      %add3A_684 = arith.addf %add3A_682, %add3A_683 : vector<16xf32>
      %sub3A_685 = arith.subf %get3A_530, %get3A_575 : vector<32xbf16>
      %abs3A_686 = math.absf %sub3A_685 : vector<32xbf16>
      %sub3A_687 = arith.subf %get3A_533, %get3A_607 : vector<32xbf16>
      %abs3A_688 = math.absf %sub3A_687 : vector<32xbf16>
      %unpack3A_689 = tpu.unpack_subelements %abs3A_686, 0 {pack_format = #tpu.pack_format<interleaved>} : vector<32xbf16> -> vector<16xf32>
      %unpack3A_690 = tpu.unpack_subelements %abs3A_686, 1 {pack_format = #tpu.pack_format<interleaved>} : vector<32xbf16> -> vector<16xf32>
      %unpack3A_691 = tpu.unpack_subelements %abs3A_688, 0 {pack_format = #tpu.pack_format<interleaved>} : vector<32xbf16> -> vector<16xf32>
      %unpack3A_692 = tpu.unpack_subelements %abs3A_688, 1 {pack_format = #tpu.pack_format<interleaved>} : vector<32xbf16> -> vector<16xf32>
      %add3A_693 = arith.addf %unpack3A_689, %unpack3A_690 : vector<16xf32>
      %add3A_694 = arith.addf %unpack3A_691, %unpack3A_692 : vector<16xf32>
      %add3A_695 = arith.addf %add3A_693, %add3A_694 : vector<16xf32>
      %mul3A_696 = arith.constant 16 : i32
      %mul3A_697 = vector.broadcast %mul3A_696 : i32 to vector<16xi32>
      %mul3A_698 = arith.muli %iota3A, %mul3A_697 : vector<16xi32>
      %add3A_699 = arith.constant 0 : i32
      %add3A_700 = vector.broadcast %add3A_699 : i32 to vector<16xi32>
      %add3A_701 = arith.addi %mul3A_698, %add3A_700 : vector<16xi32>
      tpu.vector_store_idx %arg18[%add3A_701], %add3A_618 : memref<256xf32, #tpu.memory_space<vmem>>[vector<16xi32>], vector<16xf32>,
      %mul3A_702 = arith.constant 16 : i32
      %mul3A_703 = vector.broadcast %mul3A_702 : i32 to vector<16xi32>
      %mul3A_704 = arith.muli %iota3A, %mul3A_703 : vector<16xi32>
      %add3A_705 = arith.constant 1 : i32
      %add3A_706 = vector.broadcast %add3A_705 : i32 to vector<16xi32>
      %add3A_707 = arith.addi %mul3A_704, %add3A_706 : vector<16xi32>
      tpu.vector_store_idx %arg18[%add3A_707], %add3A_629 : memref<256xf32, #tpu.memory_space<vmem>>[vector<16xi32>], vector<16xf32>,
      %mul3A_708 = arith.constant 16 : i32
      %mul3A_709 = vector.broadcast %mul3A_708 : i32 to vector<16xi32>
      %mul3A_710 = arith.muli %iota3A, %mul3A_709 : vector<16xi32>
      %add3A_711 = arith.constant 2 : i32
      %add3A_712 = vector.broadcast %add3A_711 : i32 to vector<16xi32>
      %add3A_713 = arith.addi %mul3A_710, %add3A_712 : vector<16xi32>
      tpu.vector_store_idx %arg18[%add3A_713], %add3A_640 : memref<256xf32, #tpu.memory_space<vmem>>[vector<16xi32>], vector<16xf32>,
      %mul3A_714 = arith.constant 16 : i32
      %mul3A_715 = vector.broadcast %mul3A_714 : i32 to vector<16xi32>
      %mul3A_716 = arith.muli %iota3A, %mul3A_715 : vector<16xi32>
      %add3A_717 = arith.constant 3 : i32
      %add3A_718 = vector.broadcast %add3A_717 : i32 to vector<16xi32>
      %add3A_719 = arith.addi %mul3A_716, %add3A_718 : vector<16xi32>
      tpu.vector_store_idx %arg18[%add3A_719], %add3A_651 : memref<256xf32, #tpu.memory_space<vmem>>[vector<16xi32>], vector<16xf32>,
      %mul3A_720 = arith.constant 16 : i32
      %mul3A_721 = vector.broadcast %mul3A_720 : i32 to vector<16xi32>
      %mul3A_722 = arith.muli %iota3A, %mul3A_721 : vector<16xi32>
      %add3A_723 = arith.constant 4 : i32
      %add3A_724 = vector.broadcast %add3A_723 : i32 to vector<16xi32>
      %add3A_725 = arith.addi %mul3A_722, %add3A_724 : vector<16xi32>
      tpu.vector_store_idx %arg18[%add3A_725], %add3A_662 : memref<256xf32, #tpu.memory_space<vmem>>[vector<16xi32>], vector<16xf32>,
      %mul3A_726 = arith.constant 16 : i32
      %mul3A_727 = vector.broadcast %mul3A_726 : i32 to vector<16xi32>
      %mul3A_728 = arith.muli %iota3A, %mul3A_727 : vector<16xi32>
      %add3A_729 = arith.constant 5 : i32
      %add3A_730 = vector.broadcast %add3A_729 : i32 to vector<16xi32>
      %add3A_731 = arith.addi %mul3A_728, %add3A_730 : vector<16xi32>
      tpu.vector_store_idx %arg18[%add3A_731], %add3A_673 : memref<256xf32, #tpu.memory_space<vmem>>[vector<16xi32>], vector<16xf32>,
      %mul3A_732 = arith.constant 16 : i32
      %mul3A_733 = vector.broadcast %mul3A_732 : i32 to vector<16xi32>
      %mul3A_734 = arith.muli %iota3A, %mul3A_733 : vector<16xi32>
      %add3A_735 = arith.constant 6 : i32
      %add3A_736 = vector.broadcast %add3A_735 : i32 to vector<16xi32>
      %add3A_737 = arith.addi %mul3A_734, %add3A_736 : vector<16xi32>
      tpu.vector_store_idx %arg18[%add3A_737], %add3A_684 : memref<256xf32, #tpu.memory_space<vmem>>[vector<16xi32>], vector<16xf32>,
      %mul3A_738 = arith.constant 16 : i32
      %mul3A_739 = vector.broadcast %mul3A_738 : i32 to vector<16xi32>
      %mul3A_740 = arith.muli %iota3A, %mul3A_739 : vector<16xi32>
      %add3A_741 = arith.constant 7 : i32
      %add3A_742 = vector.broadcast %add3A_741 : i32 to vector<16xi32>
      %add3A_743 = arith.addi %mul3A_740, %add3A_742 : vector<16xi32>
      tpu.vector_store_idx %arg18[%add3A_743], %add3A_695 : memref<256xf32, #tpu.memory_space<vmem>>[vector<16xi32>], vector<16xf32>,
      %get3A_744 = arith.constant 0 : index
      %get3A_745 = tpu.vector_load %arg18[%get3A_744] {strides = array<i32>} : memref<256xf32, #tpu.memory_space<vmem>>, vector<16xf32>,
      %get3A_746 = arith.constant 16 : index
      %get3A_747 = tpu.vector_load %arg18[%get3A_746] {strides = array<i32>} : memref<256xf32, #tpu.memory_space<vmem>>, vector<16xf32>,
      %get3A_748 = arith.constant 32 : index
      %get3A_749 = tpu.vector_load %arg18[%get3A_748] {strides = array<i32>} : memref<256xf32, #tpu.memory_space<vmem>>, vector<16xf32>,
      %get3A_750 = arith.constant 48 : index
      %get3A_751 = tpu.vector_load %arg18[%get3A_750] {strides = array<i32>} : memref<256xf32, #tpu.memory_space<vmem>>, vector<16xf32>,
      %get3A_752 = arith.constant 64 : index
      %get3A_753 = tpu.vector_load %arg18[%get3A_752] {strides = array<i32>} : memref<256xf32, #tpu.memory_space<vmem>>, vector<16xf32>,
      %get3A_754 = arith.constant 80 : index
      %get3A_755 = tpu.vector_load %arg18[%get3A_754] {strides = array<i32>} : memref<256xf32, #tpu.memory_space<vmem>>, vector<16xf32>,
      %get3A_756 = arith.constant 96 : index
      %get3A_757 = tpu.vector_load %arg18[%get3A_756] {strides = array<i32>} : memref<256xf32, #tpu.memory_space<vmem>>, vector<16xf32>,
      %get3A_758 = arith.constant 112 : index
      %get3A_759 = tpu.vector_load %arg18[%get3A_758] {strides = array<i32>} : memref<256xf32, #tpu.memory_space<vmem>>, vector<16xf32>,
      %get3A_760 = arith.constant 128 : index
      %get3A_761 = tpu.vector_load %arg18[%get3A_760] {strides = array<i32>} : memref<256xf32, #tpu.memory_space<vmem>>, vector<16xf32>,
      %get3A_762 = arith.constant 144 : index
      %get3A_763 = tpu.vector_load %arg18[%get3A_762] {strides = array<i32>} : memref<256xf32, #tpu.memory_space<vmem>>, vector<16xf32>,
      %get3A_764 = arith.constant 160 : index
      %get3A_765 = tpu.vector_load %arg18[%get3A_764] {strides = array<i32>} : memref<256xf32, #tpu.memory_space<vmem>>, vector<16xf32>,
      %get3A_766 = arith.constant 176 : index
      %get3A_767 = tpu.vector_load %arg18[%get3A_766] {strides = array<i32>} : memref<256xf32, #tpu.memory_space<vmem>>, vector<16xf32>,
      %get3A_768 = arith.constant 192 : index
      %get3A_769 = tpu.vector_load %arg18[%get3A_768] {strides = array<i32>} : memref<256xf32, #tpu.memory_space<vmem>>, vector<16xf32>,
      %get3A_770 = arith.constant 208 : index
      %get3A_771 = tpu.vector_load %arg18[%get3A_770] {strides = array<i32>} : memref<256xf32, #tpu.memory_space<vmem>>, vector<16xf32>,
      %get3A_772 = arith.constant 224 : index
      %get3A_773 = tpu.vector_load %arg18[%get3A_772] {strides = array<i32>} : memref<256xf32, #tpu.memory_space<vmem>>, vector<16xf32>,
      %get3A_774 = arith.constant 240 : index
      %get3A_775 = tpu.vector_load %arg18[%get3A_774] {strides = array<i32>} : memref<256xf32, #tpu.memory_space<vmem>>, vector<16xf32>,
      %add3A_776 = arith.addf %get3A_745, %get3A_747 : vector<16xf32>
      %add3A_777 = arith.addf %get3A_749, %get3A_751 : vector<16xf32>
      %add3A_778 = arith.addf %get3A_753, %get3A_755 : vector<16xf32>
      %add3A_779 = arith.addf %get3A_757, %get3A_759 : vector<16xf32>
      %add3A_780 = arith.addf %get3A_761, %get3A_763 : vector<16xf32>
      %add3A_781 = arith.addf %get3A_765, %get3A_767 : vector<16xf32>
      %add3A_782 = arith.addf %get3A_769, %get3A_771 : vector<16xf32>
      %add3A_783 = arith.addf %get3A_773, %get3A_775 : vector<16xf32>
      %add3A_784 = arith.addf %add3A_776, %add3A_777 : vector<16xf32>
      %add3A_785 = arith.addf %add3A_778, %add3A_779 : vector<16xf32>
      %add3A_786 = arith.addf %add3A_780, %add3A_781 : vector<16xf32>
      %add3A_787 = arith.addf %add3A_782, %add3A_783 : vector<16xf32>
      %add3A_788 = arith.addf %add3A_784, %add3A_785 : vector<16xf32>
      %add3A_789 = arith.addf %add3A_786, %add3A_787 : vector<16xf32>
      %add3A_790 = arith.addf %add3A_788, %add3A_789 : vector<16xf32>
      %swap3A_791 = arith.constant 392 : index
      %swap3A_792 = tpu.vector_load %arg16[%swap3A_791] masked %lt3A_543 {strides = array<i32>} : memref<416xf32, #tpu.memory_space<vmem>>, vector<16xf32>, vector<16xi1>
      tpu.vector_store %arg16[%swap3A_791], %add3A_790 masked %lt3A_543 {strides = array<i32>} : memref<416xf32, #tpu.memory_space<vmem>>, vector<16xf32>, vector<16xi1>
      %mul3A_793 = arith.constant 2 : i32
      %mul3A_794 = arith.muli %mul3A_153, %mul3A_793 : i32
      %add3A_795 = arith.addi %mul3A_2, %mul3A_794 : i32
      %mul3A_796 = arith.constant 200 : i32
      %mul3A_797 = arith.muli %add3A_795, %mul3A_796 : i32
      %dma_start3A_798 = arith.constant 0 : i32
      %dma_start3A_799 = tpu.memref_slice %arg16[%dma_start3A_798] : memref<416xf32, #tpu.memory_space<vmem>> -> memref<400xf32, #tpu.memory_space<vmem>>
      %dma_start3A_800 = tpu.memref_slice %arg7[%mul3A_797] : memref<819200xf32, #tpu.memory_space<hbm>> -> memref<400xf32, #tpu.memory_space<hbm>>
      %dma_start3A_801 = tpu.memref_slice %arg7[%mul3A_797] : memref<819200xf32, #tpu.memory_space<hbm>> -> memref<400xf32, #tpu.memory_space<hbm>>
      %dma_start3A_802 = arith.constant 0 : i32
      %dma_start3A_803 = tpu.memref_slice %arg16[%dma_start3A_802] : memref<416xf32, #tpu.memory_space<vmem>> -> memref<400xf32, #tpu.memory_space<vmem>>
      tpu.enqueue_dma source(%dma_start3A_803 : memref<400xf32, #tpu.memory_space<vmem>>) target(%dma_start3A_801 : memref<400xf32, #tpu.memory_space<hbm>>) target_semaphore(%arg24 : memref<!tpu.dma_semaphore, #tpu.memory_space<semaphore_mem>>)
      %mul3A_804 = arith.constant 2 : i32
      %mul3A_805 = arith.muli %select_n3A, %mul3A_804 : i32
      %add3A_806 = arith.addi %mul3A_2, %mul3A_805 : i32
      %mul3A_807 = arith.constant 200 : i32
      %mul3A_808 = arith.muli %add3A_806, %mul3A_807 : i32
      %dma_wait3A_809 = tpu.memref_slice %arg2[%mul3A_808] : memref<819200xi32, #tpu.memory_space<hbm>> -> memref<400xi32, #tpu.memory_space<hbm>>
      %dma_wait3A_810 = tpu.memref_slice %arg2[%mul3A_808] : memref<819200xi32, #tpu.memory_space<hbm>> -> memref<400xi32, #tpu.memory_space<hbm>>
      tpu.wait_dma2 semaphore(%arg22 : memref<!tpu.dma_semaphore, #tpu.memory_space<semaphore_mem>>) src(%dma_wait3A_810 : memref<400xi32, #tpu.memory_space<hbm>>) dst(%arg12 : memref<400xi32, #tpu.memory_space<vmem>>)
      %dma_start3A_811 = arith.constant 0 : i32
      %dma_start3A_812 = arith.constant 0 : i32
      %dma_start3A_813 = tpu.memref_slice %arg14[%dma_start3A_811, %dma_start3A_812] : memref<400x64xbf16, #tpu.memory_space<vmem>> -> memref<80x64xbf16, #tpu.memory_space<vmem>>
      %dma_start3A_814 = arith.constant 0 : i32
      %dma_start3A_815 = tpu.memref_slice %arg12[%dma_start3A_814] : memref<400xi32, #tpu.memory_space<vmem>> -> memref<80xi32, #tpu.memory_space<vmem>>
      %dma_start3A_816 = arith.constant 0 : i32
      %dma_start3A_817 = arith.constant 0 : i32
      %dma_start3A_818 = tpu.memref_slice %arg5[%dma_start3A_816, %dma_start3A_817] : memref<100000x64xbf16, #tpu.memory_space<hbm>> -> memref<100000x64xbf16, #tpu.memory_space<hbm>>
      tpu.enqueue_indirect_dma source(%dma_start3A_818 : memref<100000x64xbf16, #tpu.memory_space<hbm>>) target(%dma_start3A_813 : memref<80x64xbf16, #tpu.memory_space<vmem>>) offsets(%dma_start3A_815 : memref<80xi32, #tpu.memory_space<vmem>>) semaphore(%arg20 : memref<!tpu.dma_semaphore, #tpu.memory_space<semaphore_mem>>)
      %dma_start3A_819 = arith.constant 80 : i32
      %dma_start3A_820 = arith.constant 0 : i32
      %dma_start3A_821 = tpu.memref_slice %arg14[%dma_start3A_819, %dma_start3A_820] : memref<400x64xbf16, #tpu.memory_space<vmem>> -> memref<80x64xbf16, #tpu.memory_space<vmem>>
      %dma_start3A_822 = arith.constant 80 : i32
      %dma_start3A_823 = tpu.memref_slice %arg12[%dma_start3A_822] : memref<400xi32, #tpu.memory_space<vmem>> -> memref<80xi32, #tpu.memory_space<vmem>>
      %dma_start3A_824 = arith.constant 0 : i32
      %dma_start3A_825 = arith.constant 0 : i32
      %dma_start3A_826 = tpu.memref_slice %arg5[%dma_start3A_824, %dma_start3A_825] : memref<100000x64xbf16, #tpu.memory_space<hbm>> -> memref<100000x64xbf16, #tpu.memory_space<hbm>>
      tpu.enqueue_indirect_dma source(%dma_start3A_826 : memref<100000x64xbf16, #tpu.memory_space<hbm>>) target(%dma_start3A_821 : memref<80x64xbf16, #tpu.memory_space<vmem>>) offsets(%dma_start3A_823 : memref<80xi32, #tpu.memory_space<vmem>>) semaphore(%arg20 : memref<!tpu.dma_semaphore, #tpu.memory_space<semaphore_mem>>)
      %dma_start3A_827 = arith.constant 160 : i32
      %dma_start3A_828 = arith.constant 0 : i32
      %dma_start3A_829 = tpu.memref_slice %arg14[%dma_start3A_827, %dma_start3A_828] : memref<400x64xbf16, #tpu.memory_space<vmem>> -> memref<80x64xbf16, #tpu.memory_space<vmem>>
      %dma_start3A_830 = arith.constant 160 : i32
      %dma_start3A_831 = tpu.memref_slice %arg12[%dma_start3A_830] : memref<400xi32, #tpu.memory_space<vmem>> -> memref<80xi32, #tpu.memory_space<vmem>>
      %dma_start3A_832 = arith.constant 0 : i32
      %dma_start3A_833 = arith.constant 0 : i32
      %dma_start3A_834 = tpu.memref_slice %arg5[%dma_start3A_832, %dma_start3A_833] : memref<100000x64xbf16, #tpu.memory_space<hbm>> -> memref<100000x64xbf16, #tpu.memory_space<hbm>>
      tpu.enqueue_indirect_dma source(%dma_start3A_834 : memref<100000x64xbf16, #tpu.memory_space<hbm>>) target(%dma_start3A_829 : memref<80x64xbf16, #tpu.memory_space<vmem>>) offsets(%dma_start3A_831 : memref<80xi32, #tpu.memory_space<vmem>>) semaphore(%arg20 : memref<!tpu.dma_semaphore, #tpu.memory_space<semaphore_mem>>)
      %dma_start3A_835 = arith.constant 240 : i32
      %dma_start3A_836 = arith.constant 0 : i32
      %dma_start3A_837 = tpu.memref_slice %arg14[%dma_start3A_835, %dma_start3A_836] : memref<400x64xbf16, #tpu.memory_space<vmem>> -> memref<80x64xbf16, #tpu.memory_space<vmem>>
      %dma_start3A_838 = arith.constant 240 : i32
      %dma_start3A_839 = tpu.memref_slice %arg12[%dma_start3A_838] : memref<400xi32, #tpu.memory_space<vmem>> -> memref<80xi32, #tpu.memory_space<vmem>>
      %dma_start3A_840 = arith.constant 0 : i32
      %dma_start3A_841 = arith.constant 0 : i32
      %dma_start3A_842 = tpu.memref_slice %arg5[%dma_start3A_840, %dma_start3A_841] : memref<100000x64xbf16, #tpu.memory_space<hbm>> -> memref<100000x64xbf16, #tpu.memory_space<hbm>>
      tpu.enqueue_indirect_dma source(%dma_start3A_842 : memref<100000x64xbf16, #tpu.memory_space<hbm>>) target(%dma_start3A_837 : memref<80x64xbf16, #tpu.memory_space<vmem>>) offsets(%dma_start3A_839 : memref<80xi32, #tpu.memory_space<vmem>>) semaphore(%arg20 : memref<!tpu.dma_semaphore, #tpu.memory_space<semaphore_mem>>)
      %dma_start3A_843 = arith.constant 320 : i32
      %dma_start3A_844 = arith.constant 0 : i32
      %dma_start3A_845 = tpu.memref_slice %arg14[%dma_start3A_843, %dma_start3A_844] : memref<400x64xbf16, #tpu.memory_space<vmem>> -> memref<80x64xbf16, #tpu.memory_space<vmem>>
      %dma_start3A_846 = arith.constant 320 : i32
      %dma_start3A_847 = tpu.memref_slice %arg12[%dma_start3A_846] : memref<400xi32, #tpu.memory_space<vmem>> -> memref<80xi32, #tpu.memory_space<vmem>>
      %dma_start3A_848 = arith.constant 0 : i32
      %dma_start3A_849 = arith.constant 0 : i32
      %dma_start3A_850 = tpu.memref_slice %arg5[%dma_start3A_848, %dma_start3A_849] : memref<100000x64xbf16, #tpu.memory_space<hbm>> -> memref<100000x64xbf16, #tpu.memory_space<hbm>>
      tpu.enqueue_indirect_dma source(%dma_start3A_850 : memref<100000x64xbf16, #tpu.memory_space<hbm>>) target(%dma_start3A_845 : memref<80x64xbf16, #tpu.memory_space<vmem>>) offsets(%dma_start3A_847 : memref<80xi32, #tpu.memory_space<vmem>>) semaphore(%arg20 : memref<!tpu.dma_semaphore, #tpu.memory_space<semaphore_mem>>)
      %dma_wait3A_851 = arith.constant 0 : i32
      %dma_wait3A_852 = arith.constant 0 : i32
      %dma_wait3A_853 = tpu.memref_slice %arg15[%dma_wait3A_851, %dma_wait3A_852] : memref<400x64xbf16, #tpu.memory_space<vmem>> -> memref<80x64xbf16, #tpu.memory_space<vmem>>
      %dma_wait3A_854 = arith.constant 0 : i32
      %dma_wait3A_855 = tpu.memref_slice %arg13[%dma_wait3A_854] : memref<400xi32, #tpu.memory_space<vmem>> -> memref<80xi32, #tpu.memory_space<vmem>>
      %dma_wait3A_856 = arith.constant 0 : i32
      %dma_wait3A_857 = arith.constant 0 : i32
      %dma_wait3A_858 = tpu.memref_slice %arg5[%dma_wait3A_856, %dma_wait3A_857] : memref<100000x64xbf16, #tpu.memory_space<hbm>> -> memref<100000x64xbf16, #tpu.memory_space<hbm>>
      tpu.wait_indirect_dma semaphore(%arg21 : memref<!tpu.dma_semaphore, #tpu.memory_space<semaphore_mem>>) src(%dma_wait3A_858 : memref<100000x64xbf16, #tpu.memory_space<hbm>>) dst(%dma_wait3A_853 : memref<80x64xbf16, #tpu.memory_space<vmem>>)
      %dma_wait3A_859 = arith.constant 80 : i32
      %dma_wait3A_860 = arith.constant 0 : i32
      %dma_wait3A_861 = tpu.memref_slice %arg15[%dma_wait3A_859, %dma_wait3A_860] : memref<400x64xbf16, #tpu.memory_space<vmem>> -> memref<80x64xbf16, #tpu.memory_space<vmem>>
      %dma_wait3A_862 = arith.constant 80 : i32
      %dma_wait3A_863 = tpu.memref_slice %arg13[%dma_wait3A_862] : memref<400xi32, #tpu.memory_space<vmem>> -> memref<80xi32, #tpu.memory_space<vmem>>
      %dma_wait3A_864 = arith.constant 0 : i32
      %dma_wait3A_865 = arith.constant 0 : i32
      %dma_wait3A_866 = tpu.memref_slice %arg5[%dma_wait3A_864, %dma_wait3A_865] : memref<100000x64xbf16, #tpu.memory_space<hbm>> -> memref<100000x64xbf16, #tpu.memory_space<hbm>>
      tpu.wait_indirect_dma semaphore(%arg21 : memref<!tpu.dma_semaphore, #tpu.memory_space<semaphore_mem>>) src(%dma_wait3A_866 : memref<100000x64xbf16, #tpu.memory_space<hbm>>) dst(%dma_wait3A_861 : memref<80x64xbf16, #tpu.memory_space<vmem>>)
      %dma_wait3A_867 = arith.constant 160 : i32
      %dma_wait3A_868 = arith.constant 0 : i32
      %dma_wait3A_869 = tpu.memref_slice %arg15[%dma_wait3A_867, %dma_wait3A_868] : memref<400x64xbf16, #tpu.memory_space<vmem>> -> memref<80x64xbf16, #tpu.memory_space<vmem>>
      %dma_wait3A_870 = arith.constant 160 : i32
      %dma_wait3A_871 = tpu.memref_slice %arg13[%dma_wait3A_870] : memref<400xi32, #tpu.memory_space<vmem>> -> memref<80xi32, #tpu.memory_space<vmem>>
      %dma_wait3A_872 = arith.constant 0 : i32
      %dma_wait3A_873 = arith.constant 0 : i32
      %dma_wait3A_874 = tpu.memref_slice %arg5[%dma_wait3A_872, %dma_wait3A_873] : memref<100000x64xbf16, #tpu.memory_space<hbm>> -> memref<100000x64xbf16, #tpu.memory_space<hbm>>
      tpu.wait_indirect_dma semaphore(%arg21 : memref<!tpu.dma_semaphore, #tpu.memory_space<semaphore_mem>>) src(%dma_wait3A_874 : memref<100000x64xbf16, #tpu.memory_space<hbm>>) dst(%dma_wait3A_869 : memref<80x64xbf16, #tpu.memory_space<vmem>>)
      %dma_wait3A_875 = arith.constant 240 : i32
      %dma_wait3A_876 = arith.constant 0 : i32
      %dma_wait3A_877 = tpu.memref_slice %arg15[%dma_wait3A_875, %dma_wait3A_876] : memref<400x64xbf16, #tpu.memory_space<vmem>> -> memref<80x64xbf16, #tpu.memory_space<vmem>>
      %dma_wait3A_878 = arith.constant 240 : i32
      %dma_wait3A_879 = tpu.memref_slice %arg13[%dma_wait3A_878] : memref<400xi32, #tpu.memory_space<vmem>> -> memref<80xi32, #tpu.memory_space<vmem>>
      %dma_wait3A_880 = arith.constant 0 : i32
      %dma_wait3A_881 = arith.constant 0 : i32
      %dma_wait3A_882 = tpu.memref_slice %arg5[%dma_wait3A_880, %dma_wait3A_881] : memref<100000x64xbf16, #tpu.memory_space<hbm>> -> memref<100000x64xbf16, #tpu.memory_space<hbm>>
      tpu.wait_indirect_dma semaphore(%arg21 : memref<!tpu.dma_semaphore, #tpu.memory_space<semaphore_mem>>) src(%dma_wait3A_882 : memref<100000x64xbf16, #tpu.memory_space<hbm>>) dst(%dma_wait3A_877 : memref<80x64xbf16, #tpu.memory_space<vmem>>)
      %dma_wait3A_883 = arith.constant 320 : i32
      %dma_wait3A_884 = arith.constant 0 : i32
      %dma_wait3A_885 = tpu.memref_slice %arg15[%dma_wait3A_883, %dma_wait3A_884] : memref<400x64xbf16, #tpu.memory_space<vmem>> -> memref<80x64xbf16, #tpu.memory_space<vmem>>
      %dma_wait3A_886 = arith.constant 320 : i32
      %dma_wait3A_887 = tpu.memref_slice %arg13[%dma_wait3A_886] : memref<400xi32, #tpu.memory_space<vmem>> -> memref<80xi32, #tpu.memory_space<vmem>>
      %dma_wait3A_888 = arith.constant 0 : i32
      %dma_wait3A_889 = arith.constant 0 : i32
      %dma_wait3A_890 = tpu.memref_slice %arg5[%dma_wait3A_888, %dma_wait3A_889] : memref<100000x64xbf16, #tpu.memory_space<hbm>> -> memref<100000x64xbf16, #tpu.memory_space<hbm>>
      tpu.wait_indirect_dma semaphore(%arg21 : memref<!tpu.dma_semaphore, #tpu.memory_space<semaphore_mem>>) src(%dma_wait3A_890 : memref<100000x64xbf16, #tpu.memory_space<hbm>>) dst(%dma_wait3A_885 : memref<80x64xbf16, #tpu.memory_space<vmem>>)
      %mul3A_891 = arith.constant 2 : i32
      %mul3A_892 = arith.muli %select_n3A_170, %mul3A_891 : i32
      %add3A_893 = arith.addi %mul3A_2, %mul3A_892 : i32
      %mul3A_894 = arith.constant 200 : i32
      %mul3A_895 = arith.muli %add3A_893, %mul3A_894 : i32
      %dma_start3A_896 = tpu.memref_slice %arg2[%mul3A_895] : memref<819200xi32, #tpu.memory_space<hbm>> -> memref<400xi32, #tpu.memory_space<hbm>>
      %dma_start3A_897 = tpu.memref_slice %arg2[%mul3A_895] : memref<819200xi32, #tpu.memory_space<hbm>> -> memref<400xi32, #tpu.memory_space<hbm>>
      tpu.enqueue_dma source(%dma_start3A_897 : memref<400xi32, #tpu.memory_space<hbm>>) target(%arg13 : memref<400xi32, #tpu.memory_space<vmem>>) target_semaphore(%arg23 : memref<!tpu.dma_semaphore, #tpu.memory_space<semaphore_mem>>)
      %ne3A_898 = arith.constant 0 : i32
      %ne3A_899 = arith.cmpi ne, %scan3A_150, %ne3A_898 : i32
      %convert_element_type3A_900 = arith.extui %ne3A_899 : i1 to i32
      %cond3A_901 = arith.constant 0 : i32
      %cond3A_902 = arith.cmpi ne, %convert_element_type3A_900, %cond3A_901 : i32
      scf.if %cond3A_902 {
        %mul3A_1460 = arith.constant 2 : i32
        %mul3A_1461 = arith.muli %add3A_157, %mul3A_1460 : i32
        %add3A_1462 = arith.addi %mul3A_2, %mul3A_1461 : i32
        %mul3A_1463 = arith.constant 200 : i32
        %mul3A_1464 = arith.muli %add3A_1462, %mul3A_1463 : i32
        %dma_wait3A_1465 = arith.constant 0 : i32
        %dma_wait3A_1466 = tpu.memref_slice %arg17[%dma_wait3A_1465] : memref<416xf32, #tpu.memory_space<vmem>> -> memref<400xf32, #tpu.memory_space<vmem>>
        %dma_wait3A_1467 = tpu.memref_slice %arg7[%mul3A_1464] : memref<819200xf32, #tpu.memory_space<hbm>> -> memref<400xf32, #tpu.memory_space<hbm>>
        %dma_wait3A_1468 = tpu.memref_slice %arg7[%mul3A_1464] : memref<819200xf32, #tpu.memory_space<hbm>> -> memref<400xf32, #tpu.memory_space<hbm>>
        %dma_wait3A_1469 = arith.constant 0 : i32
        %dma_wait3A_1470 = tpu.memref_slice %arg17[%dma_wait3A_1469] : memref<416xf32, #tpu.memory_space<vmem>> -> memref<400xf32, #tpu.memory_space<vmem>>
        tpu.wait_dma2 semaphore(%arg25 : memref<!tpu.dma_semaphore, #tpu.memory_space<semaphore_mem>>) src(%dma_wait3A_1470 : memref<400xf32, #tpu.memory_space<vmem>>) dst(%dma_wait3A_1468 : memref<400xf32, #tpu.memory_space<hbm>>)
      } else {
      }
      %mul3A_903 = arith.constant 2 : i32
      %mul3A_904 = arith.muli %add3A_157, %mul3A_903 : i32
      %add3A_905 = arith.constant 0 : i32
      %add3A_906 = arith.addi %mul3A_904, %add3A_905 : i32
      %get3A_907 = arith.index_cast %add3A_906 : i32 to index
      %get3A_908 = arith.constant 0 : index
      %get3A_909 = tpu.vector_load %arg10[%get3A_907, %get3A_908] {strides = array<i32>} : memref<128x64xbf16, #tpu.memory_space<vmem>>, vector<32xbf16>,
      %get3A_910 = arith.index_cast %add3A_906 : i32 to index
      %get3A_911 = arith.constant 32 : index
      %get3A_912 = tpu.vector_load %arg10[%get3A_910, %get3A_911] {strides = array<i32>} : memref<128x64xbf16, #tpu.memory_space<vmem>>, vector<32xbf16>,
      %scan3A_913 = arith.constant 0 : i32
      %scan3A_914 = arith.constant 0 : i32
      %scan3A_915 = arith.constant 12 : i32
      %scan3A_916 = arith.addi %scan3A_914, %scan3A_915 : i32
      %scan3A_917 = arith.constant 1 : i32
      %scan3A_918 = scf.for %scan3A_1460 = %scan3A_914 to %scan3A_916 step %scan3A_917 iter_args(%scan3A_1461 = %scan3A_913) -> (i32)  : i32 {
        %mul3A_1462 = arith.constant 16 : i32
        %mul3A_1463 = arith.muli %scan3A_1460, %mul3A_1462 : i32
        %add3A_1464 = arith.constant 0 : i32
        %add3A_1465 = arith.addi %add3A_1464, %mul3A_1463 : i32
        %add3A_1466 = arith.constant 0 : i32
        %add3A_1467 = arith.addi %add3A_1465, %add3A_1466 : i32
        %get3A_1468 = arith.index_cast %add3A_1467 : i32 to index
        %get3A_1469 = arith.constant 0 : index
        %get3A_1470 = tpu.vector_load %arg15[%get3A_1468, %get3A_1469] {strides = array<i32>} : memref<400x64xbf16, #tpu.memory_space<vmem>>, vector<32xbf16>,
        %add3A_1471 = arith.constant 1 : i32
        %add3A_1472 = arith.addi %add3A_1465, %add3A_1471 : i32
        %get3A_1473 = arith.index_cast %add3A_1472 : i32 to index
        %get3A_1474 = arith.constant 0 : index
        %get3A_1475 = tpu.vector_load %arg15[%get3A_1473, %get3A_1474] {strides = array<i32>} : memref<400x64xbf16, #tpu.memory_space<vmem>>, vector<32xbf16>,
        %add3A_1476 = arith.constant 2 : i32
        %add3A_1477 = arith.addi %add3A_1465, %add3A_1476 : i32
        %get3A_1478 = arith.index_cast %add3A_1477 : i32 to index
        %get3A_1479 = arith.constant 0 : index
        %get3A_1480 = tpu.vector_load %arg15[%get3A_1478, %get3A_1479] {strides = array<i32>} : memref<400x64xbf16, #tpu.memory_space<vmem>>, vector<32xbf16>,
        %add3A_1481 = arith.constant 3 : i32
        %add3A_1482 = arith.addi %add3A_1465, %add3A_1481 : i32
        %get3A_1483 = arith.index_cast %add3A_1482 : i32 to index
        %get3A_1484 = arith.constant 0 : index
        %get3A_1485 = tpu.vector_load %arg15[%get3A_1483, %get3A_1484] {strides = array<i32>} : memref<400x64xbf16, #tpu.memory_space<vmem>>, vector<32xbf16>,
        %add3A_1486 = arith.constant 4 : i32
        %add3A_1487 = arith.addi %add3A_1465, %add3A_1486 : i32
        %get3A_1488 = arith.index_cast %add3A_1487 : i32 to index
        %get3A_1489 = arith.constant 0 : index
        %get3A_1490 = tpu.vector_load %arg15[%get3A_1488, %get3A_1489] {strides = array<i32>} : memref<400x64xbf16, #tpu.memory_space<vmem>>, vector<32xbf16>,
        %add3A_1491 = arith.constant 5 : i32
        %add3A_1492 = arith.addi %add3A_1465, %add3A_1491 : i32
        %get3A_1493 = arith.index_cast %add3A_1492 : i32 to index
        %get3A_1494 = arith.constant 0 : index
        %get3A_1495 = tpu.vector_load %arg15[%get3A_1493, %get3A_1494] {strides = array<i32>} : memref<400x64xbf16, #tpu.memory_space<vmem>>, vector<32xbf16>,
        %add3A_1496 = arith.constant 6 : i32
        %add3A_1497 = arith.addi %add3A_1465, %add3A_1496 : i32
        %get3A_1498 = arith.index_cast %add3A_1497 : i32 to index
        %get3A_1499 = arith.constant 0 : index
        %get3A_1500 = tpu.vector_load %arg15[%get3A_1498, %get3A_1499] {strides = array<i32>} : memref<400x64xbf16, #tpu.memory_space<vmem>>, vector<32xbf16>,
        %add3A_1501 = arith.constant 7 : i32
        %add3A_1502 = arith.addi %add3A_1465, %add3A_1501 : i32
        %get3A_1503 = arith.index_cast %add3A_1502 : i32 to index
        %get3A_1504 = arith.constant 0 : index
        %get3A_1505 = tpu.vector_load %arg15[%get3A_1503, %get3A_1504] {strides = array<i32>} : memref<400x64xbf16, #tpu.memory_space<vmem>>, vector<32xbf16>,
        %add3A_1506 = arith.constant 8 : i32
        %add3A_1507 = arith.addi %add3A_1465, %add3A_1506 : i32
        %get3A_1508 = arith.index_cast %add3A_1507 : i32 to index
        %get3A_1509 = arith.constant 0 : index
        %get3A_1510 = tpu.vector_load %arg15[%get3A_1508, %get3A_1509] {strides = array<i32>} : memref<400x64xbf16, #tpu.memory_space<vmem>>, vector<32xbf16>,
        %add3A_1511 = arith.constant 9 : i32
        %add3A_1512 = arith.addi %add3A_1465, %add3A_1511 : i32
        %get3A_1513 = arith.index_cast %add3A_1512 : i32 to index
        %get3A_1514 = arith.constant 0 : index
        %get3A_1515 = tpu.vector_load %arg15[%get3A_1513, %get3A_1514] {strides = array<i32>} : memref<400x64xbf16, #tpu.memory_space<vmem>>, vector<32xbf16>,
        %add3A_1516 = arith.constant 10 : i32
        %add3A_1517 = arith.addi %add3A_1465, %add3A_1516 : i32
        %get3A_1518 = arith.index_cast %add3A_1517 : i32 to index
        %get3A_1519 = arith.constant 0 : index
        %get3A_1520 = tpu.vector_load %arg15[%get3A_1518, %get3A_1519] {strides = array<i32>} : memref<400x64xbf16, #tpu.memory_space<vmem>>, vector<32xbf16>,
        %add3A_1521 = arith.constant 11 : i32
        %add3A_1522 = arith.addi %add3A_1465, %add3A_1521 : i32
        %get3A_1523 = arith.index_cast %add3A_1522 : i32 to index
        %get3A_1524 = arith.constant 0 : index
        %get3A_1525 = tpu.vector_load %arg15[%get3A_1523, %get3A_1524] {strides = array<i32>} : memref<400x64xbf16, #tpu.memory_space<vmem>>, vector<32xbf16>,
        %add3A_1526 = arith.constant 12 : i32
        %add3A_1527 = arith.addi %add3A_1465, %add3A_1526 : i32
        %get3A_1528 = arith.index_cast %add3A_1527 : i32 to index
        %get3A_1529 = arith.constant 0 : index
        %get3A_1530 = tpu.vector_load %arg15[%get3A_1528, %get3A_1529] {strides = array<i32>} : memref<400x64xbf16, #tpu.memory_space<vmem>>, vector<32xbf16>,
        %add3A_1531 = arith.constant 13 : i32
        %add3A_1532 = arith.addi %add3A_1465, %add3A_1531 : i32
        %get3A_1533 = arith.index_cast %add3A_1532 : i32 to index
        %get3A_1534 = arith.constant 0 : index
        %get3A_1535 = tpu.vector_load %arg15[%get3A_1533, %get3A_1534] {strides = array<i32>} : memref<400x64xbf16, #tpu.memory_space<vmem>>, vector<32xbf16>,
        %add3A_1536 = arith.constant 14 : i32
        %add3A_1537 = arith.addi %add3A_1465, %add3A_1536 : i32
        %get3A_1538 = arith.index_cast %add3A_1537 : i32 to index
        %get3A_1539 = arith.constant 0 : index
        %get3A_1540 = tpu.vector_load %arg15[%get3A_1538, %get3A_1539] {strides = array<i32>} : memref<400x64xbf16, #tpu.memory_space<vmem>>, vector<32xbf16>,
        %add3A_1541 = arith.constant 15 : i32
        %add3A_1542 = arith.addi %add3A_1465, %add3A_1541 : i32
        %get3A_1543 = arith.index_cast %add3A_1542 : i32 to index
        %get3A_1544 = arith.constant 0 : index
        %get3A_1545 = tpu.vector_load %arg15[%get3A_1543, %get3A_1544] {strides = array<i32>} : memref<400x64xbf16, #tpu.memory_space<vmem>>, vector<32xbf16>,
        %add3A_1546 = arith.constant 0 : i32
        %add3A_1547 = arith.addi %add3A_1465, %add3A_1546 : i32
        %get3A_1548 = arith.index_cast %add3A_1547 : i32 to index
        %get3A_1549 = arith.constant 32 : index
        %get3A_1550 = tpu.vector_load %arg15[%get3A_1548, %get3A_1549] {strides = array<i32>} : memref<400x64xbf16, #tpu.memory_space<vmem>>, vector<32xbf16>,
        %add3A_1551 = arith.constant 1 : i32
        %add3A_1552 = arith.addi %add3A_1465, %add3A_1551 : i32
        %get3A_1553 = arith.index_cast %add3A_1552 : i32 to index
        %get3A_1554 = arith.constant 32 : index
        %get3A_1555 = tpu.vector_load %arg15[%get3A_1553, %get3A_1554] {strides = array<i32>} : memref<400x64xbf16, #tpu.memory_space<vmem>>, vector<32xbf16>,
        %add3A_1556 = arith.constant 2 : i32
        %add3A_1557 = arith.addi %add3A_1465, %add3A_1556 : i32
        %get3A_1558 = arith.index_cast %add3A_1557 : i32 to index
        %get3A_1559 = arith.constant 32 : index
        %get3A_1560 = tpu.vector_load %arg15[%get3A_1558, %get3A_1559] {strides = array<i32>} : memref<400x64xbf16, #tpu.memory_space<vmem>>, vector<32xbf16>,
        %add3A_1561 = arith.constant 3 : i32
        %add3A_1562 = arith.addi %add3A_1465, %add3A_1561 : i32
        %get3A_1563 = arith.index_cast %add3A_1562 : i32 to index
        %get3A_1564 = arith.constant 32 : index
        %get3A_1565 = tpu.vector_load %arg15[%get3A_1563, %get3A_1564] {strides = array<i32>} : memref<400x64xbf16, #tpu.memory_space<vmem>>, vector<32xbf16>,
        %add3A_1566 = arith.constant 4 : i32
        %add3A_1567 = arith.addi %add3A_1465, %add3A_1566 : i32
        %get3A_1568 = arith.index_cast %add3A_1567 : i32 to index
        %get3A_1569 = arith.constant 32 : index
        %get3A_1570 = tpu.vector_load %arg15[%get3A_1568, %get3A_1569] {strides = array<i32>} : memref<400x64xbf16, #tpu.memory_space<vmem>>, vector<32xbf16>,
        %add3A_1571 = arith.constant 5 : i32
        %add3A_1572 = arith.addi %add3A_1465, %add3A_1571 : i32
        %get3A_1573 = arith.index_cast %add3A_1572 : i32 to index
        %get3A_1574 = arith.constant 32 : index
        %get3A_1575 = tpu.vector_load %arg15[%get3A_1573, %get3A_1574] {strides = array<i32>} : memref<400x64xbf16, #tpu.memory_space<vmem>>, vector<32xbf16>,
        %add3A_1576 = arith.constant 6 : i32
        %add3A_1577 = arith.addi %add3A_1465, %add3A_1576 : i32
        %get3A_1578 = arith.index_cast %add3A_1577 : i32 to index
        %get3A_1579 = arith.constant 32 : index
        %get3A_1580 = tpu.vector_load %arg15[%get3A_1578, %get3A_1579] {strides = array<i32>} : memref<400x64xbf16, #tpu.memory_space<vmem>>, vector<32xbf16>,
        %add3A_1581 = arith.constant 7 : i32
        %add3A_1582 = arith.addi %add3A_1465, %add3A_1581 : i32
        %get3A_1583 = arith.index_cast %add3A_1582 : i32 to index
        %get3A_1584 = arith.constant 32 : index
        %get3A_1585 = tpu.vector_load %arg15[%get3A_1583, %get3A_1584] {strides = array<i32>} : memref<400x64xbf16, #tpu.memory_space<vmem>>, vector<32xbf16>,
        %add3A_1586 = arith.constant 8 : i32
        %add3A_1587 = arith.addi %add3A_1465, %add3A_1586 : i32
        %get3A_1588 = arith.index_cast %add3A_1587 : i32 to index
        %get3A_1589 = arith.constant 32 : index
        %get3A_1590 = tpu.vector_load %arg15[%get3A_1588, %get3A_1589] {strides = array<i32>} : memref<400x64xbf16, #tpu.memory_space<vmem>>, vector<32xbf16>,
        %add3A_1591 = arith.constant 9 : i32
        %add3A_1592 = arith.addi %add3A_1465, %add3A_1591 : i32
        %get3A_1593 = arith.index_cast %add3A_1592 : i32 to index
        %get3A_1594 = arith.constant 32 : index
        %get3A_1595 = tpu.vector_load %arg15[%get3A_1593, %get3A_1594] {strides = array<i32>} : memref<400x64xbf16, #tpu.memory_space<vmem>>, vector<32xbf16>,
        %add3A_1596 = arith.constant 10 : i32
        %add3A_1597 = arith.addi %add3A_1465, %add3A_1596 : i32
        %get3A_1598 = arith.index_cast %add3A_1597 : i32 to index
        %get3A_1599 = arith.constant 32 : index
        %get3A_1600 = tpu.vector_load %arg15[%get3A_1598, %get3A_1599] {strides = array<i32>} : memref<400x64xbf16, #tpu.memory_space<vmem>>, vector<32xbf16>,
        %add3A_1601 = arith.constant 11 : i32
        %add3A_1602 = arith.addi %add3A_1465, %add3A_1601 : i32
        %get3A_1603 = arith.index_cast %add3A_1602 : i32 to index
        %get3A_1604 = arith.constant 32 : index
        %get3A_1605 = tpu.vector_load %arg15[%get3A_1603, %get3A_1604] {strides = array<i32>} : memref<400x64xbf16, #tpu.memory_space<vmem>>, vector<32xbf16>,
        %add3A_1606 = arith.constant 12 : i32
        %add3A_1607 = arith.addi %add3A_1465, %add3A_1606 : i32
        %get3A_1608 = arith.index_cast %add3A_1607 : i32 to index
        %get3A_1609 = arith.constant 32 : index
        %get3A_1610 = tpu.vector_load %arg15[%get3A_1608, %get3A_1609] {strides = array<i32>} : memref<400x64xbf16, #tpu.memory_space<vmem>>, vector<32xbf16>,
        %add3A_1611 = arith.constant 13 : i32
        %add3A_1612 = arith.addi %add3A_1465, %add3A_1611 : i32
        %get3A_1613 = arith.index_cast %add3A_1612 : i32 to index
        %get3A_1614 = arith.constant 32 : index
        %get3A_1615 = tpu.vector_load %arg15[%get3A_1613, %get3A_1614] {strides = array<i32>} : memref<400x64xbf16, #tpu.memory_space<vmem>>, vector<32xbf16>,
        %add3A_1616 = arith.constant 14 : i32
        %add3A_1617 = arith.addi %add3A_1465, %add3A_1616 : i32
        %get3A_1618 = arith.index_cast %add3A_1617 : i32 to index
        %get3A_1619 = arith.constant 32 : index
        %get3A_1620 = tpu.vector_load %arg15[%get3A_1618, %get3A_1619] {strides = array<i32>} : memref<400x64xbf16, #tpu.memory_space<vmem>>, vector<32xbf16>,
        %add3A_1621 = arith.constant 15 : i32
        %add3A_1622 = arith.addi %add3A_1465, %add3A_1621 : i32
        %get3A_1623 = arith.index_cast %add3A_1622 : i32 to index
        %get3A_1624 = arith.constant 32 : index
        %get3A_1625 = tpu.vector_load %arg15[%get3A_1623, %get3A_1624] {strides = array<i32>} : memref<400x64xbf16, #tpu.memory_space<vmem>>, vector<32xbf16>,
        %sub3A_1626 = arith.subf %get3A_909, %get3A_1470 : vector<32xbf16>
        %abs3A_1627 = math.absf %sub3A_1626 : vector<32xbf16>
        %sub3A_1628 = arith.subf %get3A_912, %get3A_1550 : vector<32xbf16>
        %abs3A_1629 = math.absf %sub3A_1628 : vector<32xbf16>
        %unpack3A_1630 = tpu.unpack_subelements %abs3A_1627, 0 {pack_format = #tpu.pack_format<interleaved>} : vector<32xbf16> -> vector<16xf32>
        %unpack3A_1631 = tpu.unpack_subelements %abs3A_1627, 1 {pack_format = #tpu.pack_format<interleaved>} : vector<32xbf16> -> vector<16xf32>
        %unpack3A_1632 = tpu.unpack_subelements %abs3A_1629, 0 {pack_format = #tpu.pack_format<interleaved>} : vector<32xbf16> -> vector<16xf32>
        %unpack3A_1633 = tpu.unpack_subelements %abs3A_1629, 1 {pack_format = #tpu.pack_format<interleaved>} : vector<32xbf16> -> vector<16xf32>
        %add3A_1634 = arith.addf %unpack3A_1630, %unpack3A_1631 : vector<16xf32>
        %add3A_1635 = arith.addf %unpack3A_1632, %unpack3A_1633 : vector<16xf32>
        %add3A_1636 = arith.addf %add3A_1634, %add3A_1635 : vector<16xf32>
        %sub3A_1637 = arith.subf %get3A_909, %get3A_1475 : vector<32xbf16>
        %abs3A_1638 = math.absf %sub3A_1637 : vector<32xbf16>
        %sub3A_1639 = arith.subf %get3A_912, %get3A_1555 : vector<32xbf16>
        %abs3A_1640 = math.absf %sub3A_1639 : vector<32xbf16>
        %unpack3A_1641 = tpu.unpack_subelements %abs3A_1638, 0 {pack_format = #tpu.pack_format<interleaved>} : vector<32xbf16> -> vector<16xf32>
        %unpack3A_1642 = tpu.unpack_subelements %abs3A_1638, 1 {pack_format = #tpu.pack_format<interleaved>} : vector<32xbf16> -> vector<16xf32>
        %unpack3A_1643 = tpu.unpack_subelements %abs3A_1640, 0 {pack_format = #tpu.pack_format<interleaved>} : vector<32xbf16> -> vector<16xf32>
        %unpack3A_1644 = tpu.unpack_subelements %abs3A_1640, 1 {pack_format = #tpu.pack_format<interleaved>} : vector<32xbf16> -> vector<16xf32>
        %add3A_1645 = arith.addf %unpack3A_1641, %unpack3A_1642 : vector<16xf32>
        %add3A_1646 = arith.addf %unpack3A_1643, %unpack3A_1644 : vector<16xf32>
        %add3A_1647 = arith.addf %add3A_1645, %add3A_1646 : vector<16xf32>
        %sub3A_1648 = arith.subf %get3A_909, %get3A_1480 : vector<32xbf16>
        %abs3A_1649 = math.absf %sub3A_1648 : vector<32xbf16>
        %sub3A_1650 = arith.subf %get3A_912, %get3A_1560 : vector<32xbf16>
        %abs3A_1651 = math.absf %sub3A_1650 : vector<32xbf16>
        %unpack3A_1652 = tpu.unpack_subelements %abs3A_1649, 0 {pack_format = #tpu.pack_format<interleaved>} : vector<32xbf16> -> vector<16xf32>
        %unpack3A_1653 = tpu.unpack_subelements %abs3A_1649, 1 {pack_format = #tpu.pack_format<interleaved>} : vector<32xbf16> -> vector<16xf32>
        %unpack3A_1654 = tpu.unpack_subelements %abs3A_1651, 0 {pack_format = #tpu.pack_format<interleaved>} : vector<32xbf16> -> vector<16xf32>
        %unpack3A_1655 = tpu.unpack_subelements %abs3A_1651, 1 {pack_format = #tpu.pack_format<interleaved>} : vector<32xbf16> -> vector<16xf32>
        %add3A_1656 = arith.addf %unpack3A_1652, %unpack3A_1653 : vector<16xf32>
        %add3A_1657 = arith.addf %unpack3A_1654, %unpack3A_1655 : vector<16xf32>
        %add3A_1658 = arith.addf %add3A_1656, %add3A_1657 : vector<16xf32>
        %sub3A_1659 = arith.subf %get3A_909, %get3A_1485 : vector<32xbf16>
        %abs3A_1660 = math.absf %sub3A_1659 : vector<32xbf16>
        %sub3A_1661 = arith.subf %get3A_912, %get3A_1565 : vector<32xbf16>
        %abs3A_1662 = math.absf %sub3A_1661 : vector<32xbf16>
        %unpack3A_1663 = tpu.unpack_subelements %abs3A_1660, 0 {pack_format = #tpu.pack_format<interleaved>} : vector<32xbf16> -> vector<16xf32>
        %unpack3A_1664 = tpu.unpack_subelements %abs3A_1660, 1 {pack_format = #tpu.pack_format<interleaved>} : vector<32xbf16> -> vector<16xf32>
        %unpack3A_1665 = tpu.unpack_subelements %abs3A_1662, 0 {pack_format = #tpu.pack_format<interleaved>} : vector<32xbf16> -> vector<16xf32>
        %unpack3A_1666 = tpu.unpack_subelements %abs3A_1662, 1 {pack_format = #tpu.pack_format<interleaved>} : vector<32xbf16> -> vector<16xf32>
        %add3A_1667 = arith.addf %unpack3A_1663, %unpack3A_1664 : vector<16xf32>
        %add3A_1668 = arith.addf %unpack3A_1665, %unpack3A_1666 : vector<16xf32>
        %add3A_1669 = arith.addf %add3A_1667, %add3A_1668 : vector<16xf32>
        %sub3A_1670 = arith.subf %get3A_909, %get3A_1490 : vector<32xbf16>
        %abs3A_1671 = math.absf %sub3A_1670 : vector<32xbf16>
        %sub3A_1672 = arith.subf %get3A_912, %get3A_1570 : vector<32xbf16>
        %abs3A_1673 = math.absf %sub3A_1672 : vector<32xbf16>
        %unpack3A_1674 = tpu.unpack_subelements %abs3A_1671, 0 {pack_format = #tpu.pack_format<interleaved>} : vector<32xbf16> -> vector<16xf32>
        %unpack3A_1675 = tpu.unpack_subelements %abs3A_1671, 1 {pack_format = #tpu.pack_format<interleaved>} : vector<32xbf16> -> vector<16xf32>
        %unpack3A_1676 = tpu.unpack_subelements %abs3A_1673, 0 {pack_format = #tpu.pack_format<interleaved>} : vector<32xbf16> -> vector<16xf32>
        %unpack3A_1677 = tpu.unpack_subelements %abs3A_1673, 1 {pack_format = #tpu.pack_format<interleaved>} : vector<32xbf16> -> vector<16xf32>
        %add3A_1678 = arith.addf %unpack3A_1674, %unpack3A_1675 : vector<16xf32>
        %add3A_1679 = arith.addf %unpack3A_1676, %unpack3A_1677 : vector<16xf32>
        %add3A_1680 = arith.addf %add3A_1678, %add3A_1679 : vector<16xf32>
        %sub3A_1681 = arith.subf %get3A_909, %get3A_1495 : vector<32xbf16>
        %abs3A_1682 = math.absf %sub3A_1681 : vector<32xbf16>
        %sub3A_1683 = arith.subf %get3A_912, %get3A_1575 : vector<32xbf16>
        %abs3A_1684 = math.absf %sub3A_1683 : vector<32xbf16>
        %unpack3A_1685 = tpu.unpack_subelements %abs3A_1682, 0 {pack_format = #tpu.pack_format<interleaved>} : vector<32xbf16> -> vector<16xf32>
        %unpack3A_1686 = tpu.unpack_subelements %abs3A_1682, 1 {pack_format = #tpu.pack_format<interleaved>} : vector<32xbf16> -> vector<16xf32>
        %unpack3A_1687 = tpu.unpack_subelements %abs3A_1684, 0 {pack_format = #tpu.pack_format<interleaved>} : vector<32xbf16> -> vector<16xf32>
        %unpack3A_1688 = tpu.unpack_subelements %abs3A_1684, 1 {pack_format = #tpu.pack_format<interleaved>} : vector<32xbf16> -> vector<16xf32>
        %add3A_1689 = arith.addf %unpack3A_1685, %unpack3A_1686 : vector<16xf32>
        %add3A_1690 = arith.addf %unpack3A_1687, %unpack3A_1688 : vector<16xf32>
        %add3A_1691 = arith.addf %add3A_1689, %add3A_1690 : vector<16xf32>
        %sub3A_1692 = arith.subf %get3A_909, %get3A_1500 : vector<32xbf16>
        %abs3A_1693 = math.absf %sub3A_1692 : vector<32xbf16>
        %sub3A_1694 = arith.subf %get3A_912, %get3A_1580 : vector<32xbf16>
        %abs3A_1695 = math.absf %sub3A_1694 : vector<32xbf16>
        %unpack3A_1696 = tpu.unpack_subelements %abs3A_1693, 0 {pack_format = #tpu.pack_format<interleaved>} : vector<32xbf16> -> vector<16xf32>
        %unpack3A_1697 = tpu.unpack_subelements %abs3A_1693, 1 {pack_format = #tpu.pack_format<interleaved>} : vector<32xbf16> -> vector<16xf32>
        %unpack3A_1698 = tpu.unpack_subelements %abs3A_1695, 0 {pack_format = #tpu.pack_format<interleaved>} : vector<32xbf16> -> vector<16xf32>
        %unpack3A_1699 = tpu.unpack_subelements %abs3A_1695, 1 {pack_format = #tpu.pack_format<interleaved>} : vector<32xbf16> -> vector<16xf32>
        %add3A_1700 = arith.addf %unpack3A_1696, %unpack3A_1697 : vector<16xf32>
        %add3A_1701 = arith.addf %unpack3A_1698, %unpack3A_1699 : vector<16xf32>
        %add3A_1702 = arith.addf %add3A_1700, %add3A_1701 : vector<16xf32>
        %sub3A_1703 = arith.subf %get3A_909, %get3A_1505 : vector<32xbf16>
        %abs3A_1704 = math.absf %sub3A_1703 : vector<32xbf16>
        %sub3A_1705 = arith.subf %get3A_912, %get3A_1585 : vector<32xbf16>
        %abs3A_1706 = math.absf %sub3A_1705 : vector<32xbf16>
        %unpack3A_1707 = tpu.unpack_subelements %abs3A_1704, 0 {pack_format = #tpu.pack_format<interleaved>} : vector<32xbf16> -> vector<16xf32>
        %unpack3A_1708 = tpu.unpack_subelements %abs3A_1704, 1 {pack_format = #tpu.pack_format<interleaved>} : vector<32xbf16> -> vector<16xf32>
        %unpack3A_1709 = tpu.unpack_subelements %abs3A_1706, 0 {pack_format = #tpu.pack_format<interleaved>} : vector<32xbf16> -> vector<16xf32>
        %unpack3A_1710 = tpu.unpack_subelements %abs3A_1706, 1 {pack_format = #tpu.pack_format<interleaved>} : vector<32xbf16> -> vector<16xf32>
        %add3A_1711 = arith.addf %unpack3A_1707, %unpack3A_1708 : vector<16xf32>
        %add3A_1712 = arith.addf %unpack3A_1709, %unpack3A_1710 : vector<16xf32>
        %add3A_1713 = arith.addf %add3A_1711, %add3A_1712 : vector<16xf32>
        %sub3A_1714 = arith.subf %get3A_909, %get3A_1510 : vector<32xbf16>
        %abs3A_1715 = math.absf %sub3A_1714 : vector<32xbf16>
        %sub3A_1716 = arith.subf %get3A_912, %get3A_1590 : vector<32xbf16>
        %abs3A_1717 = math.absf %sub3A_1716 : vector<32xbf16>
        %unpack3A_1718 = tpu.unpack_subelements %abs3A_1715, 0 {pack_format = #tpu.pack_format<interleaved>} : vector<32xbf16> -> vector<16xf32>
        %unpack3A_1719 = tpu.unpack_subelements %abs3A_1715, 1 {pack_format = #tpu.pack_format<interleaved>} : vector<32xbf16> -> vector<16xf32>
        %unpack3A_1720 = tpu.unpack_subelements %abs3A_1717, 0 {pack_format = #tpu.pack_format<interleaved>} : vector<32xbf16> -> vector<16xf32>
        %unpack3A_1721 = tpu.unpack_subelements %abs3A_1717, 1 {pack_format = #tpu.pack_format<interleaved>} : vector<32xbf16> -> vector<16xf32>
        %add3A_1722 = arith.addf %unpack3A_1718, %unpack3A_1719 : vector<16xf32>
        %add3A_1723 = arith.addf %unpack3A_1720, %unpack3A_1721 : vector<16xf32>
        %add3A_1724 = arith.addf %add3A_1722, %add3A_1723 : vector<16xf32>
        %sub3A_1725 = arith.subf %get3A_909, %get3A_1515 : vector<32xbf16>
        %abs3A_1726 = math.absf %sub3A_1725 : vector<32xbf16>
        %sub3A_1727 = arith.subf %get3A_912, %get3A_1595 : vector<32xbf16>
        %abs3A_1728 = math.absf %sub3A_1727 : vector<32xbf16>
        %unpack3A_1729 = tpu.unpack_subelements %abs3A_1726, 0 {pack_format = #tpu.pack_format<interleaved>} : vector<32xbf16> -> vector<16xf32>
        %unpack3A_1730 = tpu.unpack_subelements %abs3A_1726, 1 {pack_format = #tpu.pack_format<interleaved>} : vector<32xbf16> -> vector<16xf32>
        %unpack3A_1731 = tpu.unpack_subelements %abs3A_1728, 0 {pack_format = #tpu.pack_format<interleaved>} : vector<32xbf16> -> vector<16xf32>
        %unpack3A_1732 = tpu.unpack_subelements %abs3A_1728, 1 {pack_format = #tpu.pack_format<interleaved>} : vector<32xbf16> -> vector<16xf32>
        %add3A_1733 = arith.addf %unpack3A_1729, %unpack3A_1730 : vector<16xf32>
        %add3A_1734 = arith.addf %unpack3A_1731, %unpack3A_1732 : vector<16xf32>
        %add3A_1735 = arith.addf %add3A_1733, %add3A_1734 : vector<16xf32>
        %sub3A_1736 = arith.subf %get3A_909, %get3A_1520 : vector<32xbf16>
        %abs3A_1737 = math.absf %sub3A_1736 : vector<32xbf16>
        %sub3A_1738 = arith.subf %get3A_912, %get3A_1600 : vector<32xbf16>
        %abs3A_1739 = math.absf %sub3A_1738 : vector<32xbf16>
        %unpack3A_1740 = tpu.unpack_subelements %abs3A_1737, 0 {pack_format = #tpu.pack_format<interleaved>} : vector<32xbf16> -> vector<16xf32>
        %unpack3A_1741 = tpu.unpack_subelements %abs3A_1737, 1 {pack_format = #tpu.pack_format<interleaved>} : vector<32xbf16> -> vector<16xf32>
        %unpack3A_1742 = tpu.unpack_subelements %abs3A_1739, 0 {pack_format = #tpu.pack_format<interleaved>} : vector<32xbf16> -> vector<16xf32>
        %unpack3A_1743 = tpu.unpack_subelements %abs3A_1739, 1 {pack_format = #tpu.pack_format<interleaved>} : vector<32xbf16> -> vector<16xf32>
        %add3A_1744 = arith.addf %unpack3A_1740, %unpack3A_1741 : vector<16xf32>
        %add3A_1745 = arith.addf %unpack3A_1742, %unpack3A_1743 : vector<16xf32>
        %add3A_1746 = arith.addf %add3A_1744, %add3A_1745 : vector<16xf32>
        %sub3A_1747 = arith.subf %get3A_909, %get3A_1525 : vector<32xbf16>
        %abs3A_1748 = math.absf %sub3A_1747 : vector<32xbf16>
        %sub3A_1749 = arith.subf %get3A_912, %get3A_1605 : vector<32xbf16>
        %abs3A_1750 = math.absf %sub3A_1749 : vector<32xbf16>
        %unpack3A_1751 = tpu.unpack_subelements %abs3A_1748, 0 {pack_format = #tpu.pack_format<interleaved>} : vector<32xbf16> -> vector<16xf32>
        %unpack3A_1752 = tpu.unpack_subelements %abs3A_1748, 1 {pack_format = #tpu.pack_format<interleaved>} : vector<32xbf16> -> vector<16xf32>
        %unpack3A_1753 = tpu.unpack_subelements %abs3A_1750, 0 {pack_format = #tpu.pack_format<interleaved>} : vector<32xbf16> -> vector<16xf32>
        %unpack3A_1754 = tpu.unpack_subelements %abs3A_1750, 1 {pack_format = #tpu.pack_format<interleaved>} : vector<32xbf16> -> vector<16xf32>
        %add3A_1755 = arith.addf %unpack3A_1751, %unpack3A_1752 : vector<16xf32>
        %add3A_1756 = arith.addf %unpack3A_1753, %unpack3A_1754 : vector<16xf32>
        %add3A_1757 = arith.addf %add3A_1755, %add3A_1756 : vector<16xf32>
        %sub3A_1758 = arith.subf %get3A_909, %get3A_1530 : vector<32xbf16>
        %abs3A_1759 = math.absf %sub3A_1758 : vector<32xbf16>
        %sub3A_1760 = arith.subf %get3A_912, %get3A_1610 : vector<32xbf16>
        %abs3A_1761 = math.absf %sub3A_1760 : vector<32xbf16>
        %unpack3A_1762 = tpu.unpack_subelements %abs3A_1759, 0 {pack_format = #tpu.pack_format<interleaved>} : vector<32xbf16> -> vector<16xf32>
        %unpack3A_1763 = tpu.unpack_subelements %abs3A_1759, 1 {pack_format = #tpu.pack_format<interleaved>} : vector<32xbf16> -> vector<16xf32>
        %unpack3A_1764 = tpu.unpack_subelements %abs3A_1761, 0 {pack_format = #tpu.pack_format<interleaved>} : vector<32xbf16> -> vector<16xf32>
        %unpack3A_1765 = tpu.unpack_subelements %abs3A_1761, 1 {pack_format = #tpu.pack_format<interleaved>} : vector<32xbf16> -> vector<16xf32>
        %add3A_1766 = arith.addf %unpack3A_1762, %unpack3A_1763 : vector<16xf32>
        %add3A_1767 = arith.addf %unpack3A_1764, %unpack3A_1765 : vector<16xf32>
        %add3A_1768 = arith.addf %add3A_1766, %add3A_1767 : vector<16xf32>
        %sub3A_1769 = arith.subf %get3A_909, %get3A_1535 : vector<32xbf16>
        %abs3A_1770 = math.absf %sub3A_1769 : vector<32xbf16>
        %sub3A_1771 = arith.subf %get3A_912, %get3A_1615 : vector<32xbf16>
        %abs3A_1772 = math.absf %sub3A_1771 : vector<32xbf16>
        %unpack3A_1773 = tpu.unpack_subelements %abs3A_1770, 0 {pack_format = #tpu.pack_format<interleaved>} : vector<32xbf16> -> vector<16xf32>
        %unpack3A_1774 = tpu.unpack_subelements %abs3A_1770, 1 {pack_format = #tpu.pack_format<interleaved>} : vector<32xbf16> -> vector<16xf32>
        %unpack3A_1775 = tpu.unpack_subelements %abs3A_1772, 0 {pack_format = #tpu.pack_format<interleaved>} : vector<32xbf16> -> vector<16xf32>
        %unpack3A_1776 = tpu.unpack_subelements %abs3A_1772, 1 {pack_format = #tpu.pack_format<interleaved>} : vector<32xbf16> -> vector<16xf32>
        %add3A_1777 = arith.addf %unpack3A_1773, %unpack3A_1774 : vector<16xf32>
        %add3A_1778 = arith.addf %unpack3A_1775, %unpack3A_1776 : vector<16xf32>
        %add3A_1779 = arith.addf %add3A_1777, %add3A_1778 : vector<16xf32>
        %sub3A_1780 = arith.subf %get3A_909, %get3A_1540 : vector<32xbf16>
        %abs3A_1781 = math.absf %sub3A_1780 : vector<32xbf16>
        %sub3A_1782 = arith.subf %get3A_912, %get3A_1620 : vector<32xbf16>
        %abs3A_1783 = math.absf %sub3A_1782 : vector<32xbf16>
        %unpack3A_1784 = tpu.unpack_subelements %abs3A_1781, 0 {pack_format = #tpu.pack_format<interleaved>} : vector<32xbf16> -> vector<16xf32>
        %unpack3A_1785 = tpu.unpack_subelements %abs3A_1781, 1 {pack_format = #tpu.pack_format<interleaved>} : vector<32xbf16> -> vector<16xf32>
        %unpack3A_1786 = tpu.unpack_subelements %abs3A_1783, 0 {pack_format = #tpu.pack_format<interleaved>} : vector<32xbf16> -> vector<16xf32>
        %unpack3A_1787 = tpu.unpack_subelements %abs3A_1783, 1 {pack_format = #tpu.pack_format<interleaved>} : vector<32xbf16> -> vector<16xf32>
        %add3A_1788 = arith.addf %unpack3A_1784, %unpack3A_1785 : vector<16xf32>
        %add3A_1789 = arith.addf %unpack3A_1786, %unpack3A_1787 : vector<16xf32>
        %add3A_1790 = arith.addf %add3A_1788, %add3A_1789 : vector<16xf32>
        %sub3A_1791 = arith.subf %get3A_909, %get3A_1545 : vector<32xbf16>
        %abs3A_1792 = math.absf %sub3A_1791 : vector<32xbf16>
        %sub3A_1793 = arith.subf %get3A_912, %get3A_1625 : vector<32xbf16>
        %abs3A_1794 = math.absf %sub3A_1793 : vector<32xbf16>
        %unpack3A_1795 = tpu.unpack_subelements %abs3A_1792, 0 {pack_format = #tpu.pack_format<interleaved>} : vector<32xbf16> -> vector<16xf32>
        %unpack3A_1796 = tpu.unpack_subelements %abs3A_1792, 1 {pack_format = #tpu.pack_format<interleaved>} : vector<32xbf16> -> vector<16xf32>
        %unpack3A_1797 = tpu.unpack_subelements %abs3A_1794, 0 {pack_format = #tpu.pack_format<interleaved>} : vector<32xbf16> -> vector<16xf32>
        %unpack3A_1798 = tpu.unpack_subelements %abs3A_1794, 1 {pack_format = #tpu.pack_format<interleaved>} : vector<32xbf16> -> vector<16xf32>
        %add3A_1799 = arith.addf %unpack3A_1795, %unpack3A_1796 : vector<16xf32>
        %add3A_1800 = arith.addf %unpack3A_1797, %unpack3A_1798 : vector<16xf32>
        %add3A_1801 = arith.addf %add3A_1799, %add3A_1800 : vector<16xf32>
        %mul3A_1802 = arith.constant 16 : i32
        %mul3A_1803 = vector.broadcast %mul3A_1802 : i32 to vector<16xi32>
        %mul3A_1804 = arith.muli %iota3A, %mul3A_1803 : vector<16xi32>
        %add3A_1805 = arith.constant 0 : i32
        %add3A_1806 = vector.broadcast %add3A_1805 : i32 to vector<16xi32>
        %add3A_1807 = arith.addi %mul3A_1804, %add3A_1806 : vector<16xi32>
        tpu.vector_store_idx %arg18[%add3A_1807], %add3A_1636 : memref<256xf32, #tpu.memory_space<vmem>>[vector<16xi32>], vector<16xf32>,
        %mul3A_1808 = arith.constant 16 : i32
        %mul3A_1809 = vector.broadcast %mul3A_1808 : i32 to vector<16xi32>
        %mul3A_1810 = arith.muli %iota3A, %mul3A_1809 : vector<16xi32>
        %add3A_1811 = arith.constant 1 : i32
        %add3A_1812 = vector.broadcast %add3A_1811 : i32 to vector<16xi32>
        %add3A_1813 = arith.addi %mul3A_1810, %add3A_1812 : vector<16xi32>
        tpu.vector_store_idx %arg18[%add3A_1813], %add3A_1647 : memref<256xf32, #tpu.memory_space<vmem>>[vector<16xi32>], vector<16xf32>,
        %mul3A_1814 = arith.constant 16 : i32
        %mul3A_1815 = vector.broadcast %mul3A_1814 : i32 to vector<16xi32>
        %mul3A_1816 = arith.muli %iota3A, %mul3A_1815 : vector<16xi32>
        %add3A_1817 = arith.constant 2 : i32
        %add3A_1818 = vector.broadcast %add3A_1817 : i32 to vector<16xi32>
        %add3A_1819 = arith.addi %mul3A_1816, %add3A_1818 : vector<16xi32>
        tpu.vector_store_idx %arg18[%add3A_1819], %add3A_1658 : memref<256xf32, #tpu.memory_space<vmem>>[vector<16xi32>], vector<16xf32>,
        %mul3A_1820 = arith.constant 16 : i32
        %mul3A_1821 = vector.broadcast %mul3A_1820 : i32 to vector<16xi32>
        %mul3A_1822 = arith.muli %iota3A, %mul3A_1821 : vector<16xi32>
        %add3A_1823 = arith.constant 3 : i32
        %add3A_1824 = vector.broadcast %add3A_1823 : i32 to vector<16xi32>
        %add3A_1825 = arith.addi %mul3A_1822, %add3A_1824 : vector<16xi32>
        tpu.vector_store_idx %arg18[%add3A_1825], %add3A_1669 : memref<256xf32, #tpu.memory_space<vmem>>[vector<16xi32>], vector<16xf32>,
        %mul3A_1826 = arith.constant 16 : i32
        %mul3A_1827 = vector.broadcast %mul3A_1826 : i32 to vector<16xi32>
        %mul3A_1828 = arith.muli %iota3A, %mul3A_1827 : vector<16xi32>
        %add3A_1829 = arith.constant 4 : i32
        %add3A_1830 = vector.broadcast %add3A_1829 : i32 to vector<16xi32>
        %add3A_1831 = arith.addi %mul3A_1828, %add3A_1830 : vector<16xi32>
        tpu.vector_store_idx %arg18[%add3A_1831], %add3A_1680 : memref<256xf32, #tpu.memory_space<vmem>>[vector<16xi32>], vector<16xf32>,
        %mul3A_1832 = arith.constant 16 : i32
        %mul3A_1833 = vector.broadcast %mul3A_1832 : i32 to vector<16xi32>
        %mul3A_1834 = arith.muli %iota3A, %mul3A_1833 : vector<16xi32>
        %add3A_1835 = arith.constant 5 : i32
        %add3A_1836 = vector.broadcast %add3A_1835 : i32 to vector<16xi32>
        %add3A_1837 = arith.addi %mul3A_1834, %add3A_1836 : vector<16xi32>
        tpu.vector_store_idx %arg18[%add3A_1837], %add3A_1691 : memref<256xf32, #tpu.memory_space<vmem>>[vector<16xi32>], vector<16xf32>,
        %mul3A_1838 = arith.constant 16 : i32
        %mul3A_1839 = vector.broadcast %mul3A_1838 : i32 to vector<16xi32>
        %mul3A_1840 = arith.muli %iota3A, %mul3A_1839 : vector<16xi32>
        %add3A_1841 = arith.constant 6 : i32
        %add3A_1842 = vector.broadcast %add3A_1841 : i32 to vector<16xi32>
        %add3A_1843 = arith.addi %mul3A_1840, %add3A_1842 : vector<16xi32>
        tpu.vector_store_idx %arg18[%add3A_1843], %add3A_1702 : memref<256xf32, #tpu.memory_space<vmem>>[vector<16xi32>], vector<16xf32>,
        %mul3A_1844 = arith.constant 16 : i32
        %mul3A_1845 = vector.broadcast %mul3A_1844 : i32 to vector<16xi32>
        %mul3A_1846 = arith.muli %iota3A, %mul3A_1845 : vector<16xi32>
        %add3A_1847 = arith.constant 7 : i32
        %add3A_1848 = vector.broadcast %add3A_1847 : i32 to vector<16xi32>
        %add3A_1849 = arith.addi %mul3A_1846, %add3A_1848 : vector<16xi32>
        tpu.vector_store_idx %arg18[%add3A_1849], %add3A_1713 : memref<256xf32, #tpu.memory_space<vmem>>[vector<16xi32>], vector<16xf32>,
        %mul3A_1850 = arith.constant 16 : i32
        %mul3A_1851 = vector.broadcast %mul3A_1850 : i32 to vector<16xi32>
        %mul3A_1852 = arith.muli %iota3A, %mul3A_1851 : vector<16xi32>
        %add3A_1853 = arith.constant 8 : i32
        %add3A_1854 = vector.broadcast %add3A_1853 : i32 to vector<16xi32>
        %add3A_1855 = arith.addi %mul3A_1852, %add3A_1854 : vector<16xi32>
        tpu.vector_store_idx %arg18[%add3A_1855], %add3A_1724 : memref<256xf32, #tpu.memory_space<vmem>>[vector<16xi32>], vector<16xf32>,
        %mul3A_1856 = arith.constant 16 : i32
        %mul3A_1857 = vector.broadcast %mul3A_1856 : i32 to vector<16xi32>
        %mul3A_1858 = arith.muli %iota3A, %mul3A_1857 : vector<16xi32>
        %add3A_1859 = arith.constant 9 : i32
        %add3A_1860 = vector.broadcast %add3A_1859 : i32 to vector<16xi32>
        %add3A_1861 = arith.addi %mul3A_1858, %add3A_1860 : vector<16xi32>
        tpu.vector_store_idx %arg18[%add3A_1861], %add3A_1735 : memref<256xf32, #tpu.memory_space<vmem>>[vector<16xi32>], vector<16xf32>,
        %mul3A_1862 = arith.constant 16 : i32
        %mul3A_1863 = vector.broadcast %mul3A_1862 : i32 to vector<16xi32>
        %mul3A_1864 = arith.muli %iota3A, %mul3A_1863 : vector<16xi32>
        %add3A_1865 = arith.constant 10 : i32
        %add3A_1866 = vector.broadcast %add3A_1865 : i32 to vector<16xi32>
        %add3A_1867 = arith.addi %mul3A_1864, %add3A_1866 : vector<16xi32>
        tpu.vector_store_idx %arg18[%add3A_1867], %add3A_1746 : memref<256xf32, #tpu.memory_space<vmem>>[vector<16xi32>], vector<16xf32>,
        %mul3A_1868 = arith.constant 16 : i32
        %mul3A_1869 = vector.broadcast %mul3A_1868 : i32 to vector<16xi32>
        %mul3A_1870 = arith.muli %iota3A, %mul3A_1869 : vector<16xi32>
        %add3A_1871 = arith.constant 11 : i32
        %add3A_1872 = vector.broadcast %add3A_1871 : i32 to vector<16xi32>
        %add3A_1873 = arith.addi %mul3A_1870, %add3A_1872 : vector<16xi32>
        tpu.vector_store_idx %arg18[%add3A_1873], %add3A_1757 : memref<256xf32, #tpu.memory_space<vmem>>[vector<16xi32>], vector<16xf32>,
        %mul3A_1874 = arith.constant 16 : i32
        %mul3A_1875 = vector.broadcast %mul3A_1874 : i32 to vector<16xi32>
        %mul3A_1876 = arith.muli %iota3A, %mul3A_1875 : vector<16xi32>
        %add3A_1877 = arith.constant 12 : i32
        %add3A_1878 = vector.broadcast %add3A_1877 : i32 to vector<16xi32>
        %add3A_1879 = arith.addi %mul3A_1876, %add3A_1878 : vector<16xi32>
        tpu.vector_store_idx %arg18[%add3A_1879], %add3A_1768 : memref<256xf32, #tpu.memory_space<vmem>>[vector<16xi32>], vector<16xf32>,
        %mul3A_1880 = arith.constant 16 : i32
        %mul3A_1881 = vector.broadcast %mul3A_1880 : i32 to vector<16xi32>
        %mul3A_1882 = arith.muli %iota3A, %mul3A_1881 : vector<16xi32>
        %add3A_1883 = arith.constant 13 : i32
        %add3A_1884 = vector.broadcast %add3A_1883 : i32 to vector<16xi32>
        %add3A_1885 = arith.addi %mul3A_1882, %add3A_1884 : vector<16xi32>
        tpu.vector_store_idx %arg18[%add3A_1885], %add3A_1779 : memref<256xf32, #tpu.memory_space<vmem>>[vector<16xi32>], vector<16xf32>,
        %mul3A_1886 = arith.constant 16 : i32
        %mul3A_1887 = vector.broadcast %mul3A_1886 : i32 to vector<16xi32>
        %mul3A_1888 = arith.muli %iota3A, %mul3A_1887 : vector<16xi32>
        %add3A_1889 = arith.constant 14 : i32
        %add3A_1890 = vector.broadcast %add3A_1889 : i32 to vector<16xi32>
        %add3A_1891 = arith.addi %mul3A_1888, %add3A_1890 : vector<16xi32>
        tpu.vector_store_idx %arg18[%add3A_1891], %add3A_1790 : memref<256xf32, #tpu.memory_space<vmem>>[vector<16xi32>], vector<16xf32>,
        %mul3A_1892 = arith.constant 16 : i32
        %mul3A_1893 = vector.broadcast %mul3A_1892 : i32 to vector<16xi32>
        %mul3A_1894 = arith.muli %iota3A, %mul3A_1893 : vector<16xi32>
        %add3A_1895 = arith.constant 15 : i32
        %add3A_1896 = vector.broadcast %add3A_1895 : i32 to vector<16xi32>
        %add3A_1897 = arith.addi %mul3A_1894, %add3A_1896 : vector<16xi32>
        tpu.vector_store_idx %arg18[%add3A_1897], %add3A_1801 : memref<256xf32, #tpu.memory_space<vmem>>[vector<16xi32>], vector<16xf32>,
        %get3A_1898 = arith.constant 0 : index
        %get3A_1899 = tpu.vector_load %arg18[%get3A_1898] {strides = array<i32>} : memref<256xf32, #tpu.memory_space<vmem>>, vector<16xf32>,
        %get3A_1900 = arith.constant 16 : index
        %get3A_1901 = tpu.vector_load %arg18[%get3A_1900] {strides = array<i32>} : memref<256xf32, #tpu.memory_space<vmem>>, vector<16xf32>,
        %get3A_1902 = arith.constant 32 : index
        %get3A_1903 = tpu.vector_load %arg18[%get3A_1902] {strides = array<i32>} : memref<256xf32, #tpu.memory_space<vmem>>, vector<16xf32>,
        %get3A_1904 = arith.constant 48 : index
        %get3A_1905 = tpu.vector_load %arg18[%get3A_1904] {strides = array<i32>} : memref<256xf32, #tpu.memory_space<vmem>>, vector<16xf32>,
        %get3A_1906 = arith.constant 64 : index
        %get3A_1907 = tpu.vector_load %arg18[%get3A_1906] {strides = array<i32>} : memref<256xf32, #tpu.memory_space<vmem>>, vector<16xf32>,
        %get3A_1908 = arith.constant 80 : index
        %get3A_1909 = tpu.vector_load %arg18[%get3A_1908] {strides = array<i32>} : memref<256xf32, #tpu.memory_space<vmem>>, vector<16xf32>,
        %get3A_1910 = arith.constant 96 : index
        %get3A_1911 = tpu.vector_load %arg18[%get3A_1910] {strides = array<i32>} : memref<256xf32, #tpu.memory_space<vmem>>, vector<16xf32>,
        %get3A_1912 = arith.constant 112 : index
        %get3A_1913 = tpu.vector_load %arg18[%get3A_1912] {strides = array<i32>} : memref<256xf32, #tpu.memory_space<vmem>>, vector<16xf32>,
        %get3A_1914 = arith.constant 128 : index
        %get3A_1915 = tpu.vector_load %arg18[%get3A_1914] {strides = array<i32>} : memref<256xf32, #tpu.memory_space<vmem>>, vector<16xf32>,
        %get3A_1916 = arith.constant 144 : index
        %get3A_1917 = tpu.vector_load %arg18[%get3A_1916] {strides = array<i32>} : memref<256xf32, #tpu.memory_space<vmem>>, vector<16xf32>,
        %get3A_1918 = arith.constant 160 : index
        %get3A_1919 = tpu.vector_load %arg18[%get3A_1918] {strides = array<i32>} : memref<256xf32, #tpu.memory_space<vmem>>, vector<16xf32>,
        %get3A_1920 = arith.constant 176 : index
        %get3A_1921 = tpu.vector_load %arg18[%get3A_1920] {strides = array<i32>} : memref<256xf32, #tpu.memory_space<vmem>>, vector<16xf32>,
        %get3A_1922 = arith.constant 192 : index
        %get3A_1923 = tpu.vector_load %arg18[%get3A_1922] {strides = array<i32>} : memref<256xf32, #tpu.memory_space<vmem>>, vector<16xf32>,
        %get3A_1924 = arith.constant 208 : index
        %get3A_1925 = tpu.vector_load %arg18[%get3A_1924] {strides = array<i32>} : memref<256xf32, #tpu.memory_space<vmem>>, vector<16xf32>,
        %get3A_1926 = arith.constant 224 : index
        %get3A_1927 = tpu.vector_load %arg18[%get3A_1926] {strides = array<i32>} : memref<256xf32, #tpu.memory_space<vmem>>, vector<16xf32>,
        %get3A_1928 = arith.constant 240 : index
        %get3A_1929 = tpu.vector_load %arg18[%get3A_1928] {strides = array<i32>} : memref<256xf32, #tpu.memory_space<vmem>>, vector<16xf32>,
        %add3A_1930 = arith.addf %get3A_1899, %get3A_1901 : vector<16xf32>
        %add3A_1931 = arith.addf %get3A_1903, %get3A_1905 : vector<16xf32>
        %add3A_1932 = arith.addf %get3A_1907, %get3A_1909 : vector<16xf32>
        %add3A_1933 = arith.addf %get3A_1911, %get3A_1913 : vector<16xf32>
        %add3A_1934 = arith.addf %get3A_1915, %get3A_1917 : vector<16xf32>
        %add3A_1935 = arith.addf %get3A_1919, %get3A_1921 : vector<16xf32>
        %add3A_1936 = arith.addf %get3A_1923, %get3A_1925 : vector<16xf32>
        %add3A_1937 = arith.addf %get3A_1927, %get3A_1929 : vector<16xf32>
        %add3A_1938 = arith.addf %add3A_1930, %add3A_1931 : vector<16xf32>
        %add3A_1939 = arith.addf %add3A_1932, %add3A_1933 : vector<16xf32>
        %add3A_1940 = arith.addf %add3A_1934, %add3A_1935 : vector<16xf32>
        %add3A_1941 = arith.addf %add3A_1936, %add3A_1937 : vector<16xf32>
        %add3A_1942 = arith.addf %add3A_1938, %add3A_1939 : vector<16xf32>
        %add3A_1943 = arith.addf %add3A_1940, %add3A_1941 : vector<16xf32>
        %add3A_1944 = arith.addf %add3A_1942, %add3A_1943 : vector<16xf32>
        %swap3A_1945 = arith.index_cast %add3A_1465 : i32 to index
        %swap3A_1946 = tpu.vector_load %arg17[%swap3A_1945] {strides = array<i32>} : memref<416xf32, #tpu.memory_space<vmem>>, vector<16xf32>,
        tpu.vector_store %arg17[%swap3A_1945], %add3A_1944 {strides = array<i32>} : memref<416xf32, #tpu.memory_space<vmem>>, vector<16xf32>,
        %scan3A_1947 = arith.constant 0 : i32
        scf.yield %scan3A_1947 : i32
      }
      %scan3A_919 = arith.constant 12 : i32
      %lt3A_920 = arith.constant 8 : i32
      %lt3A_921 = vector.broadcast %lt3A_920 : i32 to vector<16xi32>
      %lt3A_922 = arith.cmpi slt, %iota3A, %lt3A_921 : vector<16xi32>
      %get3A_923 = arith.constant 192 : i32
      %get3A_924 = arith.index_cast %get3A_923 : i32 to index
      %get3A_925 = arith.constant 0 : index
      %get3A_926 = tpu.vector_load %arg15[%get3A_924, %get3A_925] {strides = array<i32>} : memref<400x64xbf16, #tpu.memory_space<vmem>>, vector<32xbf16>,
      %get3A_927 = arith.constant 193 : i32
      %get3A_928 = arith.index_cast %get3A_927 : i32 to index
      %get3A_929 = arith.constant 0 : index
      %get3A_930 = tpu.vector_load %arg15[%get3A_928, %get3A_929] {strides = array<i32>} : memref<400x64xbf16, #tpu.memory_space<vmem>>, vector<32xbf16>,
      %get3A_931 = arith.constant 194 : i32
      %get3A_932 = arith.index_cast %get3A_931 : i32 to index
      %get3A_933 = arith.constant 0 : index
      %get3A_934 = tpu.vector_load %arg15[%get3A_932, %get3A_933] {strides = array<i32>} : memref<400x64xbf16, #tpu.memory_space<vmem>>, vector<32xbf16>,
      %get3A_935 = arith.constant 195 : i32
      %get3A_936 = arith.index_cast %get3A_935 : i32 to index
      %get3A_937 = arith.constant 0 : index
      %get3A_938 = tpu.vector_load %arg15[%get3A_936, %get3A_937] {strides = array<i32>} : memref<400x64xbf16, #tpu.memory_space<vmem>>, vector<32xbf16>,
      %get3A_939 = arith.constant 196 : i32
      %get3A_940 = arith.index_cast %get3A_939 : i32 to index
      %get3A_941 = arith.constant 0 : index
      %get3A_942 = tpu.vector_load %arg15[%get3A_940, %get3A_941] {strides = array<i32>} : memref<400x64xbf16, #tpu.memory_space<vmem>>, vector<32xbf16>,
      %get3A_943 = arith.constant 197 : i32
      %get3A_944 = arith.index_cast %get3A_943 : i32 to index
      %get3A_945 = arith.constant 0 : index
      %get3A_946 = tpu.vector_load %arg15[%get3A_944, %get3A_945] {strides = array<i32>} : memref<400x64xbf16, #tpu.memory_space<vmem>>, vector<32xbf16>,
      %get3A_947 = arith.constant 198 : i32
      %get3A_948 = arith.index_cast %get3A_947 : i32 to index
      %get3A_949 = arith.constant 0 : index
      %get3A_950 = tpu.vector_load %arg15[%get3A_948, %get3A_949] {strides = array<i32>} : memref<400x64xbf16, #tpu.memory_space<vmem>>, vector<32xbf16>,
      %get3A_951 = arith.constant 199 : i32
      %get3A_952 = arith.index_cast %get3A_951 : i32 to index
      %get3A_953 = arith.constant 0 : index
      %get3A_954 = tpu.vector_load %arg15[%get3A_952, %get3A_953] {strides = array<i32>} : memref<400x64xbf16, #tpu.memory_space<vmem>>, vector<32xbf16>,
      %get3A_955 = arith.constant 192 : i32
      %get3A_956 = arith.index_cast %get3A_955 : i32 to index
      %get3A_957 = arith.constant 32 : index
      %get3A_958 = tpu.vector_load %arg15[%get3A_956, %get3A_957] {strides = array<i32>} : memref<400x64xbf16, #tpu.memory_space<vmem>>, vector<32xbf16>,
      %get3A_959 = arith.constant 193 : i32
      %get3A_960 = arith.index_cast %get3A_959 : i32 to index
      %get3A_961 = arith.constant 32 : index
      %get3A_962 = tpu.vector_load %arg15[%get3A_960, %get3A_961] {strides = array<i32>} : memref<400x64xbf16, #tpu.memory_space<vmem>>, vector<32xbf16>,
      %get3A_963 = arith.constant 194 : i32
      %get3A_964 = arith.index_cast %get3A_963 : i32 to index
      %get3A_965 = arith.constant 32 : index
      %get3A_966 = tpu.vector_load %arg15[%get3A_964, %get3A_965] {strides = array<i32>} : memref<400x64xbf16, #tpu.memory_space<vmem>>, vector<32xbf16>,
      %get3A_967 = arith.constant 195 : i32
      %get3A_968 = arith.index_cast %get3A_967 : i32 to index
      %get3A_969 = arith.constant 32 : index
      %get3A_970 = tpu.vector_load %arg15[%get3A_968, %get3A_969] {strides = array<i32>} : memref<400x64xbf16, #tpu.memory_space<vmem>>, vector<32xbf16>,
      %get3A_971 = arith.constant 196 : i32
      %get3A_972 = arith.index_cast %get3A_971 : i32 to index
      %get3A_973 = arith.constant 32 : index
      %get3A_974 = tpu.vector_load %arg15[%get3A_972, %get3A_973] {strides = array<i32>} : memref<400x64xbf16, #tpu.memory_space<vmem>>, vector<32xbf16>,
      %get3A_975 = arith.constant 197 : i32
      %get3A_976 = arith.index_cast %get3A_975 : i32 to index
      %get3A_977 = arith.constant 32 : index
      %get3A_978 = tpu.vector_load %arg15[%get3A_976, %get3A_977] {strides = array<i32>} : memref<400x64xbf16, #tpu.memory_space<vmem>>, vector<32xbf16>,
      %get3A_979 = arith.constant 198 : i32
      %get3A_980 = arith.index_cast %get3A_979 : i32 to index
      %get3A_981 = arith.constant 32 : index
      %get3A_982 = tpu.vector_load %arg15[%get3A_980, %get3A_981] {strides = array<i32>} : memref<400x64xbf16, #tpu.memory_space<vmem>>, vector<32xbf16>,
      %get3A_983 = arith.constant 199 : i32
      %get3A_984 = arith.index_cast %get3A_983 : i32 to index
      %get3A_985 = arith.constant 32 : index
      %get3A_986 = tpu.vector_load %arg15[%get3A_984, %get3A_985] {strides = array<i32>} : memref<400x64xbf16, #tpu.memory_space<vmem>>, vector<32xbf16>,
      %sub3A_987 = arith.subf %get3A_909, %get3A_926 : vector<32xbf16>
      %abs3A_988 = math.absf %sub3A_987 : vector<32xbf16>
      %sub3A_989 = arith.subf %get3A_912, %get3A_958 : vector<32xbf16>
      %abs3A_990 = math.absf %sub3A_989 : vector<32xbf16>
      %unpack3A_991 = tpu.unpack_subelements %abs3A_988, 0 {pack_format = #tpu.pack_format<interleaved>} : vector<32xbf16> -> vector<16xf32>
      %unpack3A_992 = tpu.unpack_subelements %abs3A_988, 1 {pack_format = #tpu.pack_format<interleaved>} : vector<32xbf16> -> vector<16xf32>
      %unpack3A_993 = tpu.unpack_subelements %abs3A_990, 0 {pack_format = #tpu.pack_format<interleaved>} : vector<32xbf16> -> vector<16xf32>
      %unpack3A_994 = tpu.unpack_subelements %abs3A_990, 1 {pack_format = #tpu.pack_format<interleaved>} : vector<32xbf16> -> vector<16xf32>
      %add3A_995 = arith.addf %unpack3A_991, %unpack3A_992 : vector<16xf32>
      %add3A_996 = arith.addf %unpack3A_993, %unpack3A_994 : vector<16xf32>
      %add3A_997 = arith.addf %add3A_995, %add3A_996 : vector<16xf32>
      %sub3A_998 = arith.subf %get3A_909, %get3A_930 : vector<32xbf16>
      %abs3A_999 = math.absf %sub3A_998 : vector<32xbf16>
      %sub3A_1000 = arith.subf %get3A_912, %get3A_962 : vector<32xbf16>
      %abs3A_1001 = math.absf %sub3A_1000 : vector<32xbf16>
      %unpack3A_1002 = tpu.unpack_subelements %abs3A_999, 0 {pack_format = #tpu.pack_format<interleaved>} : vector<32xbf16> -> vector<16xf32>
      %unpack3A_1003 = tpu.unpack_subelements %abs3A_999, 1 {pack_format = #tpu.pack_format<interleaved>} : vector<32xbf16> -> vector<16xf32>
      %unpack3A_1004 = tpu.unpack_subelements %abs3A_1001, 0 {pack_format = #tpu.pack_format<interleaved>} : vector<32xbf16> -> vector<16xf32>
      %unpack3A_1005 = tpu.unpack_subelements %abs3A_1001, 1 {pack_format = #tpu.pack_format<interleaved>} : vector<32xbf16> -> vector<16xf32>
      %add3A_1006 = arith.addf %unpack3A_1002, %unpack3A_1003 : vector<16xf32>
      %add3A_1007 = arith.addf %unpack3A_1004, %unpack3A_1005 : vector<16xf32>
      %add3A_1008 = arith.addf %add3A_1006, %add3A_1007 : vector<16xf32>
      %sub3A_1009 = arith.subf %get3A_909, %get3A_934 : vector<32xbf16>
      %abs3A_1010 = math.absf %sub3A_1009 : vector<32xbf16>
      %sub3A_1011 = arith.subf %get3A_912, %get3A_966 : vector<32xbf16>
      %abs3A_1012 = math.absf %sub3A_1011 : vector<32xbf16>
      %unpack3A_1013 = tpu.unpack_subelements %abs3A_1010, 0 {pack_format = #tpu.pack_format<interleaved>} : vector<32xbf16> -> vector<16xf32>
      %unpack3A_1014 = tpu.unpack_subelements %abs3A_1010, 1 {pack_format = #tpu.pack_format<interleaved>} : vector<32xbf16> -> vector<16xf32>
      %unpack3A_1015 = tpu.unpack_subelements %abs3A_1012, 0 {pack_format = #tpu.pack_format<interleaved>} : vector<32xbf16> -> vector<16xf32>
      %unpack3A_1016 = tpu.unpack_subelements %abs3A_1012, 1 {pack_format = #tpu.pack_format<interleaved>} : vector<32xbf16> -> vector<16xf32>
      %add3A_1017 = arith.addf %unpack3A_1013, %unpack3A_1014 : vector<16xf32>
      %add3A_1018 = arith.addf %unpack3A_1015, %unpack3A_1016 : vector<16xf32>
      %add3A_1019 = arith.addf %add3A_1017, %add3A_1018 : vector<16xf32>
      %sub3A_1020 = arith.subf %get3A_909, %get3A_938 : vector<32xbf16>
      %abs3A_1021 = math.absf %sub3A_1020 : vector<32xbf16>
      %sub3A_1022 = arith.subf %get3A_912, %get3A_970 : vector<32xbf16>
      %abs3A_1023 = math.absf %sub3A_1022 : vector<32xbf16>
      %unpack3A_1024 = tpu.unpack_subelements %abs3A_1021, 0 {pack_format = #tpu.pack_format<interleaved>} : vector<32xbf16> -> vector<16xf32>
      %unpack3A_1025 = tpu.unpack_subelements %abs3A_1021, 1 {pack_format = #tpu.pack_format<interleaved>} : vector<32xbf16> -> vector<16xf32>
      %unpack3A_1026 = tpu.unpack_subelements %abs3A_1023, 0 {pack_format = #tpu.pack_format<interleaved>} : vector<32xbf16> -> vector<16xf32>
      %unpack3A_1027 = tpu.unpack_subelements %abs3A_1023, 1 {pack_format = #tpu.pack_format<interleaved>} : vector<32xbf16> -> vector<16xf32>
      %add3A_1028 = arith.addf %unpack3A_1024, %unpack3A_1025 : vector<16xf32>
      %add3A_1029 = arith.addf %unpack3A_1026, %unpack3A_1027 : vector<16xf32>
      %add3A_1030 = arith.addf %add3A_1028, %add3A_1029 : vector<16xf32>
      %sub3A_1031 = arith.subf %get3A_909, %get3A_942 : vector<32xbf16>
      %abs3A_1032 = math.absf %sub3A_1031 : vector<32xbf16>
      %sub3A_1033 = arith.subf %get3A_912, %get3A_974 : vector<32xbf16>
      %abs3A_1034 = math.absf %sub3A_1033 : vector<32xbf16>
      %unpack3A_1035 = tpu.unpack_subelements %abs3A_1032, 0 {pack_format = #tpu.pack_format<interleaved>} : vector<32xbf16> -> vector<16xf32>
      %unpack3A_1036 = tpu.unpack_subelements %abs3A_1032, 1 {pack_format = #tpu.pack_format<interleaved>} : vector<32xbf16> -> vector<16xf32>
      %unpack3A_1037 = tpu.unpack_subelements %abs3A_1034, 0 {pack_format = #tpu.pack_format<interleaved>} : vector<32xbf16> -> vector<16xf32>
      %unpack3A_1038 = tpu.unpack_subelements %abs3A_1034, 1 {pack_format = #tpu.pack_format<interleaved>} : vector<32xbf16> -> vector<16xf32>
      %add3A_1039 = arith.addf %unpack3A_1035, %unpack3A_1036 : vector<16xf32>
      %add3A_1040 = arith.addf %unpack3A_1037, %unpack3A_1038 : vector<16xf32>
      %add3A_1041 = arith.addf %add3A_1039, %add3A_1040 : vector<16xf32>
      %sub3A_1042 = arith.subf %get3A_909, %get3A_946 : vector<32xbf16>
      %abs3A_1043 = math.absf %sub3A_1042 : vector<32xbf16>
      %sub3A_1044 = arith.subf %get3A_912, %get3A_978 : vector<32xbf16>
      %abs3A_1045 = math.absf %sub3A_1044 : vector<32xbf16>
      %unpack3A_1046 = tpu.unpack_subelements %abs3A_1043, 0 {pack_format = #tpu.pack_format<interleaved>} : vector<32xbf16> -> vector<16xf32>
      %unpack3A_1047 = tpu.unpack_subelements %abs3A_1043, 1 {pack_format = #tpu.pack_format<interleaved>} : vector<32xbf16> -> vector<16xf32>
      %unpack3A_1048 = tpu.unpack_subelements %abs3A_1045, 0 {pack_format = #tpu.pack_format<interleaved>} : vector<32xbf16> -> vector<16xf32>
      %unpack3A_1049 = tpu.unpack_subelements %abs3A_1045, 1 {pack_format = #tpu.pack_format<interleaved>} : vector<32xbf16> -> vector<16xf32>
      %add3A_1050 = arith.addf %unpack3A_1046, %unpack3A_1047 : vector<16xf32>
      %add3A_1051 = arith.addf %unpack3A_1048, %unpack3A_1049 : vector<16xf32>
      %add3A_1052 = arith.addf %add3A_1050, %add3A_1051 : vector<16xf32>
      %sub3A_1053 = arith.subf %get3A_909, %get3A_950 : vector<32xbf16>
      %abs3A_1054 = math.absf %sub3A_1053 : vector<32xbf16>
      %sub3A_1055 = arith.subf %get3A_912, %get3A_982 : vector<32xbf16>
      %abs3A_1056 = math.absf %sub3A_1055 : vector<32xbf16>
      %unpack3A_1057 = tpu.unpack_subelements %abs3A_1054, 0 {pack_format = #tpu.pack_format<interleaved>} : vector<32xbf16> -> vector<16xf32>
      %unpack3A_1058 = tpu.unpack_subelements %abs3A_1054, 1 {pack_format = #tpu.pack_format<interleaved>} : vector<32xbf16> -> vector<16xf32>
      %unpack3A_1059 = tpu.unpack_subelements %abs3A_1056, 0 {pack_format = #tpu.pack_format<interleaved>} : vector<32xbf16> -> vector<16xf32>
      %unpack3A_1060 = tpu.unpack_subelements %abs3A_1056, 1 {pack_format = #tpu.pack_format<interleaved>} : vector<32xbf16> -> vector<16xf32>
      %add3A_1061 = arith.addf %unpack3A_1057, %unpack3A_1058 : vector<16xf32>
      %add3A_1062 = arith.addf %unpack3A_1059, %unpack3A_1060 : vector<16xf32>
      %add3A_1063 = arith.addf %add3A_1061, %add3A_1062 : vector<16xf32>
      %sub3A_1064 = arith.subf %get3A_909, %get3A_954 : vector<32xbf16>
      %abs3A_1065 = math.absf %sub3A_1064 : vector<32xbf16>
      %sub3A_1066 = arith.subf %get3A_912, %get3A_986 : vector<32xbf16>
      %abs3A_1067 = math.absf %sub3A_1066 : vector<32xbf16>
      %unpack3A_1068 = tpu.unpack_subelements %abs3A_1065, 0 {pack_format = #tpu.pack_format<interleaved>} : vector<32xbf16> -> vector<16xf32>
      %unpack3A_1069 = tpu.unpack_subelements %abs3A_1065, 1 {pack_format = #tpu.pack_format<interleaved>} : vector<32xbf16> -> vector<16xf32>
      %unpack3A_1070 = tpu.unpack_subelements %abs3A_1067, 0 {pack_format = #tpu.pack_format<interleaved>} : vector<32xbf16> -> vector<16xf32>
      %unpack3A_1071 = tpu.unpack_subelements %abs3A_1067, 1 {pack_format = #tpu.pack_format<interleaved>} : vector<32xbf16> -> vector<16xf32>
      %add3A_1072 = arith.addf %unpack3A_1068, %unpack3A_1069 : vector<16xf32>
      %add3A_1073 = arith.addf %unpack3A_1070, %unpack3A_1071 : vector<16xf32>
      %add3A_1074 = arith.addf %add3A_1072, %add3A_1073 : vector<16xf32>
      %mul3A_1075 = arith.constant 16 : i32
      %mul3A_1076 = vector.broadcast %mul3A_1075 : i32 to vector<16xi32>
      %mul3A_1077 = arith.muli %iota3A, %mul3A_1076 : vector<16xi32>
      %add3A_1078 = arith.constant 0 : i32
      %add3A_1079 = vector.broadcast %add3A_1078 : i32 to vector<16xi32>
      %add3A_1080 = arith.addi %mul3A_1077, %add3A_1079 : vector<16xi32>
      tpu.vector_store_idx %arg18[%add3A_1080], %add3A_997 : memref<256xf32, #tpu.memory_space<vmem>>[vector<16xi32>], vector<16xf32>,
      %mul3A_1081 = arith.constant 16 : i32
      %mul3A_1082 = vector.broadcast %mul3A_1081 : i32 to vector<16xi32>
      %mul3A_1083 = arith.muli %iota3A, %mul3A_1082 : vector<16xi32>
      %add3A_1084 = arith.constant 1 : i32
      %add3A_1085 = vector.broadcast %add3A_1084 : i32 to vector<16xi32>
      %add3A_1086 = arith.addi %mul3A_1083, %add3A_1085 : vector<16xi32>
      tpu.vector_store_idx %arg18[%add3A_1086], %add3A_1008 : memref<256xf32, #tpu.memory_space<vmem>>[vector<16xi32>], vector<16xf32>,
      %mul3A_1087 = arith.constant 16 : i32
      %mul3A_1088 = vector.broadcast %mul3A_1087 : i32 to vector<16xi32>
      %mul3A_1089 = arith.muli %iota3A, %mul3A_1088 : vector<16xi32>
      %add3A_1090 = arith.constant 2 : i32
      %add3A_1091 = vector.broadcast %add3A_1090 : i32 to vector<16xi32>
      %add3A_1092 = arith.addi %mul3A_1089, %add3A_1091 : vector<16xi32>
      tpu.vector_store_idx %arg18[%add3A_1092], %add3A_1019 : memref<256xf32, #tpu.memory_space<vmem>>[vector<16xi32>], vector<16xf32>,
      %mul3A_1093 = arith.constant 16 : i32
      %mul3A_1094 = vector.broadcast %mul3A_1093 : i32 to vector<16xi32>
      %mul3A_1095 = arith.muli %iota3A, %mul3A_1094 : vector<16xi32>
      %add3A_1096 = arith.constant 3 : i32
      %add3A_1097 = vector.broadcast %add3A_1096 : i32 to vector<16xi32>
      %add3A_1098 = arith.addi %mul3A_1095, %add3A_1097 : vector<16xi32>
      tpu.vector_store_idx %arg18[%add3A_1098], %add3A_1030 : memref<256xf32, #tpu.memory_space<vmem>>[vector<16xi32>], vector<16xf32>,
      %mul3A_1099 = arith.constant 16 : i32
      %mul3A_1100 = vector.broadcast %mul3A_1099 : i32 to vector<16xi32>
      %mul3A_1101 = arith.muli %iota3A, %mul3A_1100 : vector<16xi32>
      %add3A_1102 = arith.constant 4 : i32
      %add3A_1103 = vector.broadcast %add3A_1102 : i32 to vector<16xi32>
      %add3A_1104 = arith.addi %mul3A_1101, %add3A_1103 : vector<16xi32>
      tpu.vector_store_idx %arg18[%add3A_1104], %add3A_1041 : memref<256xf32, #tpu.memory_space<vmem>>[vector<16xi32>], vector<16xf32>,
      %mul3A_1105 = arith.constant 16 : i32
      %mul3A_1106 = vector.broadcast %mul3A_1105 : i32 to vector<16xi32>
      %mul3A_1107 = arith.muli %iota3A, %mul3A_1106 : vector<16xi32>
      %add3A_1108 = arith.constant 5 : i32
      %add3A_1109 = vector.broadcast %add3A_1108 : i32 to vector<16xi32>
      %add3A_1110 = arith.addi %mul3A_1107, %add3A_1109 : vector<16xi32>
      tpu.vector_store_idx %arg18[%add3A_1110], %add3A_1052 : memref<256xf32, #tpu.memory_space<vmem>>[vector<16xi32>], vector<16xf32>,
      %mul3A_1111 = arith.constant 16 : i32
      %mul3A_1112 = vector.broadcast %mul3A_1111 : i32 to vector<16xi32>
      %mul3A_1113 = arith.muli %iota3A, %mul3A_1112 : vector<16xi32>
      %add3A_1114 = arith.constant 6 : i32
      %add3A_1115 = vector.broadcast %add3A_1114 : i32 to vector<16xi32>
      %add3A_1116 = arith.addi %mul3A_1113, %add3A_1115 : vector<16xi32>
      tpu.vector_store_idx %arg18[%add3A_1116], %add3A_1063 : memref<256xf32, #tpu.memory_space<vmem>>[vector<16xi32>], vector<16xf32>,
      %mul3A_1117 = arith.constant 16 : i32
      %mul3A_1118 = vector.broadcast %mul3A_1117 : i32 to vector<16xi32>
      %mul3A_1119 = arith.muli %iota3A, %mul3A_1118 : vector<16xi32>
      %add3A_1120 = arith.constant 7 : i32
      %add3A_1121 = vector.broadcast %add3A_1120 : i32 to vector<16xi32>
      %add3A_1122 = arith.addi %mul3A_1119, %add3A_1121 : vector<16xi32>
      tpu.vector_store_idx %arg18[%add3A_1122], %add3A_1074 : memref<256xf32, #tpu.memory_space<vmem>>[vector<16xi32>], vector<16xf32>,
      %get3A_1123 = arith.constant 0 : index
      %get3A_1124 = tpu.vector_load %arg18[%get3A_1123] {strides = array<i32>} : memref<256xf32, #tpu.memory_space<vmem>>, vector<16xf32>,
      %get3A_1125 = arith.constant 16 : index
      %get3A_1126 = tpu.vector_load %arg18[%get3A_1125] {strides = array<i32>} : memref<256xf32, #tpu.memory_space<vmem>>, vector<16xf32>,
      %get3A_1127 = arith.constant 32 : index
      %get3A_1128 = tpu.vector_load %arg18[%get3A_1127] {strides = array<i32>} : memref<256xf32, #tpu.memory_space<vmem>>, vector<16xf32>,
      %get3A_1129 = arith.constant 48 : index
      %get3A_1130 = tpu.vector_load %arg18[%get3A_1129] {strides = array<i32>} : memref<256xf32, #tpu.memory_space<vmem>>, vector<16xf32>,
      %get3A_1131 = arith.constant 64 : index
      %get3A_1132 = tpu.vector_load %arg18[%get3A_1131] {strides = array<i32>} : memref<256xf32, #tpu.memory_space<vmem>>, vector<16xf32>,
      %get3A_1133 = arith.constant 80 : index
      %get3A_1134 = tpu.vector_load %arg18[%get3A_1133] {strides = array<i32>} : memref<256xf32, #tpu.memory_space<vmem>>, vector<16xf32>,
      %get3A_1135 = arith.constant 96 : index
      %get3A_1136 = tpu.vector_load %arg18[%get3A_1135] {strides = array<i32>} : memref<256xf32, #tpu.memory_space<vmem>>, vector<16xf32>,
      %get3A_1137 = arith.constant 112 : index
      %get3A_1138 = tpu.vector_load %arg18[%get3A_1137] {strides = array<i32>} : memref<256xf32, #tpu.memory_space<vmem>>, vector<16xf32>,
      %get3A_1139 = arith.constant 128 : index
      %get3A_1140 = tpu.vector_load %arg18[%get3A_1139] {strides = array<i32>} : memref<256xf32, #tpu.memory_space<vmem>>, vector<16xf32>,
      %get3A_1141 = arith.constant 144 : index
      %get3A_1142 = tpu.vector_load %arg18[%get3A_1141] {strides = array<i32>} : memref<256xf32, #tpu.memory_space<vmem>>, vector<16xf32>,
      %get3A_1143 = arith.constant 160 : index
      %get3A_1144 = tpu.vector_load %arg18[%get3A_1143] {strides = array<i32>} : memref<256xf32, #tpu.memory_space<vmem>>, vector<16xf32>,
      %get3A_1145 = arith.constant 176 : index
      %get3A_1146 = tpu.vector_load %arg18[%get3A_1145] {strides = array<i32>} : memref<256xf32, #tpu.memory_space<vmem>>, vector<16xf32>,
      %get3A_1147 = arith.constant 192 : index
      %get3A_1148 = tpu.vector_load %arg18[%get3A_1147] {strides = array<i32>} : memref<256xf32, #tpu.memory_space<vmem>>, vector<16xf32>,
      %get3A_1149 = arith.constant 208 : index
      %get3A_1150 = tpu.vector_load %arg18[%get3A_1149] {strides = array<i32>} : memref<256xf32, #tpu.memory_space<vmem>>, vector<16xf32>,
      %get3A_1151 = arith.constant 224 : index
      %get3A_1152 = tpu.vector_load %arg18[%get3A_1151] {strides = array<i32>} : memref<256xf32, #tpu.memory_space<vmem>>, vector<16xf32>,
      %get3A_1153 = arith.constant 240 : index
      %get3A_1154 = tpu.vector_load %arg18[%get3A_1153] {strides = array<i32>} : memref<256xf32, #tpu.memory_space<vmem>>, vector<16xf32>,
      %add3A_1155 = arith.addf %get3A_1124, %get3A_1126 : vector<16xf32>
      %add3A_1156 = arith.addf %get3A_1128, %get3A_1130 : vector<16xf32>
      %add3A_1157 = arith.addf %get3A_1132, %get3A_1134 : vector<16xf32>
      %add3A_1158 = arith.addf %get3A_1136, %get3A_1138 : vector<16xf32>
      %add3A_1159 = arith.addf %get3A_1140, %get3A_1142 : vector<16xf32>
      %add3A_1160 = arith.addf %get3A_1144, %get3A_1146 : vector<16xf32>
      %add3A_1161 = arith.addf %get3A_1148, %get3A_1150 : vector<16xf32>
      %add3A_1162 = arith.addf %get3A_1152, %get3A_1154 : vector<16xf32>
      %add3A_1163 = arith.addf %add3A_1155, %add3A_1156 : vector<16xf32>
      %add3A_1164 = arith.addf %add3A_1157, %add3A_1158 : vector<16xf32>
      %add3A_1165 = arith.addf %add3A_1159, %add3A_1160 : vector<16xf32>
      %add3A_1166 = arith.addf %add3A_1161, %add3A_1162 : vector<16xf32>
      %add3A_1167 = arith.addf %add3A_1163, %add3A_1164 : vector<16xf32>
      %add3A_1168 = arith.addf %add3A_1165, %add3A_1166 : vector<16xf32>
      %add3A_1169 = arith.addf %add3A_1167, %add3A_1168 : vector<16xf32>
      %swap3A_1170 = arith.constant 192 : index
      %swap3A_1171 = tpu.vector_load %arg17[%swap3A_1170] masked %lt3A_922 {strides = array<i32>} : memref<416xf32, #tpu.memory_space<vmem>>, vector<16xf32>, vector<16xi1>
      tpu.vector_store %arg17[%swap3A_1170], %add3A_1169 masked %lt3A_922 {strides = array<i32>} : memref<416xf32, #tpu.memory_space<vmem>>, vector<16xf32>, vector<16xi1>
      %mul3A_1172 = arith.constant 2 : i32
      %mul3A_1173 = arith.muli %add3A_157, %mul3A_1172 : i32
      %add3A_1174 = arith.constant 1 : i32
      %add3A_1175 = arith.addi %mul3A_1173, %add3A_1174 : i32
      %get3A_1176 = arith.index_cast %add3A_1175 : i32 to index
      %get3A_1177 = arith.constant 0 : index
      %get3A_1178 = tpu.vector_load %arg10[%get3A_1176, %get3A_1177] {strides = array<i32>} : memref<128x64xbf16, #tpu.memory_space<vmem>>, vector<32xbf16>,
      %get3A_1179 = arith.index_cast %add3A_1175 : i32 to index
      %get3A_1180 = arith.constant 32 : index
      %get3A_1181 = tpu.vector_load %arg10[%get3A_1179, %get3A_1180] {strides = array<i32>} : memref<128x64xbf16, #tpu.memory_space<vmem>>, vector<32xbf16>,
      %scan3A_1182 = arith.constant 0 : i32
      %scan3A_1183 = arith.constant 0 : i32
      %scan3A_1184 = arith.constant 12 : i32
      %scan3A_1185 = arith.addi %scan3A_1183, %scan3A_1184 : i32
      %scan3A_1186 = arith.constant 1 : i32
      %scan3A_1187 = scf.for %scan3A_1460 = %scan3A_1183 to %scan3A_1185 step %scan3A_1186 iter_args(%scan3A_1461 = %scan3A_1182) -> (i32)  : i32 {
        %mul3A_1462 = arith.constant 16 : i32
        %mul3A_1463 = arith.muli %scan3A_1460, %mul3A_1462 : i32
        %add3A_1464 = arith.constant 200 : i32
        %add3A_1465 = arith.addi %add3A_1464, %mul3A_1463 : i32
        %add3A_1466 = arith.constant 0 : i32
        %add3A_1467 = arith.addi %add3A_1465, %add3A_1466 : i32
        %get3A_1468 = arith.index_cast %add3A_1467 : i32 to index
        %get3A_1469 = arith.constant 0 : index
        %get3A_1470 = tpu.vector_load %arg15[%get3A_1468, %get3A_1469] {strides = array<i32>} : memref<400x64xbf16, #tpu.memory_space<vmem>>, vector<32xbf16>,
        %add3A_1471 = arith.constant 1 : i32
        %add3A_1472 = arith.addi %add3A_1465, %add3A_1471 : i32
        %get3A_1473 = arith.index_cast %add3A_1472 : i32 to index
        %get3A_1474 = arith.constant 0 : index
        %get3A_1475 = tpu.vector_load %arg15[%get3A_1473, %get3A_1474] {strides = array<i32>} : memref<400x64xbf16, #tpu.memory_space<vmem>>, vector<32xbf16>,
        %add3A_1476 = arith.constant 2 : i32
        %add3A_1477 = arith.addi %add3A_1465, %add3A_1476 : i32
        %get3A_1478 = arith.index_cast %add3A_1477 : i32 to index
        %get3A_1479 = arith.constant 0 : index
        %get3A_1480 = tpu.vector_load %arg15[%get3A_1478, %get3A_1479] {strides = array<i32>} : memref<400x64xbf16, #tpu.memory_space<vmem>>, vector<32xbf16>,
        %add3A_1481 = arith.constant 3 : i32
        %add3A_1482 = arith.addi %add3A_1465, %add3A_1481 : i32
        %get3A_1483 = arith.index_cast %add3A_1482 : i32 to index
        %get3A_1484 = arith.constant 0 : index
        %get3A_1485 = tpu.vector_load %arg15[%get3A_1483, %get3A_1484] {strides = array<i32>} : memref<400x64xbf16, #tpu.memory_space<vmem>>, vector<32xbf16>,
        %add3A_1486 = arith.constant 4 : i32
        %add3A_1487 = arith.addi %add3A_1465, %add3A_1486 : i32
        %get3A_1488 = arith.index_cast %add3A_1487 : i32 to index
        %get3A_1489 = arith.constant 0 : index
        %get3A_1490 = tpu.vector_load %arg15[%get3A_1488, %get3A_1489] {strides = array<i32>} : memref<400x64xbf16, #tpu.memory_space<vmem>>, vector<32xbf16>,
        %add3A_1491 = arith.constant 5 : i32
        %add3A_1492 = arith.addi %add3A_1465, %add3A_1491 : i32
        %get3A_1493 = arith.index_cast %add3A_1492 : i32 to index
        %get3A_1494 = arith.constant 0 : index
        %get3A_1495 = tpu.vector_load %arg15[%get3A_1493, %get3A_1494] {strides = array<i32>} : memref<400x64xbf16, #tpu.memory_space<vmem>>, vector<32xbf16>,
        %add3A_1496 = arith.constant 6 : i32
        %add3A_1497 = arith.addi %add3A_1465, %add3A_1496 : i32
        %get3A_1498 = arith.index_cast %add3A_1497 : i32 to index
        %get3A_1499 = arith.constant 0 : index
        %get3A_1500 = tpu.vector_load %arg15[%get3A_1498, %get3A_1499] {strides = array<i32>} : memref<400x64xbf16, #tpu.memory_space<vmem>>, vector<32xbf16>,
        %add3A_1501 = arith.constant 7 : i32
        %add3A_1502 = arith.addi %add3A_1465, %add3A_1501 : i32
        %get3A_1503 = arith.index_cast %add3A_1502 : i32 to index
        %get3A_1504 = arith.constant 0 : index
        %get3A_1505 = tpu.vector_load %arg15[%get3A_1503, %get3A_1504] {strides = array<i32>} : memref<400x64xbf16, #tpu.memory_space<vmem>>, vector<32xbf16>,
        %add3A_1506 = arith.constant 8 : i32
        %add3A_1507 = arith.addi %add3A_1465, %add3A_1506 : i32
        %get3A_1508 = arith.index_cast %add3A_1507 : i32 to index
        %get3A_1509 = arith.constant 0 : index
        %get3A_1510 = tpu.vector_load %arg15[%get3A_1508, %get3A_1509] {strides = array<i32>} : memref<400x64xbf16, #tpu.memory_space<vmem>>, vector<32xbf16>,
        %add3A_1511 = arith.constant 9 : i32
        %add3A_1512 = arith.addi %add3A_1465, %add3A_1511 : i32
        %get3A_1513 = arith.index_cast %add3A_1512 : i32 to index
        %get3A_1514 = arith.constant 0 : index
        %get3A_1515 = tpu.vector_load %arg15[%get3A_1513, %get3A_1514] {strides = array<i32>} : memref<400x64xbf16, #tpu.memory_space<vmem>>, vector<32xbf16>,
        %add3A_1516 = arith.constant 10 : i32
        %add3A_1517 = arith.addi %add3A_1465, %add3A_1516 : i32
        %get3A_1518 = arith.index_cast %add3A_1517 : i32 to index
        %get3A_1519 = arith.constant 0 : index
        %get3A_1520 = tpu.vector_load %arg15[%get3A_1518, %get3A_1519] {strides = array<i32>} : memref<400x64xbf16, #tpu.memory_space<vmem>>, vector<32xbf16>,
        %add3A_1521 = arith.constant 11 : i32
        %add3A_1522 = arith.addi %add3A_1465, %add3A_1521 : i32
        %get3A_1523 = arith.index_cast %add3A_1522 : i32 to index
        %get3A_1524 = arith.constant 0 : index
        %get3A_1525 = tpu.vector_load %arg15[%get3A_1523, %get3A_1524] {strides = array<i32>} : memref<400x64xbf16, #tpu.memory_space<vmem>>, vector<32xbf16>,
        %add3A_1526 = arith.constant 12 : i32
        %add3A_1527 = arith.addi %add3A_1465, %add3A_1526 : i32
        %get3A_1528 = arith.index_cast %add3A_1527 : i32 to index
        %get3A_1529 = arith.constant 0 : index
        %get3A_1530 = tpu.vector_load %arg15[%get3A_1528, %get3A_1529] {strides = array<i32>} : memref<400x64xbf16, #tpu.memory_space<vmem>>, vector<32xbf16>,
        %add3A_1531 = arith.constant 13 : i32
        %add3A_1532 = arith.addi %add3A_1465, %add3A_1531 : i32
        %get3A_1533 = arith.index_cast %add3A_1532 : i32 to index
        %get3A_1534 = arith.constant 0 : index
        %get3A_1535 = tpu.vector_load %arg15[%get3A_1533, %get3A_1534] {strides = array<i32>} : memref<400x64xbf16, #tpu.memory_space<vmem>>, vector<32xbf16>,
        %add3A_1536 = arith.constant 14 : i32
        %add3A_1537 = arith.addi %add3A_1465, %add3A_1536 : i32
        %get3A_1538 = arith.index_cast %add3A_1537 : i32 to index
        %get3A_1539 = arith.constant 0 : index
        %get3A_1540 = tpu.vector_load %arg15[%get3A_1538, %get3A_1539] {strides = array<i32>} : memref<400x64xbf16, #tpu.memory_space<vmem>>, vector<32xbf16>,
        %add3A_1541 = arith.constant 15 : i32
        %add3A_1542 = arith.addi %add3A_1465, %add3A_1541 : i32
        %get3A_1543 = arith.index_cast %add3A_1542 : i32 to index
        %get3A_1544 = arith.constant 0 : index
        %get3A_1545 = tpu.vector_load %arg15[%get3A_1543, %get3A_1544] {strides = array<i32>} : memref<400x64xbf16, #tpu.memory_space<vmem>>, vector<32xbf16>,
        %add3A_1546 = arith.constant 0 : i32
        %add3A_1547 = arith.addi %add3A_1465, %add3A_1546 : i32
        %get3A_1548 = arith.index_cast %add3A_1547 : i32 to index
        %get3A_1549 = arith.constant 32 : index
        %get3A_1550 = tpu.vector_load %arg15[%get3A_1548, %get3A_1549] {strides = array<i32>} : memref<400x64xbf16, #tpu.memory_space<vmem>>, vector<32xbf16>,
        %add3A_1551 = arith.constant 1 : i32
        %add3A_1552 = arith.addi %add3A_1465, %add3A_1551 : i32
        %get3A_1553 = arith.index_cast %add3A_1552 : i32 to index
        %get3A_1554 = arith.constant 32 : index
        %get3A_1555 = tpu.vector_load %arg15[%get3A_1553, %get3A_1554] {strides = array<i32>} : memref<400x64xbf16, #tpu.memory_space<vmem>>, vector<32xbf16>,
        %add3A_1556 = arith.constant 2 : i32
        %add3A_1557 = arith.addi %add3A_1465, %add3A_1556 : i32
        %get3A_1558 = arith.index_cast %add3A_1557 : i32 to index
        %get3A_1559 = arith.constant 32 : index
        %get3A_1560 = tpu.vector_load %arg15[%get3A_1558, %get3A_1559] {strides = array<i32>} : memref<400x64xbf16, #tpu.memory_space<vmem>>, vector<32xbf16>,
        %add3A_1561 = arith.constant 3 : i32
        %add3A_1562 = arith.addi %add3A_1465, %add3A_1561 : i32
        %get3A_1563 = arith.index_cast %add3A_1562 : i32 to index
        %get3A_1564 = arith.constant 32 : index
        %get3A_1565 = tpu.vector_load %arg15[%get3A_1563, %get3A_1564] {strides = array<i32>} : memref<400x64xbf16, #tpu.memory_space<vmem>>, vector<32xbf16>,
        %add3A_1566 = arith.constant 4 : i32
        %add3A_1567 = arith.addi %add3A_1465, %add3A_1566 : i32
        %get3A_1568 = arith.index_cast %add3A_1567 : i32 to index
        %get3A_1569 = arith.constant 32 : index
        %get3A_1570 = tpu.vector_load %arg15[%get3A_1568, %get3A_1569] {strides = array<i32>} : memref<400x64xbf16, #tpu.memory_space<vmem>>, vector<32xbf16>,
        %add3A_1571 = arith.constant 5 : i32
        %add3A_1572 = arith.addi %add3A_1465, %add3A_1571 : i32
        %get3A_1573 = arith.index_cast %add3A_1572 : i32 to index
        %get3A_1574 = arith.constant 32 : index
        %get3A_1575 = tpu.vector_load %arg15[%get3A_1573, %get3A_1574] {strides = array<i32>} : memref<400x64xbf16, #tpu.memory_space<vmem>>, vector<32xbf16>,
        %add3A_1576 = arith.constant 6 : i32
        %add3A_1577 = arith.addi %add3A_1465, %add3A_1576 : i32
        %get3A_1578 = arith.index_cast %add3A_1577 : i32 to index
        %get3A_1579 = arith.constant 32 : index
        %get3A_1580 = tpu.vector_load %arg15[%get3A_1578, %get3A_1579] {strides = array<i32>} : memref<400x64xbf16, #tpu.memory_space<vmem>>, vector<32xbf16>,
        %add3A_1581 = arith.constant 7 : i32
        %add3A_1582 = arith.addi %add3A_1465, %add3A_1581 : i32
        %get3A_1583 = arith.index_cast %add3A_1582 : i32 to index
        %get3A_1584 = arith.constant 32 : index
        %get3A_1585 = tpu.vector_load %arg15[%get3A_1583, %get3A_1584] {strides = array<i32>} : memref<400x64xbf16, #tpu.memory_space<vmem>>, vector<32xbf16>,
        %add3A_1586 = arith.constant 8 : i32
        %add3A_1587 = arith.addi %add3A_1465, %add3A_1586 : i32
        %get3A_1588 = arith.index_cast %add3A_1587 : i32 to index
        %get3A_1589 = arith.constant 32 : index
        %get3A_1590 = tpu.vector_load %arg15[%get3A_1588, %get3A_1589] {strides = array<i32>} : memref<400x64xbf16, #tpu.memory_space<vmem>>, vector<32xbf16>,
        %add3A_1591 = arith.constant 9 : i32
        %add3A_1592 = arith.addi %add3A_1465, %add3A_1591 : i32
        %get3A_1593 = arith.index_cast %add3A_1592 : i32 to index
        %get3A_1594 = arith.constant 32 : index
        %get3A_1595 = tpu.vector_load %arg15[%get3A_1593, %get3A_1594] {strides = array<i32>} : memref<400x64xbf16, #tpu.memory_space<vmem>>, vector<32xbf16>,
        %add3A_1596 = arith.constant 10 : i32
        %add3A_1597 = arith.addi %add3A_1465, %add3A_1596 : i32
        %get3A_1598 = arith.index_cast %add3A_1597 : i32 to index
        %get3A_1599 = arith.constant 32 : index
        %get3A_1600 = tpu.vector_load %arg15[%get3A_1598, %get3A_1599] {strides = array<i32>} : memref<400x64xbf16, #tpu.memory_space<vmem>>, vector<32xbf16>,
        %add3A_1601 = arith.constant 11 : i32
        %add3A_1602 = arith.addi %add3A_1465, %add3A_1601 : i32
        %get3A_1603 = arith.index_cast %add3A_1602 : i32 to index
        %get3A_1604 = arith.constant 32 : index
        %get3A_1605 = tpu.vector_load %arg15[%get3A_1603, %get3A_1604] {strides = array<i32>} : memref<400x64xbf16, #tpu.memory_space<vmem>>, vector<32xbf16>,
        %add3A_1606 = arith.constant 12 : i32
        %add3A_1607 = arith.addi %add3A_1465, %add3A_1606 : i32
        %get3A_1608 = arith.index_cast %add3A_1607 : i32 to index
        %get3A_1609 = arith.constant 32 : index
        %get3A_1610 = tpu.vector_load %arg15[%get3A_1608, %get3A_1609] {strides = array<i32>} : memref<400x64xbf16, #tpu.memory_space<vmem>>, vector<32xbf16>,
        %add3A_1611 = arith.constant 13 : i32
        %add3A_1612 = arith.addi %add3A_1465, %add3A_1611 : i32
        %get3A_1613 = arith.index_cast %add3A_1612 : i32 to index
        %get3A_1614 = arith.constant 32 : index
        %get3A_1615 = tpu.vector_load %arg15[%get3A_1613, %get3A_1614] {strides = array<i32>} : memref<400x64xbf16, #tpu.memory_space<vmem>>, vector<32xbf16>,
        %add3A_1616 = arith.constant 14 : i32
        %add3A_1617 = arith.addi %add3A_1465, %add3A_1616 : i32
        %get3A_1618 = arith.index_cast %add3A_1617 : i32 to index
        %get3A_1619 = arith.constant 32 : index
        %get3A_1620 = tpu.vector_load %arg15[%get3A_1618, %get3A_1619] {strides = array<i32>} : memref<400x64xbf16, #tpu.memory_space<vmem>>, vector<32xbf16>,
        %add3A_1621 = arith.constant 15 : i32
        %add3A_1622 = arith.addi %add3A_1465, %add3A_1621 : i32
        %get3A_1623 = arith.index_cast %add3A_1622 : i32 to index
        %get3A_1624 = arith.constant 32 : index
        %get3A_1625 = tpu.vector_load %arg15[%get3A_1623, %get3A_1624] {strides = array<i32>} : memref<400x64xbf16, #tpu.memory_space<vmem>>, vector<32xbf16>,
        %sub3A_1626 = arith.subf %get3A_1178, %get3A_1470 : vector<32xbf16>
        %abs3A_1627 = math.absf %sub3A_1626 : vector<32xbf16>
        %sub3A_1628 = arith.subf %get3A_1181, %get3A_1550 : vector<32xbf16>
        %abs3A_1629 = math.absf %sub3A_1628 : vector<32xbf16>
        %unpack3A_1630 = tpu.unpack_subelements %abs3A_1627, 0 {pack_format = #tpu.pack_format<interleaved>} : vector<32xbf16> -> vector<16xf32>
        %unpack3A_1631 = tpu.unpack_subelements %abs3A_1627, 1 {pack_format = #tpu.pack_format<interleaved>} : vector<32xbf16> -> vector<16xf32>
        %unpack3A_1632 = tpu.unpack_subelements %abs3A_1629, 0 {pack_format = #tpu.pack_format<interleaved>} : vector<32xbf16> -> vector<16xf32>
        %unpack3A_1633 = tpu.unpack_subelements %abs3A_1629, 1 {pack_format = #tpu.pack_format<interleaved>} : vector<32xbf16> -> vector<16xf32>
        %add3A_1634 = arith.addf %unpack3A_1630, %unpack3A_1631 : vector<16xf32>
        %add3A_1635 = arith.addf %unpack3A_1632, %unpack3A_1633 : vector<16xf32>
        %add3A_1636 = arith.addf %add3A_1634, %add3A_1635 : vector<16xf32>
        %sub3A_1637 = arith.subf %get3A_1178, %get3A_1475 : vector<32xbf16>
        %abs3A_1638 = math.absf %sub3A_1637 : vector<32xbf16>
        %sub3A_1639 = arith.subf %get3A_1181, %get3A_1555 : vector<32xbf16>
        %abs3A_1640 = math.absf %sub3A_1639 : vector<32xbf16>
        %unpack3A_1641 = tpu.unpack_subelements %abs3A_1638, 0 {pack_format = #tpu.pack_format<interleaved>} : vector<32xbf16> -> vector<16xf32>
        %unpack3A_1642 = tpu.unpack_subelements %abs3A_1638, 1 {pack_format = #tpu.pack_format<interleaved>} : vector<32xbf16> -> vector<16xf32>
        %unpack3A_1643 = tpu.unpack_subelements %abs3A_1640, 0 {pack_format = #tpu.pack_format<interleaved>} : vector<32xbf16> -> vector<16xf32>
        %unpack3A_1644 = tpu.unpack_subelements %abs3A_1640, 1 {pack_format = #tpu.pack_format<interleaved>} : vector<32xbf16> -> vector<16xf32>
        %add3A_1645 = arith.addf %unpack3A_1641, %unpack3A_1642 : vector<16xf32>
        %add3A_1646 = arith.addf %unpack3A_1643, %unpack3A_1644 : vector<16xf32>
        %add3A_1647 = arith.addf %add3A_1645, %add3A_1646 : vector<16xf32>
        %sub3A_1648 = arith.subf %get3A_1178, %get3A_1480 : vector<32xbf16>
        %abs3A_1649 = math.absf %sub3A_1648 : vector<32xbf16>
        %sub3A_1650 = arith.subf %get3A_1181, %get3A_1560 : vector<32xbf16>
        %abs3A_1651 = math.absf %sub3A_1650 : vector<32xbf16>
        %unpack3A_1652 = tpu.unpack_subelements %abs3A_1649, 0 {pack_format = #tpu.pack_format<interleaved>} : vector<32xbf16> -> vector<16xf32>
        %unpack3A_1653 = tpu.unpack_subelements %abs3A_1649, 1 {pack_format = #tpu.pack_format<interleaved>} : vector<32xbf16> -> vector<16xf32>
        %unpack3A_1654 = tpu.unpack_subelements %abs3A_1651, 0 {pack_format = #tpu.pack_format<interleaved>} : vector<32xbf16> -> vector<16xf32>
        %unpack3A_1655 = tpu.unpack_subelements %abs3A_1651, 1 {pack_format = #tpu.pack_format<interleaved>} : vector<32xbf16> -> vector<16xf32>
        %add3A_1656 = arith.addf %unpack3A_1652, %unpack3A_1653 : vector<16xf32>
        %add3A_1657 = arith.addf %unpack3A_1654, %unpack3A_1655 : vector<16xf32>
        %add3A_1658 = arith.addf %add3A_1656, %add3A_1657 : vector<16xf32>
        %sub3A_1659 = arith.subf %get3A_1178, %get3A_1485 : vector<32xbf16>
        %abs3A_1660 = math.absf %sub3A_1659 : vector<32xbf16>
        %sub3A_1661 = arith.subf %get3A_1181, %get3A_1565 : vector<32xbf16>
        %abs3A_1662 = math.absf %sub3A_1661 : vector<32xbf16>
        %unpack3A_1663 = tpu.unpack_subelements %abs3A_1660, 0 {pack_format = #tpu.pack_format<interleaved>} : vector<32xbf16> -> vector<16xf32>
        %unpack3A_1664 = tpu.unpack_subelements %abs3A_1660, 1 {pack_format = #tpu.pack_format<interleaved>} : vector<32xbf16> -> vector<16xf32>
        %unpack3A_1665 = tpu.unpack_subelements %abs3A_1662, 0 {pack_format = #tpu.pack_format<interleaved>} : vector<32xbf16> -> vector<16xf32>
        %unpack3A_1666 = tpu.unpack_subelements %abs3A_1662, 1 {pack_format = #tpu.pack_format<interleaved>} : vector<32xbf16> -> vector<16xf32>
        %add3A_1667 = arith.addf %unpack3A_1663, %unpack3A_1664 : vector<16xf32>
        %add3A_1668 = arith.addf %unpack3A_1665, %unpack3A_1666 : vector<16xf32>
        %add3A_1669 = arith.addf %add3A_1667, %add3A_1668 : vector<16xf32>
        %sub3A_1670 = arith.subf %get3A_1178, %get3A_1490 : vector<32xbf16>
        %abs3A_1671 = math.absf %sub3A_1670 : vector<32xbf16>
        %sub3A_1672 = arith.subf %get3A_1181, %get3A_1570 : vector<32xbf16>
        %abs3A_1673 = math.absf %sub3A_1672 : vector<32xbf16>
        %unpack3A_1674 = tpu.unpack_subelements %abs3A_1671, 0 {pack_format = #tpu.pack_format<interleaved>} : vector<32xbf16> -> vector<16xf32>
        %unpack3A_1675 = tpu.unpack_subelements %abs3A_1671, 1 {pack_format = #tpu.pack_format<interleaved>} : vector<32xbf16> -> vector<16xf32>
        %unpack3A_1676 = tpu.unpack_subelements %abs3A_1673, 0 {pack_format = #tpu.pack_format<interleaved>} : vector<32xbf16> -> vector<16xf32>
        %unpack3A_1677 = tpu.unpack_subelements %abs3A_1673, 1 {pack_format = #tpu.pack_format<interleaved>} : vector<32xbf16> -> vector<16xf32>
        %add3A_1678 = arith.addf %unpack3A_1674, %unpack3A_1675 : vector<16xf32>
        %add3A_1679 = arith.addf %unpack3A_1676, %unpack3A_1677 : vector<16xf32>
        %add3A_1680 = arith.addf %add3A_1678, %add3A_1679 : vector<16xf32>
        %sub3A_1681 = arith.subf %get3A_1178, %get3A_1495 : vector<32xbf16>
        %abs3A_1682 = math.absf %sub3A_1681 : vector<32xbf16>
        %sub3A_1683 = arith.subf %get3A_1181, %get3A_1575 : vector<32xbf16>
        %abs3A_1684 = math.absf %sub3A_1683 : vector<32xbf16>
        %unpack3A_1685 = tpu.unpack_subelements %abs3A_1682, 0 {pack_format = #tpu.pack_format<interleaved>} : vector<32xbf16> -> vector<16xf32>
        %unpack3A_1686 = tpu.unpack_subelements %abs3A_1682, 1 {pack_format = #tpu.pack_format<interleaved>} : vector<32xbf16> -> vector<16xf32>
        %unpack3A_1687 = tpu.unpack_subelements %abs3A_1684, 0 {pack_format = #tpu.pack_format<interleaved>} : vector<32xbf16> -> vector<16xf32>
        %unpack3A_1688 = tpu.unpack_subelements %abs3A_1684, 1 {pack_format = #tpu.pack_format<interleaved>} : vector<32xbf16> -> vector<16xf32>
        %add3A_1689 = arith.addf %unpack3A_1685, %unpack3A_1686 : vector<16xf32>
        %add3A_1690 = arith.addf %unpack3A_1687, %unpack3A_1688 : vector<16xf32>
        %add3A_1691 = arith.addf %add3A_1689, %add3A_1690 : vector<16xf32>
        %sub3A_1692 = arith.subf %get3A_1178, %get3A_1500 : vector<32xbf16>
        %abs3A_1693 = math.absf %sub3A_1692 : vector<32xbf16>
        %sub3A_1694 = arith.subf %get3A_1181, %get3A_1580 : vector<32xbf16>
        %abs3A_1695 = math.absf %sub3A_1694 : vector<32xbf16>
        %unpack3A_1696 = tpu.unpack_subelements %abs3A_1693, 0 {pack_format = #tpu.pack_format<interleaved>} : vector<32xbf16> -> vector<16xf32>
        %unpack3A_1697 = tpu.unpack_subelements %abs3A_1693, 1 {pack_format = #tpu.pack_format<interleaved>} : vector<32xbf16> -> vector<16xf32>
        %unpack3A_1698 = tpu.unpack_subelements %abs3A_1695, 0 {pack_format = #tpu.pack_format<interleaved>} : vector<32xbf16> -> vector<16xf32>
        %unpack3A_1699 = tpu.unpack_subelements %abs3A_1695, 1 {pack_format = #tpu.pack_format<interleaved>} : vector<32xbf16> -> vector<16xf32>
        %add3A_1700 = arith.addf %unpack3A_1696, %unpack3A_1697 : vector<16xf32>
        %add3A_1701 = arith.addf %unpack3A_1698, %unpack3A_1699 : vector<16xf32>
        %add3A_1702 = arith.addf %add3A_1700, %add3A_1701 : vector<16xf32>
        %sub3A_1703 = arith.subf %get3A_1178, %get3A_1505 : vector<32xbf16>
        %abs3A_1704 = math.absf %sub3A_1703 : vector<32xbf16>
        %sub3A_1705 = arith.subf %get3A_1181, %get3A_1585 : vector<32xbf16>
        %abs3A_1706 = math.absf %sub3A_1705 : vector<32xbf16>
        %unpack3A_1707 = tpu.unpack_subelements %abs3A_1704, 0 {pack_format = #tpu.pack_format<interleaved>} : vector<32xbf16> -> vector<16xf32>
        %unpack3A_1708 = tpu.unpack_subelements %abs3A_1704, 1 {pack_format = #tpu.pack_format<interleaved>} : vector<32xbf16> -> vector<16xf32>
        %unpack3A_1709 = tpu.unpack_subelements %abs3A_1706, 0 {pack_format = #tpu.pack_format<interleaved>} : vector<32xbf16> -> vector<16xf32>
        %unpack3A_1710 = tpu.unpack_subelements %abs3A_1706, 1 {pack_format = #tpu.pack_format<interleaved>} : vector<32xbf16> -> vector<16xf32>
        %add3A_1711 = arith.addf %unpack3A_1707, %unpack3A_1708 : vector<16xf32>
        %add3A_1712 = arith.addf %unpack3A_1709, %unpack3A_1710 : vector<16xf32>
        %add3A_1713 = arith.addf %add3A_1711, %add3A_1712 : vector<16xf32>
        %sub3A_1714 = arith.subf %get3A_1178, %get3A_1510 : vector<32xbf16>
        %abs3A_1715 = math.absf %sub3A_1714 : vector<32xbf16>
        %sub3A_1716 = arith.subf %get3A_1181, %get3A_1590 : vector<32xbf16>
        %abs3A_1717 = math.absf %sub3A_1716 : vector<32xbf16>
        %unpack3A_1718 = tpu.unpack_subelements %abs3A_1715, 0 {pack_format = #tpu.pack_format<interleaved>} : vector<32xbf16> -> vector<16xf32>
        %unpack3A_1719 = tpu.unpack_subelements %abs3A_1715, 1 {pack_format = #tpu.pack_format<interleaved>} : vector<32xbf16> -> vector<16xf32>
        %unpack3A_1720 = tpu.unpack_subelements %abs3A_1717, 0 {pack_format = #tpu.pack_format<interleaved>} : vector<32xbf16> -> vector<16xf32>
        %unpack3A_1721 = tpu.unpack_subelements %abs3A_1717, 1 {pack_format = #tpu.pack_format<interleaved>} : vector<32xbf16> -> vector<16xf32>
        %add3A_1722 = arith.addf %unpack3A_1718, %unpack3A_1719 : vector<16xf32>
        %add3A_1723 = arith.addf %unpack3A_1720, %unpack3A_1721 : vector<16xf32>
        %add3A_1724 = arith.addf %add3A_1722, %add3A_1723 : vector<16xf32>
        %sub3A_1725 = arith.subf %get3A_1178, %get3A_1515 : vector<32xbf16>
        %abs3A_1726 = math.absf %sub3A_1725 : vector<32xbf16>
        %sub3A_1727 = arith.subf %get3A_1181, %get3A_1595 : vector<32xbf16>
        %abs3A_1728 = math.absf %sub3A_1727 : vector<32xbf16>
        %unpack3A_1729 = tpu.unpack_subelements %abs3A_1726, 0 {pack_format = #tpu.pack_format<interleaved>} : vector<32xbf16> -> vector<16xf32>
        %unpack3A_1730 = tpu.unpack_subelements %abs3A_1726, 1 {pack_format = #tpu.pack_format<interleaved>} : vector<32xbf16> -> vector<16xf32>
        %unpack3A_1731 = tpu.unpack_subelements %abs3A_1728, 0 {pack_format = #tpu.pack_format<interleaved>} : vector<32xbf16> -> vector<16xf32>
        %unpack3A_1732 = tpu.unpack_subelements %abs3A_1728, 1 {pack_format = #tpu.pack_format<interleaved>} : vector<32xbf16> -> vector<16xf32>
        %add3A_1733 = arith.addf %unpack3A_1729, %unpack3A_1730 : vector<16xf32>
        %add3A_1734 = arith.addf %unpack3A_1731, %unpack3A_1732 : vector<16xf32>
        %add3A_1735 = arith.addf %add3A_1733, %add3A_1734 : vector<16xf32>
        %sub3A_1736 = arith.subf %get3A_1178, %get3A_1520 : vector<32xbf16>
        %abs3A_1737 = math.absf %sub3A_1736 : vector<32xbf16>
        %sub3A_1738 = arith.subf %get3A_1181, %get3A_1600 : vector<32xbf16>
        %abs3A_1739 = math.absf %sub3A_1738 : vector<32xbf16>
        %unpack3A_1740 = tpu.unpack_subelements %abs3A_1737, 0 {pack_format = #tpu.pack_format<interleaved>} : vector<32xbf16> -> vector<16xf32>
        %unpack3A_1741 = tpu.unpack_subelements %abs3A_1737, 1 {pack_format = #tpu.pack_format<interleaved>} : vector<32xbf16> -> vector<16xf32>
        %unpack3A_1742 = tpu.unpack_subelements %abs3A_1739, 0 {pack_format = #tpu.pack_format<interleaved>} : vector<32xbf16> -> vector<16xf32>
        %unpack3A_1743 = tpu.unpack_subelements %abs3A_1739, 1 {pack_format = #tpu.pack_format<interleaved>} : vector<32xbf16> -> vector<16xf32>
        %add3A_1744 = arith.addf %unpack3A_1740, %unpack3A_1741 : vector<16xf32>
        %add3A_1745 = arith.addf %unpack3A_1742, %unpack3A_1743 : vector<16xf32>
        %add3A_1746 = arith.addf %add3A_1744, %add3A_1745 : vector<16xf32>
        %sub3A_1747 = arith.subf %get3A_1178, %get3A_1525 : vector<32xbf16>
        %abs3A_1748 = math.absf %sub3A_1747 : vector<32xbf16>
        %sub3A_1749 = arith.subf %get3A_1181, %get3A_1605 : vector<32xbf16>
        %abs3A_1750 = math.absf %sub3A_1749 : vector<32xbf16>
        %unpack3A_1751 = tpu.unpack_subelements %abs3A_1748, 0 {pack_format = #tpu.pack_format<interleaved>} : vector<32xbf16> -> vector<16xf32>
        %unpack3A_1752 = tpu.unpack_subelements %abs3A_1748, 1 {pack_format = #tpu.pack_format<interleaved>} : vector<32xbf16> -> vector<16xf32>
        %unpack3A_1753 = tpu.unpack_subelements %abs3A_1750, 0 {pack_format = #tpu.pack_format<interleaved>} : vector<32xbf16> -> vector<16xf32>
        %unpack3A_1754 = tpu.unpack_subelements %abs3A_1750, 1 {pack_format = #tpu.pack_format<interleaved>} : vector<32xbf16> -> vector<16xf32>
        %add3A_1755 = arith.addf %unpack3A_1751, %unpack3A_1752 : vector<16xf32>
        %add3A_1756 = arith.addf %unpack3A_1753, %unpack3A_1754 : vector<16xf32>
        %add3A_1757 = arith.addf %add3A_1755, %add3A_1756 : vector<16xf32>
        %sub3A_1758 = arith.subf %get3A_1178, %get3A_1530 : vector<32xbf16>
        %abs3A_1759 = math.absf %sub3A_1758 : vector<32xbf16>
        %sub3A_1760 = arith.subf %get3A_1181, %get3A_1610 : vector<32xbf16>
        %abs3A_1761 = math.absf %sub3A_1760 : vector<32xbf16>
        %unpack3A_1762 = tpu.unpack_subelements %abs3A_1759, 0 {pack_format = #tpu.pack_format<interleaved>} : vector<32xbf16> -> vector<16xf32>
        %unpack3A_1763 = tpu.unpack_subelements %abs3A_1759, 1 {pack_format = #tpu.pack_format<interleaved>} : vector<32xbf16> -> vector<16xf32>
        %unpack3A_1764 = tpu.unpack_subelements %abs3A_1761, 0 {pack_format = #tpu.pack_format<interleaved>} : vector<32xbf16> -> vector<16xf32>
        %unpack3A_1765 = tpu.unpack_subelements %abs3A_1761, 1 {pack_format = #tpu.pack_format<interleaved>} : vector<32xbf16> -> vector<16xf32>
        %add3A_1766 = arith.addf %unpack3A_1762, %unpack3A_1763 : vector<16xf32>
        %add3A_1767 = arith.addf %unpack3A_1764, %unpack3A_1765 : vector<16xf32>
        %add3A_1768 = arith.addf %add3A_1766, %add3A_1767 : vector<16xf32>
        %sub3A_1769 = arith.subf %get3A_1178, %get3A_1535 : vector<32xbf16>
        %abs3A_1770 = math.absf %sub3A_1769 : vector<32xbf16>
        %sub3A_1771 = arith.subf %get3A_1181, %get3A_1615 : vector<32xbf16>
        %abs3A_1772 = math.absf %sub3A_1771 : vector<32xbf16>
        %unpack3A_1773 = tpu.unpack_subelements %abs3A_1770, 0 {pack_format = #tpu.pack_format<interleaved>} : vector<32xbf16> -> vector<16xf32>
        %unpack3A_1774 = tpu.unpack_subelements %abs3A_1770, 1 {pack_format = #tpu.pack_format<interleaved>} : vector<32xbf16> -> vector<16xf32>
        %unpack3A_1775 = tpu.unpack_subelements %abs3A_1772, 0 {pack_format = #tpu.pack_format<interleaved>} : vector<32xbf16> -> vector<16xf32>
        %unpack3A_1776 = tpu.unpack_subelements %abs3A_1772, 1 {pack_format = #tpu.pack_format<interleaved>} : vector<32xbf16> -> vector<16xf32>
        %add3A_1777 = arith.addf %unpack3A_1773, %unpack3A_1774 : vector<16xf32>
        %add3A_1778 = arith.addf %unpack3A_1775, %unpack3A_1776 : vector<16xf32>
        %add3A_1779 = arith.addf %add3A_1777, %add3A_1778 : vector<16xf32>
        %sub3A_1780 = arith.subf %get3A_1178, %get3A_1540 : vector<32xbf16>
        %abs3A_1781 = math.absf %sub3A_1780 : vector<32xbf16>
        %sub3A_1782 = arith.subf %get3A_1181, %get3A_1620 : vector<32xbf16>
        %abs3A_1783 = math.absf %sub3A_1782 : vector<32xbf16>
        %unpack3A_1784 = tpu.unpack_subelements %abs3A_1781, 0 {pack_format = #tpu.pack_format<interleaved>} : vector<32xbf16> -> vector<16xf32>
        %unpack3A_1785 = tpu.unpack_subelements %abs3A_1781, 1 {pack_format = #tpu.pack_format<interleaved>} : vector<32xbf16> -> vector<16xf32>
        %unpack3A_1786 = tpu.unpack_subelements %abs3A_1783, 0 {pack_format = #tpu.pack_format<interleaved>} : vector<32xbf16> -> vector<16xf32>
        %unpack3A_1787 = tpu.unpack_subelements %abs3A_1783, 1 {pack_format = #tpu.pack_format<interleaved>} : vector<32xbf16> -> vector<16xf32>
        %add3A_1788 = arith.addf %unpack3A_1784, %unpack3A_1785 : vector<16xf32>
        %add3A_1789 = arith.addf %unpack3A_1786, %unpack3A_1787 : vector<16xf32>
        %add3A_1790 = arith.addf %add3A_1788, %add3A_1789 : vector<16xf32>
        %sub3A_1791 = arith.subf %get3A_1178, %get3A_1545 : vector<32xbf16>
        %abs3A_1792 = math.absf %sub3A_1791 : vector<32xbf16>
        %sub3A_1793 = arith.subf %get3A_1181, %get3A_1625 : vector<32xbf16>
        %abs3A_1794 = math.absf %sub3A_1793 : vector<32xbf16>
        %unpack3A_1795 = tpu.unpack_subelements %abs3A_1792, 0 {pack_format = #tpu.pack_format<interleaved>} : vector<32xbf16> -> vector<16xf32>
        %unpack3A_1796 = tpu.unpack_subelements %abs3A_1792, 1 {pack_format = #tpu.pack_format<interleaved>} : vector<32xbf16> -> vector<16xf32>
        %unpack3A_1797 = tpu.unpack_subelements %abs3A_1794, 0 {pack_format = #tpu.pack_format<interleaved>} : vector<32xbf16> -> vector<16xf32>
        %unpack3A_1798 = tpu.unpack_subelements %abs3A_1794, 1 {pack_format = #tpu.pack_format<interleaved>} : vector<32xbf16> -> vector<16xf32>
        %add3A_1799 = arith.addf %unpack3A_1795, %unpack3A_1796 : vector<16xf32>
        %add3A_1800 = arith.addf %unpack3A_1797, %unpack3A_1798 : vector<16xf32>
        %add3A_1801 = arith.addf %add3A_1799, %add3A_1800 : vector<16xf32>
        %mul3A_1802 = arith.constant 16 : i32
        %mul3A_1803 = vector.broadcast %mul3A_1802 : i32 to vector<16xi32>
        %mul3A_1804 = arith.muli %iota3A, %mul3A_1803 : vector<16xi32>
        %add3A_1805 = arith.constant 0 : i32
        %add3A_1806 = vector.broadcast %add3A_1805 : i32 to vector<16xi32>
        %add3A_1807 = arith.addi %mul3A_1804, %add3A_1806 : vector<16xi32>
        tpu.vector_store_idx %arg18[%add3A_1807], %add3A_1636 : memref<256xf32, #tpu.memory_space<vmem>>[vector<16xi32>], vector<16xf32>,
        %mul3A_1808 = arith.constant 16 : i32
        %mul3A_1809 = vector.broadcast %mul3A_1808 : i32 to vector<16xi32>
        %mul3A_1810 = arith.muli %iota3A, %mul3A_1809 : vector<16xi32>
        %add3A_1811 = arith.constant 1 : i32
        %add3A_1812 = vector.broadcast %add3A_1811 : i32 to vector<16xi32>
        %add3A_1813 = arith.addi %mul3A_1810, %add3A_1812 : vector<16xi32>
        tpu.vector_store_idx %arg18[%add3A_1813], %add3A_1647 : memref<256xf32, #tpu.memory_space<vmem>>[vector<16xi32>], vector<16xf32>,
        %mul3A_1814 = arith.constant 16 : i32
        %mul3A_1815 = vector.broadcast %mul3A_1814 : i32 to vector<16xi32>
        %mul3A_1816 = arith.muli %iota3A, %mul3A_1815 : vector<16xi32>
        %add3A_1817 = arith.constant 2 : i32
        %add3A_1818 = vector.broadcast %add3A_1817 : i32 to vector<16xi32>
        %add3A_1819 = arith.addi %mul3A_1816, %add3A_1818 : vector<16xi32>
        tpu.vector_store_idx %arg18[%add3A_1819], %add3A_1658 : memref<256xf32, #tpu.memory_space<vmem>>[vector<16xi32>], vector<16xf32>,
        %mul3A_1820 = arith.constant 16 : i32
        %mul3A_1821 = vector.broadcast %mul3A_1820 : i32 to vector<16xi32>
        %mul3A_1822 = arith.muli %iota3A, %mul3A_1821 : vector<16xi32>
        %add3A_1823 = arith.constant 3 : i32
        %add3A_1824 = vector.broadcast %add3A_1823 : i32 to vector<16xi32>
        %add3A_1825 = arith.addi %mul3A_1822, %add3A_1824 : vector<16xi32>
        tpu.vector_store_idx %arg18[%add3A_1825], %add3A_1669 : memref<256xf32, #tpu.memory_space<vmem>>[vector<16xi32>], vector<16xf32>,
        %mul3A_1826 = arith.constant 16 : i32
        %mul3A_1827 = vector.broadcast %mul3A_1826 : i32 to vector<16xi32>
        %mul3A_1828 = arith.muli %iota3A, %mul3A_1827 : vector<16xi32>
        %add3A_1829 = arith.constant 4 : i32
        %add3A_1830 = vector.broadcast %add3A_1829 : i32 to vector<16xi32>
        %add3A_1831 = arith.addi %mul3A_1828, %add3A_1830 : vector<16xi32>
        tpu.vector_store_idx %arg18[%add3A_1831], %add3A_1680 : memref<256xf32, #tpu.memory_space<vmem>>[vector<16xi32>], vector<16xf32>,
        %mul3A_1832 = arith.constant 16 : i32
        %mul3A_1833 = vector.broadcast %mul3A_1832 : i32 to vector<16xi32>
        %mul3A_1834 = arith.muli %iota3A, %mul3A_1833 : vector<16xi32>
        %add3A_1835 = arith.constant 5 : i32
        %add3A_1836 = vector.broadcast %add3A_1835 : i32 to vector<16xi32>
        %add3A_1837 = arith.addi %mul3A_1834, %add3A_1836 : vector<16xi32>
        tpu.vector_store_idx %arg18[%add3A_1837], %add3A_1691 : memref<256xf32, #tpu.memory_space<vmem>>[vector<16xi32>], vector<16xf32>,
        %mul3A_1838 = arith.constant 16 : i32
        %mul3A_1839 = vector.broadcast %mul3A_1838 : i32 to vector<16xi32>
        %mul3A_1840 = arith.muli %iota3A, %mul3A_1839 : vector<16xi32>
        %add3A_1841 = arith.constant 6 : i32
        %add3A_1842 = vector.broadcast %add3A_1841 : i32 to vector<16xi32>
        %add3A_1843 = arith.addi %mul3A_1840, %add3A_1842 : vector<16xi32>
        tpu.vector_store_idx %arg18[%add3A_1843], %add3A_1702 : memref<256xf32, #tpu.memory_space<vmem>>[vector<16xi32>], vector<16xf32>,
        %mul3A_1844 = arith.constant 16 : i32
        %mul3A_1845 = vector.broadcast %mul3A_1844 : i32 to vector<16xi32>
        %mul3A_1846 = arith.muli %iota3A, %mul3A_1845 : vector<16xi32>
        %add3A_1847 = arith.constant 7 : i32
        %add3A_1848 = vector.broadcast %add3A_1847 : i32 to vector<16xi32>
        %add3A_1849 = arith.addi %mul3A_1846, %add3A_1848 : vector<16xi32>
        tpu.vector_store_idx %arg18[%add3A_1849], %add3A_1713 : memref<256xf32, #tpu.memory_space<vmem>>[vector<16xi32>], vector<16xf32>,
        %mul3A_1850 = arith.constant 16 : i32
        %mul3A_1851 = vector.broadcast %mul3A_1850 : i32 to vector<16xi32>
        %mul3A_1852 = arith.muli %iota3A, %mul3A_1851 : vector<16xi32>
        %add3A_1853 = arith.constant 8 : i32
        %add3A_1854 = vector.broadcast %add3A_1853 : i32 to vector<16xi32>
        %add3A_1855 = arith.addi %mul3A_1852, %add3A_1854 : vector<16xi32>
        tpu.vector_store_idx %arg18[%add3A_1855], %add3A_1724 : memref<256xf32, #tpu.memory_space<vmem>>[vector<16xi32>], vector<16xf32>,
        %mul3A_1856 = arith.constant 16 : i32
        %mul3A_1857 = vector.broadcast %mul3A_1856 : i32 to vector<16xi32>
        %mul3A_1858 = arith.muli %iota3A, %mul3A_1857 : vector<16xi32>
        %add3A_1859 = arith.constant 9 : i32
        %add3A_1860 = vector.broadcast %add3A_1859 : i32 to vector<16xi32>
        %add3A_1861 = arith.addi %mul3A_1858, %add3A_1860 : vector<16xi32>
        tpu.vector_store_idx %arg18[%add3A_1861], %add3A_1735 : memref<256xf32, #tpu.memory_space<vmem>>[vector<16xi32>], vector<16xf32>,
        %mul3A_1862 = arith.constant 16 : i32
        %mul3A_1863 = vector.broadcast %mul3A_1862 : i32 to vector<16xi32>
        %mul3A_1864 = arith.muli %iota3A, %mul3A_1863 : vector<16xi32>
        %add3A_1865 = arith.constant 10 : i32
        %add3A_1866 = vector.broadcast %add3A_1865 : i32 to vector<16xi32>
        %add3A_1867 = arith.addi %mul3A_1864, %add3A_1866 : vector<16xi32>
        tpu.vector_store_idx %arg18[%add3A_1867], %add3A_1746 : memref<256xf32, #tpu.memory_space<vmem>>[vector<16xi32>], vector<16xf32>,
        %mul3A_1868 = arith.constant 16 : i32
        %mul3A_1869 = vector.broadcast %mul3A_1868 : i32 to vector<16xi32>
        %mul3A_1870 = arith.muli %iota3A, %mul3A_1869 : vector<16xi32>
        %add3A_1871 = arith.constant 11 : i32
        %add3A_1872 = vector.broadcast %add3A_1871 : i32 to vector<16xi32>
        %add3A_1873 = arith.addi %mul3A_1870, %add3A_1872 : vector<16xi32>
        tpu.vector_store_idx %arg18[%add3A_1873], %add3A_1757 : memref<256xf32, #tpu.memory_space<vmem>>[vector<16xi32>], vector<16xf32>,
        %mul3A_1874 = arith.constant 16 : i32
        %mul3A_1875 = vector.broadcast %mul3A_1874 : i32 to vector<16xi32>
        %mul3A_1876 = arith.muli %iota3A, %mul3A_1875 : vector<16xi32>
        %add3A_1877 = arith.constant 12 : i32
        %add3A_1878 = vector.broadcast %add3A_1877 : i32 to vector<16xi32>
        %add3A_1879 = arith.addi %mul3A_1876, %add3A_1878 : vector<16xi32>
        tpu.vector_store_idx %arg18[%add3A_1879], %add3A_1768 : memref<256xf32, #tpu.memory_space<vmem>>[vector<16xi32>], vector<16xf32>,
        %mul3A_1880 = arith.constant 16 : i32
        %mul3A_1881 = vector.broadcast %mul3A_1880 : i32 to vector<16xi32>
        %mul3A_1882 = arith.muli %iota3A, %mul3A_1881 : vector<16xi32>
        %add3A_1883 = arith.constant 13 : i32
        %add3A_1884 = vector.broadcast %add3A_1883 : i32 to vector<16xi32>
        %add3A_1885 = arith.addi %mul3A_1882, %add3A_1884 : vector<16xi32>
        tpu.vector_store_idx %arg18[%add3A_1885], %add3A_1779 : memref<256xf32, #tpu.memory_space<vmem>>[vector<16xi32>], vector<16xf32>,
        %mul3A_1886 = arith.constant 16 : i32
        %mul3A_1887 = vector.broadcast %mul3A_1886 : i32 to vector<16xi32>
        %mul3A_1888 = arith.muli %iota3A, %mul3A_1887 : vector<16xi32>
        %add3A_1889 = arith.constant 14 : i32
        %add3A_1890 = vector.broadcast %add3A_1889 : i32 to vector<16xi32>
        %add3A_1891 = arith.addi %mul3A_1888, %add3A_1890 : vector<16xi32>
        tpu.vector_store_idx %arg18[%add3A_1891], %add3A_1790 : memref<256xf32, #tpu.memory_space<vmem>>[vector<16xi32>], vector<16xf32>,
        %mul3A_1892 = arith.constant 16 : i32
        %mul3A_1893 = vector.broadcast %mul3A_1892 : i32 to vector<16xi32>
        %mul3A_1894 = arith.muli %iota3A, %mul3A_1893 : vector<16xi32>
        %add3A_1895 = arith.constant 15 : i32
        %add3A_1896 = vector.broadcast %add3A_1895 : i32 to vector<16xi32>
        %add3A_1897 = arith.addi %mul3A_1894, %add3A_1896 : vector<16xi32>
        tpu.vector_store_idx %arg18[%add3A_1897], %add3A_1801 : memref<256xf32, #tpu.memory_space<vmem>>[vector<16xi32>], vector<16xf32>,
        %get3A_1898 = arith.constant 0 : index
        %get3A_1899 = tpu.vector_load %arg18[%get3A_1898] {strides = array<i32>} : memref<256xf32, #tpu.memory_space<vmem>>, vector<16xf32>,
        %get3A_1900 = arith.constant 16 : index
        %get3A_1901 = tpu.vector_load %arg18[%get3A_1900] {strides = array<i32>} : memref<256xf32, #tpu.memory_space<vmem>>, vector<16xf32>,
        %get3A_1902 = arith.constant 32 : index
        %get3A_1903 = tpu.vector_load %arg18[%get3A_1902] {strides = array<i32>} : memref<256xf32, #tpu.memory_space<vmem>>, vector<16xf32>,
        %get3A_1904 = arith.constant 48 : index
        %get3A_1905 = tpu.vector_load %arg18[%get3A_1904] {strides = array<i32>} : memref<256xf32, #tpu.memory_space<vmem>>, vector<16xf32>,
        %get3A_1906 = arith.constant 64 : index
        %get3A_1907 = tpu.vector_load %arg18[%get3A_1906] {strides = array<i32>} : memref<256xf32, #tpu.memory_space<vmem>>, vector<16xf32>,
        %get3A_1908 = arith.constant 80 : index
        %get3A_1909 = tpu.vector_load %arg18[%get3A_1908] {strides = array<i32>} : memref<256xf32, #tpu.memory_space<vmem>>, vector<16xf32>,
        %get3A_1910 = arith.constant 96 : index
        %get3A_1911 = tpu.vector_load %arg18[%get3A_1910] {strides = array<i32>} : memref<256xf32, #tpu.memory_space<vmem>>, vector<16xf32>,
        %get3A_1912 = arith.constant 112 : index
        %get3A_1913 = tpu.vector_load %arg18[%get3A_1912] {strides = array<i32>} : memref<256xf32, #tpu.memory_space<vmem>>, vector<16xf32>,
        %get3A_1914 = arith.constant 128 : index
        %get3A_1915 = tpu.vector_load %arg18[%get3A_1914] {strides = array<i32>} : memref<256xf32, #tpu.memory_space<vmem>>, vector<16xf32>,
        %get3A_1916 = arith.constant 144 : index
        %get3A_1917 = tpu.vector_load %arg18[%get3A_1916] {strides = array<i32>} : memref<256xf32, #tpu.memory_space<vmem>>, vector<16xf32>,
        %get3A_1918 = arith.constant 160 : index
        %get3A_1919 = tpu.vector_load %arg18[%get3A_1918] {strides = array<i32>} : memref<256xf32, #tpu.memory_space<vmem>>, vector<16xf32>,
        %get3A_1920 = arith.constant 176 : index
        %get3A_1921 = tpu.vector_load %arg18[%get3A_1920] {strides = array<i32>} : memref<256xf32, #tpu.memory_space<vmem>>, vector<16xf32>,
        %get3A_1922 = arith.constant 192 : index
        %get3A_1923 = tpu.vector_load %arg18[%get3A_1922] {strides = array<i32>} : memref<256xf32, #tpu.memory_space<vmem>>, vector<16xf32>,
        %get3A_1924 = arith.constant 208 : index
        %get3A_1925 = tpu.vector_load %arg18[%get3A_1924] {strides = array<i32>} : memref<256xf32, #tpu.memory_space<vmem>>, vector<16xf32>,
        %get3A_1926 = arith.constant 224 : index
        %get3A_1927 = tpu.vector_load %arg18[%get3A_1926] {strides = array<i32>} : memref<256xf32, #tpu.memory_space<vmem>>, vector<16xf32>,
        %get3A_1928 = arith.constant 240 : index
        %get3A_1929 = tpu.vector_load %arg18[%get3A_1928] {strides = array<i32>} : memref<256xf32, #tpu.memory_space<vmem>>, vector<16xf32>,
        %add3A_1930 = arith.addf %get3A_1899, %get3A_1901 : vector<16xf32>
        %add3A_1931 = arith.addf %get3A_1903, %get3A_1905 : vector<16xf32>
        %add3A_1932 = arith.addf %get3A_1907, %get3A_1909 : vector<16xf32>
        %add3A_1933 = arith.addf %get3A_1911, %get3A_1913 : vector<16xf32>
        %add3A_1934 = arith.addf %get3A_1915, %get3A_1917 : vector<16xf32>
        %add3A_1935 = arith.addf %get3A_1919, %get3A_1921 : vector<16xf32>
        %add3A_1936 = arith.addf %get3A_1923, %get3A_1925 : vector<16xf32>
        %add3A_1937 = arith.addf %get3A_1927, %get3A_1929 : vector<16xf32>
        %add3A_1938 = arith.addf %add3A_1930, %add3A_1931 : vector<16xf32>
        %add3A_1939 = arith.addf %add3A_1932, %add3A_1933 : vector<16xf32>
        %add3A_1940 = arith.addf %add3A_1934, %add3A_1935 : vector<16xf32>
        %add3A_1941 = arith.addf %add3A_1936, %add3A_1937 : vector<16xf32>
        %add3A_1942 = arith.addf %add3A_1938, %add3A_1939 : vector<16xf32>
        %add3A_1943 = arith.addf %add3A_1940, %add3A_1941 : vector<16xf32>
        %add3A_1944 = arith.addf %add3A_1942, %add3A_1943 : vector<16xf32>
        %swap3A_1945 = arith.index_cast %add3A_1465 : i32 to index
        %swap3A_1946 = tpu.vector_load %arg17[%swap3A_1945] {strides = array<i32>} : memref<416xf32, #tpu.memory_space<vmem>>, vector<16xf32>,
        tpu.vector_store %arg17[%swap3A_1945], %add3A_1944 {strides = array<i32>} : memref<416xf32, #tpu.memory_space<vmem>>, vector<16xf32>,
        %scan3A_1947 = arith.constant 0 : i32
        scf.yield %scan3A_1947 : i32
      }
      %scan3A_1188 = arith.constant 12 : i32
      %lt3A_1189 = arith.constant 8 : i32
      %lt3A_1190 = vector.broadcast %lt3A_1189 : i32 to vector<16xi32>
      %lt3A_1191 = arith.cmpi slt, %iota3A, %lt3A_1190 : vector<16xi32>
      %get3A_1192 = arith.constant 392 : i32
      %get3A_1193 = arith.index_cast %get3A_1192 : i32 to index
      %get3A_1194 = arith.constant 0 : index
      %get3A_1195 = tpu.vector_load %arg15[%get3A_1193, %get3A_1194] {strides = array<i32>} : memref<400x64xbf16, #tpu.memory_space<vmem>>, vector<32xbf16>,
      %get3A_1196 = arith.constant 393 : i32
      %get3A_1197 = arith.index_cast %get3A_1196 : i32 to index
      %get3A_1198 = arith.constant 0 : index
      %get3A_1199 = tpu.vector_load %arg15[%get3A_1197, %get3A_1198] {strides = array<i32>} : memref<400x64xbf16, #tpu.memory_space<vmem>>, vector<32xbf16>,
      %get3A_1200 = arith.constant 394 : i32
      %get3A_1201 = arith.index_cast %get3A_1200 : i32 to index
      %get3A_1202 = arith.constant 0 : index
      %get3A_1203 = tpu.vector_load %arg15[%get3A_1201, %get3A_1202] {strides = array<i32>} : memref<400x64xbf16, #tpu.memory_space<vmem>>, vector<32xbf16>,
      %get3A_1204 = arith.constant 395 : i32
      %get3A_1205 = arith.index_cast %get3A_1204 : i32 to index
      %get3A_1206 = arith.constant 0 : index
      %get3A_1207 = tpu.vector_load %arg15[%get3A_1205, %get3A_1206] {strides = array<i32>} : memref<400x64xbf16, #tpu.memory_space<vmem>>, vector<32xbf16>,
      %get3A_1208 = arith.constant 396 : i32
      %get3A_1209 = arith.index_cast %get3A_1208 : i32 to index
      %get3A_1210 = arith.constant 0 : index
      %get3A_1211 = tpu.vector_load %arg15[%get3A_1209, %get3A_1210] {strides = array<i32>} : memref<400x64xbf16, #tpu.memory_space<vmem>>, vector<32xbf16>,
      %get3A_1212 = arith.constant 397 : i32
      %get3A_1213 = arith.index_cast %get3A_1212 : i32 to index
      %get3A_1214 = arith.constant 0 : index
      %get3A_1215 = tpu.vector_load %arg15[%get3A_1213, %get3A_1214] {strides = array<i32>} : memref<400x64xbf16, #tpu.memory_space<vmem>>, vector<32xbf16>,
      %get3A_1216 = arith.constant 398 : i32
      %get3A_1217 = arith.index_cast %get3A_1216 : i32 to index
      %get3A_1218 = arith.constant 0 : index
      %get3A_1219 = tpu.vector_load %arg15[%get3A_1217, %get3A_1218] {strides = array<i32>} : memref<400x64xbf16, #tpu.memory_space<vmem>>, vector<32xbf16>,
      %get3A_1220 = arith.constant 399 : i32
      %get3A_1221 = arith.index_cast %get3A_1220 : i32 to index
      %get3A_1222 = arith.constant 0 : index
      %get3A_1223 = tpu.vector_load %arg15[%get3A_1221, %get3A_1222] {strides = array<i32>} : memref<400x64xbf16, #tpu.memory_space<vmem>>, vector<32xbf16>,
      %get3A_1224 = arith.constant 392 : i32
      %get3A_1225 = arith.index_cast %get3A_1224 : i32 to index
      %get3A_1226 = arith.constant 32 : index
      %get3A_1227 = tpu.vector_load %arg15[%get3A_1225, %get3A_1226] {strides = array<i32>} : memref<400x64xbf16, #tpu.memory_space<vmem>>, vector<32xbf16>,
      %get3A_1228 = arith.constant 393 : i32
      %get3A_1229 = arith.index_cast %get3A_1228 : i32 to index
      %get3A_1230 = arith.constant 32 : index
      %get3A_1231 = tpu.vector_load %arg15[%get3A_1229, %get3A_1230] {strides = array<i32>} : memref<400x64xbf16, #tpu.memory_space<vmem>>, vector<32xbf16>,
      %get3A_1232 = arith.constant 394 : i32
      %get3A_1233 = arith.index_cast %get3A_1232 : i32 to index
      %get3A_1234 = arith.constant 32 : index
      %get3A_1235 = tpu.vector_load %arg15[%get3A_1233, %get3A_1234] {strides = array<i32>} : memref<400x64xbf16, #tpu.memory_space<vmem>>, vector<32xbf16>,
      %get3A_1236 = arith.constant 395 : i32
      %get3A_1237 = arith.index_cast %get3A_1236 : i32 to index
      %get3A_1238 = arith.constant 32 : index
      %get3A_1239 = tpu.vector_load %arg15[%get3A_1237, %get3A_1238] {strides = array<i32>} : memref<400x64xbf16, #tpu.memory_space<vmem>>, vector<32xbf16>,
      %get3A_1240 = arith.constant 396 : i32
      %get3A_1241 = arith.index_cast %get3A_1240 : i32 to index
      %get3A_1242 = arith.constant 32 : index
      %get3A_1243 = tpu.vector_load %arg15[%get3A_1241, %get3A_1242] {strides = array<i32>} : memref<400x64xbf16, #tpu.memory_space<vmem>>, vector<32xbf16>,
      %get3A_1244 = arith.constant 397 : i32
      %get3A_1245 = arith.index_cast %get3A_1244 : i32 to index
      %get3A_1246 = arith.constant 32 : index
      %get3A_1247 = tpu.vector_load %arg15[%get3A_1245, %get3A_1246] {strides = array<i32>} : memref<400x64xbf16, #tpu.memory_space<vmem>>, vector<32xbf16>,
      %get3A_1248 = arith.constant 398 : i32
      %get3A_1249 = arith.index_cast %get3A_1248 : i32 to index
      %get3A_1250 = arith.constant 32 : index
      %get3A_1251 = tpu.vector_load %arg15[%get3A_1249, %get3A_1250] {strides = array<i32>} : memref<400x64xbf16, #tpu.memory_space<vmem>>, vector<32xbf16>,
      %get3A_1252 = arith.constant 399 : i32
      %get3A_1253 = arith.index_cast %get3A_1252 : i32 to index
      %get3A_1254 = arith.constant 32 : index
      %get3A_1255 = tpu.vector_load %arg15[%get3A_1253, %get3A_1254] {strides = array<i32>} : memref<400x64xbf16, #tpu.memory_space<vmem>>, vector<32xbf16>,
      %sub3A_1256 = arith.subf %get3A_1178, %get3A_1195 : vector<32xbf16>
      %abs3A_1257 = math.absf %sub3A_1256 : vector<32xbf16>
      %sub3A_1258 = arith.subf %get3A_1181, %get3A_1227 : vector<32xbf16>
      %abs3A_1259 = math.absf %sub3A_1258 : vector<32xbf16>
      %unpack3A_1260 = tpu.unpack_subelements %abs3A_1257, 0 {pack_format = #tpu.pack_format<interleaved>} : vector<32xbf16> -> vector<16xf32>
      %unpack3A_1261 = tpu.unpack_subelements %abs3A_1257, 1 {pack_format = #tpu.pack_format<interleaved>} : vector<32xbf16> -> vector<16xf32>
      %unpack3A_1262 = tpu.unpack_subelements %abs3A_1259, 0 {pack_format = #tpu.pack_format<interleaved>} : vector<32xbf16> -> vector<16xf32>
      %unpack3A_1263 = tpu.unpack_subelements %abs3A_1259, 1 {pack_format = #tpu.pack_format<interleaved>} : vector<32xbf16> -> vector<16xf32>
      %add3A_1264 = arith.addf %unpack3A_1260, %unpack3A_1261 : vector<16xf32>
      %add3A_1265 = arith.addf %unpack3A_1262, %unpack3A_1263 : vector<16xf32>
      %add3A_1266 = arith.addf %add3A_1264, %add3A_1265 : vector<16xf32>
      %sub3A_1267 = arith.subf %get3A_1178, %get3A_1199 : vector<32xbf16>
      %abs3A_1268 = math.absf %sub3A_1267 : vector<32xbf16>
      %sub3A_1269 = arith.subf %get3A_1181, %get3A_1231 : vector<32xbf16>
      %abs3A_1270 = math.absf %sub3A_1269 : vector<32xbf16>
      %unpack3A_1271 = tpu.unpack_subelements %abs3A_1268, 0 {pack_format = #tpu.pack_format<interleaved>} : vector<32xbf16> -> vector<16xf32>
      %unpack3A_1272 = tpu.unpack_subelements %abs3A_1268, 1 {pack_format = #tpu.pack_format<interleaved>} : vector<32xbf16> -> vector<16xf32>
      %unpack3A_1273 = tpu.unpack_subelements %abs3A_1270, 0 {pack_format = #tpu.pack_format<interleaved>} : vector<32xbf16> -> vector<16xf32>
      %unpack3A_1274 = tpu.unpack_subelements %abs3A_1270, 1 {pack_format = #tpu.pack_format<interleaved>} : vector<32xbf16> -> vector<16xf32>
      %add3A_1275 = arith.addf %unpack3A_1271, %unpack3A_1272 : vector<16xf32>
      %add3A_1276 = arith.addf %unpack3A_1273, %unpack3A_1274 : vector<16xf32>
      %add3A_1277 = arith.addf %add3A_1275, %add3A_1276 : vector<16xf32>
      %sub3A_1278 = arith.subf %get3A_1178, %get3A_1203 : vector<32xbf16>
      %abs3A_1279 = math.absf %sub3A_1278 : vector<32xbf16>
      %sub3A_1280 = arith.subf %get3A_1181, %get3A_1235 : vector<32xbf16>
      %abs3A_1281 = math.absf %sub3A_1280 : vector<32xbf16>
      %unpack3A_1282 = tpu.unpack_subelements %abs3A_1279, 0 {pack_format = #tpu.pack_format<interleaved>} : vector<32xbf16> -> vector<16xf32>
      %unpack3A_1283 = tpu.unpack_subelements %abs3A_1279, 1 {pack_format = #tpu.pack_format<interleaved>} : vector<32xbf16> -> vector<16xf32>
      %unpack3A_1284 = tpu.unpack_subelements %abs3A_1281, 0 {pack_format = #tpu.pack_format<interleaved>} : vector<32xbf16> -> vector<16xf32>
      %unpack3A_1285 = tpu.unpack_subelements %abs3A_1281, 1 {pack_format = #tpu.pack_format<interleaved>} : vector<32xbf16> -> vector<16xf32>
      %add3A_1286 = arith.addf %unpack3A_1282, %unpack3A_1283 : vector<16xf32>
      %add3A_1287 = arith.addf %unpack3A_1284, %unpack3A_1285 : vector<16xf32>
      %add3A_1288 = arith.addf %add3A_1286, %add3A_1287 : vector<16xf32>
      %sub3A_1289 = arith.subf %get3A_1178, %get3A_1207 : vector<32xbf16>
      %abs3A_1290 = math.absf %sub3A_1289 : vector<32xbf16>
      %sub3A_1291 = arith.subf %get3A_1181, %get3A_1239 : vector<32xbf16>
      %abs3A_1292 = math.absf %sub3A_1291 : vector<32xbf16>
      %unpack3A_1293 = tpu.unpack_subelements %abs3A_1290, 0 {pack_format = #tpu.pack_format<interleaved>} : vector<32xbf16> -> vector<16xf32>
      %unpack3A_1294 = tpu.unpack_subelements %abs3A_1290, 1 {pack_format = #tpu.pack_format<interleaved>} : vector<32xbf16> -> vector<16xf32>
      %unpack3A_1295 = tpu.unpack_subelements %abs3A_1292, 0 {pack_format = #tpu.pack_format<interleaved>} : vector<32xbf16> -> vector<16xf32>
      %unpack3A_1296 = tpu.unpack_subelements %abs3A_1292, 1 {pack_format = #tpu.pack_format<interleaved>} : vector<32xbf16> -> vector<16xf32>
      %add3A_1297 = arith.addf %unpack3A_1293, %unpack3A_1294 : vector<16xf32>
      %add3A_1298 = arith.addf %unpack3A_1295, %unpack3A_1296 : vector<16xf32>
      %add3A_1299 = arith.addf %add3A_1297, %add3A_1298 : vector<16xf32>
      %sub3A_1300 = arith.subf %get3A_1178, %get3A_1211 : vector<32xbf16>
      %abs3A_1301 = math.absf %sub3A_1300 : vector<32xbf16>
      %sub3A_1302 = arith.subf %get3A_1181, %get3A_1243 : vector<32xbf16>
      %abs3A_1303 = math.absf %sub3A_1302 : vector<32xbf16>
      %unpack3A_1304 = tpu.unpack_subelements %abs3A_1301, 0 {pack_format = #tpu.pack_format<interleaved>} : vector<32xbf16> -> vector<16xf32>
      %unpack3A_1305 = tpu.unpack_subelements %abs3A_1301, 1 {pack_format = #tpu.pack_format<interleaved>} : vector<32xbf16> -> vector<16xf32>
      %unpack3A_1306 = tpu.unpack_subelements %abs3A_1303, 0 {pack_format = #tpu.pack_format<interleaved>} : vector<32xbf16> -> vector<16xf32>
      %unpack3A_1307 = tpu.unpack_subelements %abs3A_1303, 1 {pack_format = #tpu.pack_format<interleaved>} : vector<32xbf16> -> vector<16xf32>
      %add3A_1308 = arith.addf %unpack3A_1304, %unpack3A_1305 : vector<16xf32>
      %add3A_1309 = arith.addf %unpack3A_1306, %unpack3A_1307 : vector<16xf32>
      %add3A_1310 = arith.addf %add3A_1308, %add3A_1309 : vector<16xf32>
      %sub3A_1311 = arith.subf %get3A_1178, %get3A_1215 : vector<32xbf16>
      %abs3A_1312 = math.absf %sub3A_1311 : vector<32xbf16>
      %sub3A_1313 = arith.subf %get3A_1181, %get3A_1247 : vector<32xbf16>
      %abs3A_1314 = math.absf %sub3A_1313 : vector<32xbf16>
      %unpack3A_1315 = tpu.unpack_subelements %abs3A_1312, 0 {pack_format = #tpu.pack_format<interleaved>} : vector<32xbf16> -> vector<16xf32>
      %unpack3A_1316 = tpu.unpack_subelements %abs3A_1312, 1 {pack_format = #tpu.pack_format<interleaved>} : vector<32xbf16> -> vector<16xf32>
      %unpack3A_1317 = tpu.unpack_subelements %abs3A_1314, 0 {pack_format = #tpu.pack_format<interleaved>} : vector<32xbf16> -> vector<16xf32>
      %unpack3A_1318 = tpu.unpack_subelements %abs3A_1314, 1 {pack_format = #tpu.pack_format<interleaved>} : vector<32xbf16> -> vector<16xf32>
      %add3A_1319 = arith.addf %unpack3A_1315, %unpack3A_1316 : vector<16xf32>
      %add3A_1320 = arith.addf %unpack3A_1317, %unpack3A_1318 : vector<16xf32>
      %add3A_1321 = arith.addf %add3A_1319, %add3A_1320 : vector<16xf32>
      %sub3A_1322 = arith.subf %get3A_1178, %get3A_1219 : vector<32xbf16>
      %abs3A_1323 = math.absf %sub3A_1322 : vector<32xbf16>
      %sub3A_1324 = arith.subf %get3A_1181, %get3A_1251 : vector<32xbf16>
      %abs3A_1325 = math.absf %sub3A_1324 : vector<32xbf16>
      %unpack3A_1326 = tpu.unpack_subelements %abs3A_1323, 0 {pack_format = #tpu.pack_format<interleaved>} : vector<32xbf16> -> vector<16xf32>
      %unpack3A_1327 = tpu.unpack_subelements %abs3A_1323, 1 {pack_format = #tpu.pack_format<interleaved>} : vector<32xbf16> -> vector<16xf32>
      %unpack3A_1328 = tpu.unpack_subelements %abs3A_1325, 0 {pack_format = #tpu.pack_format<interleaved>} : vector<32xbf16> -> vector<16xf32>
      %unpack3A_1329 = tpu.unpack_subelements %abs3A_1325, 1 {pack_format = #tpu.pack_format<interleaved>} : vector<32xbf16> -> vector<16xf32>
      %add3A_1330 = arith.addf %unpack3A_1326, %unpack3A_1327 : vector<16xf32>
      %add3A_1331 = arith.addf %unpack3A_1328, %unpack3A_1329 : vector<16xf32>
      %add3A_1332 = arith.addf %add3A_1330, %add3A_1331 : vector<16xf32>
      %sub3A_1333 = arith.subf %get3A_1178, %get3A_1223 : vector<32xbf16>
      %abs3A_1334 = math.absf %sub3A_1333 : vector<32xbf16>
      %sub3A_1335 = arith.subf %get3A_1181, %get3A_1255 : vector<32xbf16>
      %abs3A_1336 = math.absf %sub3A_1335 : vector<32xbf16>
      %unpack3A_1337 = tpu.unpack_subelements %abs3A_1334, 0 {pack_format = #tpu.pack_format<interleaved>} : vector<32xbf16> -> vector<16xf32>
      %unpack3A_1338 = tpu.unpack_subelements %abs3A_1334, 1 {pack_format = #tpu.pack_format<interleaved>} : vector<32xbf16> -> vector<16xf32>
      %unpack3A_1339 = tpu.unpack_subelements %abs3A_1336, 0 {pack_format = #tpu.pack_format<interleaved>} : vector<32xbf16> -> vector<16xf32>
      %unpack3A_1340 = tpu.unpack_subelements %abs3A_1336, 1 {pack_format = #tpu.pack_format<interleaved>} : vector<32xbf16> -> vector<16xf32>
      %add3A_1341 = arith.addf %unpack3A_1337, %unpack3A_1338 : vector<16xf32>
      %add3A_1342 = arith.addf %unpack3A_1339, %unpack3A_1340 : vector<16xf32>
      %add3A_1343 = arith.addf %add3A_1341, %add3A_1342 : vector<16xf32>
      %mul3A_1344 = arith.constant 16 : i32
      %mul3A_1345 = vector.broadcast %mul3A_1344 : i32 to vector<16xi32>
      %mul3A_1346 = arith.muli %iota3A, %mul3A_1345 : vector<16xi32>
      %add3A_1347 = arith.constant 0 : i32
      %add3A_1348 = vector.broadcast %add3A_1347 : i32 to vector<16xi32>
      %add3A_1349 = arith.addi %mul3A_1346, %add3A_1348 : vector<16xi32>
      tpu.vector_store_idx %arg18[%add3A_1349], %add3A_1266 : memref<256xf32, #tpu.memory_space<vmem>>[vector<16xi32>], vector<16xf32>,
      %mul3A_1350 = arith.constant 16 : i32
      %mul3A_1351 = vector.broadcast %mul3A_1350 : i32 to vector<16xi32>
      %mul3A_1352 = arith.muli %iota3A, %mul3A_1351 : vector<16xi32>
      %add3A_1353 = arith.constant 1 : i32
      %add3A_1354 = vector.broadcast %add3A_1353 : i32 to vector<16xi32>
      %add3A_1355 = arith.addi %mul3A_1352, %add3A_1354 : vector<16xi32>
      tpu.vector_store_idx %arg18[%add3A_1355], %add3A_1277 : memref<256xf32, #tpu.memory_space<vmem>>[vector<16xi32>], vector<16xf32>,
      %mul3A_1356 = arith.constant 16 : i32
      %mul3A_1357 = vector.broadcast %mul3A_1356 : i32 to vector<16xi32>
      %mul3A_1358 = arith.muli %iota3A, %mul3A_1357 : vector<16xi32>
      %add3A_1359 = arith.constant 2 : i32
      %add3A_1360 = vector.broadcast %add3A_1359 : i32 to vector<16xi32>
      %add3A_1361 = arith.addi %mul3A_1358, %add3A_1360 : vector<16xi32>
      tpu.vector_store_idx %arg18[%add3A_1361], %add3A_1288 : memref<256xf32, #tpu.memory_space<vmem>>[vector<16xi32>], vector<16xf32>,
      %mul3A_1362 = arith.constant 16 : i32
      %mul3A_1363 = vector.broadcast %mul3A_1362 : i32 to vector<16xi32>
      %mul3A_1364 = arith.muli %iota3A, %mul3A_1363 : vector<16xi32>
      %add3A_1365 = arith.constant 3 : i32
      %add3A_1366 = vector.broadcast %add3A_1365 : i32 to vector<16xi32>
      %add3A_1367 = arith.addi %mul3A_1364, %add3A_1366 : vector<16xi32>
      tpu.vector_store_idx %arg18[%add3A_1367], %add3A_1299 : memref<256xf32, #tpu.memory_space<vmem>>[vector<16xi32>], vector<16xf32>,
      %mul3A_1368 = arith.constant 16 : i32
      %mul3A_1369 = vector.broadcast %mul3A_1368 : i32 to vector<16xi32>
      %mul3A_1370 = arith.muli %iota3A, %mul3A_1369 : vector<16xi32>
      %add3A_1371 = arith.constant 4 : i32
      %add3A_1372 = vector.broadcast %add3A_1371 : i32 to vector<16xi32>
      %add3A_1373 = arith.addi %mul3A_1370, %add3A_1372 : vector<16xi32>
      tpu.vector_store_idx %arg18[%add3A_1373], %add3A_1310 : memref<256xf32, #tpu.memory_space<vmem>>[vector<16xi32>], vector<16xf32>,
      %mul3A_1374 = arith.constant 16 : i32
      %mul3A_1375 = vector.broadcast %mul3A_1374 : i32 to vector<16xi32>
      %mul3A_1376 = arith.muli %iota3A, %mul3A_1375 : vector<16xi32>
      %add3A_1377 = arith.constant 5 : i32
      %add3A_1378 = vector.broadcast %add3A_1377 : i32 to vector<16xi32>
      %add3A_1379 = arith.addi %mul3A_1376, %add3A_1378 : vector<16xi32>
      tpu.vector_store_idx %arg18[%add3A_1379], %add3A_1321 : memref<256xf32, #tpu.memory_space<vmem>>[vector<16xi32>], vector<16xf32>,
      %mul3A_1380 = arith.constant 16 : i32
      %mul3A_1381 = vector.broadcast %mul3A_1380 : i32 to vector<16xi32>
      %mul3A_1382 = arith.muli %iota3A, %mul3A_1381 : vector<16xi32>
      %add3A_1383 = arith.constant 6 : i32
      %add3A_1384 = vector.broadcast %add3A_1383 : i32 to vector<16xi32>
      %add3A_1385 = arith.addi %mul3A_1382, %add3A_1384 : vector<16xi32>
      tpu.vector_store_idx %arg18[%add3A_1385], %add3A_1332 : memref<256xf32, #tpu.memory_space<vmem>>[vector<16xi32>], vector<16xf32>,
      %mul3A_1386 = arith.constant 16 : i32
      %mul3A_1387 = vector.broadcast %mul3A_1386 : i32 to vector<16xi32>
      %mul3A_1388 = arith.muli %iota3A, %mul3A_1387 : vector<16xi32>
      %add3A_1389 = arith.constant 7 : i32
      %add3A_1390 = vector.broadcast %add3A_1389 : i32 to vector<16xi32>
      %add3A_1391 = arith.addi %mul3A_1388, %add3A_1390 : vector<16xi32>
      tpu.vector_store_idx %arg18[%add3A_1391], %add3A_1343 : memref<256xf32, #tpu.memory_space<vmem>>[vector<16xi32>], vector<16xf32>,
      %get3A_1392 = arith.constant 0 : index
      %get3A_1393 = tpu.vector_load %arg18[%get3A_1392] {strides = array<i32>} : memref<256xf32, #tpu.memory_space<vmem>>, vector<16xf32>,
      %get3A_1394 = arith.constant 16 : index
      %get3A_1395 = tpu.vector_load %arg18[%get3A_1394] {strides = array<i32>} : memref<256xf32, #tpu.memory_space<vmem>>, vector<16xf32>,
      %get3A_1396 = arith.constant 32 : index
      %get3A_1397 = tpu.vector_load %arg18[%get3A_1396] {strides = array<i32>} : memref<256xf32, #tpu.memory_space<vmem>>, vector<16xf32>,
      %get3A_1398 = arith.constant 48 : index
      %get3A_1399 = tpu.vector_load %arg18[%get3A_1398] {strides = array<i32>} : memref<256xf32, #tpu.memory_space<vmem>>, vector<16xf32>,
      %get3A_1400 = arith.constant 64 : index
      %get3A_1401 = tpu.vector_load %arg18[%get3A_1400] {strides = array<i32>} : memref<256xf32, #tpu.memory_space<vmem>>, vector<16xf32>,
      %get3A_1402 = arith.constant 80 : index
      %get3A_1403 = tpu.vector_load %arg18[%get3A_1402] {strides = array<i32>} : memref<256xf32, #tpu.memory_space<vmem>>, vector<16xf32>,
      %get3A_1404 = arith.constant 96 : index
      %get3A_1405 = tpu.vector_load %arg18[%get3A_1404] {strides = array<i32>} : memref<256xf32, #tpu.memory_space<vmem>>, vector<16xf32>,
      %get3A_1406 = arith.constant 112 : index
      %get3A_1407 = tpu.vector_load %arg18[%get3A_1406] {strides = array<i32>} : memref<256xf32, #tpu.memory_space<vmem>>, vector<16xf32>,
      %get3A_1408 = arith.constant 128 : index
      %get3A_1409 = tpu.vector_load %arg18[%get3A_1408] {strides = array<i32>} : memref<256xf32, #tpu.memory_space<vmem>>, vector<16xf32>,
      %get3A_1410 = arith.constant 144 : index
      %get3A_1411 = tpu.vector_load %arg18[%get3A_1410] {strides = array<i32>} : memref<256xf32, #tpu.memory_space<vmem>>, vector<16xf32>,
      %get3A_1412 = arith.constant 160 : index
      %get3A_1413 = tpu.vector_load %arg18[%get3A_1412] {strides = array<i32>} : memref<256xf32, #tpu.memory_space<vmem>>, vector<16xf32>,
      %get3A_1414 = arith.constant 176 : index
      %get3A_1415 = tpu.vector_load %arg18[%get3A_1414] {strides = array<i32>} : memref<256xf32, #tpu.memory_space<vmem>>, vector<16xf32>,
      %get3A_1416 = arith.constant 192 : index
      %get3A_1417 = tpu.vector_load %arg18[%get3A_1416] {strides = array<i32>} : memref<256xf32, #tpu.memory_space<vmem>>, vector<16xf32>,
      %get3A_1418 = arith.constant 208 : index
      %get3A_1419 = tpu.vector_load %arg18[%get3A_1418] {strides = array<i32>} : memref<256xf32, #tpu.memory_space<vmem>>, vector<16xf32>,
      %get3A_1420 = arith.constant 224 : index
      %get3A_1421 = tpu.vector_load %arg18[%get3A_1420] {strides = array<i32>} : memref<256xf32, #tpu.memory_space<vmem>>, vector<16xf32>,
      %get3A_1422 = arith.constant 240 : index
      %get3A_1423 = tpu.vector_load %arg18[%get3A_1422] {strides = array<i32>} : memref<256xf32, #tpu.memory_space<vmem>>, vector<16xf32>,
      %add3A_1424 = arith.addf %get3A_1393, %get3A_1395 : vector<16xf32>
      %add3A_1425 = arith.addf %get3A_1397, %get3A_1399 : vector<16xf32>
      %add3A_1426 = arith.addf %get3A_1401, %get3A_1403 : vector<16xf32>
      %add3A_1427 = arith.addf %get3A_1405, %get3A_1407 : vector<16xf32>
      %add3A_1428 = arith.addf %get3A_1409, %get3A_1411 : vector<16xf32>
      %add3A_1429 = arith.addf %get3A_1413, %get3A_1415 : vector<16xf32>
      %add3A_1430 = arith.addf %get3A_1417, %get3A_1419 : vector<16xf32>
      %add3A_1431 = arith.addf %get3A_1421, %get3A_1423 : vector<16xf32>
      %add3A_1432 = arith.addf %add3A_1424, %add3A_1425 : vector<16xf32>
      %add3A_1433 = arith.addf %add3A_1426, %add3A_1427 : vector<16xf32>
      %add3A_1434 = arith.addf %add3A_1428, %add3A_1429 : vector<16xf32>
      %add3A_1435 = arith.addf %add3A_1430, %add3A_1431 : vector<16xf32>
      %add3A_1436 = arith.addf %add3A_1432, %add3A_1433 : vector<16xf32>
      %add3A_1437 = arith.addf %add3A_1434, %add3A_1435 : vector<16xf32>
      %add3A_1438 = arith.addf %add3A_1436, %add3A_1437 : vector<16xf32>
      %swap3A_1439 = arith.constant 392 : index
      %swap3A_1440 = tpu.vector_load %arg17[%swap3A_1439] masked %lt3A_1191 {strides = array<i32>} : memref<416xf32, #tpu.memory_space<vmem>>, vector<16xf32>, vector<16xi1>
      tpu.vector_store %arg17[%swap3A_1439], %add3A_1438 masked %lt3A_1191 {strides = array<i32>} : memref<416xf32, #tpu.memory_space<vmem>>, vector<16xf32>, vector<16xi1>
      %mul3A_1441 = arith.constant 2 : i32
      %mul3A_1442 = arith.muli %add3A_157, %mul3A_1441 : i32
      %add3A_1443 = arith.addi %mul3A_2, %mul3A_1442 : i32
      %mul3A_1444 = arith.constant 200 : i32
      %mul3A_1445 = arith.muli %add3A_1443, %mul3A_1444 : i32
      %dma_start3A_1446 = arith.constant 0 : i32
      %dma_start3A_1447 = tpu.memref_slice %arg17[%dma_start3A_1446] : memref<416xf32, #tpu.memory_space<vmem>> -> memref<400xf32, #tpu.memory_space<vmem>>
      %dma_start3A_1448 = tpu.memref_slice %arg7[%mul3A_1445] : memref<819200xf32, #tpu.memory_space<hbm>> -> memref<400xf32, #tpu.memory_space<hbm>>
      %dma_start3A_1449 = tpu.memref_slice %arg7[%mul3A_1445] : memref<819200xf32, #tpu.memory_space<hbm>> -> memref<400xf32, #tpu.memory_space<hbm>>
      %dma_start3A_1450 = arith.constant 0 : i32
      %dma_start3A_1451 = tpu.memref_slice %arg17[%dma_start3A_1450] : memref<416xf32, #tpu.memory_space<vmem>> -> memref<400xf32, #tpu.memory_space<vmem>>
      tpu.enqueue_dma source(%dma_start3A_1451 : memref<400xf32, #tpu.memory_space<vmem>>) target(%dma_start3A_1449 : memref<400xf32, #tpu.memory_space<hbm>>) target_semaphore(%arg25 : memref<!tpu.dma_semaphore, #tpu.memory_space<semaphore_mem>>)
      %mul3A_1452 = arith.constant 2 : i32
      %mul3A_1453 = arith.muli %select_n3A_170, %mul3A_1452 : i32
      %add3A_1454 = arith.addi %mul3A_2, %mul3A_1453 : i32
      %mul3A_1455 = arith.constant 200 : i32
      %mul3A_1456 = arith.muli %add3A_1454, %mul3A_1455 : i32
      %dma_wait3A_1457 = tpu.memref_slice %arg2[%mul3A_1456] : memref<819200xi32, #tpu.memory_space<hbm>> -> memref<400xi32, #tpu.memory_space<hbm>>
      %dma_wait3A_1458 = tpu.memref_slice %arg2[%mul3A_1456] : memref<819200xi32, #tpu.memory_space<hbm>> -> memref<400xi32, #tpu.memory_space<hbm>>
      tpu.wait_dma2 semaphore(%arg23 : memref<!tpu.dma_semaphore, #tpu.memory_space<semaphore_mem>>) src(%dma_wait3A_1458 : memref<400xi32, #tpu.memory_space<hbm>>) dst(%arg13 : memref<400xi32, #tpu.memory_space<vmem>>)
      %scan3A_1459 = arith.constant 0 : i32
      scf.yield %scan3A_1459 : i32
    }
    %scan3A_89 = arith.constant 32 : i32
    %dma_wait3A_90 = arith.constant 0 : i32
    %dma_wait3A_91 = arith.constant 0 : i32
    %dma_wait3A_92 = tpu.memref_slice %arg14[%dma_wait3A_90, %dma_wait3A_91] : memref<400x64xbf16, #tpu.memory_space<vmem>> -> memref<80x64xbf16, #tpu.memory_space<vmem>>
    %dma_wait3A_93 = arith.constant 0 : i32
    %dma_wait3A_94 = tpu.memref_slice %arg12[%dma_wait3A_93] : memref<400xi32, #tpu.memory_space<vmem>> -> memref<80xi32, #tpu.memory_space<vmem>>
    %dma_wait3A_95 = arith.constant 0 : i32
    %dma_wait3A_96 = arith.constant 0 : i32
    %dma_wait3A_97 = tpu.memref_slice %arg5[%dma_wait3A_95, %dma_wait3A_96] : memref<100000x64xbf16, #tpu.memory_space<hbm>> -> memref<100000x64xbf16, #tpu.memory_space<hbm>>
    tpu.wait_indirect_dma semaphore(%arg20 : memref<!tpu.dma_semaphore, #tpu.memory_space<semaphore_mem>>) src(%dma_wait3A_97 : memref<100000x64xbf16, #tpu.memory_space<hbm>>) dst(%dma_wait3A_92 : memref<80x64xbf16, #tpu.memory_space<vmem>>)
    %dma_wait3A_98 = arith.constant 80 : i32
    %dma_wait3A_99 = arith.constant 0 : i32
    %dma_wait3A_100 = tpu.memref_slice %arg14[%dma_wait3A_98, %dma_wait3A_99] : memref<400x64xbf16, #tpu.memory_space<vmem>> -> memref<80x64xbf16, #tpu.memory_space<vmem>>
    %dma_wait3A_101 = arith.constant 80 : i32
    %dma_wait3A_102 = tpu.memref_slice %arg12[%dma_wait3A_101] : memref<400xi32, #tpu.memory_space<vmem>> -> memref<80xi32, #tpu.memory_space<vmem>>
    %dma_wait3A_103 = arith.constant 0 : i32
    %dma_wait3A_104 = arith.constant 0 : i32
    %dma_wait3A_105 = tpu.memref_slice %arg5[%dma_wait3A_103, %dma_wait3A_104] : memref<100000x64xbf16, #tpu.memory_space<hbm>> -> memref<100000x64xbf16, #tpu.memory_space<hbm>>
    tpu.wait_indirect_dma semaphore(%arg20 : memref<!tpu.dma_semaphore, #tpu.memory_space<semaphore_mem>>) src(%dma_wait3A_105 : memref<100000x64xbf16, #tpu.memory_space<hbm>>) dst(%dma_wait3A_100 : memref<80x64xbf16, #tpu.memory_space<vmem>>)
    %dma_wait3A_106 = arith.constant 160 : i32
    %dma_wait3A_107 = arith.constant 0 : i32
    %dma_wait3A_108 = tpu.memref_slice %arg14[%dma_wait3A_106, %dma_wait3A_107] : memref<400x64xbf16, #tpu.memory_space<vmem>> -> memref<80x64xbf16, #tpu.memory_space<vmem>>
    %dma_wait3A_109 = arith.constant 160 : i32
    %dma_wait3A_110 = tpu.memref_slice %arg12[%dma_wait3A_109] : memref<400xi32, #tpu.memory_space<vmem>> -> memref<80xi32, #tpu.memory_space<vmem>>
    %dma_wait3A_111 = arith.constant 0 : i32
    %dma_wait3A_112 = arith.constant 0 : i32
    %dma_wait3A_113 = tpu.memref_slice %arg5[%dma_wait3A_111, %dma_wait3A_112] : memref<100000x64xbf16, #tpu.memory_space<hbm>> -> memref<100000x64xbf16, #tpu.memory_space<hbm>>
    tpu.wait_indirect_dma semaphore(%arg20 : memref<!tpu.dma_semaphore, #tpu.memory_space<semaphore_mem>>) src(%dma_wait3A_113 : memref<100000x64xbf16, #tpu.memory_space<hbm>>) dst(%dma_wait3A_108 : memref<80x64xbf16, #tpu.memory_space<vmem>>)
    %dma_wait3A_114 = arith.constant 240 : i32
    %dma_wait3A_115 = arith.constant 0 : i32
    %dma_wait3A_116 = tpu.memref_slice %arg14[%dma_wait3A_114, %dma_wait3A_115] : memref<400x64xbf16, #tpu.memory_space<vmem>> -> memref<80x64xbf16, #tpu.memory_space<vmem>>
    %dma_wait3A_117 = arith.constant 240 : i32
    %dma_wait3A_118 = tpu.memref_slice %arg12[%dma_wait3A_117] : memref<400xi32, #tpu.memory_space<vmem>> -> memref<80xi32, #tpu.memory_space<vmem>>
    %dma_wait3A_119 = arith.constant 0 : i32
    %dma_wait3A_120 = arith.constant 0 : i32
    %dma_wait3A_121 = tpu.memref_slice %arg5[%dma_wait3A_119, %dma_wait3A_120] : memref<100000x64xbf16, #tpu.memory_space<hbm>> -> memref<100000x64xbf16, #tpu.memory_space<hbm>>
    tpu.wait_indirect_dma semaphore(%arg20 : memref<!tpu.dma_semaphore, #tpu.memory_space<semaphore_mem>>) src(%dma_wait3A_121 : memref<100000x64xbf16, #tpu.memory_space<hbm>>) dst(%dma_wait3A_116 : memref<80x64xbf16, #tpu.memory_space<vmem>>)
    %dma_wait3A_122 = arith.constant 320 : i32
    %dma_wait3A_123 = arith.constant 0 : i32
    %dma_wait3A_124 = tpu.memref_slice %arg14[%dma_wait3A_122, %dma_wait3A_123] : memref<400x64xbf16, #tpu.memory_space<vmem>> -> memref<80x64xbf16, #tpu.memory_space<vmem>>
    %dma_wait3A_125 = arith.constant 320 : i32
    %dma_wait3A_126 = tpu.memref_slice %arg12[%dma_wait3A_125] : memref<400xi32, #tpu.memory_space<vmem>> -> memref<80xi32, #tpu.memory_space<vmem>>
    %dma_wait3A_127 = arith.constant 0 : i32
    %dma_wait3A_128 = arith.constant 0 : i32
    %dma_wait3A_129 = tpu.memref_slice %arg5[%dma_wait3A_127, %dma_wait3A_128] : memref<100000x64xbf16, #tpu.memory_space<hbm>> -> memref<100000x64xbf16, #tpu.memory_space<hbm>>
    tpu.wait_indirect_dma semaphore(%arg20 : memref<!tpu.dma_semaphore, #tpu.memory_space<semaphore_mem>>) src(%dma_wait3A_129 : memref<100000x64xbf16, #tpu.memory_space<hbm>>) dst(%dma_wait3A_124 : memref<80x64xbf16, #tpu.memory_space<vmem>>)
    %add3A_130 = arith.constant 124 : i32
    %add3A_131 = arith.addi %mul3A_2, %add3A_130 : i32
    %mul3A_132 = arith.constant 200 : i32
    %mul3A_133 = arith.muli %add3A_131, %mul3A_132 : i32
    %dma_wait3A_134 = arith.constant 0 : i32
    %dma_wait3A_135 = tpu.memref_slice %arg16[%dma_wait3A_134] : memref<416xf32, #tpu.memory_space<vmem>> -> memref<400xf32, #tpu.memory_space<vmem>>
    %dma_wait3A_136 = tpu.memref_slice %arg7[%mul3A_133] : memref<819200xf32, #tpu.memory_space<hbm>> -> memref<400xf32, #tpu.memory_space<hbm>>
    %dma_wait3A_137 = tpu.memref_slice %arg7[%mul3A_133] : memref<819200xf32, #tpu.memory_space<hbm>> -> memref<400xf32, #tpu.memory_space<hbm>>
    %dma_wait3A_138 = arith.constant 0 : i32
    %dma_wait3A_139 = tpu.memref_slice %arg16[%dma_wait3A_138] : memref<416xf32, #tpu.memory_space<vmem>> -> memref<400xf32, #tpu.memory_space<vmem>>
    tpu.wait_dma2 semaphore(%arg24 : memref<!tpu.dma_semaphore, #tpu.memory_space<semaphore_mem>>) src(%dma_wait3A_139 : memref<400xf32, #tpu.memory_space<vmem>>) dst(%dma_wait3A_137 : memref<400xf32, #tpu.memory_space<hbm>>)
    %add3A_140 = arith.constant 126 : i32
    %add3A_141 = arith.addi %mul3A_2, %add3A_140 : i32
    %mul3A_142 = arith.constant 200 : i32
    %mul3A_143 = arith.muli %add3A_141, %mul3A_142 : i32
    %dma_wait3A_144 = arith.constant 0 : i32
    %dma_wait3A_145 = tpu.memref_slice %arg17[%dma_wait3A_144] : memref<416xf32, #tpu.memory_space<vmem>> -> memref<400xf32, #tpu.memory_space<vmem>>
    %dma_wait3A_146 = tpu.memref_slice %arg7[%mul3A_143] : memref<819200xf32, #tpu.memory_space<hbm>> -> memref<400xf32, #tpu.memory_space<hbm>>
    %dma_wait3A_147 = tpu.memref_slice %arg7[%mul3A_143] : memref<819200xf32, #tpu.memory_space<hbm>> -> memref<400xf32, #tpu.memory_space<hbm>>
    %dma_wait3A_148 = arith.constant 0 : i32
    %dma_wait3A_149 = tpu.memref_slice %arg17[%dma_wait3A_148] : memref<416xf32, #tpu.memory_space<vmem>> -> memref<400xf32, #tpu.memory_space<vmem>>
    tpu.wait_dma2 semaphore(%arg25 : memref<!tpu.dma_semaphore, #tpu.memory_space<semaphore_mem>>) src(%dma_wait3A_149 : memref<400xf32, #tpu.memory_space<vmem>>) dst(%dma_wait3A_147 : memref<400xf32, #tpu.memory_space<hbm>>)
    return
  }
}

</mosaic_0001>

<sc_bundles>
// kernel: _transe_scores.3.cloned.1.call-start
scs
__scs_entry_jumppad:
0x0: {  	(pc) =	sbr.rel $0x88, $3  }
0x1: {  	(tag) =	ssettag $0x0;
	lr =	simm.s32 $0x1  }
0x2: {  	[smem:$0x3F9C] =	sst lr;
	_ =	strace $0xD0000000  }
0x3: {  	_ = 	snop  }
0x4: {  	_ = 	snop  }
0x5: {  	_ = 	snop  }
0x6: {  	_ = 	snop  }
0x7: {  	_ = 	snop  }
__scs_overlays_trampoline_lowered:
0x8: {  	[smem:$0x3FAB] =	sst s0  }
0x9: {  	[smem:$0x3FAC] =	sst s1  }
0xa: {  	[smem:$0x3FAD] =	sst s2  }
0xb: {  	[smem:$0x3FAE] =	sst s3  }
0xc: {  	[smem:$0x3FAF] =	sst s4  }
0xd: {  	[smem:$0x3FB0] =	sst s5  }
0xe: {  	[smem:$0x3FB1] =	sst s6  }
0xf: {  	[smem:$0x3FB2] =	sst s7  }
0x10: {  	[smem:$0x3FB3] =	sst s8  }
0x11: {  	[smem:$0x3FB4] =	sst s9;
	s0 =	simm.s32 @!p0 $0x0  }
0x12: {  	s1 =	sld [smem:$0x3F9A];
	s0 =	simm.s32 @p0 $0x1  }
0x13: {  	[smem:$0x3FB5] =	sst s0;
	s0 =	simm.s32 @!p1 $0x0  }
0x14: {  	s2 =	sld [smem:$0x3F99];
	s0 =	simm.s32 @p1 $0x1  }
0x15: {  	[smem:$0x3FB6] =	sst s0;
	s0 =	simm.s32 @!p2 $0x0  }
0x16: {  	s3 =	sld [smem:$0x3FDB];
	s0 =	simm.s32 @p2 $0x1  }
0x17: {  	s4 =	simm.s32 $0x1BF5;
	[smem:$0x3FB8] =	sst s0  }
0x18: {  	s0 =	sld [smem:$0x3F9B];
	_ =	swait.ge [sflag:s4], $0x0  }
0x19: {  	s7 =	sld [smem:$0x3F9C]  }
0x1a: {  	s8 =	sadd.s32 $0xFFFFE003, lr  }
0x1b: {  	s9 =	sadd.s32 $0xFFFFFEF7, lr;
	s5 =	simm.s32 $0xFFFFFFFF;
	p2 =	slt.u32 s8, $0xFFFFF086  }
0x1c: {  	p1 =	slt.u32 s9, $0xF7A;
	s5 =	simm.s32 @!p2 $0x0  }
0x1d: {  	s5 =	simm.s32 @p1 $0x1;
	p0 =	seq.s32 s7, s2  }
0x1e: {  	s7 =	smul.u32 @!p0 $0xF7A, s2;
	p2 =	seq.s32 @!p0 s5, $0x0  }
0x1f: {  	s9 =	smul.u32 $0xF7A, s1;
	s8 =	simm.s32 @!p0 $0x1BF5;
	p2 =	por !p2, p0  }
0x20: {  	[sflag:s8] =	ssyncset.s32 @!p0 $0xFFFFF086;
	s6 =	sadd.s32 @!p0 s3, s7;
	s7 =	simm.s32 @!p0 $0x108  }
0x21: {  	s3 =	sadd.s32 s3, s9;
	s6 =	sadd.s32 @!p0 $0x88, s6;
	s7 =	simm.s32 @p2 $0x1082  }
0x22: {  	[simem:s7], [sflag:s8] =	dma.local @!p0 [hbm:s6], $0xF7A  }
0x23: {  	s9 =	sor.u32 $0xD0000000, s2;
	s6 =	simm.s32 $0x108;
	_ =	swait.ge @!p0 [sflag:s8], $0x0  }
0x24: {  	s3 =	sadd.s32 $0x88, s3;
	s6 =	simm.s32 @!p1 $0x1082;
	[sflag:s4] =	ssyncset.s32 $0xFFFFF086  }
0x25: {  	[simem:s6], [sflag:s4] =	dma.local [hbm:s3], $0xF7A  }
0x26: {  	[smem:$0x3F9C] =	sst s1;
	(tag) =	ssettag s2;
	_ =	strace s9  }
0x27: {  	s1 =	sld [smem:$0x3FAC]  }
0x28: {  	s2 =	sld [smem:$0x3FAD]  }
0x29: {  	s4 =	sld [smem:$0x3FAF]  }
0x2a: {  	p0 =	seq.s32 s5, $0x0;
	s5 =	sld [smem:$0x3FB0]  }
0x2b: {  	s6 =	sld [smem:$0x3FB1]  }
0x2c: {  	s7 =	sld [smem:$0x3FB2]  }
0x2d: {  	s3 =	simm.s32 $0x108;
	s8 =	sld [smem:$0x3FB3]  }
0x2e: {  	s3 =	simm.s32 @!p0 $0x1082;
	s9 =	sld [smem:$0x3FB4]  }
0x2f: {  	lr =	sadd.s32 s0, s3;
	s0 =	sld [smem:$0x3FAB]  }
0x30: {  	s3 =	sld [smem:$0x3FAE]  }
0x31: {  	[smem:$0x3FB7] =	sst s10  }
0x32: {  	s10 =	sld [smem:$0x3FB5];
	_ =	sdelay $0x3  }
0x33: {  	p0 =	seq.s32 s10, $0x1;
	s10 =	sld [smem:$0x3FB7];
	_ =	sdelay $0x3  }
0x34: {  	[smem:$0x3FB7] =	sst s10  }
0x35: {  	s10 =	sld [smem:$0x3FB6];
	_ =	sdelay $0x3  }
0x36: {  	p1 =	seq.s32 s10, $0x1;
	s10 =	sld [smem:$0x3FB7];
	_ =	sdelay $0x3  }
0x37: {  	[smem:$0x3FB7] =	sst s10  }
0x38: {  	s10 =	sld [smem:$0x3FB8]  }
0x39: {  	_ = 	snop;
	(pc) =	sbr.ind lr, $3  }
0x3a: {  	_ = 	snop  }
0x3b: {  	_ = 	snop  }
0x3c: {  	p2 =	seq.s32 s10, $0x1;
	s10 =	sld [smem:$0x3FB7]  }
0x3d: {  	_ =	shalt  }
0x3e: {  	_ =	shalt  }
0x3f: {  	_ =	shalt  }
0x40: {  	_ =	shalt  }
0x41: {  	_ =	shalt  }
0x42: {  	_ =	shalt  }
0x43: {  	_ =	shalt  }
0x44: {  	_ =	shalt  }
0x45: {  	_ =	shalt  }
0x46: {  	_ =	shalt  }
0x47: {  	_ =	shalt  }
0x48: {  	_ =	shalt  }
0x49: {  	_ =	shalt  }
0x4a: {  	_ =	shalt  }
0x4b: {  	_ =	shalt  }
0x4c: {  	_ =	shalt  }
0x4d: {  	_ =	shalt  }
0x4e: {  	_ =	shalt  }
0x4f: {  	_ =	shalt  }
0x50: {  	_ =	shalt  }
0x51: {  	_ =	shalt  }
0x52: {  	_ =	shalt  }
0x53: {  	_ =	shalt  }
0x54: {  	_ =	shalt  }
0x55: {  	_ =	shalt  }
0x56: {  	_ =	shalt  }
0x57: {  	_ =	shalt  }
0x58: {  	_ =	shalt  }
0x59: {  	_ =	shalt  }
0x5a: {  	_ =	shalt  }
0x5b: {  	_ =	shalt  }
0x5c: {  	_ =	shalt  }
0x5d: {  	_ =	shalt  }
0x5e: {  	_ =	shalt  }
0x5f: {  	_ =	shalt  }
0x60: {  	_ =	shalt  }
0x61: {  	_ =	shalt  }
0x62: {  	_ =	shalt  }
0x63: {  	_ =	shalt  }
0x64: {  	_ =	shalt  }
0x65: {  	_ =	shalt  }
0x66: {  	_ =	shalt  }
0x67: {  	_ =	shalt  }
0x68: {  	_ =	shalt  }
0x69: {  	_ =	shalt  }
0x6a: {  	_ =	shalt  }
0x6b: {  	_ =	shalt  }
0x6c: {  	_ =	shalt  }
0x6d: {  	_ =	shalt  }
0x6e: {  	_ =	shalt  }
0x6f: {  	_ =	shalt  }
0x70: {  	_ =	shalt  }
0x71: {  	_ =	shalt  }
0x72: {  	_ =	shalt  }
0x73: {  	_ =	shalt  }
0x74: {  	_ =	shalt  }
0x75: {  	_ =	shalt  }
0x76: {  	_ =	shalt  }
0x77: {  	_ =	shalt  }
0x78: {  	_ =	shalt  }
0x79: {  	_ =	shalt  }
0x7a: {  	_ =	shalt  }
0x7b: {  	_ =	shalt  }
0x7c: {  	_ =	shalt  }
0x7d: {  	_ =	shalt  }
0x7e: {  	_ =	shalt  }
0x7f: {  	_ =	shalt  }
0x80: {  	_ =	shalt  }
0x81: {  	_ =	shalt  }
0x82: {  	_ =	shalt  }
0x83: {  	_ =	shalt  }
0x84: {  	_ =	shalt  }
0x85: {  	_ =	shalt  }
0x86: {  	_ =	shalt  }
0x87: {  	_ =	shalt  }
.Lfunc_end0:
.L_simem_size_0:
called_computation_lowered:
.L_overlay_start_0:
0x88: {  	s2 =	sld [smem:$0x3FD9]  }
0x89: {  	s3 =	sld [smem:$0x3FFE];
	_ =	sdelay $0x1  }
0x8a: {  	s1 =	srdreg.scid  }
0x8b: {  	s0 =	sand.u32 $0x1, s1  }
0x8c: {  	s17 =	sshll.u32 s0, $0xA;
	s2 =	sadd.s32 s3, s2  }
0x8d: {  	s2 =	sadd.s32 s2, s17  }
0x8e: {  	[smem:$0x3FC3] =	sst s2  }
0x8f: {  	_ = 	snop  }
0x90: {  	s2 =	sld [smem:$0x3FC9]  }
0x91: {  	s18 =	sld [smem:$0x3FC8]  }
0x92: {  	s4 =	sld [smem:$0x3FC7]  }
0x93: {  	s5 =	sld [smem:$0x3FD0];
	(tm) =	ssettm $0x1  }
0x94: {  	s6 =	sld [smem:$0x3FFB];
	_ =	sdelay $0x3  }
0x95: {  	_ =	strace s6  }
0x96: {  	s6 =	sld [smem:$0x3FFC];
	_ =	sdelay $0x3  }
0x97: {  	_ =	strace s6  }
0x98: {  	s6 =	sld [smem:$0x3FFD];
	_ =	sdelay $0x3  }
0x99: {  	_ =	strace s6  }
0x9a: {  	_ =	strace $0x8FFFFFFF  }
0x9b: {  	s19 =	sld [smem:$0x3FDB];
	_ =	sdelay $0x1  }
0x9c: {  	s7 =	simm.s32 $_scs_section_size  }
0x9d: {  	s8 =	simm.s32 $_size__tile_overlayer_lowered;
	s9 =	simm.s32 $_tile_overlayer_lowered  }
0x9e: {  	s22 =	simm.s32 $0x1BFF;
	s21 =	sshll.u32 s9, $0x1;
	s6 =	sadd.s32 s7, s19  }
0x9f: {  	s10 =	simm.s32 $0x0;
	s20 =	sshll.u32 s8, $0x1;
	s8 =	sadd.s32 s21, s6  }
0xa0: {  	[timem:s10], [sflag:s22] =	dma.local [hbm:s8], s20  }
0xa1: {  	_ =	swait.ge [sflag:s22], s20  }
0xa2: {  	s7 =	ssub.s32 $0x0, s20;
	[sflag:s22] =	ssyncset.done $0x0  }
0xa3: {  	[sflag:s22] =	ssyncadd.s32 s7;
	_ =	sdelay $0x1  }
0xa4: {  	s23 =	simm.s32 $0x1B8B  }
0xa5: {  	_ =	swait.ge [sflag:s23], $0x1  }
0xa6: {  	[sflag:s23] =	ssyncset.done $0x0  }
0xa7: {  	s25 =	simm.s32 $0x1B8E;
	s24 =	sld [smem:$0x3FFE];
	[sflag:s23] =	ssyncadd.s32 $0xFFFFFFFF  }
0xa8: {  	s26 =	simm.s32 $execute0_lowered;
	[smem:$0x3FD2] =	sst s25  }
0xa9: {  	s8 =	sshll.u32 s26, $0x1;
	_ =	strace $0x80000046;
	[dreg:$0x1] =	wrdreg $0xFFFFFFFF  }
0xaa: {  	s28 =	simm.s32 $_size_execute0_lowered;
	s6 =	sadd.s32 s6, s8;
	[dreg:$0x0] =	wrdreg $0x0  }
0xab: {  	s8 =	sshll.u32 s28, $0x1;
	[dreg:$0x2] =	wrdreg s6  }
0xac: {  	[dreg:$0x3] =	wrdreg s8  }
0xad: {  	[dreg:$0x4] =	wrdreg $0xC0  }
0xae: {  	_ =	task [dreg:s10], $0x5FFFF  }
0xaf: {  	[dreg:$0x1] =	wrdreg $0xFFFFFFFF  }
0xb0: {  	[dreg:$0x0] =	wrdreg $0x60  }
0xb1: {  	[dreg:$0x2] =	wrdreg s2  }
0xb2: {  	[dreg:$0x3] =	wrdreg s18  }
0xb3: {  	[dreg:$0x4] =	wrdreg s4  }
0xb4: {  	[dreg:$0x5] =	wrdreg s24  }
0xb5: {  	[dreg:$0x6] =	wrdreg s5  }
0xb6: {  	[dreg:$0x7] =	wrdreg $0x9  }
0xb7: {  	_ =	task.clear_ibuf [dreg:s10], $0x8FFFF;
	_ =	strace $0x90000046  }
0xb8: {  	s29 =	simm.s32 $0x9;
	_ =	strace $0x80000048  }
0xb9: {  	_ =	swait.ge [sflag:s29], $0x1  }
0xba: {  	[sflag:s29] =	ssyncadd.s32 $0xFFFFFFFF  }
0xbb: {  	_ =	strace $0x90000048  }
0xbc: {  	_ =	sfence  }
0xbd: {  	s30 =	sld [smem:$0x0];
	_ =	sdelay $0x2  }
0xbe: {  	s31 =	sshll.u32 s1, $0xD;
	s1 =	sshrl.u32 s1, $0x2  }
0xbf: {  	s3 =	sand.u32 $0x4000, s31;
	s1 =	sadd.s32 s1, s30  }
0xc0: {  	s0 =	sor.u32 s3, s0;
	s1 =	sshll.u32 s1, $0x11  }
0xc1: {  	s0 =	sor.u32 s1, s0  }
0xc2: {  	s0 =	sadd.s32 $0x8F2B, s0  }
0xc3: {  	[sflag:s0] =	ssyncadd.remote.s32 $0x1  }
0xc4: {  	_ =	sfence.sel $0xFFFF  }
0xc5: {  	[dreg:$0x0] =	wrdreg $0xFFFFFFFF;
	(pc) =	sbr.abs _section_cstart, $3  }
0xc6: {  	[dreg:$0x1] =	wrdreg $0xFFFFFFFF  }
0xc7: {  	_ =	task.clear_ibuf [dreg:s10], $0x2FFFF;
	_ =	strace $0x9FFFFFFF  }
0xc8: {  	(tm) =	ssettm $0x7FFFFFFF  }
0xc9: {  	_ =	shalt  }
tec
execute0_lowered:
.L_overlay_start_1:
0x0: {  	(tag) =	ssettag $0x1  }
0x1: {  	s1 =	rddreg [dreg:$0x0]  }
0x2: {  	s0 =	rddreg [dreg:$0x1]  }
0x3: {  	s3 =	rddreg [dreg:$0x2]  }
0x4: {  	s6 =	rddreg [dreg:$0x3]  }
0x5: {  	s2 =	rddreg [dreg:$0x4];
	s4 =	simm.s32 $0x0;
	s5 =	srdreg.scid  }
0x6: {  	s8 =	stileid.u32;
	s18 =	simm.s32 $0x2100;
	s19 =	simm.s32 $0x2290  }
0x7: {  	s20 =	simm.s32 $0x4;
	s21 =	simm.s32 $0x50;
	s22 =	simm.s32 $0x2420  }
0x8: {  	s28 =	simm.s32 $0x21F0;
	s29 =	simm.s32 $0x4220;
	s30 =	simm.s32 $0x2240  }
0x9: {  	s31 =	simm.s32 $0x4C20;
	s14 =	simm.s32 $0x2;
	s13 =	simm.s32 $0x8B60  }
0xa: {  	s17 =	simm.s32 $0x3;
	[smem:$0x7FF] =	sst s4;
	s7 =	sand.u32 $0x1, s5  }
0xb: {  	s8 =	sshll.u32 s8, $0x1;
	s5 =	sadd.s32 $0x600, s6;
	s6 =	sadd.s32 $0x62200, s6  }
0xc: {  	_ =	strace $0x80000047;
	s9 =	ssub.s32 $0x2, s7;
	s8 =	sor.u32 s7, s8  }
0xd: {  	v0 =	vlaneseq.u32;
	[dreg:$0x6] =	wrdreg s6;
	s23 =	sshrl.u32 s9, $0x1;
	s10 =	smul.u32 $0xC80, s8  }
0xe: {  	v0 =	vmul.u32 $0x10, v0;
	s7 =	sshll.u32 s8, $0x7;
	s8 =	sshll.u32 s8, $0x4;
	s6 =	ssub.s32 s9, s23  }
0xf: {  	s0 =	sadd.s32 s0, s8;
	s24 =	sadd.s32 s3, s8;
	s23 =	simm.s32 $0x2150  }
0x10: {  	v1 =	vor.u32 $0x1, v0;
	v2 =	vor.u32 $0x2, v0;
	v3 =	vor.u32 $0x3, v0;
	s8 =	simm.s32 $0x8B48;
	s9 =	simm.s32 $0x89C0;
	[dreg:$0x7] =	wrdreg s0  }
0x11: {  	v4 =	vor.u32 $0x4, v0;
	v5 =	vor.u32 $0x5, v0;
	v6 =	vor.u32 $0x6, v0;
	[dreg:$0x8] =	wrdreg s24;
	s25 =	sadd.s32 s1, s10;
	s26 =	smax.u32 s6, $0x1  }
0x12: {  	v7 =	vor.u32 $0x7, v0;
	v8 =	vor.u32 $0x8, v0;
	v9 =	vor.u32 $0x9, v0;
	s24 =	simm.s32 $0x2E20;
	s10 =	simm.s32 $0x0;
	[dreg:$0x9] =	wrdreg s25  }
0x13: {  	v10 =	vor.u32 $0xA, v0;
	v11 =	vor.u32 $0xB, v0;
	v12 =	vor.u32 $0xC, v0;
	s0 =	sadd.s32 $0x32, s25;
	[dreg:$0xb] =	wrdreg s26;
	s25 =	simm.s32 $0x21A0  }
0x14: {  	v13 =	vor.u32 $0xD, v0;
	v14 =	vor.u32 $0xE, v0;
	v15 =	vor.u32 $0xF, v0;
	s26 =	simm.s32 $0x3820;
	[dreg:$0xa] =	wrdreg s0;
	s0 =	simm.s32 $0x5  }
.LBB2_1:
0x15: {  	[dreg:$0xc] =	wrdreg s10  }
0x16: {  	s3 =	rddreg [dreg:$0x7];
	s6 =	simm.s32 $0x8  }
0x17: {  	[tilespmem:s4], [sflag:$0x8] =	stream.linear.gather [hbm4b:s3+s4], $0x80, $0x38;
	[tilespmem:$0x8C60] =	vst v63  }
0x18: {  	_ =	swait.ge [sflag:s6], $0x80  }
0x19: {  	[sflag:s6] =	ssyncset.done $0x0  }
0x1a: {  	s10 =	simm.s32 $0x80;
	s11 =	rddreg [dreg:$0x8];
	[sflag:s6] =	ssyncadd.s32 $0xFFFFFF80  }
0x1b: {  	[tilespmem:s10], [sflag:$0x8] =	stream.linear.gather [hbm4b:s11+s4], $0x80, $0x38;
	[tilespmem:$0x8C60] =	vst v63  }
0x1c: {  	_ =	swait.ge [sflag:s6], $0x80  }
0x1d: {  	[sflag:s6] =	ssyncset.done $0x0  }
0x1e: {  	s12 =	simm.s32 $0x100;
	s15 =	simm.s32 $0x1;
	[sflag:s6] =	ssyncadd.s32 $0xFFFFFF80  }
0x1f: {  	[tilespmem:s12], [sflag:$0x1] =	stream.indirect.gather [hbm4b:s5+s10], $0x20, s4, s10, $0xb8;
	[tilespmem:$0x8C60] =	vst v63  }
0x20: {  	_ =	swait.ge [sflag:s15], $0x1000  }
0x21: {  	[sflag:s15] =	ssyncset.done $0x0  }
0x22: {  	s11 =	simm.s32 $0x1100;
	s16 =	rddreg [dreg:$0x6];
	[sflag:s15] =	ssyncadd.s32 $0xFFFFF000  }
0x23: {  	[tilespmem:s11], [sflag:$0x1] =	stream.indirect.gather [hbm4b:s16+s10], $0x20, s10, s10, $0xb8;
	[tilespmem:$0x8C60] =	vst v63  }
0x24: {  	_ =	swait.ge [sflag:s15], $0x1000  }
0x25: {  	[sflag:s15] =	ssyncset.done $0x0  }
0x26: {  	s3 =	simm.s32 $0x0;
	[sflag:s15] =	ssyncadd.s32 $0xFFFFF000  }
0x27: {  	v16 =	vld [tilespmem:s3+$0x1100]  }
0x28: {  	v17 =	vld [tilespmem:s3+$0x1110]  }
0x29: {  	s10 =	simm.s32 $0x80;
	v18 =	vld [tilespmem:s3+$0x100]  }
.LBB2_2:
0x2a: {  	p0 =	sne.s32 s10, $0x3F80;
	v19 =	vld [tilespmem:s3+$0x110];
	_ =	sdelay $0x2  }
.Ltmp0:
0x2b: {  	(pc) =	sbr.rel @p0 .LBB2_2-.Ltmp0, $4  }
0x2c: {  	s11 =	sshra.s32 s10, $0x2;
	v18 =	vadd.bf16 v16, v18  }
0x2d: {  	v16 =	vld [tilespmem:s11+$0x1100];
	v19 =	vadd.bf16 v17, v19  }
0x2e: {  	v17 =	vld [tilespmem:s11+$0x1110];
	[tilespmem:s3+$0x100] =	vst v18  }
0x2f: {  	s10 =	sadd.s32 $0x80, s10;
	v18 =	vld [tilespmem:s11+$0x100];
	[tilespmem:s3+$0x110] =	vst v19;
	s3 =	smov.u32 s11  }
0x30: {  	v19 =	vld [tilespmem:s3+$0x110];
	_ =	sdelay $0x3  }
0x31: {  	v16 =	vadd.bf16 v16, v18  }
0x32: {  	v17 =	vadd.bf16 v17, v19  }
0x33: {  	[tilespmem:s3+$0x100] =	vst v16  }
0x34: {  	s11 =	simm.s32 $0x0;
	s15 =	rddreg [dreg:$0x9];
	[tilespmem:s3+$0x110] =	vst v17  }
0x35: {  	[tilespmem:s18], [sflag:$0x4] =	stream.linear.gather [hbm4b:s15+s11], $0x190, $0x38;
	[tilespmem:$0x8C60] =	vst v63  }
0x36: {  	s16 =	rddreg [dreg:$0xa]  }
0x37: {  	[tilespmem:s19], [sflag:$0x5] =	stream.linear.gather [hbm4b:s16+s11], $0x190, $0x38;
	[tilespmem:$0x8C60] =	vst v63  }
0x38: {  	_ =	swait.ge [sflag:s20], $0x190  }
0x39: {  	[sflag:s20] =	ssyncset.done $0x0  }
0x3a: {  	[sflag:s20] =	ssyncadd.s32 $0xFFFFFE70  }
0x3b: {  	[tilespmem:s22], [sflag:$0x2] =	stream.indirect.gather [hbm4b:s5+s21], $0x20, s18, s21, $0xb8;
	[tilespmem:$0x8C60] =	vst v63  }
0x3c: {  	_ = 	snop  }
0x3d: {  	[tilespmem:s24], [sflag:$0x2] =	stream.indirect.gather [hbm4b:s5+s21], $0x20, s23, s21, $0xb8;
	[tilespmem:$0x8C60] =	vst v63  }
0x3e: {  	_ = 	snop  }
0x3f: {  	[tilespmem:s26], [sflag:$0x2] =	stream.indirect.gather [hbm4b:s5+s21], $0x20, s25, s21, $0xb8;
	[tilespmem:$0x8C60] =	vst v63  }
0x40: {  	_ = 	snop  }
0x41: {  	[tilespmem:s29], [sflag:$0x2] =	stream.indirect.gather [hbm4b:s5+s21], $0x20, s28, s21, $0xb8;
	[tilespmem:$0x8C60] =	vst v63  }
0x42: {  	_ = 	snop  }
0x43: {  	[tilespmem:s31], [sflag:$0x2] =	stream.indirect.gather [hbm4b:s5+s21], $0x20, s30, s21, $0xb8;
	[tilespmem:$0x8C60] =	vst v63  }
0x44: {  	_ =	swait.ge [sflag:s0], $0x190  }
0x45: {  	[sflag:s0] =	ssyncset.done $0x0  }
0x46: {  	[sflag:s0] =	ssyncadd.s32 $0xFFFFFE70  }
.LBB2_4:
0x47: {  	s3 =	simm.s32 $0x5620  }
0x48: {  	[tilespmem:s3], [sflag:$0x3] =	stream.indirect.gather [hbm4b:s5+s21], $0x20, s19, s21, $0xb8;
	[tilespmem:$0x8C60] =	vst v63  }
0x49: {  	s12 =	simm.s32 $0x22E0;
	s6 =	simm.s32 $0x6020  }
0x4a: {  	[tilespmem:s6], [sflag:$0x3] =	stream.indirect.gather [hbm4b:s5+s21], $0x20, s12, s21, $0xb8;
	[tilespmem:$0x8C60] =	vst v63  }
0x4b: {  	s15 =	simm.s32 $0x2330;
	s16 =	simm.s32 $0x6A20  }
0x4c: {  	[tilespmem:s16], [sflag:$0x3] =	stream.indirect.gather [hbm4b:s5+s21], $0x20, s15, s21, $0xb8;
	[tilespmem:$0x8C60] =	vst v63  }
0x4d: {  	s10 =	simm.s32 $0x2380;
	s12 =	simm.s32 $0x7420  }
0x4e: {  	[tilespmem:s12], [sflag:$0x3] =	stream.indirect.gather [hbm4b:s5+s21], $0x20, s10, s21, $0xb8;
	[tilespmem:$0x8C60] =	vst v63  }
0x4f: {  	s15 =	simm.s32 $0x23D0;
	s16 =	simm.s32 $0x7E20  }
0x50: {  	[tilespmem:s16], [sflag:$0x3] =	stream.indirect.gather [hbm4b:s5+s21], $0x20, s15, s21, $0xb8;
	[tilespmem:$0x8C60] =	vst v63  }
0x51: {  	_ =	swait.ge [sflag:s14], $0xA00  }
0x52: {  	[sflag:s14] =	ssyncset.done $0x0  }
0x53: {  	[sflag:s14] =	ssyncadd.s32 $0xFFFFF600  }
0x54: {  	_ =	swait.ge [sflag:s14], $0xA00  }
0x55: {  	[sflag:s14] =	ssyncset.done $0x0  }
0x56: {  	[sflag:s14] =	ssyncadd.s32 $0xFFFFF600  }
0x57: {  	_ =	swait.ge [sflag:s14], $0xA00  }
0x58: {  	[sflag:s14] =	ssyncset.done $0x0  }
0x59: {  	s10 =	sshll.u32 s11, $0x2;
	[sflag:s14] =	ssyncadd.s32 $0xFFFFF600  }
0x5a: {  	p1 =	seq.s32 s11, $0x1F;
	s3 =	sadd.s32 $0x4, s10;
	_ =	swait.ge [sflag:s14], $0xA00  }
0x5b: {  	s3 =	simm.s32 @p1 $0x0;
	[sflag:s14] =	ssyncset.done $0x0  }
0x5c: {  	s3 =	sadd.s32 s7, s3;
	[sflag:s14] =	ssyncadd.s32 $0xFFFFF600  }
0x5d: {  	s3 =	smul.u32 $0x19, s3;
	_ =	swait.ge [sflag:s14], $0xA00  }
0x5e: {  	[sflag:s14] =	ssyncset.done $0x0  }
0x5f: {  	p0 =	seq.s32 s11, $0x0;
	s3 =	sadd.s32 s1, s3;
	[sflag:s14] =	ssyncadd.s32 $0xFFFFF600  }
0x60: {  	[tilespmem:s18], [sflag:$0x4] =	stream.linear.gather [hbm4b:s3+s4], $0x190, $0x38;
	[tilespmem:$0x8C60] =	vst v63  }
0x61: {  	s3 =	simm.s32 @!p0 $0x6  }
0x62: {  	_ =	swait.ge @!p0 [sflag:s3], $0x190  }
0x63: {  	s12 =	sshll.u32 s11, $0x7;
	[sflag:s3] =	ssyncset.done @!p0 $0x0  }
0x64: {  	s12 =	sand.u32 $0x3FFFFF80, s12;
	[sflag:s3] =	ssyncadd.s32 @!p0 $0xFFFFFE70  }
0x65: {  	v17 =	vld [tilespmem:s12+$0x100]  }
0x66: {  	s16 =	sadd.s32 $0x6, s10;
	s15 =	simm.s32 $0x0;
	s3 =	simm.s32 $0x2520;
	v16 =	vld [tilespmem:s12+$0x110]  }
.LBB2_5:
0x67: {  	v18 =	vld [tilespmem:s3+$0xFFFFFF00]  }
0x68: {  	v19 =	vld [tilespmem:s3+$0xFFFFFF10]  }
0x69: {  	v20 =	vld [tilespmem:s3+$0xFFFFFF20]  }
0x6a: {  	v21 =	vld [tilespmem:s3+$0xFFFFFF30]  }
0x6b: {  	v22 =	vld [tilespmem:s3+$0xFFFFFF40]  }
0x6c: {  	v24 =	vld [tilespmem:s3+$0xFFFFFF50]  }
0x6d: {  	v26 =	vld [tilespmem:s3+$0xFFFFFF70]  }
0x6e: {  	v28 =	vld [tilespmem:s3+$0xFFFFFFB0]  }
0x6f: {  	v50 =	vld [tilespmem:s3+$0xFFFFFFD0]  }
0x70: {  	v61 =	vld [tilespmem:s3+$0x10]  }
0x71: {  	v33 =	vld [tilespmem:s3+$0x30];
	v18 =	vsub.bf16 v17, v18;
	v19 =	vsub.bf16 v16, v19  }
0x72: {  	v20 =	vsub.bf16 v17, v20;
	v21 =	vsub.bf16 v16, v21  }
0x73: {  	v49 =	vld [tilespmem:s3+$0xFFFFFFC0];
	v22 =	vsub.bf16 v17, v22;
	v24 =	vsub.bf16 v16, v24  }
0x74: {  	v59 =	vld [tilespmem:s3+$0x0];
	v26 =	vsub.bf16 v16, v26;
	v28 =	vsub.bf16 v16, v28  }
0x75: {  	v56 =	vsub.bf16 v16, v50;
	v38 =	vsub.bf16 v16, v61  }
0x76: {  	v33 =	vsub.bf16 v16, v33;
	v18 =	vand.u32 $0x7FFF7FFF, v18;
	v19 =	vand.u32 $0x7FFF7FFF, v19  }
0x77: {  	v20 =	vand.u32 $0x7FFF7FFF, v20;
	v21 =	vand.u32 $0x7FFF7FFF, v21;
	v43 =	vand.u32 $0x7FFF7FFF, v22  }
0x78: {  	v44 =	vand.u32 $0x7FFF7FFF, v24;
	v47 =	vand.u32 $0x7FFF7FFF, v26;
	v54 =	vand.u32 $0x7FFF7FFF, v28  }
0x79: {  	v39 =	vld [tilespmem:s3+$0xFFFFFF60];
	v26 =	vsub.bf16 v17, v49;
	v58 =	vand.u32 $0x7FFF7FFF, v56;
	v28 =	vsub.bf16 v17, v59  }
0x7a: {  	v41 =	vld [tilespmem:s3+$0xFFFFFF80];
	v23 =	vunpack.i.u.bf16.f32 v18;
	v18 =	vunpack.i.l.bf16.f32 v18;
	v25 =	vunpack.i.u.bf16.f32 v19  }
0x7b: {  	v42 =	vld [tilespmem:s3+$0xFFFFFF90];
	v19 =	vunpack.i.l.bf16.f32 v19;
	v40 =	vunpack.i.u.bf16.f32 v20;
	v20 =	vunpack.i.l.bf16.f32 v20  }
0x7c: {  	v63 =	vld [tilespmem:s3+$0x20];
	v27 =	vunpack.i.u.bf16.f32 v21;
	v21 =	vunpack.i.l.bf16.f32 v21;
	v22 =	vunpack.i.u.bf16.f32 v43  }
0x7d: {  	v24 =	vunpack.i.u.bf16.f32 v44;
	v29 =	vunpack.i.u.bf16.f32 v47;
	v18 =	vadd.f32 v18, v23  }
0x7e: {  	v57 =	vunpack.i.u.bf16.f32 v54;
	v19 =	vadd.f32 v19, v25;
	v20 =	vadd.f32 v20, v40  }
0x7f: {  	v32 =	vunpack.i.u.bf16.f32 v58;
	v21 =	vadd.f32 v21, v27;
	v23 =	vsub.bf16 v17, v39  }
0x80: {  	v46 =	vld [tilespmem:s3+$0xFFFFFFA0];
	v25 =	vsub.bf16 v17, v41;
	v27 =	vsub.bf16 v16, v42;
	v26 =	vand.u32 $0x7FFF7FFF, v26  }
0x81: {  	v40 =	vand.u32 $0x7FFF7FFF, v28;
	v41 =	vsub.bf16 v17, v63;
	v60 =	vunpack.i.u.bf16.f32 v26  }
0x82: {  	v26 =	vunpack.i.l.bf16.f32 v26;
	v28 =	vunpack.i.u.bf16.f32 v40;
	v19 =	vadd.f32 v19, v18  }
0x83: {  	v18 =	vadd.f32 v21, v20;
	v20 =	vunpack.i.l.bf16.f32 v43;
	v21 =	vunpack.i.l.bf16.f32 v44  }
0x84: {  	v45 =	vand.u32 $0x7FFF7FFF, v23;
	v25 =	vand.u32 $0x7FFF7FFF, v25;
	v27 =	vand.u32 $0x7FFF7FFF, v27  }
0x85: {  	v51 =	vld [tilespmem:s3+$0xFFFFFFE0];
	v23 =	vsub.bf16 v17, v46;
	v26 =	vadd.f32 v26, v60;
	v43 =	vand.u32 $0x7FFF7FFF, v41  }
0x86: {  	v53 =	vld [tilespmem:s3+$0xFFFFFFF0];
	v20 =	vadd.f32 v20, v22;
	v21 =	vadd.f32 v21, v24;
	v48 =	vunpack.i.u.bf16.f32 v45  }
0x87: {  	v39 =	vld [tilespmem:s3+$0x50];
	v22 =	vunpack.i.l.bf16.f32 v45;
	v24 =	vunpack.i.l.bf16.f32 v47;
	v30 =	vunpack.i.u.bf16.f32 v25  }
0x88: {  	v25 =	vunpack.i.l.bf16.f32 v25;
	v31 =	vunpack.i.u.bf16.f32 v27;
	v27 =	vunpack.i.l.bf16.f32 v27  }
0x89: {  	v45 =	vand.u32 $0x7FFF7FFF, v33;
	v22 =	vadd.f32 v22, v48;
	v24 =	vadd.f32 v24, v29  }
0x8a: {  	v46 =	vunpack.i.u.bf16.f32 v43;
	v25 =	vadd.f32 v25, v30;
	v27 =	vadd.f32 v27, v31  }
0x8b: {  	v52 =	vand.u32 $0x7FFF7FFF, v23;
	v30 =	vsub.bf16 v17, v51;
	v23 =	vsub.bf16 v16, v53  }
0x8c: {  	v35 =	vunpack.i.u.bf16.f32 v45;
	v20 =	vadd.f32 v21, v20;
	v31 =	vsub.bf16 v16, v39  }
0x8d: {  	v37 =	vld [tilespmem:s3+$0x40];
	v55 =	vunpack.i.u.bf16.f32 v52;
	v21 =	vadd.f32 v24, v22;
	v24 =	vadd.f32 v27, v25  }
0x8e: {  	v49 =	vld [tilespmem:s3+$0x90];
	v22 =	vunpack.i.l.bf16.f32 v52;
	v25 =	vunpack.i.l.bf16.f32 v54;
	v27 =	vunpack.i.l.bf16.f32 v58  }
0x8f: {  	v47 =	vld [tilespmem:s3+$0x70];
	v62 =	vand.u32 $0x7FFF7FFF, v30;
	v23 =	vand.u32 $0x7FFF7FFF, v23;
	v22 =	vadd.f32 v22, v55  }
0x90: {  	v30 =	vunpack.i.l.bf16.f32 v45;
	v25 =	vadd.f32 v25, v57;
	v27 =	vadd.f32 v27, v32  }
0x91: {  	v60 =	vld [tilespmem:s3+$0xE0];
	v36 =	vunpack.i.u.bf16.f32 v62;
	v29 =	vunpack.i.l.bf16.f32 v62;
	v34 =	vunpack.i.u.bf16.f32 v23  }
0x92: {  	v48 =	vld [tilespmem:s3+$0x80];
	v23 =	vunpack.i.l.bf16.f32 v23;
	v32 =	vsub.bf16 v17, v37;
	v30 =	vadd.f32 v30, v35  }
0x93: {  	v31 =	vand.u32 $0x7FFF7FFF, v31;
	v57 =	vsub.bf16 v16, v49;
	v29 =	vadd.f32 v29, v36  }
0x94: {  	v23 =	vadd.f32 v23, v34;
	v37 =	vunpack.i.u.bf16.f32 v31;
	v34 =	vsub.bf16 v16, v47  }
0x95: {  	v44 =	vld [tilespmem:s3+$0x60];
	v31 =	vunpack.i.l.bf16.f32 v31;
	v22 =	vadd.f32 v25, v22;
	v26 =	vadd.f32 v27, v26  }
0x96: {  	v25 =	vand.u32 $0x7FFF7FFF, v38;
	v27 =	vunpack.i.l.bf16.f32 v40;
	v31 =	vadd.f32 v31, v37  }
0x97: {  	v32 =	vand.u32 $0x7FFF7FFF, v32;
	v33 =	vsub.bf16 v17, v48;
	v37 =	vsub.bf16 v17, v60  }
0x98: {  	v50 =	vld [tilespmem:s3+$0xA0];
	v23 =	vadd.f32 v23, v29;
	v42 =	vunpack.i.u.bf16.f32 v25;
	v25 =	vunpack.i.l.bf16.f32 v25  }
0x99: {  	v61 =	vld [tilespmem:s3+$0xD0];
	v27 =	vadd.f32 v27, v28;
	v28 =	vunpack.i.l.bf16.f32 v43;
	v36 =	vunpack.i.u.bf16.f32 v32  }
0x9a: {  	v53 =	vld [tilespmem:s3+$0xB0];
	v32 =	vunpack.i.l.bf16.f32 v32;
	v29 =	vsub.bf16 v17, v44;
	v55 =	vand.u32 $0x7FFF7FFF, v34  }
0x9b: {  	v39 =	vld [tilespmem:s3+$0xF0];
	v34 =	vand.u32 $0x7FFF7FFF, v57;
	v25 =	vadd.f32 v25, v42;
	v28 =	vadd.f32 v28, v46  }
0x9c: {  	v58 =	vld [tilespmem:s3+$0xC0];
	[tilespmem:v0+s13+$0x0] =	vst.idx.msk $0xffff, v19;
	v32 =	vadd.f32 v32, v36;
	v59 =	vunpack.i.u.bf16.f32 v55;
	v33 =	vand.u32 $0x7FFF7FFF, v33  }
0x9d: {  	[tilespmem:v1+s13+$0x0] =	vst.idx.msk $0xffff, v18;
	v36 =	vsub.bf16 v17, v50;
	v40 =	vunpack.i.u.bf16.f32 v34;
	v34 =	vunpack.i.l.bf16.f32 v34  }
0x9e: {  	[tilespmem:v2+s13+$0x0] =	vst.idx.msk $0xffff, v20;
	v41 =	vand.u32 $0x7FFF7FFF, v37;
	v52 =	vand.u32 $0x7FFF7FFF, v29;
	v38 =	vunpack.i.u.bf16.f32 v33  }
0x9f: {  	[tilespmem:v3+s13+$0x0] =	vst.idx.msk $0xffff, v21;
	v33 =	vunpack.i.l.bf16.f32 v33;
	v29 =	vsub.bf16 v16, v53;
	v34 =	vadd.f32 v34, v40  }
0xa0: {  	[tilespmem:v4+s13+$0x0] =	vst.idx.msk $0xffff, v24;
	v40 =	vsub.bf16 v16, v39;
	v43 =	vunpack.i.u.bf16.f32 v41;
	v25 =	vadd.f32 v25, v27  }
0xa1: {  	[tilespmem:v5+s13+$0x0] =	vst.idx.msk $0xffff, v22;
	v22 =	vunpack.i.l.bf16.f32 v41;
	v51 =	vadd.f32 v30, v28;
	v54 =	vadd.f32 v31, v32  }
0xa2: {  	v56 =	vunpack.i.u.bf16.f32 v52;
	v28 =	vunpack.i.l.bf16.f32 v52;
	v31 =	vunpack.i.l.bf16.f32 v55  }
0xa3: {  	v33 =	vadd.f32 v33, v38;
	v36 =	vand.u32 $0x7FFF7FFF, v36;
	v22 =	vadd.f32 v22, v43  }
0xa4: {  	v28 =	vadd.f32 v28, v56;
	v31 =	vadd.f32 v31, v59;
	v19 =	vand.u32 $0x7FFF7FFF, v29  }
0xa5: {  	v62 =	vunpack.i.u.bf16.f32 v36;
	v18 =	vunpack.i.u.bf16.f32 v19;
	v19 =	vunpack.i.l.bf16.f32 v19  }
0xa6: {  	v36 =	vunpack.i.l.bf16.f32 v36;
	v18 =	vadd.f32 v19, v18;
	v19 =	vsub.bf16 v17, v58  }
0xa7: {  	[tilespmem:v6+s13+$0x0] =	vst.idx.msk $0xffff, v26;
	v42 =	vand.u32 $0x7FFF7FFF, v40;
	v63 =	vadd.f32 v31, v28;
	v31 =	vsub.bf16 v16, v61  }
0xa8: {  	[tilespmem:v7+s13+$0x0] =	vst.idx.msk $0xffff, v23;
	v29 =	vadd.f32 v36, v62;
	v35 =	vadd.f32 v34, v33;
	v19 =	vand.u32 $0x7FFF7FFF, v19  }
0xa9: {  	[tilespmem:v8+s13+$0x0] =	vst.idx.msk $0xffff, v25;
	v44 =	vunpack.i.u.bf16.f32 v42;
	v21 =	vand.u32 $0x7FFF7FFF, v31;
	v36 =	vunpack.i.u.bf16.f32 v19  }
0xaa: {  	[tilespmem:v9+s13+$0x0] =	vst.idx.msk $0xffff, v51;
	v19 =	vunpack.i.l.bf16.f32 v19;
	v38 =	vunpack.i.u.bf16.f32 v21;
	v21 =	vunpack.i.l.bf16.f32 v21  }
0xab: {  	v23 =	vunpack.i.l.bf16.f32 v42;
	[tilespmem:v10+s13+$0x0] =	vst.idx.msk $0xffff, v54;
	v19 =	vadd.f32 v19, v36;
	v21 =	vadd.f32 v21, v38  }
0xac: {  	v23 =	vadd.f32 v23, v44;
	v18 =	vadd.f32 v18, v29;
	[tilespmem:v11+s13+$0x0] =	vst.idx.msk $0xffff, v63  }
0xad: {  	[tilespmem:v12+s13+$0x0] =	vst.idx.msk $0xffff, v35;
	v19 =	vadd.f32 v21, v19  }
0xae: {  	v45 =	vadd.f32 v23, v22;
	[tilespmem:v13+s13+$0x0] =	vst.idx.msk $0xffff, v18  }
0xaf: {  	[tilespmem:v14+s13+$0x0] =	vst.idx.msk $0xffff, v19  }
0xb0: {  	[tilespmem:v15+s13+$0x0] =	vst.idx.msk $0xffff, v45  }
0xb1: {  	v18 =	vld [tilespmem:$0x8B60]  }
0xb2: {  	v19 =	vld [tilespmem:$0x8B70]  }
0xb3: {  	v20 =	vld [tilespmem:$0x8B80]  }
0xb4: {  	v46 =	vld [tilespmem:$0x8B90]  }
0xb5: {  	v47 =	vld [tilespmem:$0x8BA0]  }
0xb6: {  	v48 =	vld [tilespmem:$0x8BB0]  }
0xb7: {  	v24 =	vld [tilespmem:$0x8BC0]  }
0xb8: {  	v49 =	vld [tilespmem:$0x8BD0]  }
0xb9: {  	v50 =	vld [tilespmem:$0x8BE0]  }
0xba: {  	v27 =	vld [tilespmem:$0x8BF0]  }
0xbb: {  	v51 =	vld [tilespmem:$0x8C00]  }
0xbc: {  	v52 =	vld [tilespmem:$0x8C10]  }
0xbd: {  	v30 =	vld [tilespmem:$0x8C20]  }
0xbe: {  	v53 =	vld [tilespmem:$0x8C30]  }
0xbf: {  	v54 =	vld [tilespmem:$0x8C40]  }
0xc0: {  	v55 =	vld [tilespmem:$0x8C50];
	_ =	sdelay $0x1  }
0xc1: {  	v18 =	vadd.f32 v19, v18;
	v19 =	vadd.f32 v46, v20  }
0xc2: {  	v56 =	vadd.f32 v48, v47;
	v57 =	vadd.f32 v49, v24  }
0xc3: {  	v58 =	vadd.f32 v27, v50;
	v59 =	vadd.f32 v52, v51  }
0xc4: {  	v60 =	vadd.f32 v53, v30;
	v61 =	vadd.f32 v55, v54  }
0xc5: {  	v18 =	vadd.f32 v19, v18;
	v19 =	vadd.f32 v57, v56  }
0xc6: {  	v62 =	vadd.f32 v59, v58;
	v63 =	vadd.f32 v61, v60  }
0xc7: {  	p2 =	sne.s32 s15, $0x2C0  }
.Ltmp1:
0xc8: {  	v18 =	vadd.f32 v19, v18;
	v19 =	vadd.f32 v63, v62;
	(pc) =	sbr.rel @p2 .LBB2_5-.Ltmp1, $4  }
0xc9: {  	_ = 	snop  }
0xca: {  	v18 =	vadd.f32 v19, v18  }
0xcb: {  	s6 =	sshra.s32 s15, $0x2  }
0xcc: {  	s15 =	sadd.s32 $0x40, s15;
	s3 =	sadd.s32 $0x200, s3;
	[tilespmem:s6+$0x8820] =	vst v18  }
0xcd: {  	v18 =	vld [tilespmem:$0x3C20]  }
0xce: {  	v19 =	vld [tilespmem:$0x3C30]  }
0xcf: {  	v20 =	vld [tilespmem:$0x3C40]  }
0xd0: {  	v21 =	vld [tilespmem:$0x3C50]  }
0xd1: {  	v22 =	vld [tilespmem:$0x3C60]  }
0xd2: {  	v23 =	vld [tilespmem:$0x3C70]  }
0xd3: {  	v26 =	vld [tilespmem:$0x3C90]  }
0xd4: {  	v33 =	vld [tilespmem:$0x3CB0]  }
0xd5: {  	v44 =	vld [tilespmem:$0x3CF0]  }
0xd6: {  	v18 =	vsub.bf16 v17, v18  }
0xd7: {  	v19 =	vsub.bf16 v16, v19;
	v20 =	vsub.bf16 v17, v20  }
0xd8: {  	v42 =	vld [tilespmem:$0x3CE0];
	v21 =	vsub.bf16 v16, v21;
	v22 =	vsub.bf16 v17, v22  }
0xd9: {  	v23 =	vsub.bf16 v16, v23;
	v26 =	vsub.bf16 v16, v26  }
0xda: {  	v38 =	vsub.bf16 v16, v33;
	v48 =	vsub.bf16 v16, v44  }
0xdb: {  	v18 =	vand.u32 $0x7FFF7FFF, v18;
	v19 =	vand.u32 $0x7FFF7FFF, v19;
	v20 =	vand.u32 $0x7FFF7FFF, v20  }
0xdc: {  	v21 =	vand.u32 $0x7FFF7FFF, v21;
	v22 =	vand.u32 $0x7FFF7FFF, v22;
	v23 =	vand.u32 $0x7FFF7FFF, v23  }
0xdd: {  	v37 =	vand.u32 $0x7FFF7FFF, v26;
	v41 =	vand.u32 $0x7FFF7FFF, v38;
	v26 =	vsub.bf16 v17, v42  }
0xde: {  	v63 =	vld [tilespmem:$0x3C80];
	v24 =	vunpack.i.u.bf16.f32 v18;
	v18 =	vunpack.i.l.bf16.f32 v18;
	v25 =	vunpack.i.u.bf16.f32 v19  }
0xdf: {  	v32 =	vld [tilespmem:$0x3CA0];
	v19 =	vunpack.i.l.bf16.f32 v19;
	v31 =	vunpack.i.u.bf16.f32 v20;
	v20 =	vunpack.i.l.bf16.f32 v20  }
0xe0: {  	v34 =	vld [tilespmem:$0x3CC0];
	v27 =	vunpack.i.u.bf16.f32 v21;
	v21 =	vunpack.i.l.bf16.f32 v21;
	v28 =	vunpack.i.u.bf16.f32 v22  }
0xe1: {  	v46 =	vld [tilespmem:$0x3D00];
	v22 =	vunpack.i.l.bf16.f32 v22;
	v29 =	vunpack.i.u.bf16.f32 v23;
	v18 =	vadd.f32 v18, v24  }
0xe2: {  	v23 =	vunpack.i.l.bf16.f32 v23;
	v19 =	vadd.f32 v19, v25;
	v20 =	vadd.f32 v20, v31  }
0xe3: {  	v39 =	vunpack.i.u.bf16.f32 v37;
	v21 =	vadd.f32 v21, v27;
	v22 =	vadd.f32 v22, v28  }
0xe4: {  	v36 =	vld [tilespmem:$0x3CD0];
	v30 =	vunpack.i.u.bf16.f32 v41;
	v24 =	vsub.bf16 v17, v63;
	v23 =	vadd.f32 v23, v29  }
0xe5: {  	v25 =	vsub.bf16 v17, v32;
	v28 =	vsub.bf16 v17, v34;
	v49 =	vand.u32 $0x7FFF7FFF, v26  }
0xe6: {  	v17 =	vsub.bf16 v17, v46;
	v26 =	vunpack.i.u.bf16.f32 v49;
	v18 =	vadd.f32 v19, v18  }
0xe7: {  	v19 =	vadd.f32 v21, v20;
	v35 =	vand.u32 $0x7FFF7FFF, v24;
	v22 =	vadd.f32 v23, v22  }
0xe8: {  	v23 =	vunpack.i.l.bf16.f32 v37;
	v40 =	vand.u32 $0x7FFF7FFF, v25;
	v25 =	vunpack.i.l.bf16.f32 v41  }
0xe9: {  	v21 =	vsub.bf16 v16, v36;
	v45 =	vand.u32 $0x7FFF7FFF, v28;
	v17 =	vand.u32 $0x7FFF7FFF, v17  }
0xea: {  	v31 =	vld [tilespmem:$0x3D10];
	v24 =	vunpack.i.u.bf16.f32 v35;
	v20 =	vunpack.i.l.bf16.f32 v35;
	v23 =	vadd.f32 v23, v39  }
0xeb: {  	v43 =	vunpack.i.u.bf16.f32 v40;
	v25 =	vadd.f32 v25, v30;
	v47 =	vunpack.i.u.bf16.f32 v45  }
0xec: {  	v27 =	vunpack.i.l.bf16.f32 v45;
	v51 =	vunpack.i.u.bf16.f32 v17;
	v17 =	vunpack.i.l.bf16.f32 v17  }
0xed: {  	v20 =	vadd.f32 v20, v24;
	v24 =	vunpack.i.l.bf16.f32 v40;
	v27 =	vadd.f32 v27, v47  }
0xee: {  	v21 =	vand.u32 $0x7FFF7FFF, v21;
	v17 =	vadd.f32 v17, v51;
	v24 =	vadd.f32 v24, v43  }
0xef: {  	v32 =	vunpack.i.u.bf16.f32 v21;
	v21 =	vunpack.i.l.bf16.f32 v21;
	v16 =	vsub.bf16 v16, v31  }
0xf0: {  	v21 =	vadd.f32 v21, v32;
	v20 =	vadd.f32 v23, v20;
	v23 =	vand.u32 $0x7FFF7FFF, v48  }
0xf1: {  	[tilespmem:v0+s13+$0x0] =	vst.idx.msk $0xffff, v18;
	v24 =	vadd.f32 v25, v24;
	v25 =	vunpack.i.l.bf16.f32 v49;
	v50 =	vunpack.i.u.bf16.f32 v23  }
0xf2: {  	[tilespmem:v1+s13+$0x0] =	vst.idx.msk $0xffff, v19;
	v23 =	vunpack.i.l.bf16.f32 v23;
	v16 =	vand.u32 $0x7FFF7FFF, v16;
	v25 =	vadd.f32 v25, v26  }
0xf3: {  	[tilespmem:v2+s13+$0x0] =	vst.idx.msk $0xffff, v22;
	v18 =	vadd.f32 v23, v50;
	v19 =	vunpack.i.u.bf16.f32 v16;
	v16 =	vunpack.i.l.bf16.f32 v16  }
0xf4: {  	v21 =	vadd.f32 v21, v27;
	[tilespmem:v3+s13+$0x0] =	vst.idx.msk $0xffff, v20;
	v16 =	vadd.f32 v16, v19  }
0xf5: {  	[tilespmem:v4+s13+$0x0] =	vst.idx.msk $0xffff, v24;
	v18 =	vadd.f32 v18, v25  }
0xf6: {  	[tilespmem:v5+s13+$0x0] =	vst.idx.msk $0xffff, v21;
	v16 =	vadd.f32 v16, v17  }
0xf7: {  	[tilespmem:v6+s13+$0x0] =	vst.idx.msk $0xffff, v18  }
0xf8: {  	[tilespmem:v7+s13+$0x0] =	vst.idx.msk $0xffff, v16  }
0xf9: {  	v16 =	vld [tilespmem:$0x8B60]  }
0xfa: {  	v17 =	vld [tilespmem:$0x8B70]  }
0xfb: {  	v18 =	vld [tilespmem:$0x8B80]  }
0xfc: {  	v19 =	vld [tilespmem:$0x8B90]  }
0xfd: {  	v20 =	vld [tilespmem:$0x8BA0]  }
0xfe: {  	v21 =	vld [tilespmem:$0x8BB0]  }
0xff: {  	v22 =	vld [tilespmem:$0x8BC0]  }
0x100: {  	v52 =	vld [tilespmem:$0x8BD0]  }
0x101: {  	v24 =	vld [tilespmem:$0x8BE0]  }
0x102: {  	v53 =	vld [tilespmem:$0x8BF0]  }
0x103: {  	v54 =	vld [tilespmem:$0x8C00]  }
0x104: {  	v55 =	vld [tilespmem:$0x8C10]  }
0x105: {  	v56 =	vld [tilespmem:$0x8C20]  }
0x106: {  	v57 =	vld [tilespmem:$0x8C30]  }
0x107: {  	v58 =	vld [tilespmem:$0x8C40]  }
0x108: {  	v59 =	vld [tilespmem:$0x8C50];
	_ =	sdelay $0x1  }
0x109: {  	v16 =	vadd.f32 v17, v16;
	v17 =	vadd.f32 v19, v18  }
0x10a: {  	v18 =	vadd.f32 v21, v20;
	v19 =	vadd.f32 v52, v22  }
0x10b: {  	v60 =	vadd.f32 v53, v24;
	v61 =	vadd.f32 v55, v54  }
0x10c: {  	v62 =	vadd.f32 v57, v56;
	v63 =	vadd.f32 v59, v58  }
0x10d: {  	v16 =	vadd.f32 v17, v16;
	v17 =	vadd.f32 v19, v18  }
0x10e: {  	v18 =	vadd.f32 v61, v60;
	v19 =	vadd.f32 v63, v62;
	_ =	sdelay $0x1  }
0x10f: {  	v16 =	vadd.f32 v17, v16;
	v17 =	vadd.f32 v19, v18;
	_ =	sdelay $0x1  }
0x110: {  	v16 =	vadd.f32 v17, v16  }
0x111: {  	s3 =	simm.s32 $0x88E0  }
0x112: {  	[tilespmem:s3+$0x0] =	vst.msk $0xff, v16  }
0x113: {  	v17 =	vld [tilespmem:s12+$0x120]  }
0x114: {  	s15 =	simm.s32 $0x3F10;
	s3 =	simm.s32 $0x0;
	v16 =	vld [tilespmem:s12+$0x130]  }
.LBB2_7:
0x115: {  	v18 =	vld [tilespmem:s15+$0xFFFFFE10]  }
0x116: {  	v19 =	vld [tilespmem:s15+$0xFFFFFE20]  }
0x117: {  	v20 =	vld [tilespmem:s15+$0xFFFFFE30]  }
0x118: {  	v21 =	vld [tilespmem:s15+$0xFFFFFE40]  }
0x119: {  	v22 =	vld [tilespmem:s15+$0xFFFFFE50]  }
0x11a: {  	v24 =	vld [tilespmem:s15+$0xFFFFFE60]  }
0x11b: {  	v26 =	vld [tilespmem:s15+$0xFFFFFE80]  }
0x11c: {  	v28 =	vld [tilespmem:s15+$0xFFFFFEC0]  }
0x11d: {  	v50 =	vld [tilespmem:s15+$0xFFFFFEE0]  }
0x11e: {  	v61 =	vld [tilespmem:s15+$0xFFFFFF20]  }
0x11f: {  	v33 =	vld [tilespmem:s15+$0xFFFFFF40];
	v18 =	vsub.bf16 v17, v18;
	v19 =	vsub.bf16 v16, v19  }
0x120: {  	v20 =	vsub.bf16 v17, v20;
	v21 =	vsub.bf16 v16, v21  }
0x121: {  	v49 =	vld [tilespmem:s15+$0xFFFFFED0];
	v22 =	vsub.bf16 v17, v22;
	v24 =	vsub.bf16 v16, v24  }
0x122: {  	v59 =	vld [tilespmem:s15+$0xFFFFFF10];
	v26 =	vsub.bf16 v16, v26;
	v28 =	vsub.bf16 v16, v28  }
0x123: {  	v56 =	vsub.bf16 v16, v50;
	v38 =	vsub.bf16 v16, v61  }
0x124: {  	v33 =	vsub.bf16 v16, v33;
	v18 =	vand.u32 $0x7FFF7FFF, v18;
	v19 =	vand.u32 $0x7FFF7FFF, v19  }
0x125: {  	v20 =	vand.u32 $0x7FFF7FFF, v20;
	v21 =	vand.u32 $0x7FFF7FFF, v21;
	v43 =	vand.u32 $0x7FFF7FFF, v22  }
0x126: {  	v44 =	vand.u32 $0x7FFF7FFF, v24;
	v47 =	vand.u32 $0x7FFF7FFF, v26;
	v54 =	vand.u32 $0x7FFF7FFF, v28  }
0x127: {  	v39 =	vld [tilespmem:s15+$0xFFFFFE70];
	v26 =	vsub.bf16 v17, v49;
	v58 =	vand.u32 $0x7FFF7FFF, v56;
	v28 =	vsub.bf16 v17, v59  }
0x128: {  	v41 =	vld [tilespmem:s15+$0xFFFFFE90];
	v23 =	vunpack.i.u.bf16.f32 v18;
	v18 =	vunpack.i.l.bf16.f32 v18;
	v25 =	vunpack.i.u.bf16.f32 v19  }
0x129: {  	v42 =	vld [tilespmem:s15+$0xFFFFFEA0];
	v19 =	vunpack.i.l.bf16.f32 v19;
	v40 =	vunpack.i.u.bf16.f32 v20;
	v20 =	vunpack.i.l.bf16.f32 v20  }
0x12a: {  	v63 =	vld [tilespmem:s15+$0xFFFFFF30];
	v27 =	vunpack.i.u.bf16.f32 v21;
	v21 =	vunpack.i.l.bf16.f32 v21;
	v22 =	vunpack.i.u.bf16.f32 v43  }
0x12b: {  	v24 =	vunpack.i.u.bf16.f32 v44;
	v29 =	vunpack.i.u.bf16.f32 v47;
	v18 =	vadd.f32 v18, v23  }
0x12c: {  	v57 =	vunpack.i.u.bf16.f32 v54;
	v19 =	vadd.f32 v19, v25;
	v20 =	vadd.f32 v20, v40  }
0x12d: {  	v32 =	vunpack.i.u.bf16.f32 v58;
	v21 =	vadd.f32 v21, v27;
	v23 =	vsub.bf16 v17, v39  }
0x12e: {  	v46 =	vld [tilespmem:s15+$0xFFFFFEB0];
	v25 =	vsub.bf16 v17, v41;
	v27 =	vsub.bf16 v16, v42;
	v26 =	vand.u32 $0x7FFF7FFF, v26  }
0x12f: {  	v40 =	vand.u32 $0x7FFF7FFF, v28;
	v41 =	vsub.bf16 v17, v63;
	v60 =	vunpack.i.u.bf16.f32 v26  }
0x130: {  	v26 =	vunpack.i.l.bf16.f32 v26;
	v28 =	vunpack.i.u.bf16.f32 v40;
	v19 =	vadd.f32 v19, v18  }
0x131: {  	v18 =	vadd.f32 v21, v20;
	v20 =	vunpack.i.l.bf16.f32 v43;
	v21 =	vunpack.i.l.bf16.f32 v44  }
0x132: {  	v45 =	vand.u32 $0x7FFF7FFF, v23;
	v25 =	vand.u32 $0x7FFF7FFF, v25;
	v27 =	vand.u32 $0x7FFF7FFF, v27  }
0x133: {  	v51 =	vld [tilespmem:s15+$0xFFFFFEF0];
	v23 =	vsub.bf16 v17, v46;
	v26 =	vadd.f32 v26, v60;
	v43 =	vand.u32 $0x7FFF7FFF, v41  }
0x134: {  	v53 =	vld [tilespmem:s15+$0xFFFFFF00];
	v20 =	vadd.f32 v20, v22;
	v21 =	vadd.f32 v21, v24;
	v48 =	vunpack.i.u.bf16.f32 v45  }
0x135: {  	v39 =	vld [tilespmem:s15+$0xFFFFFF60];
	v22 =	vunpack.i.l.bf16.f32 v45;
	v24 =	vunpack.i.l.bf16.f32 v47;
	v30 =	vunpack.i.u.bf16.f32 v25  }
0x136: {  	v25 =	vunpack.i.l.bf16.f32 v25;
	v31 =	vunpack.i.u.bf16.f32 v27;
	v27 =	vunpack.i.l.bf16.f32 v27  }
0x137: {  	v45 =	vand.u32 $0x7FFF7FFF, v33;
	v22 =	vadd.f32 v22, v48;
	v24 =	vadd.f32 v24, v29  }
0x138: {  	v46 =	vunpack.i.u.bf16.f32 v43;
	v25 =	vadd.f32 v25, v30;
	v27 =	vadd.f32 v27, v31  }
0x139: {  	v52 =	vand.u32 $0x7FFF7FFF, v23;
	v30 =	vsub.bf16 v17, v51;
	v23 =	vsub.bf16 v16, v53  }
0x13a: {  	v35 =	vunpack.i.u.bf16.f32 v45;
	v20 =	vadd.f32 v21, v20;
	v31 =	vsub.bf16 v16, v39  }
0x13b: {  	v37 =	vld [tilespmem:s15+$0xFFFFFF50];
	v55 =	vunpack.i.u.bf16.f32 v52;
	v21 =	vadd.f32 v24, v22;
	v24 =	vadd.f32 v27, v25  }
0x13c: {  	v49 =	vld [tilespmem:s15+$0xFFFFFFA0];
	v22 =	vunpack.i.l.bf16.f32 v52;
	v25 =	vunpack.i.l.bf16.f32 v54;
	v27 =	vunpack.i.l.bf16.f32 v58  }
0x13d: {  	v47 =	vld [tilespmem:s15+$0xFFFFFF80];
	v62 =	vand.u32 $0x7FFF7FFF, v30;
	v23 =	vand.u32 $0x7FFF7FFF, v23;
	v22 =	vadd.f32 v22, v55  }
0x13e: {  	v30 =	vunpack.i.l.bf16.f32 v45;
	v25 =	vadd.f32 v25, v57;
	v27 =	vadd.f32 v27, v32  }
0x13f: {  	v60 =	vld [tilespmem:s15+$0xFFFFFFF0];
	v36 =	vunpack.i.u.bf16.f32 v62;
	v29 =	vunpack.i.l.bf16.f32 v62;
	v34 =	vunpack.i.u.bf16.f32 v23  }
0x140: {  	v48 =	vld [tilespmem:s15+$0xFFFFFF90];
	v23 =	vunpack.i.l.bf16.f32 v23;
	v32 =	vsub.bf16 v17, v37;
	v30 =	vadd.f32 v30, v35  }
0x141: {  	v31 =	vand.u32 $0x7FFF7FFF, v31;
	v57 =	vsub.bf16 v16, v49;
	v29 =	vadd.f32 v29, v36  }
0x142: {  	v23 =	vadd.f32 v23, v34;
	v37 =	vunpack.i.u.bf16.f32 v31;
	v34 =	vsub.bf16 v16, v47  }
0x143: {  	v44 =	vld [tilespmem:s15+$0xFFFFFF70];
	v31 =	vunpack.i.l.bf16.f32 v31;
	v22 =	vadd.f32 v25, v22;
	v26 =	vadd.f32 v27, v26  }
0x144: {  	v25 =	vand.u32 $0x7FFF7FFF, v38;
	v27 =	vunpack.i.l.bf16.f32 v40;
	v31 =	vadd.f32 v31, v37  }
0x145: {  	v32 =	vand.u32 $0x7FFF7FFF, v32;
	v33 =	vsub.bf16 v17, v48;
	v37 =	vsub.bf16 v17, v60  }
0x146: {  	v50 =	vld [tilespmem:s15+$0xFFFFFFB0];
	v23 =	vadd.f32 v23, v29;
	v42 =	vunpack.i.u.bf16.f32 v25;
	v25 =	vunpack.i.l.bf16.f32 v25  }
0x147: {  	v61 =	vld [tilespmem:s15+$0xFFFFFFE0];
	v27 =	vadd.f32 v27, v28;
	v28 =	vunpack.i.l.bf16.f32 v43;
	v36 =	vunpack.i.u.bf16.f32 v32  }
0x148: {  	v53 =	vld [tilespmem:s15+$0xFFFFFFC0];
	v32 =	vunpack.i.l.bf16.f32 v32;
	v29 =	vsub.bf16 v17, v44;
	v55 =	vand.u32 $0x7FFF7FFF, v34  }
0x149: {  	v39 =	vld [tilespmem:s15+$0x0];
	v34 =	vand.u32 $0x7FFF7FFF, v57;
	v25 =	vadd.f32 v25, v42;
	v28 =	vadd.f32 v28, v46  }
0x14a: {  	v58 =	vld [tilespmem:s15+$0xFFFFFFD0];
	[tilespmem:v0+s13+$0x0] =	vst.idx.msk $0xffff, v19;
	v32 =	vadd.f32 v32, v36;
	v59 =	vunpack.i.u.bf16.f32 v55;
	v33 =	vand.u32 $0x7FFF7FFF, v33  }
0x14b: {  	[tilespmem:v1+s13+$0x0] =	vst.idx.msk $0xffff, v18;
	v36 =	vsub.bf16 v17, v50;
	v40 =	vunpack.i.u.bf16.f32 v34;
	v34 =	vunpack.i.l.bf16.f32 v34  }
0x14c: {  	[tilespmem:v2+s13+$0x0] =	vst.idx.msk $0xffff, v20;
	v41 =	vand.u32 $0x7FFF7FFF, v37;
	v52 =	vand.u32 $0x7FFF7FFF, v29;
	v38 =	vunpack.i.u.bf16.f32 v33  }
0x14d: {  	[tilespmem:v3+s13+$0x0] =	vst.idx.msk $0xffff, v21;
	v33 =	vunpack.i.l.bf16.f32 v33;
	v29 =	vsub.bf16 v16, v53;
	v34 =	vadd.f32 v34, v40  }
0x14e: {  	[tilespmem:v4+s13+$0x0] =	vst.idx.msk $0xffff, v24;
	v40 =	vsub.bf16 v16, v39;
	v43 =	vunpack.i.u.bf16.f32 v41;
	v25 =	vadd.f32 v25, v27  }
0x14f: {  	[tilespmem:v5+s13+$0x0] =	vst.idx.msk $0xffff, v22;
	v22 =	vunpack.i.l.bf16.f32 v41;
	v51 =	vadd.f32 v30, v28;
	v54 =	vadd.f32 v31, v32  }
0x150: {  	v56 =	vunpack.i.u.bf16.f32 v52;
	v28 =	vunpack.i.l.bf16.f32 v52;
	v31 =	vunpack.i.l.bf16.f32 v55  }
0x151: {  	v33 =	vadd.f32 v33, v38;
	v36 =	vand.u32 $0x7FFF7FFF, v36;
	v22 =	vadd.f32 v22, v43  }
0x152: {  	v28 =	vadd.f32 v28, v56;
	v31 =	vadd.f32 v31, v59;
	v19 =	vand.u32 $0x7FFF7FFF, v29  }
0x153: {  	v62 =	vunpack.i.u.bf16.f32 v36;
	v18 =	vunpack.i.u.bf16.f32 v19;
	v19 =	vunpack.i.l.bf16.f32 v19  }
0x154: {  	v36 =	vunpack.i.l.bf16.f32 v36;
	v18 =	vadd.f32 v19, v18;
	v19 =	vsub.bf16 v17, v58  }
0x155: {  	[tilespmem:v6+s13+$0x0] =	vst.idx.msk $0xffff, v26;
	v42 =	vand.u32 $0x7FFF7FFF, v40;
	v63 =	vadd.f32 v31, v28;
	v31 =	vsub.bf16 v16, v61  }
0x156: {  	[tilespmem:v7+s13+$0x0] =	vst.idx.msk $0xffff, v23;
	v29 =	vadd.f32 v36, v62;
	v35 =	vadd.f32 v34, v33;
	v19 =	vand.u32 $0x7FFF7FFF, v19  }
0x157: {  	[tilespmem:v8+s13+$0x0] =	vst.idx.msk $0xffff, v25;
	v44 =	vunpack.i.u.bf16.f32 v42;
	v21 =	vand.u32 $0x7FFF7FFF, v31;
	v36 =	vunpack.i.u.bf16.f32 v19  }
0x158: {  	[tilespmem:v9+s13+$0x0] =	vst.idx.msk $0xffff, v51;
	v19 =	vunpack.i.l.bf16.f32 v19;
	v38 =	vunpack.i.u.bf16.f32 v21;
	v21 =	vunpack.i.l.bf16.f32 v21  }
0x159: {  	v23 =	vunpack.i.l.bf16.f32 v42;
	[tilespmem:v10+s13+$0x0] =	vst.idx.msk $0xffff, v54;
	v19 =	vadd.f32 v19, v36;
	v21 =	vadd.f32 v21, v38  }
0x15a: {  	v23 =	vadd.f32 v23, v44;
	v18 =	vadd.f32 v18, v29;
	[tilespmem:v11+s13+$0x0] =	vst.idx.msk $0xffff, v63  }
0x15b: {  	[tilespmem:v12+s13+$0x0] =	vst.idx.msk $0xffff, v35;
	v19 =	vadd.f32 v21, v19  }
0x15c: {  	v45 =	vadd.f32 v23, v22;
	[tilespmem:v13+s13+$0x0] =	vst.idx.msk $0xffff, v18  }
0x15d: {  	[tilespmem:v14+s13+$0x0] =	vst.idx.msk $0xffff, v19  }
0x15e: {  	[tilespmem:v15+s13+$0x0] =	vst.idx.msk $0xffff, v45  }
0x15f: {  	v18 =	vld [tilespmem:$0x8B60]  }
0x160: {  	v19 =	vld [tilespmem:$0x8B70]  }
0x161: {  	v20 =	vld [tilespmem:$0x8B80]  }
0x162: {  	v46 =	vld [tilespmem:$0x8B90]  }
0x163: {  	v47 =	vld [tilespmem:$0x8BA0]  }
0x164: {  	v48 =	vld [tilespmem:$0x8BB0]  }
0x165: {  	v24 =	vld [tilespmem:$0x8BC0]  }
0x166: {  	v49 =	vld [tilespmem:$0x8BD0]  }
0x167: {  	v50 =	vld [tilespmem:$0x8BE0]  }
0x168: {  	v27 =	vld [tilespmem:$0x8BF0]  }
0x169: {  	v51 =	vld [tilespmem:$0x8C00]  }
0x16a: {  	v52 =	vld [tilespmem:$0x8C10]  }
0x16b: {  	v30 =	vld [tilespmem:$0x8C20]  }
0x16c: {  	v53 =	vld [tilespmem:$0x8C30]  }
0x16d: {  	v54 =	vld [tilespmem:$0x8C40]  }
0x16e: {  	v55 =	vld [tilespmem:$0x8C50];
	_ =	sdelay $0x1  }
0x16f: {  	v18 =	vadd.f32 v19, v18;
	v19 =	vadd.f32 v46, v20  }
0x170: {  	v56 =	vadd.f32 v48, v47;
	v57 =	vadd.f32 v49, v24  }
0x171: {  	v58 =	vadd.f32 v27, v50;
	v59 =	vadd.f32 v52, v51  }
0x172: {  	v60 =	vadd.f32 v53, v30;
	v61 =	vadd.f32 v55, v54  }
0x173: {  	v18 =	vadd.f32 v19, v18;
	v19 =	vadd.f32 v57, v56  }
0x174: {  	v62 =	vadd.f32 v59, v58;
	v63 =	vadd.f32 v61, v60  }
0x175: {  	p2 =	sne.s32 s3, $0x2C0  }
.Ltmp2:
0x176: {  	v18 =	vadd.f32 v19, v18;
	v19 =	vadd.f32 v63, v62;
	(pc) =	sbr.rel @p2 .LBB2_7-.Ltmp2, $4  }
0x177: {  	_ = 	snop  }
0x178: {  	v18 =	vadd.f32 v19, v18  }
0x179: {  	s6 =	sshra.s32 s3, $0x2  }
0x17a: {  	s3 =	sadd.s32 $0x40, s3;
	s15 =	sadd.s32 $0x200, s15;
	[tilespmem:s6+$0x88E8] =	vst v18  }
0x17b: {  	v18 =	vld [tilespmem:$0x5520]  }
0x17c: {  	v19 =	vld [tilespmem:$0x5530]  }
0x17d: {  	v20 =	vld [tilespmem:$0x5540]  }
0x17e: {  	v21 =	vld [tilespmem:$0x5550]  }
0x17f: {  	v22 =	vld [tilespmem:$0x5560]  }
0x180: {  	v23 =	vld [tilespmem:$0x5570]  }
0x181: {  	v26 =	vld [tilespmem:$0x5590]  }
0x182: {  	v33 =	vld [tilespmem:$0x55B0]  }
0x183: {  	v44 =	vld [tilespmem:$0x55F0]  }
0x184: {  	v18 =	vsub.bf16 v17, v18  }
0x185: {  	v19 =	vsub.bf16 v16, v19;
	v20 =	vsub.bf16 v17, v20  }
0x186: {  	v42 =	vld [tilespmem:$0x55E0];
	v21 =	vsub.bf16 v16, v21;
	v22 =	vsub.bf16 v17, v22  }
0x187: {  	v23 =	vsub.bf16 v16, v23;
	v26 =	vsub.bf16 v16, v26  }
0x188: {  	v38 =	vsub.bf16 v16, v33;
	v48 =	vsub.bf16 v16, v44  }
0x189: {  	v18 =	vand.u32 $0x7FFF7FFF, v18;
	v19 =	vand.u32 $0x7FFF7FFF, v19;
	v20 =	vand.u32 $0x7FFF7FFF, v20  }
0x18a: {  	v21 =	vand.u32 $0x7FFF7FFF, v21;
	v22 =	vand.u32 $0x7FFF7FFF, v22;
	v23 =	vand.u32 $0x7FFF7FFF, v23  }
0x18b: {  	v37 =	vand.u32 $0x7FFF7FFF, v26;
	v41 =	vand.u32 $0x7FFF7FFF, v38;
	v26 =	vsub.bf16 v17, v42  }
0x18c: {  	v63 =	vld [tilespmem:$0x5580];
	v24 =	vunpack.i.u.bf16.f32 v18;
	v18 =	vunpack.i.l.bf16.f32 v18;
	v25 =	vunpack.i.u.bf16.f32 v19  }
0x18d: {  	v32 =	vld [tilespmem:$0x55A0];
	v19 =	vunpack.i.l.bf16.f32 v19;
	v31 =	vunpack.i.u.bf16.f32 v20;
	v20 =	vunpack.i.l.bf16.f32 v20  }
0x18e: {  	v34 =	vld [tilespmem:$0x55C0];
	v27 =	vunpack.i.u.bf16.f32 v21;
	v21 =	vunpack.i.l.bf16.f32 v21;
	v28 =	vunpack.i.u.bf16.f32 v22  }
0x18f: {  	v46 =	vld [tilespmem:$0x5600];
	v22 =	vunpack.i.l.bf16.f32 v22;
	v29 =	vunpack.i.u.bf16.f32 v23;
	v18 =	vadd.f32 v18, v24  }
0x190: {  	v23 =	vunpack.i.l.bf16.f32 v23;
	v19 =	vadd.f32 v19, v25;
	v20 =	vadd.f32 v20, v31  }
0x191: {  	v39 =	vunpack.i.u.bf16.f32 v37;
	v21 =	vadd.f32 v21, v27;
	v22 =	vadd.f32 v22, v28  }
0x192: {  	v36 =	vld [tilespmem:$0x55D0];
	v30 =	vunpack.i.u.bf16.f32 v41;
	v24 =	vsub.bf16 v17, v63;
	v23 =	vadd.f32 v23, v29  }
0x193: {  	v25 =	vsub.bf16 v17, v32;
	v28 =	vsub.bf16 v17, v34;
	v49 =	vand.u32 $0x7FFF7FFF, v26  }
0x194: {  	v17 =	vsub.bf16 v17, v46;
	v26 =	vunpack.i.u.bf16.f32 v49;
	v18 =	vadd.f32 v19, v18  }
0x195: {  	v19 =	vadd.f32 v21, v20;
	v35 =	vand.u32 $0x7FFF7FFF, v24;
	v22 =	vadd.f32 v23, v22  }
0x196: {  	v23 =	vunpack.i.l.bf16.f32 v37;
	v40 =	vand.u32 $0x7FFF7FFF, v25;
	v25 =	vunpack.i.l.bf16.f32 v41  }
0x197: {  	v21 =	vsub.bf16 v16, v36;
	v45 =	vand.u32 $0x7FFF7FFF, v28;
	v17 =	vand.u32 $0x7FFF7FFF, v17  }
0x198: {  	v31 =	vld [tilespmem:$0x5610];
	v24 =	vunpack.i.u.bf16.f32 v35;
	v20 =	vunpack.i.l.bf16.f32 v35;
	v23 =	vadd.f32 v23, v39  }
0x199: {  	v43 =	vunpack.i.u.bf16.f32 v40;
	v25 =	vadd.f32 v25, v30;
	v47 =	vunpack.i.u.bf16.f32 v45  }
0x19a: {  	v27 =	vunpack.i.l.bf16.f32 v45;
	v51 =	vunpack.i.u.bf16.f32 v17;
	v17 =	vunpack.i.l.bf16.f32 v17  }
0x19b: {  	v20 =	vadd.f32 v20, v24;
	v24 =	vunpack.i.l.bf16.f32 v40;
	v27 =	vadd.f32 v27, v47  }
0x19c: {  	v21 =	vand.u32 $0x7FFF7FFF, v21;
	v17 =	vadd.f32 v17, v51;
	v24 =	vadd.f32 v24, v43  }
0x19d: {  	v32 =	vunpack.i.u.bf16.f32 v21;
	v21 =	vunpack.i.l.bf16.f32 v21;
	v16 =	vsub.bf16 v16, v31  }
0x19e: {  	v21 =	vadd.f32 v21, v32;
	v20 =	vadd.f32 v23, v20;
	v23 =	vand.u32 $0x7FFF7FFF, v48  }
0x19f: {  	[tilespmem:v0+s13+$0x0] =	vst.idx.msk $0xffff, v18;
	v24 =	vadd.f32 v25, v24;
	v25 =	vunpack.i.l.bf16.f32 v49;
	v50 =	vunpack.i.u.bf16.f32 v23  }
0x1a0: {  	[tilespmem:v1+s13+$0x0] =	vst.idx.msk $0xffff, v19;
	v23 =	vunpack.i.l.bf16.f32 v23;
	v16 =	vand.u32 $0x7FFF7FFF, v16;
	v25 =	vadd.f32 v25, v26  }
0x1a1: {  	[tilespmem:v2+s13+$0x0] =	vst.idx.msk $0xffff, v22;
	v18 =	vadd.f32 v23, v50;
	v19 =	vunpack.i.u.bf16.f32 v16;
	v16 =	vunpack.i.l.bf16.f32 v16  }
0x1a2: {  	v21 =	vadd.f32 v21, v27;
	[tilespmem:v3+s13+$0x0] =	vst.idx.msk $0xffff, v20;
	v16 =	vadd.f32 v16, v19  }
0x1a3: {  	[tilespmem:v4+s13+$0x0] =	vst.idx.msk $0xffff, v24;
	v18 =	vadd.f32 v18, v25  }
0x1a4: {  	[tilespmem:v5+s13+$0x0] =	vst.idx.msk $0xffff, v21;
	v16 =	vadd.f32 v16, v17  }
0x1a5: {  	[tilespmem:v6+s13+$0x0] =	vst.idx.msk $0xffff, v18  }
0x1a6: {  	[tilespmem:v7+s13+$0x0] =	vst.idx.msk $0xffff, v16  }
0x1a7: {  	v16 =	vld [tilespmem:$0x8B60]  }
0x1a8: {  	v17 =	vld [tilespmem:$0x8B70]  }
0x1a9: {  	v18 =	vld [tilespmem:$0x8B80]  }
0x1aa: {  	v19 =	vld [tilespmem:$0x8B90]  }
0x1ab: {  	v20 =	vld [tilespmem:$0x8BA0]  }
0x1ac: {  	v21 =	vld [tilespmem:$0x8BB0]  }
0x1ad: {  	v22 =	vld [tilespmem:$0x8BC0]  }
0x1ae: {  	v52 =	vld [tilespmem:$0x8BD0]  }
0x1af: {  	v24 =	vld [tilespmem:$0x8BE0]  }
0x1b0: {  	v53 =	vld [tilespmem:$0x8BF0]  }
0x1b1: {  	v54 =	vld [tilespmem:$0x8C00]  }
0x1b2: {  	v55 =	vld [tilespmem:$0x8C10]  }
0x1b3: {  	v56 =	vld [tilespmem:$0x8C20]  }
0x1b4: {  	v57 =	vld [tilespmem:$0x8C30]  }
0x1b5: {  	v58 =	vld [tilespmem:$0x8C40]  }
0x1b6: {  	v59 =	vld [tilespmem:$0x8C50];
	_ =	sdelay $0x1  }
0x1b7: {  	v16 =	vadd.f32 v17, v16;
	v17 =	vadd.f32 v19, v18  }
0x1b8: {  	v18 =	vadd.f32 v21, v20;
	v19 =	vadd.f32 v52, v22  }
0x1b9: {  	v60 =	vadd.f32 v53, v24;
	v61 =	vadd.f32 v55, v54  }
0x1ba: {  	v62 =	vadd.f32 v57, v56;
	v63 =	vadd.f32 v59, v58  }
0x1bb: {  	v16 =	vadd.f32 v17, v16;
	v17 =	vadd.f32 v19, v18  }
0x1bc: {  	v18 =	vadd.f32 v61, v60;
	v19 =	vadd.f32 v63, v62;
	_ =	sdelay $0x1  }
0x1bd: {  	v16 =	vadd.f32 v17, v16;
	v17 =	vadd.f32 v19, v18  }
0x1be: {  	s3 =	sadd.s32 s7, s10  }
0x1bf: {  	s3 =	smul.u32 $0x19, s3;
	v16 =	vadd.f32 v17, v16  }
0x1c0: {  	s6 =	simm.s32 $0x89A8  }
0x1c1: {  	s15 =	simm.s32 $0x8820;
	s3 =	sadd.s32 s2, s3;
	[tilespmem:s6+$0x0] =	vst.msk $0xff, v16  }
0x1c2: {  	[hbm4b:s3+s4] =	stream.linear.scatter [tilespmem:s15], [sflag:$0x6], $0x190, $0x38;
	[tilespmem:$0x8C60] =	vst v63  }
0x1c3: {  	_ =	swait.ge [sflag:s20], $0x190  }
0x1c4: {  	[sflag:s20] =	ssyncset.done $0x0  }
0x1c5: {  	[sflag:s20] =	ssyncadd.s32 $0xFFFFFE70  }
0x1c6: {  	[tilespmem:s22], [sflag:$0x2] =	stream.indirect.gather [hbm4b:s5+s21], $0x20, s18, s21, $0xb8;
	[tilespmem:$0x8C60] =	vst v63  }
0x1c7: {  	_ = 	snop  }
0x1c8: {  	[tilespmem:s24], [sflag:$0x2] =	stream.indirect.gather [hbm4b:s5+s21], $0x20, s23, s21, $0xb8;
	[tilespmem:$0x8C60] =	vst v63  }
0x1c9: {  	_ = 	snop  }
0x1ca: {  	[tilespmem:s26], [sflag:$0x2] =	stream.indirect.gather [hbm4b:s5+s21], $0x20, s25, s21, $0xb8;
	[tilespmem:$0x8C60] =	vst v63  }
0x1cb: {  	_ = 	snop  }
0x1cc: {  	[tilespmem:s29], [sflag:$0x2] =	stream.indirect.gather [hbm4b:s5+s21], $0x20, s28, s21, $0xb8;
	[tilespmem:$0x8C60] =	vst v63  }
0x1cd: {  	_ = 	snop  }
0x1ce: {  	[tilespmem:s31], [sflag:$0x2] =	stream.indirect.gather [hbm4b:s5+s21], $0x20, s30, s21, $0xb8;
	[tilespmem:$0x8C60] =	vst v63  }
0x1cf: {  	_ =	swait.ge [sflag:s17], $0xA00  }
0x1d0: {  	[sflag:s17] =	ssyncset.done $0x0  }
0x1d1: {  	[sflag:s17] =	ssyncadd.s32 $0xFFFFF600  }
0x1d2: {  	_ =	swait.ge [sflag:s17], $0xA00  }
0x1d3: {  	[sflag:s17] =	ssyncset.done $0x0  }
0x1d4: {  	[sflag:s17] =	ssyncadd.s32 $0xFFFFF600  }
0x1d5: {  	_ =	swait.ge [sflag:s17], $0xA00  }
0x1d6: {  	[sflag:s17] =	ssyncset.done $0x0  }
0x1d7: {  	[sflag:s17] =	ssyncadd.s32 $0xFFFFF600  }
0x1d8: {  	_ =	swait.ge [sflag:s17], $0xA00  }
0x1d9: {  	s16 =	simm.s32 @p1 $0x0;
	[sflag:s17] =	ssyncset.done $0x0  }
0x1da: {  	s6 =	sadd.s32 s7, s16;
	[sflag:s17] =	ssyncadd.s32 $0xFFFFF600  }
0x1db: {  	s3 =	smul.u32 $0x19, s6;
	_ =	swait.ge [sflag:s17], $0xA00  }
0x1dc: {  	[sflag:s17] =	ssyncset.done $0x0  }
0x1dd: {  	s3 =	sadd.s32 s1, s3;
	[sflag:s17] =	ssyncadd.s32 $0xFFFFF600  }
0x1de: {  	[tilespmem:s19], [sflag:$0x5] =	stream.linear.gather [hbm4b:s3+s4], $0x190, $0x38;
	[tilespmem:$0x8C60] =	vst v63  }
0x1df: {  	s3 =	simm.s32 @!p0 $0x7  }
0x1e0: {  	s10 =	sor.u32 $0x2, s10;
	_ =	swait.ge @!p0 [sflag:s3], $0x190  }
0x1e1: {  	s15 =	sshll.u32 s10, $0x5;
	[sflag:s3] =	ssyncset.done @!p0 $0x0  }
0x1e2: {  	s16 =	sand.u32 $0x3FFFFFE0, s15;
	[sflag:s3] =	ssyncadd.s32 @!p0 $0xFFFFFE70  }
0x1e3: {  	v17 =	vld [tilespmem:s16+$0x100]  }
0x1e4: {  	s15 =	simm.s32 $0x5720;
	s3 =	simm.s32 $0x0;
	v16 =	vld [tilespmem:s16+$0x110]  }
.LBB2_9:
0x1e5: {  	v18 =	vld [tilespmem:s15+$0xFFFFFF00]  }
0x1e6: {  	v19 =	vld [tilespmem:s15+$0xFFFFFF10]  }
0x1e7: {  	v20 =	vld [tilespmem:s15+$0xFFFFFF20]  }
0x1e8: {  	v21 =	vld [tilespmem:s15+$0xFFFFFF30]  }
0x1e9: {  	v22 =	vld [tilespmem:s15+$0xFFFFFF40]  }
0x1ea: {  	v24 =	vld [tilespmem:s15+$0xFFFFFF50]  }
0x1eb: {  	v26 =	vld [tilespmem:s15+$0xFFFFFF70]  }
0x1ec: {  	v28 =	vld [tilespmem:s15+$0xFFFFFFB0]  }
0x1ed: {  	v50 =	vld [tilespmem:s15+$0xFFFFFFD0]  }
0x1ee: {  	v61 =	vld [tilespmem:s15+$0x10]  }
0x1ef: {  	v33 =	vld [tilespmem:s15+$0x30];
	v18 =	vsub.bf16 v17, v18;
	v19 =	vsub.bf16 v16, v19  }
0x1f0: {  	v20 =	vsub.bf16 v17, v20;
	v21 =	vsub.bf16 v16, v21  }
0x1f1: {  	v49 =	vld [tilespmem:s15+$0xFFFFFFC0];
	v22 =	vsub.bf16 v17, v22;
	v24 =	vsub.bf16 v16, v24  }
0x1f2: {  	v59 =	vld [tilespmem:s15+$0x0];
	v26 =	vsub.bf16 v16, v26;
	v28 =	vsub.bf16 v16, v28  }
0x1f3: {  	v56 =	vsub.bf16 v16, v50;
	v38 =	vsub.bf16 v16, v61  }
0x1f4: {  	v33 =	vsub.bf16 v16, v33;
	v18 =	vand.u32 $0x7FFF7FFF, v18;
	v19 =	vand.u32 $0x7FFF7FFF, v19  }
0x1f5: {  	v20 =	vand.u32 $0x7FFF7FFF, v20;
	v21 =	vand.u32 $0x7FFF7FFF, v21;
	v43 =	vand.u32 $0x7FFF7FFF, v22  }
0x1f6: {  	v44 =	vand.u32 $0x7FFF7FFF, v24;
	v47 =	vand.u32 $0x7FFF7FFF, v26;
	v54 =	vand.u32 $0x7FFF7FFF, v28  }
0x1f7: {  	v39 =	vld [tilespmem:s15+$0xFFFFFF60];
	v26 =	vsub.bf16 v17, v49;
	v58 =	vand.u32 $0x7FFF7FFF, v56;
	v28 =	vsub.bf16 v17, v59  }
0x1f8: {  	v41 =	vld [tilespmem:s15+$0xFFFFFF80];
	v23 =	vunpack.i.u.bf16.f32 v18;
	v18 =	vunpack.i.l.bf16.f32 v18;
	v25 =	vunpack.i.u.bf16.f32 v19  }
0x1f9: {  	v42 =	vld [tilespmem:s15+$0xFFFFFF90];
	v19 =	vunpack.i.l.bf16.f32 v19;
	v40 =	vunpack.i.u.bf16.f32 v20;
	v20 =	vunpack.i.l.bf16.f32 v20  }
0x1fa: {  	v63 =	vld [tilespmem:s15+$0x20];
	v27 =	vunpack.i.u.bf16.f32 v21;
	v21 =	vunpack.i.l.bf16.f32 v21;
	v22 =	vunpack.i.u.bf16.f32 v43  }
0x1fb: {  	v24 =	vunpack.i.u.bf16.f32 v44;
	v29 =	vunpack.i.u.bf16.f32 v47;
	v18 =	vadd.f32 v18, v23  }
0x1fc: {  	v57 =	vunpack.i.u.bf16.f32 v54;
	v19 =	vadd.f32 v19, v25;
	v20 =	vadd.f32 v20, v40  }
0x1fd: {  	v32 =	vunpack.i.u.bf16.f32 v58;
	v21 =	vadd.f32 v21, v27;
	v23 =	vsub.bf16 v17, v39  }
0x1fe: {  	v46 =	vld [tilespmem:s15+$0xFFFFFFA0];
	v25 =	vsub.bf16 v17, v41;
	v27 =	vsub.bf16 v16, v42;
	v26 =	vand.u32 $0x7FFF7FFF, v26  }
0x1ff: {  	v40 =	vand.u32 $0x7FFF7FFF, v28;
	v41 =	vsub.bf16 v17, v63;
	v60 =	vunpack.i.u.bf16.f32 v26  }
0x200: {  	v26 =	vunpack.i.l.bf16.f32 v26;
	v28 =	vunpack.i.u.bf16.f32 v40;
	v19 =	vadd.f32 v19, v18  }
0x201: {  	v18 =	vadd.f32 v21, v20;
	v20 =	vunpack.i.l.bf16.f32 v43;
	v21 =	vunpack.i.l.bf16.f32 v44  }
0x202: {  	v45 =	vand.u32 $0x7FFF7FFF, v23;
	v25 =	vand.u32 $0x7FFF7FFF, v25;
	v27 =	vand.u32 $0x7FFF7FFF, v27  }
0x203: {  	v51 =	vld [tilespmem:s15+$0xFFFFFFE0];
	v23 =	vsub.bf16 v17, v46;
	v26 =	vadd.f32 v26, v60;
	v43 =	vand.u32 $0x7FFF7FFF, v41  }
0x204: {  	v53 =	vld [tilespmem:s15+$0xFFFFFFF0];
	v20 =	vadd.f32 v20, v22;
	v21 =	vadd.f32 v21, v24;
	v48 =	vunpack.i.u.bf16.f32 v45  }
0x205: {  	v39 =	vld [tilespmem:s15+$0x50];
	v22 =	vunpack.i.l.bf16.f32 v45;
	v24 =	vunpack.i.l.bf16.f32 v47;
	v30 =	vunpack.i.u.bf16.f32 v25  }
0x206: {  	v25 =	vunpack.i.l.bf16.f32 v25;
	v31 =	vunpack.i.u.bf16.f32 v27;
	v27 =	vunpack.i.l.bf16.f32 v27  }
0x207: {  	v45 =	vand.u32 $0x7FFF7FFF, v33;
	v22 =	vadd.f32 v22, v48;
	v24 =	vadd.f32 v24, v29  }
0x208: {  	v46 =	vunpack.i.u.bf16.f32 v43;
	v25 =	vadd.f32 v25, v30;
	v27 =	vadd.f32 v27, v31  }
0x209: {  	v52 =	vand.u32 $0x7FFF7FFF, v23;
	v30 =	vsub.bf16 v17, v51;
	v23 =	vsub.bf16 v16, v53  }
0x20a: {  	v35 =	vunpack.i.u.bf16.f32 v45;
	v20 =	vadd.f32 v21, v20;
	v31 =	vsub.bf16 v16, v39  }
0x20b: {  	v37 =	vld [tilespmem:s15+$0x40];
	v55 =	vunpack.i.u.bf16.f32 v52;
	v21 =	vadd.f32 v24, v22;
	v24 =	vadd.f32 v27, v25  }
0x20c: {  	v49 =	vld [tilespmem:s15+$0x90];
	v22 =	vunpack.i.l.bf16.f32 v52;
	v25 =	vunpack.i.l.bf16.f32 v54;
	v27 =	vunpack.i.l.bf16.f32 v58  }
0x20d: {  	v47 =	vld [tilespmem:s15+$0x70];
	v62 =	vand.u32 $0x7FFF7FFF, v30;
	v23 =	vand.u32 $0x7FFF7FFF, v23;
	v22 =	vadd.f32 v22, v55  }
0x20e: {  	v30 =	vunpack.i.l.bf16.f32 v45;
	v25 =	vadd.f32 v25, v57;
	v27 =	vadd.f32 v27, v32  }
0x20f: {  	v60 =	vld [tilespmem:s15+$0xE0];
	v36 =	vunpack.i.u.bf16.f32 v62;
	v29 =	vunpack.i.l.bf16.f32 v62;
	v34 =	vunpack.i.u.bf16.f32 v23  }
0x210: {  	v48 =	vld [tilespmem:s15+$0x80];
	v23 =	vunpack.i.l.bf16.f32 v23;
	v32 =	vsub.bf16 v17, v37;
	v30 =	vadd.f32 v30, v35  }
0x211: {  	v31 =	vand.u32 $0x7FFF7FFF, v31;
	v57 =	vsub.bf16 v16, v49;
	v29 =	vadd.f32 v29, v36  }
0x212: {  	v23 =	vadd.f32 v23, v34;
	v37 =	vunpack.i.u.bf16.f32 v31;
	v34 =	vsub.bf16 v16, v47  }
0x213: {  	v44 =	vld [tilespmem:s15+$0x60];
	v31 =	vunpack.i.l.bf16.f32 v31;
	v22 =	vadd.f32 v25, v22;
	v26 =	vadd.f32 v27, v26  }
0x214: {  	v25 =	vand.u32 $0x7FFF7FFF, v38;
	v27 =	vunpack.i.l.bf16.f32 v40;
	v31 =	vadd.f32 v31, v37  }
0x215: {  	v32 =	vand.u32 $0x7FFF7FFF, v32;
	v33 =	vsub.bf16 v17, v48;
	v37 =	vsub.bf16 v17, v60  }
0x216: {  	v50 =	vld [tilespmem:s15+$0xA0];
	v23 =	vadd.f32 v23, v29;
	v42 =	vunpack.i.u.bf16.f32 v25;
	v25 =	vunpack.i.l.bf16.f32 v25  }
0x217: {  	v61 =	vld [tilespmem:s15+$0xD0];
	v27 =	vadd.f32 v27, v28;
	v28 =	vunpack.i.l.bf16.f32 v43;
	v36 =	vunpack.i.u.bf16.f32 v32  }
0x218: {  	v53 =	vld [tilespmem:s15+$0xB0];
	v32 =	vunpack.i.l.bf16.f32 v32;
	v29 =	vsub.bf16 v17, v44;
	v55 =	vand.u32 $0x7FFF7FFF, v34  }
0x219: {  	v39 =	vld [tilespmem:s15+$0xF0];
	v34 =	vand.u32 $0x7FFF7FFF, v57;
	v25 =	vadd.f32 v25, v42;
	v28 =	vadd.f32 v28, v46  }
0x21a: {  	v58 =	vld [tilespmem:s15+$0xC0];
	[tilespmem:v0+s13+$0x0] =	vst.idx.msk $0xffff, v19;
	v32 =	vadd.f32 v32, v36;
	v59 =	vunpack.i.u.bf16.f32 v55;
	v33 =	vand.u32 $0x7FFF7FFF, v33  }
0x21b: {  	[tilespmem:v1+s13+$0x0] =	vst.idx.msk $0xffff, v18;
	v36 =	vsub.bf16 v17, v50;
	v40 =	vunpack.i.u.bf16.f32 v34;
	v34 =	vunpack.i.l.bf16.f32 v34  }
0x21c: {  	[tilespmem:v2+s13+$0x0] =	vst.idx.msk $0xffff, v20;
	v41 =	vand.u32 $0x7FFF7FFF, v37;
	v52 =	vand.u32 $0x7FFF7FFF, v29;
	v38 =	vunpack.i.u.bf16.f32 v33  }
0x21d: {  	[tilespmem:v3+s13+$0x0] =	vst.idx.msk $0xffff, v21;
	v33 =	vunpack.i.l.bf16.f32 v33;
	v29 =	vsub.bf16 v16, v53;
	v34 =	vadd.f32 v34, v40  }
0x21e: {  	[tilespmem:v4+s13+$0x0] =	vst.idx.msk $0xffff, v24;
	v40 =	vsub.bf16 v16, v39;
	v43 =	vunpack.i.u.bf16.f32 v41;
	v25 =	vadd.f32 v25, v27  }
0x21f: {  	[tilespmem:v5+s13+$0x0] =	vst.idx.msk $0xffff, v22;
	v22 =	vunpack.i.l.bf16.f32 v41;
	v51 =	vadd.f32 v30, v28;
	v54 =	vadd.f32 v31, v32  }
0x220: {  	v56 =	vunpack.i.u.bf16.f32 v52;
	v28 =	vunpack.i.l.bf16.f32 v52;
	v31 =	vunpack.i.l.bf16.f32 v55  }
0x221: {  	v33 =	vadd.f32 v33, v38;
	v36 =	vand.u32 $0x7FFF7FFF, v36;
	v22 =	vadd.f32 v22, v43  }
0x222: {  	v28 =	vadd.f32 v28, v56;
	v31 =	vadd.f32 v31, v59;
	v19 =	vand.u32 $0x7FFF7FFF, v29  }
0x223: {  	v62 =	vunpack.i.u.bf16.f32 v36;
	v18 =	vunpack.i.u.bf16.f32 v19;
	v19 =	vunpack.i.l.bf16.f32 v19  }
0x224: {  	v36 =	vunpack.i.l.bf16.f32 v36;
	v18 =	vadd.f32 v19, v18;
	v19 =	vsub.bf16 v17, v58  }
0x225: {  	[tilespmem:v6+s13+$0x0] =	vst.idx.msk $0xffff, v26;
	v42 =	vand.u32 $0x7FFF7FFF, v40;
	v63 =	vadd.f32 v31, v28;
	v31 =	vsub.bf16 v16, v61  }
0x226: {  	[tilespmem:v7+s13+$0x0] =	vst.idx.msk $0xffff, v23;
	v29 =	vadd.f32 v36, v62;
	v35 =	vadd.f32 v34, v33;
	v19 =	vand.u32 $0x7FFF7FFF, v19  }
0x227: {  	[tilespmem:v8+s13+$0x0] =	vst.idx.msk $0xffff, v25;
	v44 =	vunpack.i.u.bf16.f32 v42;
	v21 =	vand.u32 $0x7FFF7FFF, v31;
	v36 =	vunpack.i.u.bf16.f32 v19  }
0x228: {  	[tilespmem:v9+s13+$0x0] =	vst.idx.msk $0xffff, v51;
	v19 =	vunpack.i.l.bf16.f32 v19;
	v38 =	vunpack.i.u.bf16.f32 v21;
	v21 =	vunpack.i.l.bf16.f32 v21  }
0x229: {  	v23 =	vunpack.i.l.bf16.f32 v42;
	[tilespmem:v10+s13+$0x0] =	vst.idx.msk $0xffff, v54;
	v19 =	vadd.f32 v19, v36;
	v21 =	vadd.f32 v21, v38  }
0x22a: {  	v23 =	vadd.f32 v23, v44;
	v18 =	vadd.f32 v18, v29;
	[tilespmem:v11+s13+$0x0] =	vst.idx.msk $0xffff, v63  }
0x22b: {  	[tilespmem:v12+s13+$0x0] =	vst.idx.msk $0xffff, v35;
	v19 =	vadd.f32 v21, v19  }
0x22c: {  	v45 =	vadd.f32 v23, v22;
	[tilespmem:v13+s13+$0x0] =	vst.idx.msk $0xffff, v18  }
0x22d: {  	[tilespmem:v14+s13+$0x0] =	vst.idx.msk $0xffff, v19  }
0x22e: {  	[tilespmem:v15+s13+$0x0] =	vst.idx.msk $0xffff, v45  }
0x22f: {  	v18 =	vld [tilespmem:$0x8B60]  }
0x230: {  	v19 =	vld [tilespmem:$0x8B70]  }
0x231: {  	v20 =	vld [tilespmem:$0x8B80]  }
0x232: {  	v46 =	vld [tilespmem:$0x8B90]  }
0x233: {  	v47 =	vld [tilespmem:$0x8BA0]  }
0x234: {  	v48 =	vld [tilespmem:$0x8BB0]  }
0x235: {  	v24 =	vld [tilespmem:$0x8BC0]  }
0x236: {  	v49 =	vld [tilespmem:$0x8BD0]  }
0x237: {  	v50 =	vld [tilespmem:$0x8BE0]  }
0x238: {  	v27 =	vld [tilespmem:$0x8BF0]  }
0x239: {  	v51 =	vld [tilespmem:$0x8C00]  }
0x23a: {  	v52 =	vld [tilespmem:$0x8C10]  }
0x23b: {  	v30 =	vld [tilespmem:$0x8C20]  }
0x23c: {  	v53 =	vld [tilespmem:$0x8C30]  }
0x23d: {  	v54 =	vld [tilespmem:$0x8C40]  }
0x23e: {  	v55 =	vld [tilespmem:$0x8C50];
	_ =	sdelay $0x1  }
0x23f: {  	v18 =	vadd.f32 v19, v18;
	v19 =	vadd.f32 v46, v20  }
0x240: {  	v56 =	vadd.f32 v48, v47;
	v57 =	vadd.f32 v49, v24  }
0x241: {  	v58 =	vadd.f32 v27, v50;
	v59 =	vadd.f32 v52, v51  }
0x242: {  	v60 =	vadd.f32 v53, v30;
	v61 =	vadd.f32 v55, v54  }
0x243: {  	v18 =	vadd.f32 v19, v18;
	v19 =	vadd.f32 v57, v56  }
0x244: {  	v62 =	vadd.f32 v59, v58;
	v63 =	vadd.f32 v61, v60  }
0x245: {  	p0 =	sne.s32 s3, $0x2C0  }
.Ltmp3:
0x246: {  	v18 =	vadd.f32 v19, v18;
	v19 =	vadd.f32 v63, v62;
	(pc) =	sbr.rel @p0 .LBB2_9-.Ltmp3, $4  }
0x247: {  	_ = 	snop  }
0x248: {  	v18 =	vadd.f32 v19, v18  }
0x249: {  	s6 =	sshra.s32 s3, $0x2  }
0x24a: {  	s3 =	sadd.s32 $0x40, s3;
	s15 =	sadd.s32 $0x200, s15;
	[tilespmem:s6+$0x89C0] =	vst v18  }
0x24b: {  	v18 =	vld [tilespmem:$0x6E20]  }
0x24c: {  	v19 =	vld [tilespmem:$0x6E30]  }
0x24d: {  	v20 =	vld [tilespmem:$0x6E40]  }
0x24e: {  	v21 =	vld [tilespmem:$0x6E50]  }
0x24f: {  	v22 =	vld [tilespmem:$0x6E60]  }
0x250: {  	v23 =	vld [tilespmem:$0x6E70]  }
0x251: {  	v26 =	vld [tilespmem:$0x6E90]  }
0x252: {  	v33 =	vld [tilespmem:$0x6EB0]  }
0x253: {  	v44 =	vld [tilespmem:$0x6EF0]  }
0x254: {  	v18 =	vsub.bf16 v17, v18  }
0x255: {  	v19 =	vsub.bf16 v16, v19;
	v20 =	vsub.bf16 v17, v20  }
0x256: {  	v42 =	vld [tilespmem:$0x6EE0];
	v21 =	vsub.bf16 v16, v21;
	v22 =	vsub.bf16 v17, v22  }
0x257: {  	v23 =	vsub.bf16 v16, v23;
	v26 =	vsub.bf16 v16, v26  }
0x258: {  	v38 =	vsub.bf16 v16, v33;
	v48 =	vsub.bf16 v16, v44  }
0x259: {  	v18 =	vand.u32 $0x7FFF7FFF, v18;
	v19 =	vand.u32 $0x7FFF7FFF, v19;
	v20 =	vand.u32 $0x7FFF7FFF, v20  }
0x25a: {  	v21 =	vand.u32 $0x7FFF7FFF, v21;
	v22 =	vand.u32 $0x7FFF7FFF, v22;
	v23 =	vand.u32 $0x7FFF7FFF, v23  }
0x25b: {  	v37 =	vand.u32 $0x7FFF7FFF, v26;
	v41 =	vand.u32 $0x7FFF7FFF, v38;
	v26 =	vsub.bf16 v17, v42  }
0x25c: {  	v63 =	vld [tilespmem:$0x6E80];
	v24 =	vunpack.i.u.bf16.f32 v18;
	v18 =	vunpack.i.l.bf16.f32 v18;
	v25 =	vunpack.i.u.bf16.f32 v19  }
0x25d: {  	v32 =	vld [tilespmem:$0x6EA0];
	v19 =	vunpack.i.l.bf16.f32 v19;
	v31 =	vunpack.i.u.bf16.f32 v20;
	v20 =	vunpack.i.l.bf16.f32 v20  }
0x25e: {  	v34 =	vld [tilespmem:$0x6EC0];
	v27 =	vunpack.i.u.bf16.f32 v21;
	v21 =	vunpack.i.l.bf16.f32 v21;
	v28 =	vunpack.i.u.bf16.f32 v22  }
0x25f: {  	v46 =	vld [tilespmem:$0x6F00];
	v22 =	vunpack.i.l.bf16.f32 v22;
	v29 =	vunpack.i.u.bf16.f32 v23;
	v18 =	vadd.f32 v18, v24  }
0x260: {  	v23 =	vunpack.i.l.bf16.f32 v23;
	v19 =	vadd.f32 v19, v25;
	v20 =	vadd.f32 v20, v31  }
0x261: {  	v39 =	vunpack.i.u.bf16.f32 v37;
	v21 =	vadd.f32 v21, v27;
	v22 =	vadd.f32 v22, v28  }
0x262: {  	v36 =	vld [tilespmem:$0x6ED0];
	v30 =	vunpack.i.u.bf16.f32 v41;
	v24 =	vsub.bf16 v17, v63;
	v23 =	vadd.f32 v23, v29  }
0x263: {  	v25 =	vsub.bf16 v17, v32;
	v28 =	vsub.bf16 v17, v34;
	v49 =	vand.u32 $0x7FFF7FFF, v26  }
0x264: {  	v17 =	vsub.bf16 v17, v46;
	v26 =	vunpack.i.u.bf16.f32 v49;
	v18 =	vadd.f32 v19, v18  }
0x265: {  	v19 =	vadd.f32 v21, v20;
	v35 =	vand.u32 $0x7FFF7FFF, v24;
	v22 =	vadd.f32 v23, v22  }
0x266: {  	v23 =	vunpack.i.l.bf16.f32 v37;
	v40 =	vand.u32 $0x7FFF7FFF, v25;
	v25 =	vunpack.i.l.bf16.f32 v41  }
0x267: {  	v21 =	vsub.bf16 v16, v36;
	v45 =	vand.u32 $0x7FFF7FFF, v28;
	v17 =	vand.u32 $0x7FFF7FFF, v17  }
0x268: {  	v31 =	vld [tilespmem:$0x6F10];
	v24 =	vunpack.i.u.bf16.f32 v35;
	v20 =	vunpack.i.l.bf16.f32 v35;
	v23 =	vadd.f32 v23, v39  }
0x269: {  	v43 =	vunpack.i.u.bf16.f32 v40;
	v25 =	vadd.f32 v25, v30;
	v47 =	vunpack.i.u.bf16.f32 v45  }
0x26a: {  	v27 =	vunpack.i.l.bf16.f32 v45;
	v51 =	vunpack.i.u.bf16.f32 v17;
	v17 =	vunpack.i.l.bf16.f32 v17  }
0x26b: {  	v20 =	vadd.f32 v20, v24;
	v24 =	vunpack.i.l.bf16.f32 v40;
	v27 =	vadd.f32 v27, v47  }
0x26c: {  	v21 =	vand.u32 $0x7FFF7FFF, v21;
	v17 =	vadd.f32 v17, v51;
	v24 =	vadd.f32 v24, v43  }
0x26d: {  	v32 =	vunpack.i.u.bf16.f32 v21;
	v21 =	vunpack.i.l.bf16.f32 v21;
	v16 =	vsub.bf16 v16, v31  }
0x26e: {  	v21 =	vadd.f32 v21, v32;
	v20 =	vadd.f32 v23, v20;
	v23 =	vand.u32 $0x7FFF7FFF, v48  }
0x26f: {  	[tilespmem:v0+s13+$0x0] =	vst.idx.msk $0xffff, v18;
	v24 =	vadd.f32 v25, v24;
	v25 =	vunpack.i.l.bf16.f32 v49;
	v50 =	vunpack.i.u.bf16.f32 v23  }
0x270: {  	[tilespmem:v1+s13+$0x0] =	vst.idx.msk $0xffff, v19;
	v23 =	vunpack.i.l.bf16.f32 v23;
	v16 =	vand.u32 $0x7FFF7FFF, v16;
	v25 =	vadd.f32 v25, v26  }
0x271: {  	[tilespmem:v2+s13+$0x0] =	vst.idx.msk $0xffff, v22;
	v18 =	vadd.f32 v23, v50;
	v19 =	vunpack.i.u.bf16.f32 v16;
	v16 =	vunpack.i.l.bf16.f32 v16  }
0x272: {  	v21 =	vadd.f32 v21, v27;
	[tilespmem:v3+s13+$0x0] =	vst.idx.msk $0xffff, v20;
	v16 =	vadd.f32 v16, v19  }
0x273: {  	[tilespmem:v4+s13+$0x0] =	vst.idx.msk $0xffff, v24;
	v18 =	vadd.f32 v18, v25  }
0x274: {  	[tilespmem:v5+s13+$0x0] =	vst.idx.msk $0xffff, v21;
	v16 =	vadd.f32 v16, v17  }
0x275: {  	[tilespmem:v6+s13+$0x0] =	vst.idx.msk $0xffff, v18  }
0x276: {  	[tilespmem:v7+s13+$0x0] =	vst.idx.msk $0xffff, v16  }
0x277: {  	v16 =	vld [tilespmem:$0x8B60]  }
0x278: {  	v17 =	vld [tilespmem:$0x8B70]  }
0x279: {  	v18 =	vld [tilespmem:$0x8B80]  }
0x27a: {  	v19 =	vld [tilespmem:$0x8B90]  }
0x27b: {  	v20 =	vld [tilespmem:$0x8BA0]  }
0x27c: {  	v21 =	vld [tilespmem:$0x8BB0]  }
0x27d: {  	v22 =	vld [tilespmem:$0x8BC0]  }
0x27e: {  	v52 =	vld [tilespmem:$0x8BD0]  }
0x27f: {  	v24 =	vld [tilespmem:$0x8BE0]  }
0x280: {  	v53 =	vld [tilespmem:$0x8BF0]  }
0x281: {  	v54 =	vld [tilespmem:$0x8C00]  }
0x282: {  	v55 =	vld [tilespmem:$0x8C10]  }
0x283: {  	v56 =	vld [tilespmem:$0x8C20]  }
0x284: {  	v57 =	vld [tilespmem:$0x8C30]  }
0x285: {  	v58 =	vld [tilespmem:$0x8C40]  }
0x286: {  	v59 =	vld [tilespmem:$0x8C50];
	_ =	sdelay $0x1  }
0x287: {  	v16 =	vadd.f32 v17, v16;
	v17 =	vadd.f32 v19, v18  }
0x288: {  	v18 =	vadd.f32 v21, v20;
	v19 =	vadd.f32 v52, v22  }
0x289: {  	v60 =	vadd.f32 v53, v24;
	v61 =	vadd.f32 v55, v54  }
0x28a: {  	v62 =	vadd.f32 v57, v56;
	v63 =	vadd.f32 v59, v58  }
0x28b: {  	v16 =	vadd.f32 v17, v16;
	v17 =	vadd.f32 v19, v18  }
0x28c: {  	v18 =	vadd.f32 v61, v60;
	v19 =	vadd.f32 v63, v62;
	_ =	sdelay $0x1  }
0x28d: {  	v16 =	vadd.f32 v17, v16;
	v17 =	vadd.f32 v19, v18;
	_ =	sdelay $0x1  }
0x28e: {  	v16 =	vadd.f32 v17, v16  }
0x28f: {  	s3 =	simm.s32 $0x8A80  }
0x290: {  	[tilespmem:s3+$0x0] =	vst.msk $0xff, v16  }
0x291: {  	v17 =	vld [tilespmem:s12+$0x160]  }
0x292: {  	s3 =	simm.s32 $0x0;
	v16 =	vld [tilespmem:s12+$0x170];
	s12 =	simm.s32 $0x7110  }
.LBB2_11:
0x293: {  	v18 =	vld [tilespmem:s12+$0xFFFFFE10]  }
0x294: {  	v19 =	vld [tilespmem:s12+$0xFFFFFE20]  }
0x295: {  	v20 =	vld [tilespmem:s12+$0xFFFFFE30]  }
0x296: {  	v21 =	vld [tilespmem:s12+$0xFFFFFE40]  }
0x297: {  	v22 =	vld [tilespmem:s12+$0xFFFFFE50]  }
0x298: {  	v24 =	vld [tilespmem:s12+$0xFFFFFE60]  }
0x299: {  	v26 =	vld [tilespmem:s12+$0xFFFFFE80]  }
0x29a: {  	v28 =	vld [tilespmem:s12+$0xFFFFFEC0]  }
0x29b: {  	v50 =	vld [tilespmem:s12+$0xFFFFFEE0]  }
0x29c: {  	v61 =	vld [tilespmem:s12+$0xFFFFFF20]  }
0x29d: {  	v33 =	vld [tilespmem:s12+$0xFFFFFF40];
	v18 =	vsub.bf16 v17, v18;
	v19 =	vsub.bf16 v16, v19  }
0x29e: {  	v20 =	vsub.bf16 v17, v20;
	v21 =	vsub.bf16 v16, v21  }
0x29f: {  	v49 =	vld [tilespmem:s12+$0xFFFFFED0];
	v22 =	vsub.bf16 v17, v22;
	v24 =	vsub.bf16 v16, v24  }
0x2a0: {  	v59 =	vld [tilespmem:s12+$0xFFFFFF10];
	v26 =	vsub.bf16 v16, v26;
	v28 =	vsub.bf16 v16, v28  }
0x2a1: {  	v56 =	vsub.bf16 v16, v50;
	v38 =	vsub.bf16 v16, v61  }
0x2a2: {  	v33 =	vsub.bf16 v16, v33;
	v18 =	vand.u32 $0x7FFF7FFF, v18;
	v19 =	vand.u32 $0x7FFF7FFF, v19  }
0x2a3: {  	v20 =	vand.u32 $0x7FFF7FFF, v20;
	v21 =	vand.u32 $0x7FFF7FFF, v21;
	v43 =	vand.u32 $0x7FFF7FFF, v22  }
0x2a4: {  	v44 =	vand.u32 $0x7FFF7FFF, v24;
	v47 =	vand.u32 $0x7FFF7FFF, v26;
	v54 =	vand.u32 $0x7FFF7FFF, v28  }
0x2a5: {  	v39 =	vld [tilespmem:s12+$0xFFFFFE70];
	v26 =	vsub.bf16 v17, v49;
	v58 =	vand.u32 $0x7FFF7FFF, v56;
	v28 =	vsub.bf16 v17, v59  }
0x2a6: {  	v41 =	vld [tilespmem:s12+$0xFFFFFE90];
	v23 =	vunpack.i.u.bf16.f32 v18;
	v18 =	vunpack.i.l.bf16.f32 v18;
	v25 =	vunpack.i.u.bf16.f32 v19  }
0x2a7: {  	v42 =	vld [tilespmem:s12+$0xFFFFFEA0];
	v19 =	vunpack.i.l.bf16.f32 v19;
	v40 =	vunpack.i.u.bf16.f32 v20;
	v20 =	vunpack.i.l.bf16.f32 v20  }
0x2a8: {  	v63 =	vld [tilespmem:s12+$0xFFFFFF30];
	v27 =	vunpack.i.u.bf16.f32 v21;
	v21 =	vunpack.i.l.bf16.f32 v21;
	v22 =	vunpack.i.u.bf16.f32 v43  }
0x2a9: {  	v24 =	vunpack.i.u.bf16.f32 v44;
	v29 =	vunpack.i.u.bf16.f32 v47;
	v18 =	vadd.f32 v18, v23  }
0x2aa: {  	v57 =	vunpack.i.u.bf16.f32 v54;
	v19 =	vadd.f32 v19, v25;
	v20 =	vadd.f32 v20, v40  }
0x2ab: {  	v32 =	vunpack.i.u.bf16.f32 v58;
	v21 =	vadd.f32 v21, v27;
	v23 =	vsub.bf16 v17, v39  }
0x2ac: {  	v46 =	vld [tilespmem:s12+$0xFFFFFEB0];
	v25 =	vsub.bf16 v17, v41;
	v27 =	vsub.bf16 v16, v42;
	v26 =	vand.u32 $0x7FFF7FFF, v26  }
0x2ad: {  	v40 =	vand.u32 $0x7FFF7FFF, v28;
	v41 =	vsub.bf16 v17, v63;
	v60 =	vunpack.i.u.bf16.f32 v26  }
0x2ae: {  	v26 =	vunpack.i.l.bf16.f32 v26;
	v28 =	vunpack.i.u.bf16.f32 v40;
	v19 =	vadd.f32 v19, v18  }
0x2af: {  	v18 =	vadd.f32 v21, v20;
	v20 =	vunpack.i.l.bf16.f32 v43;
	v21 =	vunpack.i.l.bf16.f32 v44  }
0x2b0: {  	v45 =	vand.u32 $0x7FFF7FFF, v23;
	v25 =	vand.u32 $0x7FFF7FFF, v25;
	v27 =	vand.u32 $0x7FFF7FFF, v27  }
0x2b1: {  	v51 =	vld [tilespmem:s12+$0xFFFFFEF0];
	v23 =	vsub.bf16 v17, v46;
	v26 =	vadd.f32 v26, v60;
	v43 =	vand.u32 $0x7FFF7FFF, v41  }
0x2b2: {  	v53 =	vld [tilespmem:s12+$0xFFFFFF00];
	v20 =	vadd.f32 v20, v22;
	v21 =	vadd.f32 v21, v24;
	v48 =	vunpack.i.u.bf16.f32 v45  }
0x2b3: {  	v39 =	vld [tilespmem:s12+$0xFFFFFF60];
	v22 =	vunpack.i.l.bf16.f32 v45;
	v24 =	vunpack.i.l.bf16.f32 v47;
	v30 =	vunpack.i.u.bf16.f32 v25  }
0x2b4: {  	v25 =	vunpack.i.l.bf16.f32 v25;
	v31 =	vunpack.i.u.bf16.f32 v27;
	v27 =	vunpack.i.l.bf16.f32 v27  }
0x2b5: {  	v45 =	vand.u32 $0x7FFF7FFF, v33;
	v22 =	vadd.f32 v22, v48;
	v24 =	vadd.f32 v24, v29  }
0x2b6: {  	v46 =	vunpack.i.u.bf16.f32 v43;
	v25 =	vadd.f32 v25, v30;
	v27 =	vadd.f32 v27, v31  }
0x2b7: {  	v52 =	vand.u32 $0x7FFF7FFF, v23;
	v30 =	vsub.bf16 v17, v51;
	v23 =	vsub.bf16 v16, v53  }
0x2b8: {  	v35 =	vunpack.i.u.bf16.f32 v45;
	v20 =	vadd.f32 v21, v20;
	v31 =	vsub.bf16 v16, v39  }
0x2b9: {  	v37 =	vld [tilespmem:s12+$0xFFFFFF50];
	v55 =	vunpack.i.u.bf16.f32 v52;
	v21 =	vadd.f32 v24, v22;
	v24 =	vadd.f32 v27, v25  }
0x2ba: {  	v49 =	vld [tilespmem:s12+$0xFFFFFFA0];
	v22 =	vunpack.i.l.bf16.f32 v52;
	v25 =	vunpack.i.l.bf16.f32 v54;
	v27 =	vunpack.i.l.bf16.f32 v58  }
0x2bb: {  	v47 =	vld [tilespmem:s12+$0xFFFFFF80];
	v62 =	vand.u32 $0x7FFF7FFF, v30;
	v23 =	vand.u32 $0x7FFF7FFF, v23;
	v22 =	vadd.f32 v22, v55  }
0x2bc: {  	v30 =	vunpack.i.l.bf16.f32 v45;
	v25 =	vadd.f32 v25, v57;
	v27 =	vadd.f32 v27, v32  }
0x2bd: {  	v60 =	vld [tilespmem:s12+$0xFFFFFFF0];
	v36 =	vunpack.i.u.bf16.f32 v62;
	v29 =	vunpack.i.l.bf16.f32 v62;
	v34 =	vunpack.i.u.bf16.f32 v23  }
0x2be: {  	v48 =	vld [tilespmem:s12+$0xFFFFFF90];
	v23 =	vunpack.i.l.bf16.f32 v23;
	v32 =	vsub.bf16 v17, v37;
	v30 =	vadd.f32 v30, v35  }
0x2bf: {  	v31 =	vand.u32 $0x7FFF7FFF, v31;
	v57 =	vsub.bf16 v16, v49;
	v29 =	vadd.f32 v29, v36  }
0x2c0: {  	v23 =	vadd.f32 v23, v34;
	v37 =	vunpack.i.u.bf16.f32 v31;
	v34 =	vsub.bf16 v16, v47  }
0x2c1: {  	v44 =	vld [tilespmem:s12+$0xFFFFFF70];
	v31 =	vunpack.i.l.bf16.f32 v31;
	v22 =	vadd.f32 v25, v22;
	v26 =	vadd.f32 v27, v26  }
0x2c2: {  	v25 =	vand.u32 $0x7FFF7FFF, v38;
	v27 =	vunpack.i.l.bf16.f32 v40;
	v31 =	vadd.f32 v31, v37  }
0x2c3: {  	v32 =	vand.u32 $0x7FFF7FFF, v32;
	v33 =	vsub.bf16 v17, v48;
	v37 =	vsub.bf16 v17, v60  }
0x2c4: {  	v50 =	vld [tilespmem:s12+$0xFFFFFFB0];
	v23 =	vadd.f32 v23, v29;
	v42 =	vunpack.i.u.bf16.f32 v25;
	v25 =	vunpack.i.l.bf16.f32 v25  }
0x2c5: {  	v61 =	vld [tilespmem:s12+$0xFFFFFFE0];
	v27 =	vadd.f32 v27, v28;
	v28 =	vunpack.i.l.bf16.f32 v43;
	v36 =	vunpack.i.u.bf16.f32 v32  }
0x2c6: {  	v53 =	vld [tilespmem:s12+$0xFFFFFFC0];
	v32 =	vunpack.i.l.bf16.f32 v32;
	v29 =	vsub.bf16 v17, v44;
	v55 =	vand.u32 $0x7FFF7FFF, v34  }
0x2c7: {  	v39 =	vld [tilespmem:s12+$0x0];
	v34 =	vand.u32 $0x7FFF7FFF, v57;
	v25 =	vadd.f32 v25, v42;
	v28 =	vadd.f32 v28, v46  }
0x2c8: {  	v58 =	vld [tilespmem:s12+$0xFFFFFFD0];
	[tilespmem:v0+s13+$0x0] =	vst.idx.msk $0xffff, v19;
	v32 =	vadd.f32 v32, v36;
	v59 =	vunpack.i.u.bf16.f32 v55;
	v33 =	vand.u32 $0x7FFF7FFF, v33  }
0x2c9: {  	[tilespmem:v1+s13+$0x0] =	vst.idx.msk $0xffff, v18;
	v36 =	vsub.bf16 v17, v50;
	v40 =	vunpack.i.u.bf16.f32 v34;
	v34 =	vunpack.i.l.bf16.f32 v34  }
0x2ca: {  	[tilespmem:v2+s13+$0x0] =	vst.idx.msk $0xffff, v20;
	v41 =	vand.u32 $0x7FFF7FFF, v37;
	v52 =	vand.u32 $0x7FFF7FFF, v29;
	v38 =	vunpack.i.u.bf16.f32 v33  }
0x2cb: {  	[tilespmem:v3+s13+$0x0] =	vst.idx.msk $0xffff, v21;
	v33 =	vunpack.i.l.bf16.f32 v33;
	v29 =	vsub.bf16 v16, v53;
	v34 =	vadd.f32 v34, v40  }
0x2cc: {  	[tilespmem:v4+s13+$0x0] =	vst.idx.msk $0xffff, v24;
	v40 =	vsub.bf16 v16, v39;
	v43 =	vunpack.i.u.bf16.f32 v41;
	v25 =	vadd.f32 v25, v27  }
0x2cd: {  	[tilespmem:v5+s13+$0x0] =	vst.idx.msk $0xffff, v22;
	v22 =	vunpack.i.l.bf16.f32 v41;
	v51 =	vadd.f32 v30, v28;
	v54 =	vadd.f32 v31, v32  }
0x2ce: {  	v56 =	vunpack.i.u.bf16.f32 v52;
	v28 =	vunpack.i.l.bf16.f32 v52;
	v31 =	vunpack.i.l.bf16.f32 v55  }
0x2cf: {  	v33 =	vadd.f32 v33, v38;
	v36 =	vand.u32 $0x7FFF7FFF, v36;
	v22 =	vadd.f32 v22, v43  }
0x2d0: {  	v28 =	vadd.f32 v28, v56;
	v31 =	vadd.f32 v31, v59;
	v19 =	vand.u32 $0x7FFF7FFF, v29  }
0x2d1: {  	v62 =	vunpack.i.u.bf16.f32 v36;
	v18 =	vunpack.i.u.bf16.f32 v19;
	v19 =	vunpack.i.l.bf16.f32 v19  }
0x2d2: {  	v36 =	vunpack.i.l.bf16.f32 v36;
	v18 =	vadd.f32 v19, v18;
	v19 =	vsub.bf16 v17, v58  }
0x2d3: {  	[tilespmem:v6+s13+$0x0] =	vst.idx.msk $0xffff, v26;
	v42 =	vand.u32 $0x7FFF7FFF, v40;
	v63 =	vadd.f32 v31, v28;
	v31 =	vsub.bf16 v16, v61  }
0x2d4: {  	[tilespmem:v7+s13+$0x0] =	vst.idx.msk $0xffff, v23;
	v29 =	vadd.f32 v36, v62;
	v35 =	vadd.f32 v34, v33;
	v19 =	vand.u32 $0x7FFF7FFF, v19  }
0x2d5: {  	[tilespmem:v8+s13+$0x0] =	vst.idx.msk $0xffff, v25;
	v44 =	vunpack.i.u.bf16.f32 v42;
	v21 =	vand.u32 $0x7FFF7FFF, v31;
	v36 =	vunpack.i.u.bf16.f32 v19  }
0x2d6: {  	[tilespmem:v9+s13+$0x0] =	vst.idx.msk $0xffff, v51;
	v19 =	vunpack.i.l.bf16.f32 v19;
	v38 =	vunpack.i.u.bf16.f32 v21;
	v21 =	vunpack.i.l.bf16.f32 v21  }
0x2d7: {  	v23 =	vunpack.i.l.bf16.f32 v42;
	[tilespmem:v10+s13+$0x0] =	vst.idx.msk $0xffff, v54;
	v19 =	vadd.f32 v19, v36;
	v21 =	vadd.f32 v21, v38  }
0x2d8: {  	v23 =	vadd.f32 v23, v44;
	v18 =	vadd.f32 v18, v29;
	[tilespmem:v11+s13+$0x0] =	vst.idx.msk $0xffff, v63  }
0x2d9: {  	[tilespmem:v12+s13+$0x0] =	vst.idx.msk $0xffff, v35;
	v19 =	vadd.f32 v21, v19  }
0x2da: {  	v45 =	vadd.f32 v23, v22;
	[tilespmem:v13+s13+$0x0] =	vst.idx.msk $0xffff, v18  }
0x2db: {  	[tilespmem:v14+s13+$0x0] =	vst.idx.msk $0xffff, v19  }
0x2dc: {  	[tilespmem:v15+s13+$0x0] =	vst.idx.msk $0xffff, v45  }
0x2dd: {  	v18 =	vld [tilespmem:$0x8B60]  }
0x2de: {  	v19 =	vld [tilespmem:$0x8B70]  }
0x2df: {  	v20 =	vld [tilespmem:$0x8B80]  }
0x2e0: {  	v46 =	vld [tilespmem:$0x8B90]  }
0x2e1: {  	v47 =	vld [tilespmem:$0x8BA0]  }
0x2e2: {  	v48 =	vld [tilespmem:$0x8BB0]  }
0x2e3: {  	v24 =	vld [tilespmem:$0x8BC0]  }
0x2e4: {  	v49 =	vld [tilespmem:$0x8BD0]  }
0x2e5: {  	v50 =	vld [tilespmem:$0x8BE0]  }
0x2e6: {  	v27 =	vld [tilespmem:$0x8BF0]  }
0x2e7: {  	v51 =	vld [tilespmem:$0x8C00]  }
0x2e8: {  	v52 =	vld [tilespmem:$0x8C10]  }
0x2e9: {  	v30 =	vld [tilespmem:$0x8C20]  }
0x2ea: {  	v53 =	vld [tilespmem:$0x8C30]  }
0x2eb: {  	v54 =	vld [tilespmem:$0x8C40]  }
0x2ec: {  	v55 =	vld [tilespmem:$0x8C50];
	_ =	sdelay $0x1  }
0x2ed: {  	v18 =	vadd.f32 v19, v18;
	v19 =	vadd.f32 v46, v20  }
0x2ee: {  	v56 =	vadd.f32 v48, v47;
	v57 =	vadd.f32 v49, v24  }
0x2ef: {  	v58 =	vadd.f32 v27, v50;
	v59 =	vadd.f32 v52, v51  }
0x2f0: {  	v60 =	vadd.f32 v53, v30;
	v61 =	vadd.f32 v55, v54  }
0x2f1: {  	v18 =	vadd.f32 v19, v18;
	v19 =	vadd.f32 v57, v56  }
0x2f2: {  	v62 =	vadd.f32 v59, v58;
	v63 =	vadd.f32 v61, v60  }
0x2f3: {  	p0 =	sne.s32 s3, $0x2C0  }
.Ltmp4:
0x2f4: {  	v18 =	vadd.f32 v19, v18;
	v19 =	vadd.f32 v63, v62;
	(pc) =	sbr.rel @p0 .LBB2_11-.Ltmp4, $4  }
0x2f5: {  	_ = 	snop  }
0x2f6: {  	v18 =	vadd.f32 v19, v18  }
0x2f7: {  	s6 =	sshra.s32 s3, $0x2  }
0x2f8: {  	s3 =	sadd.s32 $0x40, s3;
	s12 =	sadd.s32 $0x200, s12;
	[tilespmem:s6+$0x8A88] =	vst v18  }
0x2f9: {  	v18 =	vld [tilespmem:$0x8720]  }
0x2fa: {  	v19 =	vld [tilespmem:$0x8730]  }
0x2fb: {  	v20 =	vld [tilespmem:$0x8740]  }
0x2fc: {  	v21 =	vld [tilespmem:$0x8750]  }
0x2fd: {  	v22 =	vld [tilespmem:$0x8760]  }
0x2fe: {  	v23 =	vld [tilespmem:$0x8770]  }
0x2ff: {  	v26 =	vld [tilespmem:$0x8790]  }
0x300: {  	v53 =	vld [tilespmem:$0x87B0]  }
0x301: {  	v37 =	vld [tilespmem:$0x87F0]  }
0x302: {  	v18 =	vsub.bf16 v17, v18  }
0x303: {  	v19 =	vsub.bf16 v16, v19;
	v20 =	vsub.bf16 v17, v20  }
0x304: {  	v63 =	vld [tilespmem:$0x87E0];
	v21 =	vsub.bf16 v16, v21;
	v22 =	vsub.bf16 v17, v22  }
0x305: {  	v23 =	vsub.bf16 v16, v23;
	v26 =	vsub.bf16 v16, v26  }
0x306: {  	v59 =	vsub.bf16 v16, v53;
	v41 =	vsub.bf16 v16, v37  }
0x307: {  	v18 =	vand.u32 $0x7FFF7FFF, v18;
	v19 =	vand.u32 $0x7FFF7FFF, v19;
	v20 =	vand.u32 $0x7FFF7FFF, v20  }
0x308: {  	v21 =	vand.u32 $0x7FFF7FFF, v21;
	v22 =	vand.u32 $0x7FFF7FFF, v22;
	v23 =	vand.u32 $0x7FFF7FFF, v23  }
0x309: {  	v58 =	vand.u32 $0x7FFF7FFF, v26;
	v62 =	vand.u32 $0x7FFF7FFF, v59;
	v26 =	vsub.bf16 v17, v63  }
0x30a: {  	v50 =	vld [tilespmem:$0x8780];
	v24 =	vunpack.i.u.bf16.f32 v18;
	v18 =	vunpack.i.l.bf16.f32 v18;
	v25 =	vunpack.i.u.bf16.f32 v19  }
0x30b: {  	v52 =	vld [tilespmem:$0x87A0];
	v19 =	vunpack.i.l.bf16.f32 v19;
	v51 =	vunpack.i.u.bf16.f32 v20;
	v20 =	vunpack.i.l.bf16.f32 v20  }
0x30c: {  	v54 =	vld [tilespmem:$0x87C0];
	v27 =	vunpack.i.u.bf16.f32 v21;
	v21 =	vunpack.i.l.bf16.f32 v21;
	v28 =	vunpack.i.u.bf16.f32 v22  }
0x30d: {  	v39 =	vld [tilespmem:$0x8800];
	v22 =	vunpack.i.l.bf16.f32 v22;
	v29 =	vunpack.i.u.bf16.f32 v23;
	v18 =	vadd.f32 v18, v24  }
0x30e: {  	v23 =	vunpack.i.l.bf16.f32 v23;
	v19 =	vadd.f32 v19, v25;
	v20 =	vadd.f32 v20, v51  }
0x30f: {  	v57 =	vld [tilespmem:$0x87D0];
	v60 =	vunpack.i.u.bf16.f32 v58;
	v21 =	vadd.f32 v21, v27;
	v22 =	vadd.f32 v22, v28  }
0x310: {  	v31 =	vld [tilespmem:$0x8810];
	v30 =	vunpack.i.u.bf16.f32 v62;
	v24 =	vsub.bf16 v17, v50;
	v23 =	vadd.f32 v23, v29  }
0x311: {  	v25 =	vsub.bf16 v17, v52;
	v28 =	vsub.bf16 v17, v54;
	v42 =	vand.u32 $0x7FFF7FFF, v26  }
0x312: {  	v17 =	vsub.bf16 v17, v39;
	v26 =	vunpack.i.u.bf16.f32 v42;
	v18 =	vadd.f32 v19, v18  }
0x313: {  	v55 =	vadd.f32 v21, v20;
	v56 =	vand.u32 $0x7FFF7FFF, v24;
	v22 =	vadd.f32 v23, v22  }
0x314: {  	v23 =	vunpack.i.l.bf16.f32 v58;
	v61 =	vand.u32 $0x7FFF7FFF, v25;
	v25 =	vunpack.i.l.bf16.f32 v62  }
0x315: {  	v21 =	vsub.bf16 v16, v57;
	v38 =	vand.u32 $0x7FFF7FFF, v28;
	v16 =	vsub.bf16 v16, v31  }
0x316: {  	v17 =	vand.u32 $0x7FFF7FFF, v17;
	v24 =	vunpack.i.u.bf16.f32 v56;
	v20 =	vunpack.i.l.bf16.f32 v56  }
0x317: {  	v23 =	vadd.f32 v23, v60;
	v36 =	vunpack.i.u.bf16.f32 v61;
	v25 =	vadd.f32 v25, v30  }
0x318: {  	v40 =	vunpack.i.u.bf16.f32 v38;
	v27 =	vunpack.i.l.bf16.f32 v38;
	v45 =	vunpack.i.u.bf16.f32 v17  }
0x319: {  	v17 =	vunpack.i.l.bf16.f32 v17;
	v20 =	vadd.f32 v20, v24;
	v24 =	vunpack.i.l.bf16.f32 v61  }
0x31a: {  	v21 =	vand.u32 $0x7FFF7FFF, v21;
	v27 =	vadd.f32 v27, v40;
	v16 =	vand.u32 $0x7FFF7FFF, v16  }
0x31b: {  	v24 =	vadd.f32 v24, v36;
	v32 =	vunpack.i.u.bf16.f32 v21;
	v21 =	vunpack.i.l.bf16.f32 v21  }
0x31c: {  	v17 =	vadd.f32 v17, v45;
	v46 =	vunpack.i.u.bf16.f32 v16;
	v21 =	vadd.f32 v21, v32  }
0x31d: {  	[tilespmem:v0+s13+$0x0] =	vst.idx.msk $0xffff, v18;
	v20 =	vadd.f32 v23, v20;
	v23 =	vand.u32 $0x7FFF7FFF, v41;
	v24 =	vadd.f32 v25, v24  }
0x31e: {  	[tilespmem:v1+s13+$0x0] =	vst.idx.msk $0xffff, v55;
	v25 =	vunpack.i.l.bf16.f32 v42;
	v43 =	vunpack.i.u.bf16.f32 v23;
	v23 =	vunpack.i.l.bf16.f32 v23  }
0x31f: {  	v16 =	vunpack.i.l.bf16.f32 v16;
	[tilespmem:v2+s13+$0x0] =	vst.idx.msk $0xffff, v22;
	v25 =	vadd.f32 v25, v26;
	v44 =	vadd.f32 v23, v43  }
0x320: {  	v16 =	vadd.f32 v16, v46;
	v21 =	vadd.f32 v21, v27;
	[tilespmem:v3+s13+$0x0] =	vst.idx.msk $0xffff, v20  }
0x321: {  	[tilespmem:v4+s13+$0x0] =	vst.idx.msk $0xffff, v24;
	v18 =	vadd.f32 v44, v25  }
0x322: {  	v16 =	vadd.f32 v16, v17;
	[tilespmem:v5+s13+$0x0] =	vst.idx.msk $0xffff, v21  }
0x323: {  	[tilespmem:v6+s13+$0x0] =	vst.idx.msk $0xffff, v18  }
0x324: {  	[tilespmem:v7+s13+$0x0] =	vst.idx.msk $0xffff, v16  }
0x325: {  	v16 =	vld [tilespmem:$0x8B60]  }
0x326: {  	v17 =	vld [tilespmem:$0x8B70]  }
0x327: {  	v18 =	vld [tilespmem:$0x8B80]  }
0x328: {  	v47 =	vld [tilespmem:$0x8B90]  }
0x329: {  	v20 =	vld [tilespmem:$0x8BA0]  }
0x32a: {  	v21 =	vld [tilespmem:$0x8BB0]  }
0x32b: {  	v22 =	vld [tilespmem:$0x8BC0]  }
0x32c: {  	v48 =	vld [tilespmem:$0x8BD0]  }
0x32d: {  	v24 =	vld [tilespmem:$0x8BE0]  }
0x32e: {  	v49 =	vld [tilespmem:$0x8BF0]  }
0x32f: {  	v50 =	vld [tilespmem:$0x8C00]  }
0x330: {  	v51 =	vld [tilespmem:$0x8C10]  }
0x331: {  	v52 =	vld [tilespmem:$0x8C20]  }
0x332: {  	v53 =	vld [tilespmem:$0x8C30]  }
0x333: {  	v54 =	vld [tilespmem:$0x8C40]  }
0x334: {  	v55 =	vld [tilespmem:$0x8C50];
	_ =	sdelay $0x1  }
0x335: {  	v16 =	vadd.f32 v17, v16;
	v17 =	vadd.f32 v47, v18  }
0x336: {  	v56 =	vadd.f32 v21, v20;
	v57 =	vadd.f32 v48, v22  }
0x337: {  	v58 =	vadd.f32 v49, v24;
	v59 =	vadd.f32 v51, v50  }
0x338: {  	v60 =	vadd.f32 v53, v52;
	v61 =	vadd.f32 v55, v54  }
0x339: {  	v16 =	vadd.f32 v17, v16;
	v17 =	vadd.f32 v57, v56  }
0x33a: {  	v62 =	vadd.f32 v59, v58;
	v63 =	vadd.f32 v61, v60;
	_ =	sdelay $0x1  }
0x33b: {  	v16 =	vadd.f32 v17, v16;
	v17 =	vadd.f32 v63, v62  }
0x33c: {  	s3 =	sadd.s32 s7, s10  }
0x33d: {  	s11 =	sadd.s32 $0x1, s11;
	s3 =	smul.u32 $0x19, s3;
	v16 =	vadd.f32 v17, v16  }
0x33e: {  	p0 =	sne.s32 s11, $0x20  }
.Ltmp5:
0x33f: {  	s3 =	sadd.s32 s2, s3;
	[tilespmem:s8+$0x0] =	vst.msk $0xff, v16;
	(pc) =	sbr.rel @p0 .LBB2_4-.Ltmp5, $4  }
0x340: {  	[hbm4b:s3+s4] =	stream.linear.scatter [tilespmem:s9], [sflag:$0x7], $0x190, $0x38;
	[tilespmem:$0x8C60] =	vst v63  }
0x341: {  	_ =	swait.ge [sflag:s0], $0x190  }
0x342: {  	[sflag:s0] =	ssyncset.done $0x0  }
0x343: {  	[sflag:s0] =	ssyncadd.s32 $0xFFFFFE70  }
0x344: {  	_ =	swait.ge [sflag:s14], $0xA00  }
0x345: {  	[sflag:s14] =	ssyncset.done $0x0  }
0x346: {  	[sflag:s14] =	ssyncadd.s32 $0xFFFFF600  }
0x347: {  	_ =	swait.ge [sflag:s14], $0xA00  }
0x348: {  	[sflag:s14] =	ssyncset.done $0x0  }
0x349: {  	[sflag:s14] =	ssyncadd.s32 $0xFFFFF600  }
0x34a: {  	_ =	swait.ge [sflag:s14], $0xA00  }
0x34b: {  	[sflag:s14] =	ssyncset.done $0x0  }
0x34c: {  	[sflag:s14] =	ssyncadd.s32 $0xFFFFF600  }
0x34d: {  	_ =	swait.ge [sflag:s14], $0xA00  }
0x34e: {  	[sflag:s14] =	ssyncset.done $0x0  }
0x34f: {  	[sflag:s14] =	ssyncadd.s32 $0xFFFFF600  }
0x350: {  	_ =	swait.ge [sflag:s14], $0xA00  }
0x351: {  	[sflag:s14] =	ssyncset.done $0x0  }
0x352: {  	s3 =	simm.s32 $0x6;
	[sflag:s14] =	ssyncadd.s32 $0xFFFFF600  }
0x353: {  	_ =	swait.ge [sflag:s3], $0x190  }
0x354: {  	[sflag:s3] =	ssyncset.done $0x0  }
0x355: {  	s6 =	simm.s32 $0x7;
	[sflag:s3] =	ssyncadd.s32 $0xFFFFFE70  }
0x356: {  	_ =	swait.ge [sflag:s6], $0x190  }
0x357: {  	s10 =	rddreg [dreg:$0xc]  }
0x358: {  	s16 =	rddreg [dreg:$0xb];
	s10 =	sadd.s32 $0x1, s10  }
0x359: {  	p0 =	sne.s32 s10, s16  }
.Ltmp6:
0x35a: {  	_ = 	snop;
	(pc) =	sbr.rel @p0 .LBB2_1-.Ltmp6, $3  }
0x35b: {  	_ =	sdelay $0x1  }
0x35c: {  	[sflag:s6] =	ssyncset.done $0x0  }
0x35d: {  	[sflag:s6] =	ssyncadd.s32 $0xFFFFFE70  }
0x35e: {  	_ =	sfence.sel $0x180000  }
0x35f: {  	[bflag:$0x0] =	sbarrier.arrive $0xFFFF  }
0x360: {  	_ =	strace $0x90000047  }
0x361: {  	s0 =	stileid.u32;
	[bflag:$0x2] =	sbarrier.arrive $0xFFFF  }
0x362: {  	p0 =	sne.s32 s0, $0x0;
	s0 =	rddreg [dreg:$0x5]  }
0x363: {  	s0 =	sadd.s32 @!p0 $0x100000, s0  }
0x364: {  	[sflag:s0] =	ssyncadd.tile.s32 @!p0 $0x1;
	_ =	shalt  }
.Lfunc_end2:
_tile_overlayer_lowered:
.L_overlay_start_2:
0x365: {  	(tag) =	ssettag $0x2  }
0x366: {  	s0 =	rddreg [dreg:$0x0];
	s2 =	stileid.u32  }
0x367: {  	s1 =	rddreg [dreg:$0x1];
	p0 =	sne.s32 s2, $0x0  }
0x368: {  	s3 =	rddreg [dreg:$0x2];
	[bflag:$0x3] =	sbarrier.arrive $0xFFFF;
	s2 =	simm.s32 @!p0 $0x1C08  }
0x369: {  	[timem:s3], [sflag:s2] =	dma.local @!p0 [hbm:s0], s1  }
0x36a: {  	s0 =	simm.s32 @!p0 $0x8  }
0x36b: {  	_ =	swait.ge @!p0 [sflag:s0], s1  }
0x36c: {  	s1 =	ssub.s32 @!p0 $0x0, s1;
	[sflag:s0] =	ssyncset.done @!p0 $0x0  }
0x36d: {  	[sflag:s0] =	ssyncadd.s32 @!p0 s1  }
0x36e: {  	[bflag:$0x3] =	sbarrier.arrive $0xFFFF  }
0x36f: {  	_ =	shalt  }

</sc_bundles>
